<compile_context>
chip_gen: v7x
topology: tpu7x:2x2x1
jax: 0.10.2.dev20260603
libtpu: 0.0.44.dev20260713+nightly
codegen_flags: <defaults>
</compile_context>

<pallas_src>
import functools

import numpy as np
import jax
import jax.numpy as jnp
from jax import lax
from jax.experimental import pallas as pl
from jax.experimental.pallas import tpu as pltpu
from jax.experimental.pallas import tpu_sc as plsc

N = 10000
E = 320000
D = 128
H = 8
HD = D // H
EPS = 1e-5

_info = plsc.get_sparse_core_info()
NC = _info.num_cores
NS = _info.num_subcores
L = _info.num_lanes
NW = NC * NS
EPW = E // NW
C = 80
NCHUNK = EPW // C
NPT = N // NS

_PERM = np.empty((D,), np.int64)
for _s in range(8):
    for _l in range(16):
        _PERM[16 * _s + _l] = (_l % 8) * 16 + 2 * _s + _l // 8

_S128 = np.zeros((D, D), np.float32)
for _j in range(D):
    for _p in range(D):
        if _j % 8 == _p % 8:
            _S128[_j, _p] = 0.0625

_mesh = plsc.VectorSubcoreMesh(core_axis_name="c", subcore_axis_name="s")


@functools.partial(
    pl.kernel,
    mesh=_mesh,
    out_type=[
        jax.ShapeDtypeStruct((E, L), jnp.float32),
        jax.ShapeDtypeStruct((NW, L), jnp.float32),
    ],
    scratch_types=[
        pltpu.VMEM((C,), jnp.int32),
        pltpu.VMEM((C,), jnp.int32),
        pltpu.VMEM((C,), jnp.int32),
        pltpu.VMEM((C,), jnp.int32),
        pltpu.VMEM((C, D), jnp.float32),
        pltpu.VMEM((C, D), jnp.float32),
        pltpu.VMEM((C, D), jnp.float32),
        pltpu.VMEM((C, D), jnp.float32),
        pltpu.VMEM((C, L), jnp.float32),
        pltpu.VMEM((C, L), jnp.float32),
        pltpu.VMEM((2 * L,), jnp.float32),
        pltpu.VMEM((L,), jnp.float32),
        pltpu.SemaphoreType.DMA,
        pltpu.SemaphoreType.DMA,
        pltpu.SemaphoreType.DMA,
        pltpu.SemaphoreType.DMA,
        pltpu.SemaphoreType.DMA,
        pltpu.SemaphoreType.DMA,
    ],
)
def _logits_pass(src_hbm, dst_hbm, qx_hbm, kx_hbm, lg_hbm, mx_hbm,
                 si0, si1, di0, di1, qb0, qb1, kb0, kb1, lb0, lb1,
                 rot, rbuf, sq0, sq1, sk0, sk1, sl0, sl1):
    wid = lax.axis_index("s") * NC + lax.axis_index("c")
    sets = ((si0, di0, qb0, kb0, lb0, sq0, sk0, sl0),
            (si1, di1, qb1, kb1, lb1, sq1, sk1, sl1))

    def start(ci, S):
        si, di, qb, kb, lb, sq, sk, sl = S
        base = wid * EPW + ci * C
        pltpu.sync_copy(src_hbm.at[pl.ds(base, C)], si)
        pltpu.sync_copy(dst_hbm.at[pl.ds(base, C)], di)
        pltpu.async_copy(qx_hbm.at[si], qb, sq)
        pltpu.async_copy(kx_hbm.at[di], kb, sk)

    def step(ci, S, rm):
        si, di, qb, kb, lb, sq, sk, sl = S
        pltpu.make_async_copy(qx_hbm.at[si], qb, sq).wait()
        pltpu.make_async_copy(kx_hbm.at[di], kb, sk).wait()

        @pl.when(ci >= 2)
        def _():
            base_p = wid * EPW + (ci - 2) * C
            pltpu.make_async_copy(lb, lg_hbm.at[pl.ds(base_p, C)], sl).wait()

        def edge(e, rm):
            w = qb[e, pl.ds(0, L)] * kb[e, pl.ds(0, L)]
            for s in range(1, 8):
                w = w + qb[e, pl.ds(L * s, L)] * kb[e, pl.ds(L * s, L)]
            rot[pl.ds(0, L)] = w
            rot[pl.ds(L, L)] = w
            lv = (w + rot[pl.ds(8, L)]) * 0.25
            lb[e, :] = lv
            return jnp.maximum(rm, lv)

        rm = lax.fori_loop(0, C, edge, rm)
        base = wid * EPW + ci * C
        pltpu.async_copy(lb, lg_hbm.at[pl.ds(base, C)], sl)

        @pl.when(ci + 2 < NCHUNK)
        def _():
            start(ci + 2, S)

        return rm

    start(0, sets[0])
    start(1, sets[1])

    def pair(k, rm):
        rm = step(2 * k, sets[0], rm)
        rm = step(2 * k + 1, sets[1], rm)
        return rm

    rmax = lax.fori_loop(0, NCHUNK // 2, pair,
                         jnp.full((L,), -jnp.inf, jnp.float32))
    rmax = step(NCHUNK - 1, sets[0], rmax)
    b1 = wid * EPW + (NCHUNK - 2) * C
    pltpu.make_async_copy(lb1, lg_hbm.at[pl.ds(b1, C)], sl1).wait()
    b0 = wid * EPW + (NCHUNK - 1) * C
    pltpu.make_async_copy(lb0, lg_hbm.at[pl.ds(b0, C)], sl0).wait()
    rbuf[...] = rmax
    pltpu.sync_copy(rbuf, mx_hbm.at[wid])


@functools.partial(
    pl.kernel,
    mesh=_mesh,
    out_type=jax.ShapeDtypeStruct((NC * N, D), jnp.float32),
    scratch_types=[
        pltpu.VMEM((C,), jnp.int32),
        pltpu.VMEM((C,), jnp.int32),
        pltpu.VMEM((C,), jnp.int32),
        pltpu.VMEM((C, D), jnp.float32),
        pltpu.VMEM((C, D), jnp.float32),
        pltpu.VMEM((C, D), jnp.float32),
        pltpu.VMEM((C, L), jnp.float32),
        pltpu.VMEM((NW, L), jnp.float32),
        pltpu.VMEM((2 * L,), jnp.float32),
        pltpu.VMEM_SHARED((N, D), jnp.float32),
        pltpu.SemaphoreType.DMA,
        pltpu.SemaphoreType.DMA,
    ],
)
def _aggregate_pass(src_hbm, dst_hbm, vx_hbm, lg_hbm, mx_hbm, znd_hbm,
                    acc_hbm,
                    sidx, di0, di1, vb0, vb1, wbuf, lbuf,
                    mbuf, rot, acc_sh, sv0, sv1):
    cid = lax.axis_index("c")
    sid = lax.axis_index("s")
    wid = sid * NC + cid
    sets = ((di0, vb0, sv0), (di1, vb1, sv1))

    pltpu.sync_copy(mx_hbm, mbuf)
    gv = mbuf[0, :]
    for i in range(1, NW):
        gv = jnp.maximum(gv, mbuf[i, :])
    for off in (8, 4, 2, 1):
        rot[pl.ds(0, L)] = gv
        rot[pl.ds(L, L)] = gv
        gv = jnp.maximum(gv, rot[pl.ds(off, L)])

    row0 = sid * 624
    pltpu.sync_copy(znd_hbm.at[pl.ds(row0, 640)], acc_sh.at[pl.ds(row0, 640)])
    plsc.subcore_barrier()

    def start(ci, S):
        di, vb, sv = S
        base = wid * EPW + ci * C
        pltpu.sync_copy(dst_hbm.at[pl.ds(base, C)], di)
        pltpu.async_copy(vx_hbm.at[di], vb, sv)

    def step(ci, S):
        di, vb, sv = S
        base = wid * EPW + ci * C
        pltpu.make_async_copy(vx_hbm.at[di], vb, sv).wait()
        pltpu.sync_copy(lg_hbm.at[pl.ds(base, C)], lbuf)
        pltpu.sync_copy(src_hbm.at[pl.ds(base, C)], sidx)

        def edge(e, c2):
            ex = jnp.exp(lbuf[e, :] - gv)
            for s in range(8):
                wbuf[e, pl.ds(L * s, L)] = vb[e, pl.ds(L * s, L)] * ex
            return c2

        lax.fori_loop(0, C, edge, 0)
        pltpu.sync_copy(wbuf, acc_sh.at[sidx], add=True)

        @pl.when(ci + 2 < NCHUNK)
        def _():
            start(ci + 2, S)

    start(0, sets[0])
    start(1, sets[1])

    def pair(k, c2):
        step(2 * k, sets[0])
        step(2 * k + 1, sets[1])
        return c2

    lax.fori_loop(0, NCHUNK // 2, pair, 0)
    step(NCHUNK - 1, sets[0])
    plsc.subcore_barrier()

    @pl.when(sid == 0)
    def _():
        pltpu.sync_copy(acc_sh, acc_hbm.at[pl.ds(cid * N, N)])


@functools.partial(
    pl.kernel,
    mesh=_mesh,
    out_type=jax.ShapeDtypeStruct((NC * N, D), jnp.float32),
    scratch_types=[
        pltpu.VMEM((C,), jnp.int32),
        pltpu.VMEM((C, L), jnp.float32),
        pltpu.VMEM((C, L), jnp.float32),
        pltpu.VMEM((C, D), jnp.float32),
        pltpu.VMEM((NW, L), jnp.float32),
        pltpu.VMEM((2 * L,), jnp.float32),
        pltpu.VMEM_SHARED((N, D), jnp.float32),
        pltpu.SemaphoreType.DMA,
        pltpu.SemaphoreType.DMA,
    ],
)
def _denom_pass(src_hbm, lg_hbm, mx_hbm, znl_hbm, den_hbm,
                sidx, lb0, lb1, exbuf, mbuf, rot, den_sh, sg0, sg1):
    cid = lax.axis_index("c")
    sid = lax.axis_index("s")
    wid = sid * NC + cid
    sets = ((lb0, sg0), (lb1, sg1))

    pltpu.sync_copy(mx_hbm, mbuf)
    gv = mbuf[0, :]
    for i in range(1, NW):
        gv = jnp.maximum(gv, mbuf[i, :])
    for off in (8, 4, 2, 1):
        rot[pl.ds(0, L)] = gv
        rot[pl.ds(L, L)] = gv
        gv = jnp.maximum(gv, rot[pl.ds(off, L)])

    row0 = sid * 624
    pltpu.sync_copy(znl_hbm.at[pl.ds(row0, 640)], den_sh.at[pl.ds(row0, 640)])
    plsc.subcore_barrier()

    def start(ci, S):
        lb, sg = S
        base = wid * EPW + ci * C
        pltpu.async_copy(lg_hbm.at[pl.ds(base, C)], lb, sg)

    def step(ci, S):
        lb, sg = S
        base = wid * EPW + ci * C
        pltpu.make_async_copy(lg_hbm.at[pl.ds(base, C)], lb, sg).wait()
        pltpu.sync_copy(src_hbm.at[pl.ds(base, C)], sidx)

        def edge(e, c2):
            ex = jnp.exp(lb[e, :] - gv)
            for s in range(8):
                exbuf[e, pl.ds(L * s, L)] = ex
            return c2

        lax.fori_loop(0, C, edge, 0)
        pltpu.sync_copy(exbuf, den_sh.at[sidx], add=True)

        @pl.when(ci + 2 < NCHUNK)
        def _():
            start(ci + 2, S)

    start(0, sets[0])
    start(1, sets[1])

    def pair(k, c2):
        step(2 * k, sets[0])
        step(2 * k + 1, sets[1])
        return c2

    lax.fori_loop(0, NCHUNK // 2, pair, 0)
    step(NCHUNK - 1, sets[0])
    plsc.subcore_barrier()

    @pl.when(sid == 0)
    def _():
        pltpu.sync_copy(den_sh, den_hbm.at[pl.ds(cid * N, N)])


RB = 2000


def _ln_rows(v, w, b):
    mu = jnp.mean(v, axis=-1, keepdims=True)
    var = jnp.mean((v - mu) ** 2, axis=-1, keepdims=True)
    return (v - mu) / jnp.sqrt(var + EPS) * w + b


def _proj_body(x_ref, wq, wk, wv, bq, bk, bv, q_out, k_out, v_out):
    xb = x_ref[...]
    q_out[...] = jnp.dot(xb, wq[...], preferred_element_type=jnp.float32) + bq[...]
    k_out[...] = jnp.dot(xb, wk[...], preferred_element_type=jnp.float32) + bk[...]
    v_out[...] = jnp.dot(xb, wv[...], preferred_element_type=jnp.float32) + bv[...]


def _final_body(acc_ref, den_ref, s_ref, wout, bout, l1w, l1b, l2w, l2b, o_ref):
    acc = acc_ref[0] + acc_ref[1]
    den = den_ref[0] + den_ref[1]
    div = jnp.dot(den, s_ref[...], preferred_element_type=jnp.float32)
    attn = acc / (div + 1e-16)
    h1 = _ln_rows(attn, l1w[...], l1b[...])
    h2 = jnp.dot(h1, wout[...], preferred_element_type=jnp.float32) + bout[...]
    o_ref[...] = _ln_rows(h2, l2w[...], l2b[...])


def kernel(x, edge_index, WQ, bQ, WK, bK, WV, bV, Wout, bout,
           ln1_w, ln1_b, ln2_w, ln2_b):
    src = edge_index[0].astype(jnp.int32)
    dst = edge_index[1].astype(jnp.int32)

    def b2(v):
        return v.reshape(1, D).astype(jnp.float32)

    qx, kx, vx = pl.pallas_call(
        _proj_body,
        grid=(N // RB,),
        in_specs=[pl.BlockSpec((RB, D), lambda i: (i, 0))]
        + [pl.BlockSpec((D, D), lambda i: (0, 0))] * 3
        + [pl.BlockSpec((1, D), lambda i: (0, 0))] * 3,
        out_specs=[pl.BlockSpec((RB, D), lambda i: (i, 0))] * 3,
        out_shape=[jax.ShapeDtypeStruct((N, D), jnp.float32)] * 3,
    )(x, WQ[:, _PERM], WK[:, _PERM], WV[:, _PERM],
      b2(bQ[_PERM]), b2(bK[_PERM]), b2(bV[_PERM]))

    lg, mx = _logits_pass(src, dst, qx, kx)

    znd = jnp.zeros((N, D), jnp.float32)
    accp = _aggregate_pass(src, dst, vx, lg, mx, znd)
    denp = _denom_pass(src, lg, mx, znd)
    acc3 = accp.reshape(NC, N, D)
    den3 = denp.reshape(NC, N, D)

    out = pl.pallas_call(
        _final_body,
        grid=(N // RB,),
        in_specs=[
            pl.BlockSpec((NC, RB, D), lambda i: (0, i, 0)),
            pl.BlockSpec((NC, RB, D), lambda i: (0, i, 0)),
            pl.BlockSpec((D, D), lambda i: (0, 0)),
            pl.BlockSpec((D, D), lambda i: (0, 0)),
            pl.BlockSpec((1, D), lambda i: (0, 0)),
            pl.BlockSpec((1, D), lambda i: (0, 0)),
            pl.BlockSpec((1, D), lambda i: (0, 0)),
            pl.BlockSpec((1, D), lambda i: (0, 0)),
            pl.BlockSpec((1, D), lambda i: (0, 0)),
        ],
        out_specs=pl.BlockSpec((RB, D), lambda i: (i, 0)),
        out_shape=jax.ShapeDtypeStruct((N, D), jnp.float32),
    )(acc3, den3, _S128, Wout[_PERM, :], b2(bout),
      b2(ln1_w[_PERM]), b2(ln1_b[_PERM]), b2(ln2_w), b2(ln2_b))
    return out

# --- scband reference (transcript-rebuilt; emitter-appended) ---
"""Pipeline reference for scband-naive-khop-graph-attention-8143257994118 (READ-ONLY COPY).

The authoritative reference and input builder live on the scoring server;
editing this copy changes nothing except your own understanding.
"""

import jax, jax.numpy as jnp
import numpy as np

N = 10000
E = 320000
D = 128
H = 8
HEAD_DIM = D // H
EPS = 1e-5


def _layer_norm(x, w, b):
    mu = jnp.mean(x, axis=-1, keepdims=True)
    var = jnp.mean((x - mu) ** 2, axis=-1, keepdims=True)
    return (x - mu) / jnp.sqrt(var + EPS) * w + b


def setup_inputs(seed: int = 0) -> dict:
    key = jax.random.key(seed)
    ks = jax.random.split(key, 16)
    x = jax.random.normal(ks[0], (N, D), dtype=jnp.float32)
    edge_index = jax.random.randint(ks[1], (2, E), 0, N, dtype=jnp.int64)
    s = 1.0 / np.sqrt(D)
    WQ = jax.random.uniform(ks[2], (D, D), jnp.float32, -s, s)
    bQ = jax.random.uniform(ks[3], (D,), jnp.float32, -s, s)
    WK = jax.random.uniform(ks[4], (D, D), jnp.float32, -s, s)
    bK = jax.random.uniform(ks[5], (D,), jnp.float32, -s, s)
    WV = jax.random.uniform(ks[6], (D, D), jnp.float32, -s, s)
    bV = jax.random.uniform(ks[7], (D,), jnp.float32, -s, s)
    Wout = jax.random.uniform(ks[8], (D, D), jnp.float32, -s, s)
    bout = jax.random.uniform(ks[9], (D,), jnp.float32, -s, s)
    ln1_w = jnp.ones((D,), jnp.float32)
    ln1_b = jnp.zeros((D,), jnp.float32)
    ln2_w = jnp.ones((D,), jnp.float32)
    ln2_b = jnp.zeros((D,), jnp.float32)
    return {"x": x, "edge_index": edge_index, "WQ": WQ, "bQ": bQ, "WK": WK, "bK": bK,
            "WV": WV, "bV": bV, "Wout": Wout, "bout": bout,
            "ln1_w": ln1_w, "ln1_b": ln1_b, "ln2_w": ln2_w, "ln2_b": ln2_b}


def reference(x, edge_index, WQ, bQ, WK, bK, WV, bV, Wout, bout, ln1_w, ln1_b, ln2_w, ln2_b):
    # Linear weights stored as [in, out] (transposed vs torch nn.Linear)
    src_idx = edge_index[0, :]
    dst_idx = edge_index[1, :]
    QX = x @ WQ + bQ
    KX = x @ WK + bK
    VX = x @ WV + bV
    QX_src = QX[src_idx, :].reshape(E, H, HEAD_DIM)
    KX_dst = KX[dst_idx, :].reshape(E, H, HEAD_DIM)
    VX_dst = VX[dst_idx, :].reshape(E, H, HEAD_DIM)
    logits = (QX_src * KX_dst).sum(axis=-1) / (HEAD_DIM ** 0.5)  # [E, H]
    seg_max = jax.ops.segment_max(logits, src_idx, num_segments=N)  # [N, H]
    shifted = logits - seg_max[src_idx]
    ex = jnp.exp(shifted)
    denom = jax.ops.segment_sum(ex, src_idx, num_segments=N)
    attn = ex / (denom[src_idx] + 1e-16)  # [E, H]
    weighted = (attn[:, :, None] * VX_dst).reshape(E, D)
    attn_out = jax.ops.segment_sum(weighted, src_idx, num_segments=N)  # [N, D]
    attn_out = _layer_norm(attn_out, ln1_w, ln1_b)
    # dropout p=0.0 -> identity
    out = attn_out @ Wout + bout
    out = _layer_norm(out, ln2_w, ln2_b)
    return out

if __name__ == "__main__":
    import jax
    _d = setup_inputs()
    print(jax.jit(kernel)(*tuple(_d.values())))

</pallas_src>

<mosaic_0001>
#map = affine_map<(d0, d1) -> (0)>
#map1 = affine_map<(d0, d1) -> (0, 0)>
module attributes {stable_mosaic.version = 14 : i64} {
  func.func @_denom_pass(%arg0: i32, %arg1: i32, %arg2: memref<320000xi32, #tpu.memory_space<hbm>>, %arg3: memref<320000x16xf32, #tpu.memory_space<hbm>>, %arg4: memref<32x16xf32, #tpu.memory_space<hbm>>, %arg5: memref<10000x128xf32, #tpu.memory_space<hbm>>, %arg6: memref<20000x128xf32, #tpu.memory_space<hbm>>, %arg7: memref<80xi32, #tpu.memory_space<vmem>>, %arg8: memref<80x16xf32, #tpu.memory_space<vmem>>, %arg9: memref<80x16xf32, #tpu.memory_space<vmem>>, %arg10: memref<80x128xf32, #tpu.memory_space<vmem>>, %arg11: memref<32x16xf32, #tpu.memory_space<vmem>>, %arg12: memref<32xf32, #tpu.memory_space<vmem>>, %arg13: memref<10000x128xf32, #tpu.memory_space<vmem_shared>>, %arg14: memref<!tpu.dma_semaphore, #tpu.memory_space<semaphore_mem>>, %arg15: memref<!tpu.dma_semaphore, #tpu.memory_space<semaphore_mem>>) attributes {dimension_semantics = [#tpu.dimension_semantics<core_parallel>, #tpu.dimension_semantics<subcore_parallel>], iteration_bounds = array<i64: 2, 16>, scalar_prefetch = 0 : i64, scratch_operands = 9 : i64, tpu.core_type = #tpu.core_type<sc_vector_subcore>, window_params = [{transform_indices = #map}, {transform_indices = #map1}, {transform_indices = #map1}, {transform_indices = #map1}, {transform_indices = #map1}]} {
    %mul3A = arith.constant 2 : i32
    %mul3A_0 = arith.muli %arg1, %mul3A : i32
    %add3A = arith.addi %mul3A_0, %arg0 : i32
    "tpu.region"() ({
      %run_scoped3A = tpu.sem_alloc : memref<!tpu.dma_semaphore, #tpu.memory_space<semaphore_mem>>
      tpu.enqueue_dma source(%arg4 : memref<32x16xf32, #tpu.memory_space<hbm>>) target(%arg11 : memref<32x16xf32, #tpu.memory_space<vmem>>) target_semaphore(%run_scoped3A : memref<!tpu.dma_semaphore, #tpu.memory_space<semaphore_mem>>)
      tpu.wait_dma2 semaphore(%run_scoped3A : memref<!tpu.dma_semaphore, #tpu.memory_space<semaphore_mem>>) src(%arg4 : memref<32x16xf32, #tpu.memory_space<hbm>>) dst(%arg11 : memref<32x16xf32, #tpu.memory_space<vmem>>)
      tpu.yield
    }) : () -> ()
    %get3A = arith.constant 0 : i32
    %get3A_1 = arith.index_cast %get3A : i32 to index
    %get3A_2 = arith.constant 0 : index
    %get3A_3 = tpu.vector_load %arg11[%get3A_1, %get3A_2] {strides = array<i32>} : memref<32x16xf32, #tpu.memory_space<vmem>>, vector<1x16xf32>,
    %get3A_4 = vector.shape_cast %get3A_3 : vector<1x16xf32> to vector<16xf32>
    %get3A_5 = arith.constant 1 : i32
    %get3A_6 = arith.index_cast %get3A_5 : i32 to index
    %get3A_7 = arith.constant 0 : index
    %get3A_8 = tpu.vector_load %arg11[%get3A_6, %get3A_7] {strides = array<i32>} : memref<32x16xf32, #tpu.memory_space<vmem>>, vector<1x16xf32>,
    %get3A_9 = vector.shape_cast %get3A_8 : vector<1x16xf32> to vector<16xf32>
    %max3A = arith.maximumf %get3A_4, %get3A_9 : vector<16xf32>
    %get3A_10 = arith.constant 2 : i32
    %get3A_11 = arith.index_cast %get3A_10 : i32 to index
    %get3A_12 = arith.constant 0 : index
    %get3A_13 = tpu.vector_load %arg11[%get3A_11, %get3A_12] {strides = array<i32>} : memref<32x16xf32, #tpu.memory_space<vmem>>, vector<1x16xf32>,
    %get3A_14 = vector.shape_cast %get3A_13 : vector<1x16xf32> to vector<16xf32>
    %max3A_15 = arith.maximumf %max3A, %get3A_14 : vector<16xf32>
    %get3A_16 = arith.constant 3 : i32
    %get3A_17 = arith.index_cast %get3A_16 : i32 to index
    %get3A_18 = arith.constant 0 : index
    %get3A_19 = tpu.vector_load %arg11[%get3A_17, %get3A_18] {strides = array<i32>} : memref<32x16xf32, #tpu.memory_space<vmem>>, vector<1x16xf32>,
    %get3A_20 = vector.shape_cast %get3A_19 : vector<1x16xf32> to vector<16xf32>
    %max3A_21 = arith.maximumf %max3A_15, %get3A_20 : vector<16xf32>
    %get3A_22 = arith.constant 4 : i32
    %get3A_23 = arith.index_cast %get3A_22 : i32 to index
    %get3A_24 = arith.constant 0 : index
    %get3A_25 = tpu.vector_load %arg11[%get3A_23, %get3A_24] {strides = array<i32>} : memref<32x16xf32, #tpu.memory_space<vmem>>, vector<1x16xf32>,
    %get3A_26 = vector.shape_cast %get3A_25 : vector<1x16xf32> to vector<16xf32>
    %max3A_27 = arith.maximumf %max3A_21, %get3A_26 : vector<16xf32>
    %get3A_28 = arith.constant 5 : i32
    %get3A_29 = arith.index_cast %get3A_28 : i32 to index
    %get3A_30 = arith.constant 0 : index
    %get3A_31 = tpu.vector_load %arg11[%get3A_29, %get3A_30] {strides = array<i32>} : memref<32x16xf32, #tpu.memory_space<vmem>>, vector<1x16xf32>,
    %get3A_32 = vector.shape_cast %get3A_31 : vector<1x16xf32> to vector<16xf32>
    %max3A_33 = arith.maximumf %max3A_27, %get3A_32 : vector<16xf32>
    %get3A_34 = arith.constant 6 : i32
    %get3A_35 = arith.index_cast %get3A_34 : i32 to index
    %get3A_36 = arith.constant 0 : index
    %get3A_37 = tpu.vector_load %arg11[%get3A_35, %get3A_36] {strides = array<i32>} : memref<32x16xf32, #tpu.memory_space<vmem>>, vector<1x16xf32>,
    %get3A_38 = vector.shape_cast %get3A_37 : vector<1x16xf32> to vector<16xf32>
    %max3A_39 = arith.maximumf %max3A_33, %get3A_38 : vector<16xf32>
    %get3A_40 = arith.constant 7 : i32
    %get3A_41 = arith.index_cast %get3A_40 : i32 to index
    %get3A_42 = arith.constant 0 : index
    %get3A_43 = tpu.vector_load %arg11[%get3A_41, %get3A_42] {strides = array<i32>} : memref<32x16xf32, #tpu.memory_space<vmem>>, vector<1x16xf32>,
    %get3A_44 = vector.shape_cast %get3A_43 : vector<1x16xf32> to vector<16xf32>
    %max3A_45 = arith.maximumf %max3A_39, %get3A_44 : vector<16xf32>
    %get3A_46 = arith.constant 8 : i32
    %get3A_47 = arith.index_cast %get3A_46 : i32 to index
    %get3A_48 = arith.constant 0 : index
    %get3A_49 = tpu.vector_load %arg11[%get3A_47, %get3A_48] {strides = array<i32>} : memref<32x16xf32, #tpu.memory_space<vmem>>, vector<1x16xf32>,
    %get3A_50 = vector.shape_cast %get3A_49 : vector<1x16xf32> to vector<16xf32>
    %max3A_51 = arith.maximumf %max3A_45, %get3A_50 : vector<16xf32>
    %get3A_52 = arith.constant 9 : i32
    %get3A_53 = arith.index_cast %get3A_52 : i32 to index
    %get3A_54 = arith.constant 0 : index
    %get3A_55 = tpu.vector_load %arg11[%get3A_53, %get3A_54] {strides = array<i32>} : memref<32x16xf32, #tpu.memory_space<vmem>>, vector<1x16xf32>,
    %get3A_56 = vector.shape_cast %get3A_55 : vector<1x16xf32> to vector<16xf32>
    %max3A_57 = arith.maximumf %max3A_51, %get3A_56 : vector<16xf32>
    %get3A_58 = arith.constant 10 : i32
    %get3A_59 = arith.index_cast %get3A_58 : i32 to index
    %get3A_60 = arith.constant 0 : index
    %get3A_61 = tpu.vector_load %arg11[%get3A_59, %get3A_60] {strides = array<i32>} : memref<32x16xf32, #tpu.memory_space<vmem>>, vector<1x16xf32>,
    %get3A_62 = vector.shape_cast %get3A_61 : vector<1x16xf32> to vector<16xf32>
    %max3A_63 = arith.maximumf %max3A_57, %get3A_62 : vector<16xf32>
    %get3A_64 = arith.constant 11 : i32
    %get3A_65 = arith.index_cast %get3A_64 : i32 to index
    %get3A_66 = arith.constant 0 : index
    %get3A_67 = tpu.vector_load %arg11[%get3A_65, %get3A_66] {strides = array<i32>} : memref<32x16xf32, #tpu.memory_space<vmem>>, vector<1x16xf32>,
    %get3A_68 = vector.shape_cast %get3A_67 : vector<1x16xf32> to vector<16xf32>
    %max3A_69 = arith.maximumf %max3A_63, %get3A_68 : vector<16xf32>
    %get3A_70 = arith.constant 12 : i32
    %get3A_71 = arith.index_cast %get3A_70 : i32 to index
    %get3A_72 = arith.constant 0 : index
    %get3A_73 = tpu.vector_load %arg11[%get3A_71, %get3A_72] {strides = array<i32>} : memref<32x16xf32, #tpu.memory_space<vmem>>, vector<1x16xf32>,
    %get3A_74 = vector.shape_cast %get3A_73 : vector<1x16xf32> to vector<16xf32>
    %max3A_75 = arith.maximumf %max3A_69, %get3A_74 : vector<16xf32>
    %get3A_76 = arith.constant 13 : i32
    %get3A_77 = arith.index_cast %get3A_76 : i32 to index
    %get3A_78 = arith.constant 0 : index
    %get3A_79 = tpu.vector_load %arg11[%get3A_77, %get3A_78] {strides = array<i32>} : memref<32x16xf32, #tpu.memory_space<vmem>>, vector<1x16xf32>,
    %get3A_80 = vector.shape_cast %get3A_79 : vector<1x16xf32> to vector<16xf32>
    %max3A_81 = arith.maximumf %max3A_75, %get3A_80 : vector<16xf32>
    %get3A_82 = arith.constant 14 : i32
    %get3A_83 = arith.index_cast %get3A_82 : i32 to index
    %get3A_84 = arith.constant 0 : index
    %get3A_85 = tpu.vector_load %arg11[%get3A_83, %get3A_84] {strides = array<i32>} : memref<32x16xf32, #tpu.memory_space<vmem>>, vector<1x16xf32>,
    %get3A_86 = vector.shape_cast %get3A_85 : vector<1x16xf32> to vector<16xf32>
    %max3A_87 = arith.maximumf %max3A_81, %get3A_86 : vector<16xf32>
    %get3A_88 = arith.constant 15 : i32
    %get3A_89 = arith.index_cast %get3A_88 : i32 to index
    %get3A_90 = arith.constant 0 : index
    %get3A_91 = tpu.vector_load %arg11[%get3A_89, %get3A_90] {strides = array<i32>} : memref<32x16xf32, #tpu.memory_space<vmem>>, vector<1x16xf32>,
    %get3A_92 = vector.shape_cast %get3A_91 : vector<1x16xf32> to vector<16xf32>
    %max3A_93 = arith.maximumf %max3A_87, %get3A_92 : vector<16xf32>
    %get3A_94 = arith.constant 16 : i32
    %get3A_95 = arith.index_cast %get3A_94 : i32 to index
    %get3A_96 = arith.constant 0 : index
    %get3A_97 = tpu.vector_load %arg11[%get3A_95, %get3A_96] {strides = array<i32>} : memref<32x16xf32, #tpu.memory_space<vmem>>, vector<1x16xf32>,
    %get3A_98 = vector.shape_cast %get3A_97 : vector<1x16xf32> to vector<16xf32>
    %max3A_99 = arith.maximumf %max3A_93, %get3A_98 : vector<16xf32>
    %get3A_100 = arith.constant 17 : i32
    %get3A_101 = arith.index_cast %get3A_100 : i32 to index
    %get3A_102 = arith.constant 0 : index
    %get3A_103 = tpu.vector_load %arg11[%get3A_101, %get3A_102] {strides = array<i32>} : memref<32x16xf32, #tpu.memory_space<vmem>>, vector<1x16xf32>,
    %get3A_104 = vector.shape_cast %get3A_103 : vector<1x16xf32> to vector<16xf32>
    %max3A_105 = arith.maximumf %max3A_99, %get3A_104 : vector<16xf32>
    %get3A_106 = arith.constant 18 : i32
    %get3A_107 = arith.index_cast %get3A_106 : i32 to index
    %get3A_108 = arith.constant 0 : index
    %get3A_109 = tpu.vector_load %arg11[%get3A_107, %get3A_108] {strides = array<i32>} : memref<32x16xf32, #tpu.memory_space<vmem>>, vector<1x16xf32>,
    %get3A_110 = vector.shape_cast %get3A_109 : vector<1x16xf32> to vector<16xf32>
    %max3A_111 = arith.maximumf %max3A_105, %get3A_110 : vector<16xf32>
    %get3A_112 = arith.constant 19 : i32
    %get3A_113 = arith.index_cast %get3A_112 : i32 to index
    %get3A_114 = arith.constant 0 : index
    %get3A_115 = tpu.vector_load %arg11[%get3A_113, %get3A_114] {strides = array<i32>} : memref<32x16xf32, #tpu.memory_space<vmem>>, vector<1x16xf32>,
    %get3A_116 = vector.shape_cast %get3A_115 : vector<1x16xf32> to vector<16xf32>
    %max3A_117 = arith.maximumf %max3A_111, %get3A_116 : vector<16xf32>
    %get3A_118 = arith.constant 20 : i32
    %get3A_119 = arith.index_cast %get3A_118 : i32 to index
    %get3A_120 = arith.constant 0 : index
    %get3A_121 = tpu.vector_load %arg11[%get3A_119, %get3A_120] {strides = array<i32>} : memref<32x16xf32, #tpu.memory_space<vmem>>, vector<1x16xf32>,
    %get3A_122 = vector.shape_cast %get3A_121 : vector<1x16xf32> to vector<16xf32>
    %max3A_123 = arith.maximumf %max3A_117, %get3A_122 : vector<16xf32>
    %get3A_124 = arith.constant 21 : i32
    %get3A_125 = arith.index_cast %get3A_124 : i32 to index
    %get3A_126 = arith.constant 0 : index
    %get3A_127 = tpu.vector_load %arg11[%get3A_125, %get3A_126] {strides = array<i32>} : memref<32x16xf32, #tpu.memory_space<vmem>>, vector<1x16xf32>,
    %get3A_128 = vector.shape_cast %get3A_127 : vector<1x16xf32> to vector<16xf32>
    %max3A_129 = arith.maximumf %max3A_123, %get3A_128 : vector<16xf32>
    %get3A_130 = arith.constant 22 : i32
    %get3A_131 = arith.index_cast %get3A_130 : i32 to index
    %get3A_132 = arith.constant 0 : index
    %get3A_133 = tpu.vector_load %arg11[%get3A_131, %get3A_132] {strides = array<i32>} : memref<32x16xf32, #tpu.memory_space<vmem>>, vector<1x16xf32>,
    %get3A_134 = vector.shape_cast %get3A_133 : vector<1x16xf32> to vector<16xf32>
    %max3A_135 = arith.maximumf %max3A_129, %get3A_134 : vector<16xf32>
    %get3A_136 = arith.constant 23 : i32
    %get3A_137 = arith.index_cast %get3A_136 : i32 to index
    %get3A_138 = arith.constant 0 : index
    %get3A_139 = tpu.vector_load %arg11[%get3A_137, %get3A_138] {strides = array<i32>} : memref<32x16xf32, #tpu.memory_space<vmem>>, vector<1x16xf32>,
    %get3A_140 = vector.shape_cast %get3A_139 : vector<1x16xf32> to vector<16xf32>
    %max3A_141 = arith.maximumf %max3A_135, %get3A_140 : vector<16xf32>
    %get3A_142 = arith.constant 24 : i32
    %get3A_143 = arith.index_cast %get3A_142 : i32 to index
    %get3A_144 = arith.constant 0 : index
    %get3A_145 = tpu.vector_load %arg11[%get3A_143, %get3A_144] {strides = array<i32>} : memref<32x16xf32, #tpu.memory_space<vmem>>, vector<1x16xf32>,
    %get3A_146 = vector.shape_cast %get3A_145 : vector<1x16xf32> to vector<16xf32>
    %max3A_147 = arith.maximumf %max3A_141, %get3A_146 : vector<16xf32>
    %get3A_148 = arith.constant 25 : i32
    %get3A_149 = arith.index_cast %get3A_148 : i32 to index
    %get3A_150 = arith.constant 0 : index
    %get3A_151 = tpu.vector_load %arg11[%get3A_149, %get3A_150] {strides = array<i32>} : memref<32x16xf32, #tpu.memory_space<vmem>>, vector<1x16xf32>,
    %get3A_152 = vector.shape_cast %get3A_151 : vector<1x16xf32> to vector<16xf32>
    %max3A_153 = arith.maximumf %max3A_147, %get3A_152 : vector<16xf32>
    %get3A_154 = arith.constant 26 : i32
    %get3A_155 = arith.index_cast %get3A_154 : i32 to index
    %get3A_156 = arith.constant 0 : index
    %get3A_157 = tpu.vector_load %arg11[%get3A_155, %get3A_156] {strides = array<i32>} : memref<32x16xf32, #tpu.memory_space<vmem>>, vector<1x16xf32>,
    %get3A_158 = vector.shape_cast %get3A_157 : vector<1x16xf32> to vector<16xf32>
    %max3A_159 = arith.maximumf %max3A_153, %get3A_158 : vector<16xf32>
    %get3A_160 = arith.constant 27 : i32
    %get3A_161 = arith.index_cast %get3A_160 : i32 to index
    %get3A_162 = arith.constant 0 : index
    %get3A_163 = tpu.vector_load %arg11[%get3A_161, %get3A_162] {strides = array<i32>} : memref<32x16xf32, #tpu.memory_space<vmem>>, vector<1x16xf32>,
    %get3A_164 = vector.shape_cast %get3A_163 : vector<1x16xf32> to vector<16xf32>
    %max3A_165 = arith.maximumf %max3A_159, %get3A_164 : vector<16xf32>
    %get3A_166 = arith.constant 28 : i32
    %get3A_167 = arith.index_cast %get3A_166 : i32 to index
    %get3A_168 = arith.constant 0 : index
    %get3A_169 = tpu.vector_load %arg11[%get3A_167, %get3A_168] {strides = array<i32>} : memref<32x16xf32, #tpu.memory_space<vmem>>, vector<1x16xf32>,
    %get3A_170 = vector.shape_cast %get3A_169 : vector<1x16xf32> to vector<16xf32>
    %max3A_171 = arith.maximumf %max3A_165, %get3A_170 : vector<16xf32>
    %get3A_172 = arith.constant 29 : i32
    %get3A_173 = arith.index_cast %get3A_172 : i32 to index
    %get3A_174 = arith.constant 0 : index
    %get3A_175 = tpu.vector_load %arg11[%get3A_173, %get3A_174] {strides = array<i32>} : memref<32x16xf32, #tpu.memory_space<vmem>>, vector<1x16xf32>,
    %get3A_176 = vector.shape_cast %get3A_175 : vector<1x16xf32> to vector<16xf32>
    %max3A_177 = arith.maximumf %max3A_171, %get3A_176 : vector<16xf32>
    %get3A_178 = arith.constant 30 : i32
    %get3A_179 = arith.index_cast %get3A_178 : i32 to index
    %get3A_180 = arith.constant 0 : index
    %get3A_181 = tpu.vector_load %arg11[%get3A_179, %get3A_180] {strides = array<i32>} : memref<32x16xf32, #tpu.memory_space<vmem>>, vector<1x16xf32>,
    %get3A_182 = vector.shape_cast %get3A_181 : vector<1x16xf32> to vector<16xf32>
    %max3A_183 = arith.maximumf %max3A_177, %get3A_182 : vector<16xf32>
    %get3A_184 = arith.constant 31 : i32
    %get3A_185 = arith.index_cast %get3A_184 : i32 to index
    %get3A_186 = arith.constant 0 : index
    %get3A_187 = tpu.vector_load %arg11[%get3A_185, %get3A_186] {strides = array<i32>} : memref<32x16xf32, #tpu.memory_space<vmem>>, vector<1x16xf32>,
    %get3A_188 = vector.shape_cast %get3A_187 : vector<1x16xf32> to vector<16xf32>
    %max3A_189 = arith.maximumf %max3A_183, %get3A_188 : vector<16xf32>
    %swap3A = arith.constant 0 : index
    %swap3A_190 = tpu.vector_load %arg12[%swap3A] {strides = array<i32>} : memref<32xf32, #tpu.memory_space<vmem>>, vector<16xf32>,
    %swap3A_191 = vector.shape_cast %swap3A_190 : vector<16xf32> to vector<16xf32>
    %swap3A_192 = vector.shape_cast %max3A_189 : vector<16xf32> to vector<16xf32>
    tpu.vector_store %arg12[%swap3A], %swap3A_192 {strides = array<i32>} : memref<32xf32, #tpu.memory_space<vmem>>, vector<16xf32>,
    %swap3A_193 = arith.constant 16 : index
    %swap3A_194 = tpu.vector_load %arg12[%swap3A_193] {strides = array<i32>} : memref<32xf32, #tpu.memory_space<vmem>>, vector<16xf32>,
    %swap3A_195 = vector.shape_cast %swap3A_194 : vector<16xf32> to vector<16xf32>
    %swap3A_196 = vector.shape_cast %max3A_189 : vector<16xf32> to vector<16xf32>
    tpu.vector_store %arg12[%swap3A_193], %swap3A_196 {strides = array<i32>} : memref<32xf32, #tpu.memory_space<vmem>>, vector<16xf32>,
    %get3A_197 = arith.constant 8 : index
    %get3A_198 = tpu.vector_load %arg12[%get3A_197] {strides = array<i32>} : memref<32xf32, #tpu.memory_space<vmem>>, vector<16xf32>,
    %get3A_199 = vector.shape_cast %get3A_198 : vector<16xf32> to vector<16xf32>
    %max3A_200 = arith.maximumf %max3A_189, %get3A_199 : vector<16xf32>
    %swap3A_201 = arith.constant 0 : index
    %swap3A_202 = tpu.vector_load %arg12[%swap3A_201] {strides = array<i32>} : memref<32xf32, #tpu.memory_space<vmem>>, vector<16xf32>,
    %swap3A_203 = vector.shape_cast %swap3A_202 : vector<16xf32> to vector<16xf32>
    %swap3A_204 = vector.shape_cast %max3A_200 : vector<16xf32> to vector<16xf32>
    tpu.vector_store %arg12[%swap3A_201], %swap3A_204 {strides = array<i32>} : memref<32xf32, #tpu.memory_space<vmem>>, vector<16xf32>,
    %swap3A_205 = arith.constant 16 : index
    %swap3A_206 = tpu.vector_load %arg12[%swap3A_205] {strides = array<i32>} : memref<32xf32, #tpu.memory_space<vmem>>, vector<16xf32>,
    %swap3A_207 = vector.shape_cast %swap3A_206 : vector<16xf32> to vector<16xf32>
    %swap3A_208 = vector.shape_cast %max3A_200 : vector<16xf32> to vector<16xf32>
    tpu.vector_store %arg12[%swap3A_205], %swap3A_208 {strides = array<i32>} : memref<32xf32, #tpu.memory_space<vmem>>, vector<16xf32>,
    %get3A_209 = arith.constant 4 : index
    %get3A_210 = tpu.vector_load %arg12[%get3A_209] {strides = array<i32>} : memref<32xf32, #tpu.memory_space<vmem>>, vector<16xf32>,
    %get3A_211 = vector.shape_cast %get3A_210 : vector<16xf32> to vector<16xf32>
    %max3A_212 = arith.maximumf %max3A_200, %get3A_211 : vector<16xf32>
    %swap3A_213 = arith.constant 0 : index
    %swap3A_214 = tpu.vector_load %arg12[%swap3A_213] {strides = array<i32>} : memref<32xf32, #tpu.memory_space<vmem>>, vector<16xf32>,
    %swap3A_215 = vector.shape_cast %swap3A_214 : vector<16xf32> to vector<16xf32>
    %swap3A_216 = vector.shape_cast %max3A_212 : vector<16xf32> to vector<16xf32>
    tpu.vector_store %arg12[%swap3A_213], %swap3A_216 {strides = array<i32>} : memref<32xf32, #tpu.memory_space<vmem>>, vector<16xf32>,
    %swap3A_217 = arith.constant 16 : index
    %swap3A_218 = tpu.vector_load %arg12[%swap3A_217] {strides = array<i32>} : memref<32xf32, #tpu.memory_space<vmem>>, vector<16xf32>,
    %swap3A_219 = vector.shape_cast %swap3A_218 : vector<16xf32> to vector<16xf32>
    %swap3A_220 = vector.shape_cast %max3A_212 : vector<16xf32> to vector<16xf32>
    tpu.vector_store %arg12[%swap3A_217], %swap3A_220 {strides = array<i32>} : memref<32xf32, #tpu.memory_space<vmem>>, vector<16xf32>,
    %get3A_221 = arith.constant 2 : index
    %get3A_222 = tpu.vector_load %arg12[%get3A_221] {strides = array<i32>} : memref<32xf32, #tpu.memory_space<vmem>>, vector<16xf32>,
    %get3A_223 = vector.shape_cast %get3A_222 : vector<16xf32> to vector<16xf32>
    %max3A_224 = arith.maximumf %max3A_212, %get3A_223 : vector<16xf32>
    %swap3A_225 = arith.constant 0 : index
    %swap3A_226 = tpu.vector_load %arg12[%swap3A_225] {strides = array<i32>} : memref<32xf32, #tpu.memory_space<vmem>>, vector<16xf32>,
    %swap3A_227 = vector.shape_cast %swap3A_226 : vector<16xf32> to vector<16xf32>
    %swap3A_228 = vector.shape_cast %max3A_224 : vector<16xf32> to vector<16xf32>
    tpu.vector_store %arg12[%swap3A_225], %swap3A_228 {strides = array<i32>} : memref<32xf32, #tpu.memory_space<vmem>>, vector<16xf32>,
    %swap3A_229 = arith.constant 16 : index
    %swap3A_230 = tpu.vector_load %arg12[%swap3A_229] {strides = array<i32>} : memref<32xf32, #tpu.memory_space<vmem>>, vector<16xf32>,
    %swap3A_231 = vector.shape_cast %swap3A_230 : vector<16xf32> to vector<16xf32>
    %swap3A_232 = vector.shape_cast %max3A_224 : vector<16xf32> to vector<16xf32>
    tpu.vector_store %arg12[%swap3A_229], %swap3A_232 {strides = array<i32>} : memref<32xf32, #tpu.memory_space<vmem>>, vector<16xf32>,
    %get3A_233 = arith.constant 1 : index
    %get3A_234 = tpu.vector_load %arg12[%get3A_233] {strides = array<i32>} : memref<32xf32, #tpu.memory_space<vmem>>, vector<16xf32>,
    %get3A_235 = vector.shape_cast %get3A_234 : vector<16xf32> to vector<16xf32>
    %max3A_236 = arith.maximumf %max3A_224, %get3A_235 : vector<16xf32>
    %mul3A_237 = arith.constant 624 : i32
    %mul3A_238 = arith.muli %arg1, %mul3A_237 : i32
    "tpu.region"() ({
      %run_scoped3A = tpu.sem_alloc : memref<!tpu.dma_semaphore, #tpu.memory_space<semaphore_mem>>
      %dma_start3A_275 = arith.constant 0 : i32
      %dma_start3A_276 = tpu.memref_slice %arg13[%mul3A_238, %dma_start3A_275] : memref<10000x128xf32, #tpu.memory_space<vmem_shared>> -> memref<640x128xf32, #tpu.memory_space<vmem_shared>>
      %dma_start3A_277 = arith.constant 0 : i32
      %dma_start3A_278 = tpu.memref_slice %arg5[%mul3A_238, %dma_start3A_277] : memref<10000x128xf32, #tpu.memory_space<hbm>> -> memref<640x128xf32, #tpu.memory_space<hbm>>
      tpu.enqueue_dma source(%dma_start3A_278 : memref<640x128xf32, #tpu.memory_space<hbm>>) target(%dma_start3A_276 : memref<640x128xf32, #tpu.memory_space<vmem_shared>>) target_semaphore(%run_scoped3A : memref<!tpu.dma_semaphore, #tpu.memory_space<semaphore_mem>>)
      %dma_wait3A_279 = arith.constant 0 : i32
      %dma_wait3A_280 = tpu.memref_slice %arg13[%mul3A_238, %dma_wait3A_279] : memref<10000x128xf32, #tpu.memory_space<vmem_shared>> -> memref<640x128xf32, #tpu.memory_space<vmem_shared>>
      %dma_wait3A_281 = arith.constant 0 : i32
      %dma_wait3A_282 = tpu.memref_slice %arg5[%mul3A_238, %dma_wait3A_281] : memref<10000x128xf32, #tpu.memory_space<hbm>> -> memref<640x128xf32, #tpu.memory_space<hbm>>
      tpu.wait_dma2 semaphore(%run_scoped3A : memref<!tpu.dma_semaphore, #tpu.memory_space<semaphore_mem>>) src(%dma_wait3A_282 : memref<640x128xf32, #tpu.memory_space<hbm>>) dst(%dma_wait3A_280 : memref<640x128xf32, #tpu.memory_space<vmem_shared>>)
      tpu.yield
    }) : () -> ()
    %barrier3A = arith.constant 0 : index
    tpu.barrier barrier_id(%barrier3A)
    %mul3A_239 = arith.constant 10000 : i32
    %mul3A_240 = arith.muli %add3A, %mul3A_239 : i32
    %add3A_241 = arith.constant 0 : i32
    %add3A_242 = arith.addi %mul3A_240, %add3A_241 : i32
    %dma_start3A = arith.constant 0 : i32
    %dma_start3A_243 = tpu.memref_slice %arg3[%add3A_242, %dma_start3A] : memref<320000x16xf32, #tpu.memory_space<hbm>> -> memref<80x16xf32, #tpu.memory_space<hbm>>
    %dma_start3A_244 = arith.constant 0 : i32
    %dma_start3A_245 = tpu.memref_slice %arg3[%add3A_242, %dma_start3A_244] : memref<320000x16xf32, #tpu.memory_space<hbm>> -> memref<80x16xf32, #tpu.memory_space<hbm>>
    tpu.enqueue_dma source(%dma_start3A_245 : memref<80x16xf32, #tpu.memory_space<hbm>>) target(%arg8 : memref<80x16xf32, #tpu.memory_space<vmem>>) target_semaphore(%arg14 : memref<!tpu.dma_semaphore, #tpu.memory_space<semaphore_mem>>)
    %mul3A_246 = arith.constant 10000 : i32
    %mul3A_247 = arith.muli %add3A, %mul3A_246 : i32
    %add3A_248 = arith.constant 80 : i32
    %add3A_249 = arith.addi %mul3A_247, %add3A_248 : i32
    %dma_start3A_250 = arith.constant 0 : i32
    %dma_start3A_251 = tpu.memref_slice %arg3[%add3A_249, %dma_start3A_250] : memref<320000x16xf32, #tpu.memory_space<hbm>> -> memref<80x16xf32, #tpu.memory_space<hbm>>
    %dma_start3A_252 = arith.constant 0 : i32
    %dma_start3A_253 = tpu.memref_slice %arg3[%add3A_249, %dma_start3A_252] : memref<320000x16xf32, #tpu.memory_space<hbm>> -> memref<80x16xf32, #tpu.memory_space<hbm>>
    tpu.enqueue_dma source(%dma_start3A_253 : memref<80x16xf32, #tpu.memory_space<hbm>>) target(%arg9 : memref<80x16xf32, #tpu.memory_space<vmem>>) target_semaphore(%arg15 : memref<!tpu.dma_semaphore, #tpu.memory_space<semaphore_mem>>)
    %scan3A = arith.constant 0 : i32
    %scan3A_254 = arith.constant 0 : i32
    %scan3A_255 = arith.constant 62 : i32
    %scan3A_256 = arith.addi %scan3A_254, %scan3A_255 : i32
    %scan3A_257 = arith.constant 1 : i32
    scf.for %scan3A_275 = %scan3A_254 to %scan3A_256 step %scan3A_257  : i32 {
      %mul3A_276 = arith.constant 2 : i32
      %mul3A_277 = arith.muli %mul3A_276, %scan3A_275 : i32
      %mul3A_278 = arith.constant 10000 : i32
      %mul3A_279 = arith.muli %add3A, %mul3A_278 : i32
      %mul3A_280 = arith.constant 80 : i32
      %mul3A_281 = arith.muli %mul3A_277, %mul3A_280 : i32
      %add3A_282 = arith.addi %mul3A_279, %mul3A_281 : i32
      %dma_wait3A_283 = arith.constant 0 : i32
      %dma_wait3A_284 = tpu.memref_slice %arg3[%add3A_282, %dma_wait3A_283] : memref<320000x16xf32, #tpu.memory_space<hbm>> -> memref<80x16xf32, #tpu.memory_space<hbm>>
      %dma_wait3A_285 = arith.constant 0 : i32
      %dma_wait3A_286 = tpu.memref_slice %arg3[%add3A_282, %dma_wait3A_285] : memref<320000x16xf32, #tpu.memory_space<hbm>> -> memref<80x16xf32, #tpu.memory_space<hbm>>
      tpu.wait_dma2 semaphore(%arg14 : memref<!tpu.dma_semaphore, #tpu.memory_space<semaphore_mem>>) src(%dma_wait3A_286 : memref<80x16xf32, #tpu.memory_space<hbm>>) dst(%arg8 : memref<80x16xf32, #tpu.memory_space<vmem>>)
      "tpu.region"() ({
        %run_scoped3A = tpu.sem_alloc : memref<!tpu.dma_semaphore, #tpu.memory_space<semaphore_mem>>
        %dma_start3A_325 = tpu.memref_slice %arg2[%add3A_282] : memref<320000xi32, #tpu.memory_space<hbm>> -> memref<80xi32, #tpu.memory_space<hbm>>
        %dma_start3A_326 = tpu.memref_slice %arg2[%add3A_282] : memref<320000xi32, #tpu.memory_space<hbm>> -> memref<80xi32, #tpu.memory_space<hbm>>
        tpu.enqueue_dma source(%dma_start3A_326 : memref<80xi32, #tpu.memory_space<hbm>>) target(%arg7 : memref<80xi32, #tpu.memory_space<vmem>>) target_semaphore(%run_scoped3A : memref<!tpu.dma_semaphore, #tpu.memory_space<semaphore_mem>>)
        %dma_wait3A_327 = tpu.memref_slice %arg2[%add3A_282] : memref<320000xi32, #tpu.memory_space<hbm>> -> memref<80xi32, #tpu.memory_space<hbm>>
        %dma_wait3A_328 = tpu.memref_slice %arg2[%add3A_282] : memref<320000xi32, #tpu.memory_space<hbm>> -> memref<80xi32, #tpu.memory_space<hbm>>
        tpu.wait_dma2 semaphore(%run_scoped3A : memref<!tpu.dma_semaphore, #tpu.memory_space<semaphore_mem>>) src(%dma_wait3A_328 : memref<80xi32, #tpu.memory_space<hbm>>) dst(%arg7 : memref<80xi32, #tpu.memory_space<vmem>>)
        tpu.yield
      }) : () -> ()
      %scan3A_287 = arith.constant 0 : i32
      %scan3A_288 = arith.constant 0 : i32
      %scan3A_289 = arith.constant 80 : i32
      %scan3A_290 = arith.addi %scan3A_288, %scan3A_289 : i32
      %scan3A_291 = arith.constant 1 : i32
      scf.for %scan3A_325 = %scan3A_288 to %scan3A_290 step %scan3A_291  : i32 {
        %get3A_326 = arith.index_cast %scan3A_325 : i32 to index
        %get3A_327 = arith.constant 0 : index
        %get3A_328 = tpu.vector_load %arg8[%get3A_326, %get3A_327] {strides = array<i32>} : memref<80x16xf32, #tpu.memory_space<vmem>>, vector<1x16xf32>,
        %get3A_329 = vector.shape_cast %get3A_328 : vector<1x16xf32> to vector<16xf32>
        %sub3A = arith.subf %get3A_329, %max3A_236 : vector<16xf32>
        %exp3A = math.exp %sub3A : vector<16xf32>
        %swap3A_330 = arith.index_cast %scan3A_325 : i32 to index
        %swap3A_331 = arith.constant 0 : index
        %swap3A_332 = tpu.vector_load %arg10[%swap3A_330, %swap3A_331] {strides = array<i32>} : memref<80x128xf32, #tpu.memory_space<vmem>>, vector<1x16xf32>,
        %swap3A_333 = vector.shape_cast %swap3A_332 : vector<1x16xf32> to vector<16xf32>
        %swap3A_334 = vector.shape_cast %exp3A : vector<16xf32> to vector<1x16xf32>
        tpu.vector_store %arg10[%swap3A_330, %swap3A_331], %swap3A_334 {strides = array<i32>} : memref<80x128xf32, #tpu.memory_space<vmem>>, vector<1x16xf32>,
        %swap3A_335 = arith.index_cast %scan3A_325 : i32 to index
        %swap3A_336 = arith.constant 16 : index
        %swap3A_337 = tpu.vector_load %arg10[%swap3A_335, %swap3A_336] {strides = array<i32>} : memref<80x128xf32, #tpu.memory_space<vmem>>, vector<1x16xf32>,
        %swap3A_338 = vector.shape_cast %swap3A_337 : vector<1x16xf32> to vector<16xf32>
        %swap3A_339 = vector.shape_cast %exp3A : vector<16xf32> to vector<1x16xf32>
        tpu.vector_store %arg10[%swap3A_335, %swap3A_336], %swap3A_339 {strides = array<i32>} : memref<80x128xf32, #tpu.memory_space<vmem>>, vector<1x16xf32>,
        %swap3A_340 = arith.index_cast %scan3A_325 : i32 to index
        %swap3A_341 = arith.constant 32 : index
        %swap3A_342 = tpu.vector_load %arg10[%swap3A_340, %swap3A_341] {strides = array<i32>} : memref<80x128xf32, #tpu.memory_space<vmem>>, vector<1x16xf32>,
        %swap3A_343 = vector.shape_cast %swap3A_342 : vector<1x16xf32> to vector<16xf32>
        %swap3A_344 = vector.shape_cast %exp3A : vector<16xf32> to vector<1x16xf32>
        tpu.vector_store %arg10[%swap3A_340, %swap3A_341], %swap3A_344 {strides = array<i32>} : memref<80x128xf32, #tpu.memory_space<vmem>>, vector<1x16xf32>,
        %swap3A_345 = arith.index_cast %scan3A_325 : i32 to index
        %swap3A_346 = arith.constant 48 : index
        %swap3A_347 = tpu.vector_load %arg10[%swap3A_345, %swap3A_346] {strides = array<i32>} : memref<80x128xf32, #tpu.memory_space<vmem>>, vector<1x16xf32>,
        %swap3A_348 = vector.shape_cast %swap3A_347 : vector<1x16xf32> to vector<16xf32>
        %swap3A_349 = vector.shape_cast %exp3A : vector<16xf32> to vector<1x16xf32>
        tpu.vector_store %arg10[%swap3A_345, %swap3A_346], %swap3A_349 {strides = array<i32>} : memref<80x128xf32, #tpu.memory_space<vmem>>, vector<1x16xf32>,
        %swap3A_350 = arith.index_cast %scan3A_325 : i32 to index
        %swap3A_351 = arith.constant 64 : index
        %swap3A_352 = tpu.vector_load %arg10[%swap3A_350, %swap3A_351] {strides = array<i32>} : memref<80x128xf32, #tpu.memory_space<vmem>>, vector<1x16xf32>,
        %swap3A_353 = vector.shape_cast %swap3A_352 : vector<1x16xf32> to vector<16xf32>
        %swap3A_354 = vector.shape_cast %exp3A : vector<16xf32> to vector<1x16xf32>
        tpu.vector_store %arg10[%swap3A_350, %swap3A_351], %swap3A_354 {strides = array<i32>} : memref<80x128xf32, #tpu.memory_space<vmem>>, vector<1x16xf32>,
        %swap3A_355 = arith.index_cast %scan3A_325 : i32 to index
        %swap3A_356 = arith.constant 80 : index
        %swap3A_357 = tpu.vector_load %arg10[%swap3A_355, %swap3A_356] {strides = array<i32>} : memref<80x128xf32, #tpu.memory_space<vmem>>, vector<1x16xf32>,
        %swap3A_358 = vector.shape_cast %swap3A_357 : vector<1x16xf32> to vector<16xf32>
        %swap3A_359 = vector.shape_cast %exp3A : vector<16xf32> to vector<1x16xf32>
        tpu.vector_store %arg10[%swap3A_355, %swap3A_356], %swap3A_359 {strides = array<i32>} : memref<80x128xf32, #tpu.memory_space<vmem>>, vector<1x16xf32>,
        %swap3A_360 = arith.index_cast %scan3A_325 : i32 to index
        %swap3A_361 = arith.constant 96 : index
        %swap3A_362 = tpu.vector_load %arg10[%swap3A_360, %swap3A_361] {strides = array<i32>} : memref<80x128xf32, #tpu.memory_space<vmem>>, vector<1x16xf32>,
        %swap3A_363 = vector.shape_cast %swap3A_362 : vector<1x16xf32> to vector<16xf32>
        %swap3A_364 = vector.shape_cast %exp3A : vector<16xf32> to vector<1x16xf32>
        tpu.vector_store %arg10[%swap3A_360, %swap3A_361], %swap3A_364 {strides = array<i32>} : memref<80x128xf32, #tpu.memory_space<vmem>>, vector<1x16xf32>,
        %swap3A_365 = arith.index_cast %scan3A_325 : i32 to index
        %swap3A_366 = arith.constant 112 : index
        %swap3A_367 = tpu.vector_load %arg10[%swap3A_365, %swap3A_366] {strides = array<i32>} : memref<80x128xf32, #tpu.memory_space<vmem>>, vector<1x16xf32>,
        %swap3A_368 = vector.shape_cast %swap3A_367 : vector<1x16xf32> to vector<16xf32>
        %swap3A_369 = vector.shape_cast %exp3A : vector<16xf32> to vector<1x16xf32>
        tpu.vector_store %arg10[%swap3A_365, %swap3A_366], %swap3A_369 {strides = array<i32>} : memref<80x128xf32, #tpu.memory_space<vmem>>, vector<1x16xf32>,
      }
      %scan3A_292 = arith.constant 80 : i32
      "tpu.region"() ({
        %run_scoped3A = tpu.sem_alloc : memref<!tpu.dma_semaphore, #tpu.memory_space<semaphore_mem>>
        %dma_start3A_325 = arith.constant 0 : i32
        %dma_start3A_326 = arith.constant 0 : i32
        %dma_start3A_327 = tpu.memref_slice %arg13[%dma_start3A_325, %dma_start3A_326] : memref<10000x128xf32, #tpu.memory_space<vmem_shared>> -> memref<10000x128xf32, #tpu.memory_space<vmem_shared>>
        tpu.enqueue_indirect_dma source(%arg10 : memref<80x128xf32, #tpu.memory_space<vmem>>) target(%dma_start3A_327 : memref<10000x128xf32, #tpu.memory_space<vmem_shared>>) offsets(%arg7 : memref<80xi32, #tpu.memory_space<vmem>>) semaphore(%run_scoped3A : memref<!tpu.dma_semaphore, #tpu.memory_space<semaphore_mem>>) {add = true}
        %dma_wait3A_328 = arith.constant 0 : i32
        %dma_wait3A_329 = arith.constant 0 : i32
        %dma_wait3A_330 = tpu.memref_slice %arg13[%dma_wait3A_328, %dma_wait3A_329] : memref<10000x128xf32, #tpu.memory_space<vmem_shared>> -> memref<10000x128xf32, #tpu.memory_space<vmem_shared>>
        tpu.wait_indirect_dma semaphore(%run_scoped3A : memref<!tpu.dma_semaphore, #tpu.memory_space<semaphore_mem>>) src(%arg10 : memref<80x128xf32, #tpu.memory_space<vmem>>) dst(%dma_wait3A_330 : memref<10000x128xf32, #tpu.memory_space<vmem_shared>>)
        tpu.yield
      }) : () -> ()
      %add3A_293 = arith.constant 2 : i32
      %add3A_294 = arith.addi %mul3A_277, %add3A_293 : i32
      %lt3A = arith.constant 125 : i32
      %lt3A_295 = arith.cmpi slt, %add3A_294, %lt3A : i32
      %convert_element_type3A_296 = arith.extui %lt3A_295 : i1 to i32
      %cond3A_297 = arith.constant 0 : i32
      %cond3A_298 = arith.cmpi ne, %convert_element_type3A_296, %cond3A_297 : i32
      scf.if %cond3A_298 {
        %add3A_325 = arith.constant 2 : i32
        %add3A_326 = arith.addi %mul3A_277, %add3A_325 : i32
        %mul3A_327 = arith.constant 10000 : i32
        %mul3A_328 = arith.muli %add3A, %mul3A_327 : i32
        %mul3A_329 = arith.constant 80 : i32
        %mul3A_330 = arith.muli %add3A_326, %mul3A_329 : i32
        %add3A_331 = arith.addi %mul3A_328, %mul3A_330 : i32
        %dma_start3A_332 = arith.constant 0 : i32
        %dma_start3A_333 = tpu.memref_slice %arg3[%add3A_331, %dma_start3A_332] : memref<320000x16xf32, #tpu.memory_space<hbm>> -> memref<80x16xf32, #tpu.memory_space<hbm>>
        %dma_start3A_334 = arith.constant 0 : i32
        %dma_start3A_335 = tpu.memref_slice %arg3[%add3A_331, %dma_start3A_334] : memref<320000x16xf32, #tpu.memory_space<hbm>> -> memref<80x16xf32, #tpu.memory_space<hbm>>
        tpu.enqueue_dma source(%dma_start3A_335 : memref<80x16xf32, #tpu.memory_space<hbm>>) target(%arg8 : memref<80x16xf32, #tpu.memory_space<vmem>>) target_semaphore(%arg14 : memref<!tpu.dma_semaphore, #tpu.memory_space<semaphore_mem>>)
      } else {
      }
      %mul3A_299 = arith.constant 2 : i32
      %mul3A_300 = arith.muli %mul3A_299, %scan3A_275 : i32
      %add3A_301 = arith.constant 1 : i32
      %add3A_302 = arith.addi %mul3A_300, %add3A_301 : i32
      %mul3A_303 = arith.constant 10000 : i32
      %mul3A_304 = arith.muli %add3A, %mul3A_303 : i32
      %mul3A_305 = arith.constant 80 : i32
      %mul3A_306 = arith.muli %add3A_302, %mul3A_305 : i32
      %add3A_307 = arith.addi %mul3A_304, %mul3A_306 : i32
      %dma_wait3A_308 = arith.constant 0 : i32
      %dma_wait3A_309 = tpu.memref_slice %arg3[%add3A_307, %dma_wait3A_308] : memref<320000x16xf32, #tpu.memory_space<hbm>> -> memref<80x16xf32, #tpu.memory_space<hbm>>
      %dma_wait3A_310 = arith.constant 0 : i32
      %dma_wait3A_311 = tpu.memref_slice %arg3[%add3A_307, %dma_wait3A_310] : memref<320000x16xf32, #tpu.memory_space<hbm>> -> memref<80x16xf32, #tpu.memory_space<hbm>>
      tpu.wait_dma2 semaphore(%arg15 : memref<!tpu.dma_semaphore, #tpu.memory_space<semaphore_mem>>) src(%dma_wait3A_311 : memref<80x16xf32, #tpu.memory_space<hbm>>) dst(%arg9 : memref<80x16xf32, #tpu.memory_space<vmem>>)
      "tpu.region"() ({
        %run_scoped3A = tpu.sem_alloc : memref<!tpu.dma_semaphore, #tpu.memory_space<semaphore_mem>>
        %dma_start3A_325 = tpu.memref_slice %arg2[%add3A_307] : memref<320000xi32, #tpu.memory_space<hbm>> -> memref<80xi32, #tpu.memory_space<hbm>>
        %dma_start3A_326 = tpu.memref_slice %arg2[%add3A_307] : memref<320000xi32, #tpu.memory_space<hbm>> -> memref<80xi32, #tpu.memory_space<hbm>>
        tpu.enqueue_dma source(%dma_start3A_326 : memref<80xi32, #tpu.memory_space<hbm>>) target(%arg7 : memref<80xi32, #tpu.memory_space<vmem>>) target_semaphore(%run_scoped3A : memref<!tpu.dma_semaphore, #tpu.memory_space<semaphore_mem>>)
        %dma_wait3A_327 = tpu.memref_slice %arg2[%add3A_307] : memref<320000xi32, #tpu.memory_space<hbm>> -> memref<80xi32, #tpu.memory_space<hbm>>
        %dma_wait3A_328 = tpu.memref_slice %arg2[%add3A_307] : memref<320000xi32, #tpu.memory_space<hbm>> -> memref<80xi32, #tpu.memory_space<hbm>>
        tpu.wait_dma2 semaphore(%run_scoped3A : memref<!tpu.dma_semaphore, #tpu.memory_space<semaphore_mem>>) src(%dma_wait3A_328 : memref<80xi32, #tpu.memory_space<hbm>>) dst(%arg7 : memref<80xi32, #tpu.memory_space<vmem>>)
        tpu.yield
      }) : () -> ()
      %scan3A_312 = arith.constant 0 : i32
      %scan3A_313 = arith.constant 0 : i32
      %scan3A_314 = arith.constant 80 : i32
      %scan3A_315 = arith.addi %scan3A_313, %scan3A_314 : i32
      %scan3A_316 = arith.constant 1 : i32
      scf.for %scan3A_325 = %scan3A_313 to %scan3A_315 step %scan3A_316  : i32 {
        %get3A_326 = arith.index_cast %scan3A_325 : i32 to index
        %get3A_327 = arith.constant 0 : index
        %get3A_328 = tpu.vector_load %arg9[%get3A_326, %get3A_327] {strides = array<i32>} : memref<80x16xf32, #tpu.memory_space<vmem>>, vector<1x16xf32>,
        %get3A_329 = vector.shape_cast %get3A_328 : vector<1x16xf32> to vector<16xf32>
        %sub3A = arith.subf %get3A_329, %max3A_236 : vector<16xf32>
        %exp3A = math.exp %sub3A : vector<16xf32>
        %swap3A_330 = arith.index_cast %scan3A_325 : i32 to index
        %swap3A_331 = arith.constant 0 : index
        %swap3A_332 = tpu.vector_load %arg10[%swap3A_330, %swap3A_331] {strides = array<i32>} : memref<80x128xf32, #tpu.memory_space<vmem>>, vector<1x16xf32>,
        %swap3A_333 = vector.shape_cast %swap3A_332 : vector<1x16xf32> to vector<16xf32>
        %swap3A_334 = vector.shape_cast %exp3A : vector<16xf32> to vector<1x16xf32>
        tpu.vector_store %arg10[%swap3A_330, %swap3A_331], %swap3A_334 {strides = array<i32>} : memref<80x128xf32, #tpu.memory_space<vmem>>, vector<1x16xf32>,
        %swap3A_335 = arith.index_cast %scan3A_325 : i32 to index
        %swap3A_336 = arith.constant 16 : index
        %swap3A_337 = tpu.vector_load %arg10[%swap3A_335, %swap3A_336] {strides = array<i32>} : memref<80x128xf32, #tpu.memory_space<vmem>>, vector<1x16xf32>,
        %swap3A_338 = vector.shape_cast %swap3A_337 : vector<1x16xf32> to vector<16xf32>
        %swap3A_339 = vector.shape_cast %exp3A : vector<16xf32> to vector<1x16xf32>
        tpu.vector_store %arg10[%swap3A_335, %swap3A_336], %swap3A_339 {strides = array<i32>} : memref<80x128xf32, #tpu.memory_space<vmem>>, vector<1x16xf32>,
        %swap3A_340 = arith.index_cast %scan3A_325 : i32 to index
        %swap3A_341 = arith.constant 32 : index
        %swap3A_342 = tpu.vector_load %arg10[%swap3A_340, %swap3A_341] {strides = array<i32>} : memref<80x128xf32, #tpu.memory_space<vmem>>, vector<1x16xf32>,
        %swap3A_343 = vector.shape_cast %swap3A_342 : vector<1x16xf32> to vector<16xf32>
        %swap3A_344 = vector.shape_cast %exp3A : vector<16xf32> to vector<1x16xf32>
        tpu.vector_store %arg10[%swap3A_340, %swap3A_341], %swap3A_344 {strides = array<i32>} : memref<80x128xf32, #tpu.memory_space<vmem>>, vector<1x16xf32>,
        %swap3A_345 = arith.index_cast %scan3A_325 : i32 to index
        %swap3A_346 = arith.constant 48 : index
        %swap3A_347 = tpu.vector_load %arg10[%swap3A_345, %swap3A_346] {strides = array<i32>} : memref<80x128xf32, #tpu.memory_space<vmem>>, vector<1x16xf32>,
        %swap3A_348 = vector.shape_cast %swap3A_347 : vector<1x16xf32> to vector<16xf32>
        %swap3A_349 = vector.shape_cast %exp3A : vector<16xf32> to vector<1x16xf32>
        tpu.vector_store %arg10[%swap3A_345, %swap3A_346], %swap3A_349 {strides = array<i32>} : memref<80x128xf32, #tpu.memory_space<vmem>>, vector<1x16xf32>,
        %swap3A_350 = arith.index_cast %scan3A_325 : i32 to index
        %swap3A_351 = arith.constant 64 : index
        %swap3A_352 = tpu.vector_load %arg10[%swap3A_350, %swap3A_351] {strides = array<i32>} : memref<80x128xf32, #tpu.memory_space<vmem>>, vector<1x16xf32>,
        %swap3A_353 = vector.shape_cast %swap3A_352 : vector<1x16xf32> to vector<16xf32>
        %swap3A_354 = vector.shape_cast %exp3A : vector<16xf32> to vector<1x16xf32>
        tpu.vector_store %arg10[%swap3A_350, %swap3A_351], %swap3A_354 {strides = array<i32>} : memref<80x128xf32, #tpu.memory_space<vmem>>, vector<1x16xf32>,
        %swap3A_355 = arith.index_cast %scan3A_325 : i32 to index
        %swap3A_356 = arith.constant 80 : index
        %swap3A_357 = tpu.vector_load %arg10[%swap3A_355, %swap3A_356] {strides = array<i32>} : memref<80x128xf32, #tpu.memory_space<vmem>>, vector<1x16xf32>,
        %swap3A_358 = vector.shape_cast %swap3A_357 : vector<1x16xf32> to vector<16xf32>
        %swap3A_359 = vector.shape_cast %exp3A : vector<16xf32> to vector<1x16xf32>
        tpu.vector_store %arg10[%swap3A_355, %swap3A_356], %swap3A_359 {strides = array<i32>} : memref<80x128xf32, #tpu.memory_space<vmem>>, vector<1x16xf32>,
        %swap3A_360 = arith.index_cast %scan3A_325 : i32 to index
        %swap3A_361 = arith.constant 96 : index
        %swap3A_362 = tpu.vector_load %arg10[%swap3A_360, %swap3A_361] {strides = array<i32>} : memref<80x128xf32, #tpu.memory_space<vmem>>, vector<1x16xf32>,
        %swap3A_363 = vector.shape_cast %swap3A_362 : vector<1x16xf32> to vector<16xf32>
        %swap3A_364 = vector.shape_cast %exp3A : vector<16xf32> to vector<1x16xf32>
        tpu.vector_store %arg10[%swap3A_360, %swap3A_361], %swap3A_364 {strides = array<i32>} : memref<80x128xf32, #tpu.memory_space<vmem>>, vector<1x16xf32>,
        %swap3A_365 = arith.index_cast %scan3A_325 : i32 to index
        %swap3A_366 = arith.constant 112 : index
        %swap3A_367 = tpu.vector_load %arg10[%swap3A_365, %swap3A_366] {strides = array<i32>} : memref<80x128xf32, #tpu.memory_space<vmem>>, vector<1x16xf32>,
        %swap3A_368 = vector.shape_cast %swap3A_367 : vector<1x16xf32> to vector<16xf32>
        %swap3A_369 = vector.shape_cast %exp3A : vector<16xf32> to vector<1x16xf32>
        tpu.vector_store %arg10[%swap3A_365, %swap3A_366], %swap3A_369 {strides = array<i32>} : memref<80x128xf32, #tpu.memory_space<vmem>>, vector<1x16xf32>,
      }
      %scan3A_317 = arith.constant 80 : i32
      "tpu.region"() ({
        %run_scoped3A = tpu.sem_alloc : memref<!tpu.dma_semaphore, #tpu.memory_space<semaphore_mem>>
        %dma_start3A_325 = arith.constant 0 : i32
        %dma_start3A_326 = arith.constant 0 : i32
        %dma_start3A_327 = tpu.memref_slice %arg13[%dma_start3A_325, %dma_start3A_326] : memref<10000x128xf32, #tpu.memory_space<vmem_shared>> -> memref<10000x128xf32, #tpu.memory_space<vmem_shared>>
        tpu.enqueue_indirect_dma source(%arg10 : memref<80x128xf32, #tpu.memory_space<vmem>>) target(%dma_start3A_327 : memref<10000x128xf32, #tpu.memory_space<vmem_shared>>) offsets(%arg7 : memref<80xi32, #tpu.memory_space<vmem>>) semaphore(%run_scoped3A : memref<!tpu.dma_semaphore, #tpu.memory_space<semaphore_mem>>) {add = true}
        %dma_wait3A_328 = arith.constant 0 : i32
        %dma_wait3A_329 = arith.constant 0 : i32
        %dma_wait3A_330 = tpu.memref_slice %arg13[%dma_wait3A_328, %dma_wait3A_329] : memref<10000x128xf32, #tpu.memory_space<vmem_shared>> -> memref<10000x128xf32, #tpu.memory_space<vmem_shared>>
        tpu.wait_indirect_dma semaphore(%run_scoped3A : memref<!tpu.dma_semaphore, #tpu.memory_space<semaphore_mem>>) src(%arg10 : memref<80x128xf32, #tpu.memory_space<vmem>>) dst(%dma_wait3A_330 : memref<10000x128xf32, #tpu.memory_space<vmem_shared>>)
        tpu.yield
      }) : () -> ()
      %add3A_318 = arith.constant 2 : i32
      %add3A_319 = arith.addi %add3A_302, %add3A_318 : i32
      %lt3A_320 = arith.constant 125 : i32
      %lt3A_321 = arith.cmpi slt, %add3A_319, %lt3A_320 : i32
      %convert_element_type3A_322 = arith.extui %lt3A_321 : i1 to i32
      %cond3A_323 = arith.constant 0 : i32
      %cond3A_324 = arith.cmpi ne, %convert_element_type3A_322, %cond3A_323 : i32
      scf.if %cond3A_324 {
        %add3A_325 = arith.constant 2 : i32
        %add3A_326 = arith.addi %add3A_302, %add3A_325 : i32
        %mul3A_327 = arith.constant 10000 : i32
        %mul3A_328 = arith.muli %add3A, %mul3A_327 : i32
        %mul3A_329 = arith.constant 80 : i32
        %mul3A_330 = arith.muli %add3A_326, %mul3A_329 : i32
        %add3A_331 = arith.addi %mul3A_328, %mul3A_330 : i32
        %dma_start3A_332 = arith.constant 0 : i32
        %dma_start3A_333 = tpu.memref_slice %arg3[%add3A_331, %dma_start3A_332] : memref<320000x16xf32, #tpu.memory_space<hbm>> -> memref<80x16xf32, #tpu.memory_space<hbm>>
        %dma_start3A_334 = arith.constant 0 : i32
        %dma_start3A_335 = tpu.memref_slice %arg3[%add3A_331, %dma_start3A_334] : memref<320000x16xf32, #tpu.memory_space<hbm>> -> memref<80x16xf32, #tpu.memory_space<hbm>>
        tpu.enqueue_dma source(%dma_start3A_335 : memref<80x16xf32, #tpu.memory_space<hbm>>) target(%arg9 : memref<80x16xf32, #tpu.memory_space<vmem>>) target_semaphore(%arg15 : memref<!tpu.dma_semaphore, #tpu.memory_space<semaphore_mem>>)
      } else {
      }
    }
    %scan3A_258 = arith.constant 62 : i32
    %mul3A_259 = arith.constant 10000 : i32
    %mul3A_260 = arith.muli %add3A, %mul3A_259 : i32
    %add3A_261 = arith.constant 9920 : i32
    %add3A_262 = arith.addi %mul3A_260, %add3A_261 : i32
    %dma_wait3A = arith.constant 0 : i32
    %dma_wait3A_263 = tpu.memref_slice %arg3[%add3A_262, %dma_wait3A] : memref<320000x16xf32, #tpu.memory_space<hbm>> -> memref<80x16xf32, #tpu.memory_space<hbm>>
    %dma_wait3A_264 = arith.constant 0 : i32
    %dma_wait3A_265 = tpu.memref_slice %arg3[%add3A_262, %dma_wait3A_264] : memref<320000x16xf32, #tpu.memory_space<hbm>> -> memref<80x16xf32, #tpu.memory_space<hbm>>
    tpu.wait_dma2 semaphore(%arg14 : memref<!tpu.dma_semaphore, #tpu.memory_space<semaphore_mem>>) src(%dma_wait3A_265 : memref<80x16xf32, #tpu.memory_space<hbm>>) dst(%arg8 : memref<80x16xf32, #tpu.memory_space<vmem>>)
    "tpu.region"() ({
      %run_scoped3A = tpu.sem_alloc : memref<!tpu.dma_semaphore, #tpu.memory_space<semaphore_mem>>
      %dma_start3A_275 = tpu.memref_slice %arg2[%add3A_262] : memref<320000xi32, #tpu.memory_space<hbm>> -> memref<80xi32, #tpu.memory_space<hbm>>
      %dma_start3A_276 = tpu.memref_slice %arg2[%add3A_262] : memref<320000xi32, #tpu.memory_space<hbm>> -> memref<80xi32, #tpu.memory_space<hbm>>
      tpu.enqueue_dma source(%dma_start3A_276 : memref<80xi32, #tpu.memory_space<hbm>>) target(%arg7 : memref<80xi32, #tpu.memory_space<vmem>>) target_semaphore(%run_scoped3A : memref<!tpu.dma_semaphore, #tpu.memory_space<semaphore_mem>>)
      %dma_wait3A_277 = tpu.memref_slice %arg2[%add3A_262] : memref<320000xi32, #tpu.memory_space<hbm>> -> memref<80xi32, #tpu.memory_space<hbm>>
      %dma_wait3A_278 = tpu.memref_slice %arg2[%add3A_262] : memref<320000xi32, #tpu.memory_space<hbm>> -> memref<80xi32, #tpu.memory_space<hbm>>
      tpu.wait_dma2 semaphore(%run_scoped3A : memref<!tpu.dma_semaphore, #tpu.memory_space<semaphore_mem>>) src(%dma_wait3A_278 : memref<80xi32, #tpu.memory_space<hbm>>) dst(%arg7 : memref<80xi32, #tpu.memory_space<vmem>>)
      tpu.yield
    }) : () -> ()
    %scan3A_266 = arith.constant 0 : i32
    %scan3A_267 = arith.constant 0 : i32
    %scan3A_268 = arith.constant 80 : i32
    %scan3A_269 = arith.addi %scan3A_267, %scan3A_268 : i32
    %scan3A_270 = arith.constant 1 : i32
    scf.for %scan3A_275 = %scan3A_267 to %scan3A_269 step %scan3A_270  : i32 {
      %get3A_276 = arith.index_cast %scan3A_275 : i32 to index
      %get3A_277 = arith.constant 0 : index
      %get3A_278 = tpu.vector_load %arg8[%get3A_276, %get3A_277] {strides = array<i32>} : memref<80x16xf32, #tpu.memory_space<vmem>>, vector<1x16xf32>,
      %get3A_279 = vector.shape_cast %get3A_278 : vector<1x16xf32> to vector<16xf32>
      %sub3A = arith.subf %get3A_279, %max3A_236 : vector<16xf32>
      %exp3A = math.exp %sub3A : vector<16xf32>
      %swap3A_280 = arith.index_cast %scan3A_275 : i32 to index
      %swap3A_281 = arith.constant 0 : index
      %swap3A_282 = tpu.vector_load %arg10[%swap3A_280, %swap3A_281] {strides = array<i32>} : memref<80x128xf32, #tpu.memory_space<vmem>>, vector<1x16xf32>,
      %swap3A_283 = vector.shape_cast %swap3A_282 : vector<1x16xf32> to vector<16xf32>
      %swap3A_284 = vector.shape_cast %exp3A : vector<16xf32> to vector<1x16xf32>
      tpu.vector_store %arg10[%swap3A_280, %swap3A_281], %swap3A_284 {strides = array<i32>} : memref<80x128xf32, #tpu.memory_space<vmem>>, vector<1x16xf32>,
      %swap3A_285 = arith.index_cast %scan3A_275 : i32 to index
      %swap3A_286 = arith.constant 16 : index
      %swap3A_287 = tpu.vector_load %arg10[%swap3A_285, %swap3A_286] {strides = array<i32>} : memref<80x128xf32, #tpu.memory_space<vmem>>, vector<1x16xf32>,
      %swap3A_288 = vector.shape_cast %swap3A_287 : vector<1x16xf32> to vector<16xf32>
      %swap3A_289 = vector.shape_cast %exp3A : vector<16xf32> to vector<1x16xf32>
      tpu.vector_store %arg10[%swap3A_285, %swap3A_286], %swap3A_289 {strides = array<i32>} : memref<80x128xf32, #tpu.memory_space<vmem>>, vector<1x16xf32>,
      %swap3A_290 = arith.index_cast %scan3A_275 : i32 to index
      %swap3A_291 = arith.constant 32 : index
      %swap3A_292 = tpu.vector_load %arg10[%swap3A_290, %swap3A_291] {strides = array<i32>} : memref<80x128xf32, #tpu.memory_space<vmem>>, vector<1x16xf32>,
      %swap3A_293 = vector.shape_cast %swap3A_292 : vector<1x16xf32> to vector<16xf32>
      %swap3A_294 = vector.shape_cast %exp3A : vector<16xf32> to vector<1x16xf32>
      tpu.vector_store %arg10[%swap3A_290, %swap3A_291], %swap3A_294 {strides = array<i32>} : memref<80x128xf32, #tpu.memory_space<vmem>>, vector<1x16xf32>,
      %swap3A_295 = arith.index_cast %scan3A_275 : i32 to index
      %swap3A_296 = arith.constant 48 : index
      %swap3A_297 = tpu.vector_load %arg10[%swap3A_295, %swap3A_296] {strides = array<i32>} : memref<80x128xf32, #tpu.memory_space<vmem>>, vector<1x16xf32>,
      %swap3A_298 = vector.shape_cast %swap3A_297 : vector<1x16xf32> to vector<16xf32>
      %swap3A_299 = vector.shape_cast %exp3A : vector<16xf32> to vector<1x16xf32>
      tpu.vector_store %arg10[%swap3A_295, %swap3A_296], %swap3A_299 {strides = array<i32>} : memref<80x128xf32, #tpu.memory_space<vmem>>, vector<1x16xf32>,
      %swap3A_300 = arith.index_cast %scan3A_275 : i32 to index
      %swap3A_301 = arith.constant 64 : index
      %swap3A_302 = tpu.vector_load %arg10[%swap3A_300, %swap3A_301] {strides = array<i32>} : memref<80x128xf32, #tpu.memory_space<vmem>>, vector<1x16xf32>,
      %swap3A_303 = vector.shape_cast %swap3A_302 : vector<1x16xf32> to vector<16xf32>
      %swap3A_304 = vector.shape_cast %exp3A : vector<16xf32> to vector<1x16xf32>
      tpu.vector_store %arg10[%swap3A_300, %swap3A_301], %swap3A_304 {strides = array<i32>} : memref<80x128xf32, #tpu.memory_space<vmem>>, vector<1x16xf32>,
      %swap3A_305 = arith.index_cast %scan3A_275 : i32 to index
      %swap3A_306 = arith.constant 80 : index
      %swap3A_307 = tpu.vector_load %arg10[%swap3A_305, %swap3A_306] {strides = array<i32>} : memref<80x128xf32, #tpu.memory_space<vmem>>, vector<1x16xf32>,
      %swap3A_308 = vector.shape_cast %swap3A_307 : vector<1x16xf32> to vector<16xf32>
      %swap3A_309 = vector.shape_cast %exp3A : vector<16xf32> to vector<1x16xf32>
      tpu.vector_store %arg10[%swap3A_305, %swap3A_306], %swap3A_309 {strides = array<i32>} : memref<80x128xf32, #tpu.memory_space<vmem>>, vector<1x16xf32>,
      %swap3A_310 = arith.index_cast %scan3A_275 : i32 to index
      %swap3A_311 = arith.constant 96 : index
      %swap3A_312 = tpu.vector_load %arg10[%swap3A_310, %swap3A_311] {strides = array<i32>} : memref<80x128xf32, #tpu.memory_space<vmem>>, vector<1x16xf32>,
      %swap3A_313 = vector.shape_cast %swap3A_312 : vector<1x16xf32> to vector<16xf32>
      %swap3A_314 = vector.shape_cast %exp3A : vector<16xf32> to vector<1x16xf32>
      tpu.vector_store %arg10[%swap3A_310, %swap3A_311], %swap3A_314 {strides = array<i32>} : memref<80x128xf32, #tpu.memory_space<vmem>>, vector<1x16xf32>,
      %swap3A_315 = arith.index_cast %scan3A_275 : i32 to index
      %swap3A_316 = arith.constant 112 : index
      %swap3A_317 = tpu.vector_load %arg10[%swap3A_315, %swap3A_316] {strides = array<i32>} : memref<80x128xf32, #tpu.memory_space<vmem>>, vector<1x16xf32>,
      %swap3A_318 = vector.shape_cast %swap3A_317 : vector<1x16xf32> to vector<16xf32>
      %swap3A_319 = vector.shape_cast %exp3A : vector<16xf32> to vector<1x16xf32>
      tpu.vector_store %arg10[%swap3A_315, %swap3A_316], %swap3A_319 {strides = array<i32>} : memref<80x128xf32, #tpu.memory_space<vmem>>, vector<1x16xf32>,
    }
    %scan3A_271 = arith.constant 80 : i32
    "tpu.region"() ({
      %run_scoped3A = tpu.sem_alloc : memref<!tpu.dma_semaphore, #tpu.memory_space<semaphore_mem>>
      %dma_start3A_275 = arith.constant 0 : i32
      %dma_start3A_276 = arith.constant 0 : i32
      %dma_start3A_277 = tpu.memref_slice %arg13[%dma_start3A_275, %dma_start3A_276] : memref<10000x128xf32, #tpu.memory_space<vmem_shared>> -> memref<10000x128xf32, #tpu.memory_space<vmem_shared>>
      tpu.enqueue_indirect_dma source(%arg10 : memref<80x128xf32, #tpu.memory_space<vmem>>) target(%dma_start3A_277 : memref<10000x128xf32, #tpu.memory_space<vmem_shared>>) offsets(%arg7 : memref<80xi32, #tpu.memory_space<vmem>>) semaphore(%run_scoped3A : memref<!tpu.dma_semaphore, #tpu.memory_space<semaphore_mem>>) {add = true}
      %dma_wait3A_278 = arith.constant 0 : i32
      %dma_wait3A_279 = arith.constant 0 : i32
      %dma_wait3A_280 = tpu.memref_slice %arg13[%dma_wait3A_278, %dma_wait3A_279] : memref<10000x128xf32, #tpu.memory_space<vmem_shared>> -> memref<10000x128xf32, #tpu.memory_space<vmem_shared>>
      tpu.wait_indirect_dma semaphore(%run_scoped3A : memref<!tpu.dma_semaphore, #tpu.memory_space<semaphore_mem>>) src(%arg10 : memref<80x128xf32, #tpu.memory_space<vmem>>) dst(%dma_wait3A_280 : memref<10000x128xf32, #tpu.memory_space<vmem_shared>>)
      tpu.yield
    }) : () -> ()
    %barrier3A_272 = arith.constant 0 : index
    tpu.barrier barrier_id(%barrier3A_272)
    %eq3A = arith.constant 0 : i32
    %eq3A_273 = arith.cmpi eq, %arg1, %eq3A : i32
    %convert_element_type3A = arith.extui %eq3A_273 : i1 to i32
    %cond3A = arith.constant 0 : i32
    %cond3A_274 = arith.cmpi ne, %convert_element_type3A, %cond3A : i32
    scf.if %cond3A_274 {
      %mul3A_275 = arith.constant 10000 : i32
      %mul3A_276 = arith.muli %arg0, %mul3A_275 : i32
      "tpu.region"() ({
        %run_scoped3A = tpu.sem_alloc : memref<!tpu.dma_semaphore, #tpu.memory_space<semaphore_mem>>
        %dma_start3A_277 = arith.constant 0 : i32
        %dma_start3A_278 = tpu.memref_slice %arg6[%mul3A_276, %dma_start3A_277] : memref<20000x128xf32, #tpu.memory_space<hbm>> -> memref<10000x128xf32, #tpu.memory_space<hbm>>
        tpu.enqueue_dma source(%arg13 : memref<10000x128xf32, #tpu.memory_space<vmem_shared>>) target(%dma_start3A_278 : memref<10000x128xf32, #tpu.memory_space<hbm>>) target_semaphore(%run_scoped3A : memref<!tpu.dma_semaphore, #tpu.memory_space<semaphore_mem>>)
        %dma_wait3A_279 = arith.constant 0 : i32
        %dma_wait3A_280 = tpu.memref_slice %arg6[%mul3A_276, %dma_wait3A_279] : memref<20000x128xf32, #tpu.memory_space<hbm>> -> memref<10000x128xf32, #tpu.memory_space<hbm>>
        tpu.wait_dma2 semaphore(%run_scoped3A : memref<!tpu.dma_semaphore, #tpu.memory_space<semaphore_mem>>) src(%arg13 : memref<10000x128xf32, #tpu.memory_space<vmem_shared>>) dst(%dma_wait3A_280 : memref<10000x128xf32, #tpu.memory_space<hbm>>)
        tpu.yield
      }) : () -> ()
    } else {
    }
    return
  }
}

#map = affine_map<(d0, d1) -> (0)>
#map1 = affine_map<(d0, d1) -> (0, 0)>
module attributes {stable_mosaic.version = 14 : i64} {
  func.func @_logits_pass(%arg0: i32, %arg1: i32, %arg2: memref<320000xi32, #tpu.memory_space<hbm>>, %arg3: memref<320000xi32, #tpu.memory_space<hbm>>, %arg4: memref<10000x128xf32, #tpu.memory_space<hbm>>, %arg5: memref<10000x128xf32, #tpu.memory_space<hbm>>, %arg6: memref<320000x16xf32, #tpu.memory_space<hbm>>, %arg7: memref<32x16xf32, #tpu.memory_space<hbm>>, %arg8: memref<80xi32, #tpu.memory_space<vmem>>, %arg9: memref<80xi32, #tpu.memory_space<vmem>>, %arg10: memref<80xi32, #tpu.memory_space<vmem>>, %arg11: memref<80xi32, #tpu.memory_space<vmem>>, %arg12: memref<80x128xf32, #tpu.memory_space<vmem>>, %arg13: memref<80x128xf32, #tpu.memory_space<vmem>>, %arg14: memref<80x128xf32, #tpu.memory_space<vmem>>, %arg15: memref<80x128xf32, #tpu.memory_space<vmem>>, %arg16: memref<80x16xf32, #tpu.memory_space<vmem>>, %arg17: memref<80x16xf32, #tpu.memory_space<vmem>>, %arg18: memref<32xf32, #tpu.memory_space<vmem>>, %arg19: memref<16xf32, #tpu.memory_space<vmem>>, %arg20: memref<!tpu.dma_semaphore, #tpu.memory_space<semaphore_mem>>, %arg21: memref<!tpu.dma_semaphore, #tpu.memory_space<semaphore_mem>>, %arg22: memref<!tpu.dma_semaphore, #tpu.memory_space<semaphore_mem>>, %arg23: memref<!tpu.dma_semaphore, #tpu.memory_space<semaphore_mem>>, %arg24: memref<!tpu.dma_semaphore, #tpu.memory_space<semaphore_mem>>, %arg25: memref<!tpu.dma_semaphore, #tpu.memory_space<semaphore_mem>>) attributes {dimension_semantics = [#tpu.dimension_semantics<core_parallel>, #tpu.dimension_semantics<subcore_parallel>], iteration_bounds = array<i64: 2, 16>, scalar_prefetch = 0 : i64, scratch_operands = 18 : i64, tpu.core_type = #tpu.core_type<sc_vector_subcore>, window_params = [{transform_indices = #map}, {transform_indices = #map}, {transform_indices = #map1}, {transform_indices = #map1}, {transform_indices = #map1}, {transform_indices = #map1}]} {
    %mul3A = arith.constant 2 : i32
    %mul3A_0 = arith.muli %arg1, %mul3A : i32
    %add3A = arith.addi %mul3A_0, %arg0 : i32
    %mul3A_1 = arith.constant 10000 : i32
    %mul3A_2 = arith.muli %add3A, %mul3A_1 : i32
    %add3A_3 = arith.constant 0 : i32
    %add3A_4 = arith.addi %mul3A_2, %add3A_3 : i32
    "tpu.region"() ({
      %run_scoped3A = tpu.sem_alloc : memref<!tpu.dma_semaphore, #tpu.memory_space<semaphore_mem>>
      %dma_start3A_72 = tpu.memref_slice %arg2[%add3A_4] : memref<320000xi32, #tpu.memory_space<hbm>> -> memref<80xi32, #tpu.memory_space<hbm>>
      %dma_start3A_73 = tpu.memref_slice %arg2[%add3A_4] : memref<320000xi32, #tpu.memory_space<hbm>> -> memref<80xi32, #tpu.memory_space<hbm>>
      tpu.enqueue_dma source(%dma_start3A_73 : memref<80xi32, #tpu.memory_space<hbm>>) target(%arg8 : memref<80xi32, #tpu.memory_space<vmem>>) target_semaphore(%run_scoped3A : memref<!tpu.dma_semaphore, #tpu.memory_space<semaphore_mem>>)
      %dma_wait3A_74 = tpu.memref_slice %arg2[%add3A_4] : memref<320000xi32, #tpu.memory_space<hbm>> -> memref<80xi32, #tpu.memory_space<hbm>>
      %dma_wait3A_75 = tpu.memref_slice %arg2[%add3A_4] : memref<320000xi32, #tpu.memory_space<hbm>> -> memref<80xi32, #tpu.memory_space<hbm>>
      tpu.wait_dma2 semaphore(%run_scoped3A : memref<!tpu.dma_semaphore, #tpu.memory_space<semaphore_mem>>) src(%dma_wait3A_75 : memref<80xi32, #tpu.memory_space<hbm>>) dst(%arg8 : memref<80xi32, #tpu.memory_space<vmem>>)
      tpu.yield
    }) : () -> ()
    "tpu.region"() ({
      %run_scoped3A = tpu.sem_alloc : memref<!tpu.dma_semaphore, #tpu.memory_space<semaphore_mem>>
      %dma_start3A_72 = tpu.memref_slice %arg3[%add3A_4] : memref<320000xi32, #tpu.memory_space<hbm>> -> memref<80xi32, #tpu.memory_space<hbm>>
      %dma_start3A_73 = tpu.memref_slice %arg3[%add3A_4] : memref<320000xi32, #tpu.memory_space<hbm>> -> memref<80xi32, #tpu.memory_space<hbm>>
      tpu.enqueue_dma source(%dma_start3A_73 : memref<80xi32, #tpu.memory_space<hbm>>) target(%arg10 : memref<80xi32, #tpu.memory_space<vmem>>) target_semaphore(%run_scoped3A : memref<!tpu.dma_semaphore, #tpu.memory_space<semaphore_mem>>)
      %dma_wait3A_74 = tpu.memref_slice %arg3[%add3A_4] : memref<320000xi32, #tpu.memory_space<hbm>> -> memref<80xi32, #tpu.memory_space<hbm>>
      %dma_wait3A_75 = tpu.memref_slice %arg3[%add3A_4] : memref<320000xi32, #tpu.memory_space<hbm>> -> memref<80xi32, #tpu.memory_space<hbm>>
      tpu.wait_dma2 semaphore(%run_scoped3A : memref<!tpu.dma_semaphore, #tpu.memory_space<semaphore_mem>>) src(%dma_wait3A_75 : memref<80xi32, #tpu.memory_space<hbm>>) dst(%arg10 : memref<80xi32, #tpu.memory_space<vmem>>)
      tpu.yield
    }) : () -> ()
    %dma_start3A = arith.constant 0 : i32
    %dma_start3A_5 = arith.constant 0 : i32
    %dma_start3A_6 = tpu.memref_slice %arg4[%dma_start3A, %dma_start3A_5] : memref<10000x128xf32, #tpu.memory_space<hbm>> -> memref<10000x128xf32, #tpu.memory_space<hbm>>
    tpu.enqueue_indirect_dma source(%dma_start3A_6 : memref<10000x128xf32, #tpu.memory_space<hbm>>) target(%arg12 : memref<80x128xf32, #tpu.memory_space<vmem>>) offsets(%arg8 : memref<80xi32, #tpu.memory_space<vmem>>) semaphore(%arg20 : memref<!tpu.dma_semaphore, #tpu.memory_space<semaphore_mem>>)
    %dma_start3A_7 = arith.constant 0 : i32
    %dma_start3A_8 = arith.constant 0 : i32
    %dma_start3A_9 = tpu.memref_slice %arg5[%dma_start3A_7, %dma_start3A_8] : memref<10000x128xf32, #tpu.memory_space<hbm>> -> memref<10000x128xf32, #tpu.memory_space<hbm>>
    tpu.enqueue_indirect_dma source(%dma_start3A_9 : memref<10000x128xf32, #tpu.memory_space<hbm>>) target(%arg14 : memref<80x128xf32, #tpu.memory_space<vmem>>) offsets(%arg10 : memref<80xi32, #tpu.memory_space<vmem>>) semaphore(%arg22 : memref<!tpu.dma_semaphore, #tpu.memory_space<semaphore_mem>>)
    %mul3A_10 = arith.constant 10000 : i32
    %mul3A_11 = arith.muli %add3A, %mul3A_10 : i32
    %add3A_12 = arith.constant 80 : i32
    %add3A_13 = arith.addi %mul3A_11, %add3A_12 : i32
    "tpu.region"() ({
      %run_scoped3A = tpu.sem_alloc : memref<!tpu.dma_semaphore, #tpu.memory_space<semaphore_mem>>
      %dma_start3A_72 = tpu.memref_slice %arg2[%add3A_13] : memref<320000xi32, #tpu.memory_space<hbm>> -> memref<80xi32, #tpu.memory_space<hbm>>
      %dma_start3A_73 = tpu.memref_slice %arg2[%add3A_13] : memref<320000xi32, #tpu.memory_space<hbm>> -> memref<80xi32, #tpu.memory_space<hbm>>
      tpu.enqueue_dma source(%dma_start3A_73 : memref<80xi32, #tpu.memory_space<hbm>>) target(%arg9 : memref<80xi32, #tpu.memory_space<vmem>>) target_semaphore(%run_scoped3A : memref<!tpu.dma_semaphore, #tpu.memory_space<semaphore_mem>>)
      %dma_wait3A_74 = tpu.memref_slice %arg2[%add3A_13] : memref<320000xi32, #tpu.memory_space<hbm>> -> memref<80xi32, #tpu.memory_space<hbm>>
      %dma_wait3A_75 = tpu.memref_slice %arg2[%add3A_13] : memref<320000xi32, #tpu.memory_space<hbm>> -> memref<80xi32, #tpu.memory_space<hbm>>
      tpu.wait_dma2 semaphore(%run_scoped3A : memref<!tpu.dma_semaphore, #tpu.memory_space<semaphore_mem>>) src(%dma_wait3A_75 : memref<80xi32, #tpu.memory_space<hbm>>) dst(%arg9 : memref<80xi32, #tpu.memory_space<vmem>>)
      tpu.yield
    }) : () -> ()
    "tpu.region"() ({
      %run_scoped3A = tpu.sem_alloc : memref<!tpu.dma_semaphore, #tpu.memory_space<semaphore_mem>>
      %dma_start3A_72 = tpu.memref_slice %arg3[%add3A_13] : memref<320000xi32, #tpu.memory_space<hbm>> -> memref<80xi32, #tpu.memory_space<hbm>>
      %dma_start3A_73 = tpu.memref_slice %arg3[%add3A_13] : memref<320000xi32, #tpu.memory_space<hbm>> -> memref<80xi32, #tpu.memory_space<hbm>>
      tpu.enqueue_dma source(%dma_start3A_73 : memref<80xi32, #tpu.memory_space<hbm>>) target(%arg11 : memref<80xi32, #tpu.memory_space<vmem>>) target_semaphore(%run_scoped3A : memref<!tpu.dma_semaphore, #tpu.memory_space<semaphore_mem>>)
      %dma_wait3A_74 = tpu.memref_slice %arg3[%add3A_13] : memref<320000xi32, #tpu.memory_space<hbm>> -> memref<80xi32, #tpu.memory_space<hbm>>
      %dma_wait3A_75 = tpu.memref_slice %arg3[%add3A_13] : memref<320000xi32, #tpu.memory_space<hbm>> -> memref<80xi32, #tpu.memory_space<hbm>>
      tpu.wait_dma2 semaphore(%run_scoped3A : memref<!tpu.dma_semaphore, #tpu.memory_space<semaphore_mem>>) src(%dma_wait3A_75 : memref<80xi32, #tpu.memory_space<hbm>>) dst(%arg11 : memref<80xi32, #tpu.memory_space<vmem>>)
      tpu.yield
    }) : () -> ()
    %dma_start3A_14 = arith.constant 0 : i32
    %dma_start3A_15 = arith.constant 0 : i32
    %dma_start3A_16 = tpu.memref_slice %arg4[%dma_start3A_14, %dma_start3A_15] : memref<10000x128xf32, #tpu.memory_space<hbm>> -> memref<10000x128xf32, #tpu.memory_space<hbm>>
    tpu.enqueue_indirect_dma source(%dma_start3A_16 : memref<10000x128xf32, #tpu.memory_space<hbm>>) target(%arg13 : memref<80x128xf32, #tpu.memory_space<vmem>>) offsets(%arg9 : memref<80xi32, #tpu.memory_space<vmem>>) semaphore(%arg21 : memref<!tpu.dma_semaphore, #tpu.memory_space<semaphore_mem>>)
    %dma_start3A_17 = arith.constant 0 : i32
    %dma_start3A_18 = arith.constant 0 : i32
    %dma_start3A_19 = tpu.memref_slice %arg5[%dma_start3A_17, %dma_start3A_18] : memref<10000x128xf32, #tpu.memory_space<hbm>> -> memref<10000x128xf32, #tpu.memory_space<hbm>>
    tpu.enqueue_indirect_dma source(%dma_start3A_19 : memref<10000x128xf32, #tpu.memory_space<hbm>>) target(%arg15 : memref<80x128xf32, #tpu.memory_space<vmem>>) offsets(%arg11 : memref<80xi32, #tpu.memory_space<vmem>>) semaphore(%arg23 : memref<!tpu.dma_semaphore, #tpu.memory_space<semaphore_mem>>)
    %broadcast_in_dim3A = arith.constant 0xFF800000 : f32
    %broadcast_in_dim3A_20 = vector.broadcast %broadcast_in_dim3A : f32 to vector<16xf32>
    %scan3A = arith.constant 0 : i32
    %scan3A_21 = arith.constant 62 : i32
    %scan3A_22 = arith.addi %scan3A, %scan3A_21 : i32
    %scan3A_23 = arith.constant 1 : i32
    %scan3A_24 = scf.for %scan3A_72 = %scan3A to %scan3A_22 step %scan3A_23 iter_args(%scan3A_73 = %broadcast_in_dim3A_20) -> (vector<16xf32>)  : i32 {
      %mul3A_74 = arith.constant 2 : i32
      %mul3A_75 = arith.muli %mul3A_74, %scan3A_72 : i32
      %dma_wait3A_76 = arith.constant 0 : i32
      %dma_wait3A_77 = arith.constant 0 : i32
      %dma_wait3A_78 = tpu.memref_slice %arg4[%dma_wait3A_76, %dma_wait3A_77] : memref<10000x128xf32, #tpu.memory_space<hbm>> -> memref<10000x128xf32, #tpu.memory_space<hbm>>
      tpu.wait_indirect_dma semaphore(%arg20 : memref<!tpu.dma_semaphore, #tpu.memory_space<semaphore_mem>>) src(%dma_wait3A_78 : memref<10000x128xf32, #tpu.memory_space<hbm>>) dst(%arg12 : memref<80x128xf32, #tpu.memory_space<vmem>>)
      %dma_wait3A_79 = arith.constant 0 : i32
      %dma_wait3A_80 = arith.constant 0 : i32
      %dma_wait3A_81 = tpu.memref_slice %arg5[%dma_wait3A_79, %dma_wait3A_80] : memref<10000x128xf32, #tpu.memory_space<hbm>> -> memref<10000x128xf32, #tpu.memory_space<hbm>>
      tpu.wait_indirect_dma semaphore(%arg22 : memref<!tpu.dma_semaphore, #tpu.memory_space<semaphore_mem>>) src(%dma_wait3A_81 : memref<10000x128xf32, #tpu.memory_space<hbm>>) dst(%arg14 : memref<80x128xf32, #tpu.memory_space<vmem>>)
      %ge3A = arith.constant 2 : i32
      %ge3A_82 = arith.cmpi sge, %mul3A_75, %ge3A : i32
      %convert_element_type3A = arith.extui %ge3A_82 : i1 to i32
      %cond3A = arith.constant 0 : i32
      %cond3A_83 = arith.cmpi ne, %convert_element_type3A, %cond3A : i32
      scf.if %cond3A_83 {
        %mul3A_142 = arith.constant 10000 : i32
        %mul3A_143 = arith.muli %add3A, %mul3A_142 : i32
        %sub3A = arith.constant 2 : i32
        %sub3A_144 = arith.subi %mul3A_75, %sub3A : i32
        %mul3A_145 = arith.constant 80 : i32
        %mul3A_146 = arith.muli %sub3A_144, %mul3A_145 : i32
        %add3A_147 = arith.addi %mul3A_143, %mul3A_146 : i32
        %dma_wait3A_148 = arith.constant 0 : i32
        %dma_wait3A_149 = tpu.memref_slice %arg6[%add3A_147, %dma_wait3A_148] : memref<320000x16xf32, #tpu.memory_space<hbm>> -> memref<80x16xf32, #tpu.memory_space<hbm>>
        %dma_wait3A_150 = arith.constant 0 : i32
        %dma_wait3A_151 = tpu.memref_slice %arg6[%add3A_147, %dma_wait3A_150] : memref<320000x16xf32, #tpu.memory_space<hbm>> -> memref<80x16xf32, #tpu.memory_space<hbm>>
        tpu.wait_dma2 semaphore(%arg24 : memref<!tpu.dma_semaphore, #tpu.memory_space<semaphore_mem>>) src(%arg16 : memref<80x16xf32, #tpu.memory_space<vmem>>) dst(%dma_wait3A_151 : memref<80x16xf32, #tpu.memory_space<hbm>>)
      } else {
      }
      %scan3A_84 = arith.constant 0 : i32
      %scan3A_85 = arith.constant 80 : i32
      %scan3A_86 = arith.addi %scan3A_84, %scan3A_85 : i32
      %scan3A_87 = arith.constant 1 : i32
      %scan3A_88 = scf.for %scan3A_142 = %scan3A_84 to %scan3A_86 step %scan3A_87 iter_args(%scan3A_143 = %scan3A_73) -> (vector<16xf32>)  : i32 {
        %get3A = arith.index_cast %scan3A_142 : i32 to index
        %get3A_144 = arith.constant 0 : index
        %get3A_145 = tpu.vector_load %arg12[%get3A, %get3A_144] {strides = array<i32>} : memref<80x128xf32, #tpu.memory_space<vmem>>, vector<1x16xf32>,
        %get3A_146 = vector.shape_cast %get3A_145 : vector<1x16xf32> to vector<16xf32>
        %get3A_147 = arith.index_cast %scan3A_142 : i32 to index
        %get3A_148 = arith.constant 0 : index
        %get3A_149 = tpu.vector_load %arg14[%get3A_147, %get3A_148] {strides = array<i32>} : memref<80x128xf32, #tpu.memory_space<vmem>>, vector<1x16xf32>,
        %get3A_150 = vector.shape_cast %get3A_149 : vector<1x16xf32> to vector<16xf32>
        %mul3A_151 = arith.mulf %get3A_146, %get3A_150 : vector<16xf32>
        %get3A_152 = arith.index_cast %scan3A_142 : i32 to index
        %get3A_153 = arith.constant 16 : index
        %get3A_154 = tpu.vector_load %arg12[%get3A_152, %get3A_153] {strides = array<i32>} : memref<80x128xf32, #tpu.memory_space<vmem>>, vector<1x16xf32>,
        %get3A_155 = vector.shape_cast %get3A_154 : vector<1x16xf32> to vector<16xf32>
        %get3A_156 = arith.index_cast %scan3A_142 : i32 to index
        %get3A_157 = arith.constant 16 : index
        %get3A_158 = tpu.vector_load %arg14[%get3A_156, %get3A_157] {strides = array<i32>} : memref<80x128xf32, #tpu.memory_space<vmem>>, vector<1x16xf32>,
        %get3A_159 = vector.shape_cast %get3A_158 : vector<1x16xf32> to vector<16xf32>
        %mul3A_160 = arith.mulf %get3A_155, %get3A_159 : vector<16xf32>
        %add3A_161 = arith.addf %mul3A_151, %mul3A_160 : vector<16xf32>
        %get3A_162 = arith.index_cast %scan3A_142 : i32 to index
        %get3A_163 = arith.constant 32 : index
        %get3A_164 = tpu.vector_load %arg12[%get3A_162, %get3A_163] {strides = array<i32>} : memref<80x128xf32, #tpu.memory_space<vmem>>, vector<1x16xf32>,
        %get3A_165 = vector.shape_cast %get3A_164 : vector<1x16xf32> to vector<16xf32>
        %get3A_166 = arith.index_cast %scan3A_142 : i32 to index
        %get3A_167 = arith.constant 32 : index
        %get3A_168 = tpu.vector_load %arg14[%get3A_166, %get3A_167] {strides = array<i32>} : memref<80x128xf32, #tpu.memory_space<vmem>>, vector<1x16xf32>,
        %get3A_169 = vector.shape_cast %get3A_168 : vector<1x16xf32> to vector<16xf32>
        %mul3A_170 = arith.mulf %get3A_165, %get3A_169 : vector<16xf32>
        %add3A_171 = arith.addf %add3A_161, %mul3A_170 : vector<16xf32>
        %get3A_172 = arith.index_cast %scan3A_142 : i32 to index
        %get3A_173 = arith.constant 48 : index
        %get3A_174 = tpu.vector_load %arg12[%get3A_172, %get3A_173] {strides = array<i32>} : memref<80x128xf32, #tpu.memory_space<vmem>>, vector<1x16xf32>,
        %get3A_175 = vector.shape_cast %get3A_174 : vector<1x16xf32> to vector<16xf32>
        %get3A_176 = arith.index_cast %scan3A_142 : i32 to index
        %get3A_177 = arith.constant 48 : index
        %get3A_178 = tpu.vector_load %arg14[%get3A_176, %get3A_177] {strides = array<i32>} : memref<80x128xf32, #tpu.memory_space<vmem>>, vector<1x16xf32>,
        %get3A_179 = vector.shape_cast %get3A_178 : vector<1x16xf32> to vector<16xf32>
        %mul3A_180 = arith.mulf %get3A_175, %get3A_179 : vector<16xf32>
        %add3A_181 = arith.addf %add3A_171, %mul3A_180 : vector<16xf32>
        %get3A_182 = arith.index_cast %scan3A_142 : i32 to index
        %get3A_183 = arith.constant 64 : index
        %get3A_184 = tpu.vector_load %arg12[%get3A_182, %get3A_183] {strides = array<i32>} : memref<80x128xf32, #tpu.memory_space<vmem>>, vector<1x16xf32>,
        %get3A_185 = vector.shape_cast %get3A_184 : vector<1x16xf32> to vector<16xf32>
        %get3A_186 = arith.index_cast %scan3A_142 : i32 to index
        %get3A_187 = arith.constant 64 : index
        %get3A_188 = tpu.vector_load %arg14[%get3A_186, %get3A_187] {strides = array<i32>} : memref<80x128xf32, #tpu.memory_space<vmem>>, vector<1x16xf32>,
        %get3A_189 = vector.shape_cast %get3A_188 : vector<1x16xf32> to vector<16xf32>
        %mul3A_190 = arith.mulf %get3A_185, %get3A_189 : vector<16xf32>
        %add3A_191 = arith.addf %add3A_181, %mul3A_190 : vector<16xf32>
        %get3A_192 = arith.index_cast %scan3A_142 : i32 to index
        %get3A_193 = arith.constant 80 : index
        %get3A_194 = tpu.vector_load %arg12[%get3A_192, %get3A_193] {strides = array<i32>} : memref<80x128xf32, #tpu.memory_space<vmem>>, vector<1x16xf32>,
        %get3A_195 = vector.shape_cast %get3A_194 : vector<1x16xf32> to vector<16xf32>
        %get3A_196 = arith.index_cast %scan3A_142 : i32 to index
        %get3A_197 = arith.constant 80 : index
        %get3A_198 = tpu.vector_load %arg14[%get3A_196, %get3A_197] {strides = array<i32>} : memref<80x128xf32, #tpu.memory_space<vmem>>, vector<1x16xf32>,
        %get3A_199 = vector.shape_cast %get3A_198 : vector<1x16xf32> to vector<16xf32>
        %mul3A_200 = arith.mulf %get3A_195, %get3A_199 : vector<16xf32>
        %add3A_201 = arith.addf %add3A_191, %mul3A_200 : vector<16xf32>
        %get3A_202 = arith.index_cast %scan3A_142 : i32 to index
        %get3A_203 = arith.constant 96 : index
        %get3A_204 = tpu.vector_load %arg12[%get3A_202, %get3A_203] {strides = array<i32>} : memref<80x128xf32, #tpu.memory_space<vmem>>, vector<1x16xf32>,
        %get3A_205 = vector.shape_cast %get3A_204 : vector<1x16xf32> to vector<16xf32>
        %get3A_206 = arith.index_cast %scan3A_142 : i32 to index
        %get3A_207 = arith.constant 96 : index
        %get3A_208 = tpu.vector_load %arg14[%get3A_206, %get3A_207] {strides = array<i32>} : memref<80x128xf32, #tpu.memory_space<vmem>>, vector<1x16xf32>,
        %get3A_209 = vector.shape_cast %get3A_208 : vector<1x16xf32> to vector<16xf32>
        %mul3A_210 = arith.mulf %get3A_205, %get3A_209 : vector<16xf32>
        %add3A_211 = arith.addf %add3A_201, %mul3A_210 : vector<16xf32>
        %get3A_212 = arith.index_cast %scan3A_142 : i32 to index
        %get3A_213 = arith.constant 112 : index
        %get3A_214 = tpu.vector_load %arg12[%get3A_212, %get3A_213] {strides = array<i32>} : memref<80x128xf32, #tpu.memory_space<vmem>>, vector<1x16xf32>,
        %get3A_215 = vector.shape_cast %get3A_214 : vector<1x16xf32> to vector<16xf32>
        %get3A_216 = arith.index_cast %scan3A_142 : i32 to index
        %get3A_217 = arith.constant 112 : index
        %get3A_218 = tpu.vector_load %arg14[%get3A_216, %get3A_217] {strides = array<i32>} : memref<80x128xf32, #tpu.memory_space<vmem>>, vector<1x16xf32>,
        %get3A_219 = vector.shape_cast %get3A_218 : vector<1x16xf32> to vector<16xf32>
        %mul3A_220 = arith.mulf %get3A_215, %get3A_219 : vector<16xf32>
        %add3A_221 = arith.addf %add3A_211, %mul3A_220 : vector<16xf32>
        %swap3A_222 = arith.constant 0 : index
        %swap3A_223 = tpu.vector_load %arg18[%swap3A_222] {strides = array<i32>} : memref<32xf32, #tpu.memory_space<vmem>>, vector<16xf32>,
        %swap3A_224 = vector.shape_cast %swap3A_223 : vector<16xf32> to vector<16xf32>
        %swap3A_225 = vector.shape_cast %add3A_221 : vector<16xf32> to vector<16xf32>
        tpu.vector_store %arg18[%swap3A_222], %swap3A_225 {strides = array<i32>} : memref<32xf32, #tpu.memory_space<vmem>>, vector<16xf32>,
        %swap3A_226 = arith.constant 16 : index
        %swap3A_227 = tpu.vector_load %arg18[%swap3A_226] {strides = array<i32>} : memref<32xf32, #tpu.memory_space<vmem>>, vector<16xf32>,
        %swap3A_228 = vector.shape_cast %swap3A_227 : vector<16xf32> to vector<16xf32>
        %swap3A_229 = vector.shape_cast %add3A_221 : vector<16xf32> to vector<16xf32>
        tpu.vector_store %arg18[%swap3A_226], %swap3A_229 {strides = array<i32>} : memref<32xf32, #tpu.memory_space<vmem>>, vector<16xf32>,
        %get3A_230 = arith.constant 8 : index
        %get3A_231 = tpu.vector_load %arg18[%get3A_230] {strides = array<i32>} : memref<32xf32, #tpu.memory_space<vmem>>, vector<16xf32>,
        %get3A_232 = vector.shape_cast %get3A_231 : vector<16xf32> to vector<16xf32>
        %add3A_233 = arith.addf %add3A_221, %get3A_232 : vector<16xf32>
        %mul3A_234 = arith.constant 2.500000e-01 : f32
        %mul3A_235 = vector.broadcast %mul3A_234 : f32 to vector<16xf32>
        %mul3A_236 = arith.mulf %add3A_233, %mul3A_235 : vector<16xf32>
        %swap3A_237 = arith.index_cast %scan3A_142 : i32 to index
        %swap3A_238 = arith.constant 0 : index
        %swap3A_239 = tpu.vector_load %arg16[%swap3A_237, %swap3A_238] {strides = array<i32>} : memref<80x16xf32, #tpu.memory_space<vmem>>, vector<1x16xf32>,
        %swap3A_240 = vector.shape_cast %swap3A_239 : vector<1x16xf32> to vector<16xf32>
        %swap3A_241 = vector.shape_cast %mul3A_236 : vector<16xf32> to vector<1x16xf32>
        tpu.vector_store %arg16[%swap3A_237, %swap3A_238], %swap3A_241 {strides = array<i32>} : memref<80x16xf32, #tpu.memory_space<vmem>>, vector<1x16xf32>,
        %max3A = arith.maximumf %scan3A_143, %mul3A_236 : vector<16xf32>
        scf.yield %max3A : vector<16xf32>
      }
      %scan3A_89 = arith.constant 80 : i32
      %mul3A_90 = arith.constant 10000 : i32
      %mul3A_91 = arith.muli %add3A, %mul3A_90 : i32
      %mul3A_92 = arith.constant 80 : i32
      %mul3A_93 = arith.muli %mul3A_75, %mul3A_92 : i32
      %add3A_94 = arith.addi %mul3A_91, %mul3A_93 : i32
      %dma_start3A_95 = arith.constant 0 : i32
      %dma_start3A_96 = tpu.memref_slice %arg6[%add3A_94, %dma_start3A_95] : memref<320000x16xf32, #tpu.memory_space<hbm>> -> memref<80x16xf32, #tpu.memory_space<hbm>>
      %dma_start3A_97 = arith.constant 0 : i32
      %dma_start3A_98 = tpu.memref_slice %arg6[%add3A_94, %dma_start3A_97] : memref<320000x16xf32, #tpu.memory_space<hbm>> -> memref<80x16xf32, #tpu.memory_space<hbm>>
      tpu.enqueue_dma source(%arg16 : memref<80x16xf32, #tpu.memory_space<vmem>>) target(%dma_start3A_98 : memref<80x16xf32, #tpu.memory_space<hbm>>) target_semaphore(%arg24 : memref<!tpu.dma_semaphore, #tpu.memory_space<semaphore_mem>>)
      %add3A_99 = arith.constant 2 : i32
      %add3A_100 = arith.addi %mul3A_75, %add3A_99 : i32
      %lt3A = arith.constant 125 : i32
      %lt3A_101 = arith.cmpi slt, %add3A_100, %lt3A : i32
      %convert_element_type3A_102 = arith.extui %lt3A_101 : i1 to i32
      %cond3A_103 = arith.constant 0 : i32
      %cond3A_104 = arith.cmpi ne, %convert_element_type3A_102, %cond3A_103 : i32
      scf.if %cond3A_104 {
        %add3A_142 = arith.constant 2 : i32
        %add3A_143 = arith.addi %mul3A_75, %add3A_142 : i32
        %mul3A_144 = arith.constant 10000 : i32
        %mul3A_145 = arith.muli %add3A, %mul3A_144 : i32
        %mul3A_146 = arith.constant 80 : i32
        %mul3A_147 = arith.muli %add3A_143, %mul3A_146 : i32
        %add3A_148 = arith.addi %mul3A_145, %mul3A_147 : i32
        "tpu.region"() ({
          %run_scoped3A = tpu.sem_alloc : memref<!tpu.dma_semaphore, #tpu.memory_space<semaphore_mem>>
          %dma_start3A_155 = tpu.memref_slice %arg2[%add3A_148] : memref<320000xi32, #tpu.memory_space<hbm>> -> memref<80xi32, #tpu.memory_space<hbm>>
          %dma_start3A_156 = tpu.memref_slice %arg2[%add3A_148] : memref<320000xi32, #tpu.memory_space<hbm>> -> memref<80xi32, #tpu.memory_space<hbm>>
          tpu.enqueue_dma source(%dma_start3A_156 : memref<80xi32, #tpu.memory_space<hbm>>) target(%arg8 : memref<80xi32, #tpu.memory_space<vmem>>) target_semaphore(%run_scoped3A : memref<!tpu.dma_semaphore, #tpu.memory_space<semaphore_mem>>)
          %dma_wait3A_157 = tpu.memref_slice %arg2[%add3A_148] : memref<320000xi32, #tpu.memory_space<hbm>> -> memref<80xi32, #tpu.memory_space<hbm>>
          %dma_wait3A_158 = tpu.memref_slice %arg2[%add3A_148] : memref<320000xi32, #tpu.memory_space<hbm>> -> memref<80xi32, #tpu.memory_space<hbm>>
          tpu.wait_dma2 semaphore(%run_scoped3A : memref<!tpu.dma_semaphore, #tpu.memory_space<semaphore_mem>>) src(%dma_wait3A_158 : memref<80xi32, #tpu.memory_space<hbm>>) dst(%arg8 : memref<80xi32, #tpu.memory_space<vmem>>)
          tpu.yield
        }) : () -> ()
        "tpu.region"() ({
          %run_scoped3A = tpu.sem_alloc : memref<!tpu.dma_semaphore, #tpu.memory_space<semaphore_mem>>
          %dma_start3A_155 = tpu.memref_slice %arg3[%add3A_148] : memref<320000xi32, #tpu.memory_space<hbm>> -> memref<80xi32, #tpu.memory_space<hbm>>
          %dma_start3A_156 = tpu.memref_slice %arg3[%add3A_148] : memref<320000xi32, #tpu.memory_space<hbm>> -> memref<80xi32, #tpu.memory_space<hbm>>
          tpu.enqueue_dma source(%dma_start3A_156 : memref<80xi32, #tpu.memory_space<hbm>>) target(%arg10 : memref<80xi32, #tpu.memory_space<vmem>>) target_semaphore(%run_scoped3A : memref<!tpu.dma_semaphore, #tpu.memory_space<semaphore_mem>>)
          %dma_wait3A_157 = tpu.memref_slice %arg3[%add3A_148] : memref<320000xi32, #tpu.memory_space<hbm>> -> memref<80xi32, #tpu.memory_space<hbm>>
          %dma_wait3A_158 = tpu.memref_slice %arg3[%add3A_148] : memref<320000xi32, #tpu.memory_space<hbm>> -> memref<80xi32, #tpu.memory_space<hbm>>
          tpu.wait_dma2 semaphore(%run_scoped3A : memref<!tpu.dma_semaphore, #tpu.memory_space<semaphore_mem>>) src(%dma_wait3A_158 : memref<80xi32, #tpu.memory_space<hbm>>) dst(%arg10 : memref<80xi32, #tpu.memory_space<vmem>>)
          tpu.yield
        }) : () -> ()
        %dma_start3A_149 = arith.constant 0 : i32
        %dma_start3A_150 = arith.constant 0 : i32
        %dma_start3A_151 = tpu.memref_slice %arg4[%dma_start3A_149, %dma_start3A_150] : memref<10000x128xf32, #tpu.memory_space<hbm>> -> memref<10000x128xf32, #tpu.memory_space<hbm>>
        tpu.enqueue_indirect_dma source(%dma_start3A_151 : memref<10000x128xf32, #tpu.memory_space<hbm>>) target(%arg12 : memref<80x128xf32, #tpu.memory_space<vmem>>) offsets(%arg8 : memref<80xi32, #tpu.memory_space<vmem>>) semaphore(%arg20 : memref<!tpu.dma_semaphore, #tpu.memory_space<semaphore_mem>>)
        %dma_start3A_152 = arith.constant 0 : i32
        %dma_start3A_153 = arith.constant 0 : i32
        %dma_start3A_154 = tpu.memref_slice %arg5[%dma_start3A_152, %dma_start3A_153] : memref<10000x128xf32, #tpu.memory_space<hbm>> -> memref<10000x128xf32, #tpu.memory_space<hbm>>
        tpu.enqueue_indirect_dma source(%dma_start3A_154 : memref<10000x128xf32, #tpu.memory_space<hbm>>) target(%arg14 : memref<80x128xf32, #tpu.memory_space<vmem>>) offsets(%arg10 : memref<80xi32, #tpu.memory_space<vmem>>) semaphore(%arg22 : memref<!tpu.dma_semaphore, #tpu.memory_space<semaphore_mem>>)
      } else {
      }
      %mul3A_105 = arith.constant 2 : i32
      %mul3A_106 = arith.muli %mul3A_105, %scan3A_72 : i32
      %add3A_107 = arith.constant 1 : i32
      %add3A_108 = arith.addi %mul3A_106, %add3A_107 : i32
      %dma_wait3A_109 = arith.constant 0 : i32
      %dma_wait3A_110 = arith.constant 0 : i32
      %dma_wait3A_111 = tpu.memref_slice %arg4[%dma_wait3A_109, %dma_wait3A_110] : memref<10000x128xf32, #tpu.memory_space<hbm>> -> memref<10000x128xf32, #tpu.memory_space<hbm>>
      tpu.wait_indirect_dma semaphore(%arg21 : memref<!tpu.dma_semaphore, #tpu.memory_space<semaphore_mem>>) src(%dma_wait3A_111 : memref<10000x128xf32, #tpu.memory_space<hbm>>) dst(%arg13 : memref<80x128xf32, #tpu.memory_space<vmem>>)
      %dma_wait3A_112 = arith.constant 0 : i32
      %dma_wait3A_113 = arith.constant 0 : i32
      %dma_wait3A_114 = tpu.memref_slice %arg5[%dma_wait3A_112, %dma_wait3A_113] : memref<10000x128xf32, #tpu.memory_space<hbm>> -> memref<10000x128xf32, #tpu.memory_space<hbm>>
      tpu.wait_indirect_dma semaphore(%arg23 : memref<!tpu.dma_semaphore, #tpu.memory_space<semaphore_mem>>) src(%dma_wait3A_114 : memref<10000x128xf32, #tpu.memory_space<hbm>>) dst(%arg15 : memref<80x128xf32, #tpu.memory_space<vmem>>)
      %ge3A_115 = arith.constant 2 : i32
      %ge3A_116 = arith.cmpi sge, %add3A_108, %ge3A_115 : i32
      %convert_element_type3A_117 = arith.extui %ge3A_116 : i1 to i32
      %cond3A_118 = arith.constant 0 : i32
      %cond3A_119 = arith.cmpi ne, %convert_element_type3A_117, %cond3A_118 : i32
      scf.if %cond3A_119 {
        %mul3A_142 = arith.constant 10000 : i32
        %mul3A_143 = arith.muli %add3A, %mul3A_142 : i32
        %sub3A = arith.constant 2 : i32
        %sub3A_144 = arith.subi %add3A_108, %sub3A : i32
        %mul3A_145 = arith.constant 80 : i32
        %mul3A_146 = arith.muli %sub3A_144, %mul3A_145 : i32
        %add3A_147 = arith.addi %mul3A_143, %mul3A_146 : i32
        %dma_wait3A_148 = arith.constant 0 : i32
        %dma_wait3A_149 = tpu.memref_slice %arg6[%add3A_147, %dma_wait3A_148] : memref<320000x16xf32, #tpu.memory_space<hbm>> -> memref<80x16xf32, #tpu.memory_space<hbm>>
        %dma_wait3A_150 = arith.constant 0 : i32
        %dma_wait3A_151 = tpu.memref_slice %arg6[%add3A_147, %dma_wait3A_150] : memref<320000x16xf32, #tpu.memory_space<hbm>> -> memref<80x16xf32, #tpu.memory_space<hbm>>
        tpu.wait_dma2 semaphore(%arg25 : memref<!tpu.dma_semaphore, #tpu.memory_space<semaphore_mem>>) src(%arg17 : memref<80x16xf32, #tpu.memory_space<vmem>>) dst(%dma_wait3A_151 : memref<80x16xf32, #tpu.memory_space<hbm>>)
      } else {
      }
      %scan3A_120 = arith.constant 0 : i32
      %scan3A_121 = arith.constant 80 : i32
      %scan3A_122 = arith.addi %scan3A_120, %scan3A_121 : i32
      %scan3A_123 = arith.constant 1 : i32
      %scan3A_124 = scf.for %scan3A_142 = %scan3A_120 to %scan3A_122 step %scan3A_123 iter_args(%scan3A_143 = %scan3A_88) -> (vector<16xf32>)  : i32 {
        %get3A = arith.index_cast %scan3A_142 : i32 to index
        %get3A_144 = arith.constant 0 : index
        %get3A_145 = tpu.vector_load %arg13[%get3A, %get3A_144] {strides = array<i32>} : memref<80x128xf32, #tpu.memory_space<vmem>>, vector<1x16xf32>,
        %get3A_146 = vector.shape_cast %get3A_145 : vector<1x16xf32> to vector<16xf32>
        %get3A_147 = arith.index_cast %scan3A_142 : i32 to index
        %get3A_148 = arith.constant 0 : index
        %get3A_149 = tpu.vector_load %arg15[%get3A_147, %get3A_148] {strides = array<i32>} : memref<80x128xf32, #tpu.memory_space<vmem>>, vector<1x16xf32>,
        %get3A_150 = vector.shape_cast %get3A_149 : vector<1x16xf32> to vector<16xf32>
        %mul3A_151 = arith.mulf %get3A_146, %get3A_150 : vector<16xf32>
        %get3A_152 = arith.index_cast %scan3A_142 : i32 to index
        %get3A_153 = arith.constant 16 : index
        %get3A_154 = tpu.vector_load %arg13[%get3A_152, %get3A_153] {strides = array<i32>} : memref<80x128xf32, #tpu.memory_space<vmem>>, vector<1x16xf32>,
        %get3A_155 = vector.shape_cast %get3A_154 : vector<1x16xf32> to vector<16xf32>
        %get3A_156 = arith.index_cast %scan3A_142 : i32 to index
        %get3A_157 = arith.constant 16 : index
        %get3A_158 = tpu.vector_load %arg15[%get3A_156, %get3A_157] {strides = array<i32>} : memref<80x128xf32, #tpu.memory_space<vmem>>, vector<1x16xf32>,
        %get3A_159 = vector.shape_cast %get3A_158 : vector<1x16xf32> to vector<16xf32>
        %mul3A_160 = arith.mulf %get3A_155, %get3A_159 : vector<16xf32>
        %add3A_161 = arith.addf %mul3A_151, %mul3A_160 : vector<16xf32>
        %get3A_162 = arith.index_cast %scan3A_142 : i32 to index
        %get3A_163 = arith.constant 32 : index
        %get3A_164 = tpu.vector_load %arg13[%get3A_162, %get3A_163] {strides = array<i32>} : memref<80x128xf32, #tpu.memory_space<vmem>>, vector<1x16xf32>,
        %get3A_165 = vector.shape_cast %get3A_164 : vector<1x16xf32> to vector<16xf32>
        %get3A_166 = arith.index_cast %scan3A_142 : i32 to index
        %get3A_167 = arith.constant 32 : index
        %get3A_168 = tpu.vector_load %arg15[%get3A_166, %get3A_167] {strides = array<i32>} : memref<80x128xf32, #tpu.memory_space<vmem>>, vector<1x16xf32>,
        %get3A_169 = vector.shape_cast %get3A_168 : vector<1x16xf32> to vector<16xf32>
        %mul3A_170 = arith.mulf %get3A_165, %get3A_169 : vector<16xf32>
        %add3A_171 = arith.addf %add3A_161, %mul3A_170 : vector<16xf32>
        %get3A_172 = arith.index_cast %scan3A_142 : i32 to index
        %get3A_173 = arith.constant 48 : index
        %get3A_174 = tpu.vector_load %arg13[%get3A_172, %get3A_173] {strides = array<i32>} : memref<80x128xf32, #tpu.memory_space<vmem>>, vector<1x16xf32>,
        %get3A_175 = vector.shape_cast %get3A_174 : vector<1x16xf32> to vector<16xf32>
        %get3A_176 = arith.index_cast %scan3A_142 : i32 to index
        %get3A_177 = arith.constant 48 : index
        %get3A_178 = tpu.vector_load %arg15[%get3A_176, %get3A_177] {strides = array<i32>} : memref<80x128xf32, #tpu.memory_space<vmem>>, vector<1x16xf32>,
        %get3A_179 = vector.shape_cast %get3A_178 : vector<1x16xf32> to vector<16xf32>
        %mul3A_180 = arith.mulf %get3A_175, %get3A_179 : vector<16xf32>
        %add3A_181 = arith.addf %add3A_171, %mul3A_180 : vector<16xf32>
        %get3A_182 = arith.index_cast %scan3A_142 : i32 to index
        %get3A_183 = arith.constant 64 : index
        %get3A_184 = tpu.vector_load %arg13[%get3A_182, %get3A_183] {strides = array<i32>} : memref<80x128xf32, #tpu.memory_space<vmem>>, vector<1x16xf32>,
        %get3A_185 = vector.shape_cast %get3A_184 : vector<1x16xf32> to vector<16xf32>
        %get3A_186 = arith.index_cast %scan3A_142 : i32 to index
        %get3A_187 = arith.constant 64 : index
        %get3A_188 = tpu.vector_load %arg15[%get3A_186, %get3A_187] {strides = array<i32>} : memref<80x128xf32, #tpu.memory_space<vmem>>, vector<1x16xf32>,
        %get3A_189 = vector.shape_cast %get3A_188 : vector<1x16xf32> to vector<16xf32>
        %mul3A_190 = arith.mulf %get3A_185, %get3A_189 : vector<16xf32>
        %add3A_191 = arith.addf %add3A_181, %mul3A_190 : vector<16xf32>
        %get3A_192 = arith.index_cast %scan3A_142 : i32 to index
        %get3A_193 = arith.constant 80 : index
        %get3A_194 = tpu.vector_load %arg13[%get3A_192, %get3A_193] {strides = array<i32>} : memref<80x128xf32, #tpu.memory_space<vmem>>, vector<1x16xf32>,
        %get3A_195 = vector.shape_cast %get3A_194 : vector<1x16xf32> to vector<16xf32>
        %get3A_196 = arith.index_cast %scan3A_142 : i32 to index
        %get3A_197 = arith.constant 80 : index
        %get3A_198 = tpu.vector_load %arg15[%get3A_196, %get3A_197] {strides = array<i32>} : memref<80x128xf32, #tpu.memory_space<vmem>>, vector<1x16xf32>,
        %get3A_199 = vector.shape_cast %get3A_198 : vector<1x16xf32> to vector<16xf32>
        %mul3A_200 = arith.mulf %get3A_195, %get3A_199 : vector<16xf32>
        %add3A_201 = arith.addf %add3A_191, %mul3A_200 : vector<16xf32>
        %get3A_202 = arith.index_cast %scan3A_142 : i32 to index
        %get3A_203 = arith.constant 96 : index
        %get3A_204 = tpu.vector_load %arg13[%get3A_202, %get3A_203] {strides = array<i32>} : memref<80x128xf32, #tpu.memory_space<vmem>>, vector<1x16xf32>,
        %get3A_205 = vector.shape_cast %get3A_204 : vector<1x16xf32> to vector<16xf32>
        %get3A_206 = arith.index_cast %scan3A_142 : i32 to index
        %get3A_207 = arith.constant 96 : index
        %get3A_208 = tpu.vector_load %arg15[%get3A_206, %get3A_207] {strides = array<i32>} : memref<80x128xf32, #tpu.memory_space<vmem>>, vector<1x16xf32>,
        %get3A_209 = vector.shape_cast %get3A_208 : vector<1x16xf32> to vector<16xf32>
        %mul3A_210 = arith.mulf %get3A_205, %get3A_209 : vector<16xf32>
        %add3A_211 = arith.addf %add3A_201, %mul3A_210 : vector<16xf32>
        %get3A_212 = arith.index_cast %scan3A_142 : i32 to index
        %get3A_213 = arith.constant 112 : index
        %get3A_214 = tpu.vector_load %arg13[%get3A_212, %get3A_213] {strides = array<i32>} : memref<80x128xf32, #tpu.memory_space<vmem>>, vector<1x16xf32>,
        %get3A_215 = vector.shape_cast %get3A_214 : vector<1x16xf32> to vector<16xf32>
        %get3A_216 = arith.index_cast %scan3A_142 : i32 to index
        %get3A_217 = arith.constant 112 : index
        %get3A_218 = tpu.vector_load %arg15[%get3A_216, %get3A_217] {strides = array<i32>} : memref<80x128xf32, #tpu.memory_space<vmem>>, vector<1x16xf32>,
        %get3A_219 = vector.shape_cast %get3A_218 : vector<1x16xf32> to vector<16xf32>
        %mul3A_220 = arith.mulf %get3A_215, %get3A_219 : vector<16xf32>
        %add3A_221 = arith.addf %add3A_211, %mul3A_220 : vector<16xf32>
        %swap3A_222 = arith.constant 0 : index
        %swap3A_223 = tpu.vector_load %arg18[%swap3A_222] {strides = array<i32>} : memref<32xf32, #tpu.memory_space<vmem>>, vector<16xf32>,
        %swap3A_224 = vector.shape_cast %swap3A_223 : vector<16xf32> to vector<16xf32>
        %swap3A_225 = vector.shape_cast %add3A_221 : vector<16xf32> to vector<16xf32>
        tpu.vector_store %arg18[%swap3A_222], %swap3A_225 {strides = array<i32>} : memref<32xf32, #tpu.memory_space<vmem>>, vector<16xf32>,
        %swap3A_226 = arith.constant 16 : index
        %swap3A_227 = tpu.vector_load %arg18[%swap3A_226] {strides = array<i32>} : memref<32xf32, #tpu.memory_space<vmem>>, vector<16xf32>,
        %swap3A_228 = vector.shape_cast %swap3A_227 : vector<16xf32> to vector<16xf32>
        %swap3A_229 = vector.shape_cast %add3A_221 : vector<16xf32> to vector<16xf32>
        tpu.vector_store %arg18[%swap3A_226], %swap3A_229 {strides = array<i32>} : memref<32xf32, #tpu.memory_space<vmem>>, vector<16xf32>,
        %get3A_230 = arith.constant 8 : index
        %get3A_231 = tpu.vector_load %arg18[%get3A_230] {strides = array<i32>} : memref<32xf32, #tpu.memory_space<vmem>>, vector<16xf32>,
        %get3A_232 = vector.shape_cast %get3A_231 : vector<16xf32> to vector<16xf32>
        %add3A_233 = arith.addf %add3A_221, %get3A_232 : vector<16xf32>
        %mul3A_234 = arith.constant 2.500000e-01 : f32
        %mul3A_235 = vector.broadcast %mul3A_234 : f32 to vector<16xf32>
        %mul3A_236 = arith.mulf %add3A_233, %mul3A_235 : vector<16xf32>
        %swap3A_237 = arith.index_cast %scan3A_142 : i32 to index
        %swap3A_238 = arith.constant 0 : index
        %swap3A_239 = tpu.vector_load %arg17[%swap3A_237, %swap3A_238] {strides = array<i32>} : memref<80x16xf32, #tpu.memory_space<vmem>>, vector<1x16xf32>,
        %swap3A_240 = vector.shape_cast %swap3A_239 : vector<1x16xf32> to vector<16xf32>
        %swap3A_241 = vector.shape_cast %mul3A_236 : vector<16xf32> to vector<1x16xf32>
        tpu.vector_store %arg17[%swap3A_237, %swap3A_238], %swap3A_241 {strides = array<i32>} : memref<80x16xf32, #tpu.memory_space<vmem>>, vector<1x16xf32>,
        %max3A = arith.maximumf %scan3A_143, %mul3A_236 : vector<16xf32>
        scf.yield %max3A : vector<16xf32>
      }
      %scan3A_125 = arith.constant 80 : i32
      %mul3A_126 = arith.constant 10000 : i32
      %mul3A_127 = arith.muli %add3A, %mul3A_126 : i32
      %mul3A_128 = arith.constant 80 : i32
      %mul3A_129 = arith.muli %add3A_108, %mul3A_128 : i32
      %add3A_130 = arith.addi %mul3A_127, %mul3A_129 : i32
      %dma_start3A_131 = arith.constant 0 : i32
      %dma_start3A_132 = tpu.memref_slice %arg6[%add3A_130, %dma_start3A_131] : memref<320000x16xf32, #tpu.memory_space<hbm>> -> memref<80x16xf32, #tpu.memory_space<hbm>>
      %dma_start3A_133 = arith.constant 0 : i32
      %dma_start3A_134 = tpu.memref_slice %arg6[%add3A_130, %dma_start3A_133] : memref<320000x16xf32, #tpu.memory_space<hbm>> -> memref<80x16xf32, #tpu.memory_space<hbm>>
      tpu.enqueue_dma source(%arg17 : memref<80x16xf32, #tpu.memory_space<vmem>>) target(%dma_start3A_134 : memref<80x16xf32, #tpu.memory_space<hbm>>) target_semaphore(%arg25 : memref<!tpu.dma_semaphore, #tpu.memory_space<semaphore_mem>>)
      %add3A_135 = arith.constant 2 : i32
      %add3A_136 = arith.addi %add3A_108, %add3A_135 : i32
      %lt3A_137 = arith.constant 125 : i32
      %lt3A_138 = arith.cmpi slt, %add3A_136, %lt3A_137 : i32
      %convert_element_type3A_139 = arith.extui %lt3A_138 : i1 to i32
      %cond3A_140 = arith.constant 0 : i32
      %cond3A_141 = arith.cmpi ne, %convert_element_type3A_139, %cond3A_140 : i32
      scf.if %cond3A_141 {
        %add3A_142 = arith.constant 2 : i32
        %add3A_143 = arith.addi %add3A_108, %add3A_142 : i32
        %mul3A_144 = arith.constant 10000 : i32
        %mul3A_145 = arith.muli %add3A, %mul3A_144 : i32
        %mul3A_146 = arith.constant 80 : i32
        %mul3A_147 = arith.muli %add3A_143, %mul3A_146 : i32
        %add3A_148 = arith.addi %mul3A_145, %mul3A_147 : i32
        "tpu.region"() ({
          %run_scoped3A = tpu.sem_alloc : memref<!tpu.dma_semaphore, #tpu.memory_space<semaphore_mem>>
          %dma_start3A_155 = tpu.memref_slice %arg2[%add3A_148] : memref<320000xi32, #tpu.memory_space<hbm>> -> memref<80xi32, #tpu.memory_space<hbm>>
          %dma_start3A_156 = tpu.memref_slice %arg2[%add3A_148] : memref<320000xi32, #tpu.memory_space<hbm>> -> memref<80xi32, #tpu.memory_space<hbm>>
          tpu.enqueue_dma source(%dma_start3A_156 : memref<80xi32, #tpu.memory_space<hbm>>) target(%arg9 : memref<80xi32, #tpu.memory_space<vmem>>) target_semaphore(%run_scoped3A : memref<!tpu.dma_semaphore, #tpu.memory_space<semaphore_mem>>)
          %dma_wait3A_157 = tpu.memref_slice %arg2[%add3A_148] : memref<320000xi32, #tpu.memory_space<hbm>> -> memref<80xi32, #tpu.memory_space<hbm>>
          %dma_wait3A_158 = tpu.memref_slice %arg2[%add3A_148] : memref<320000xi32, #tpu.memory_space<hbm>> -> memref<80xi32, #tpu.memory_space<hbm>>
          tpu.wait_dma2 semaphore(%run_scoped3A : memref<!tpu.dma_semaphore, #tpu.memory_space<semaphore_mem>>) src(%dma_wait3A_158 : memref<80xi32, #tpu.memory_space<hbm>>) dst(%arg9 : memref<80xi32, #tpu.memory_space<vmem>>)
          tpu.yield
        }) : () -> ()
        "tpu.region"() ({
          %run_scoped3A = tpu.sem_alloc : memref<!tpu.dma_semaphore, #tpu.memory_space<semaphore_mem>>
          %dma_start3A_155 = tpu.memref_slice %arg3[%add3A_148] : memref<320000xi32, #tpu.memory_space<hbm>> -> memref<80xi32, #tpu.memory_space<hbm>>
          %dma_start3A_156 = tpu.memref_slice %arg3[%add3A_148] : memref<320000xi32, #tpu.memory_space<hbm>> -> memref<80xi32, #tpu.memory_space<hbm>>
          tpu.enqueue_dma source(%dma_start3A_156 : memref<80xi32, #tpu.memory_space<hbm>>) target(%arg11 : memref<80xi32, #tpu.memory_space<vmem>>) target_semaphore(%run_scoped3A : memref<!tpu.dma_semaphore, #tpu.memory_space<semaphore_mem>>)
          %dma_wait3A_157 = tpu.memref_slice %arg3[%add3A_148] : memref<320000xi32, #tpu.memory_space<hbm>> -> memref<80xi32, #tpu.memory_space<hbm>>
          %dma_wait3A_158 = tpu.memref_slice %arg3[%add3A_148] : memref<320000xi32, #tpu.memory_space<hbm>> -> memref<80xi32, #tpu.memory_space<hbm>>
          tpu.wait_dma2 semaphore(%run_scoped3A : memref<!tpu.dma_semaphore, #tpu.memory_space<semaphore_mem>>) src(%dma_wait3A_158 : memref<80xi32, #tpu.memory_space<hbm>>) dst(%arg11 : memref<80xi32, #tpu.memory_space<vmem>>)
          tpu.yield
        }) : () -> ()
        %dma_start3A_149 = arith.constant 0 : i32
        %dma_start3A_150 = arith.constant 0 : i32
        %dma_start3A_151 = tpu.memref_slice %arg4[%dma_start3A_149, %dma_start3A_150] : memref<10000x128xf32, #tpu.memory_space<hbm>> -> memref<10000x128xf32, #tpu.memory_space<hbm>>
        tpu.enqueue_indirect_dma source(%dma_start3A_151 : memref<10000x128xf32, #tpu.memory_space<hbm>>) target(%arg13 : memref<80x128xf32, #tpu.memory_space<vmem>>) offsets(%arg9 : memref<80xi32, #tpu.memory_space<vmem>>) semaphore(%arg21 : memref<!tpu.dma_semaphore, #tpu.memory_space<semaphore_mem>>)
        %dma_start3A_152 = arith.constant 0 : i32
        %dma_start3A_153 = arith.constant 0 : i32
        %dma_start3A_154 = tpu.memref_slice %arg5[%dma_start3A_152, %dma_start3A_153] : memref<10000x128xf32, #tpu.memory_space<hbm>> -> memref<10000x128xf32, #tpu.memory_space<hbm>>
        tpu.enqueue_indirect_dma source(%dma_start3A_154 : memref<10000x128xf32, #tpu.memory_space<hbm>>) target(%arg15 : memref<80x128xf32, #tpu.memory_space<vmem>>) offsets(%arg11 : memref<80xi32, #tpu.memory_space<vmem>>) semaphore(%arg23 : memref<!tpu.dma_semaphore, #tpu.memory_space<semaphore_mem>>)
      } else {
      }
      scf.yield %scan3A_124 : vector<16xf32>
    }
    %scan3A_25 = arith.constant 62 : i32
    %dma_wait3A = arith.constant 0 : i32
    %dma_wait3A_26 = arith.constant 0 : i32
    %dma_wait3A_27 = tpu.memref_slice %arg4[%dma_wait3A, %dma_wait3A_26] : memref<10000x128xf32, #tpu.memory_space<hbm>> -> memref<10000x128xf32, #tpu.memory_space<hbm>>
    tpu.wait_indirect_dma semaphore(%arg20 : memref<!tpu.dma_semaphore, #tpu.memory_space<semaphore_mem>>) src(%dma_wait3A_27 : memref<10000x128xf32, #tpu.memory_space<hbm>>) dst(%arg12 : memref<80x128xf32, #tpu.memory_space<vmem>>)
    %dma_wait3A_28 = arith.constant 0 : i32
    %dma_wait3A_29 = arith.constant 0 : i32
    %dma_wait3A_30 = tpu.memref_slice %arg5[%dma_wait3A_28, %dma_wait3A_29] : memref<10000x128xf32, #tpu.memory_space<hbm>> -> memref<10000x128xf32, #tpu.memory_space<hbm>>
    tpu.wait_indirect_dma semaphore(%arg22 : memref<!tpu.dma_semaphore, #tpu.memory_space<semaphore_mem>>) src(%dma_wait3A_30 : memref<10000x128xf32, #tpu.memory_space<hbm>>) dst(%arg14 : memref<80x128xf32, #tpu.memory_space<vmem>>)
    %mul3A_31 = arith.constant 10000 : i32
    %mul3A_32 = arith.muli %add3A, %mul3A_31 : i32
    %add3A_33 = arith.constant 9760 : i32
    %add3A_34 = arith.addi %mul3A_32, %add3A_33 : i32
    %dma_wait3A_35 = arith.constant 0 : i32
    %dma_wait3A_36 = tpu.memref_slice %arg6[%add3A_34, %dma_wait3A_35] : memref<320000x16xf32, #tpu.memory_space<hbm>> -> memref<80x16xf32, #tpu.memory_space<hbm>>
    %dma_wait3A_37 = arith.constant 0 : i32
    %dma_wait3A_38 = tpu.memref_slice %arg6[%add3A_34, %dma_wait3A_37] : memref<320000x16xf32, #tpu.memory_space<hbm>> -> memref<80x16xf32, #tpu.memory_space<hbm>>
    tpu.wait_dma2 semaphore(%arg24 : memref<!tpu.dma_semaphore, #tpu.memory_space<semaphore_mem>>) src(%arg16 : memref<80x16xf32, #tpu.memory_space<vmem>>) dst(%dma_wait3A_38 : memref<80x16xf32, #tpu.memory_space<hbm>>)
    %scan3A_39 = arith.constant 0 : i32
    %scan3A_40 = arith.constant 80 : i32
    %scan3A_41 = arith.addi %scan3A_39, %scan3A_40 : i32
    %scan3A_42 = arith.constant 1 : i32
    %scan3A_43 = scf.for %scan3A_72 = %scan3A_39 to %scan3A_41 step %scan3A_42 iter_args(%scan3A_73 = %scan3A_24) -> (vector<16xf32>)  : i32 {
      %get3A = arith.index_cast %scan3A_72 : i32 to index
      %get3A_74 = arith.constant 0 : index
      %get3A_75 = tpu.vector_load %arg12[%get3A, %get3A_74] {strides = array<i32>} : memref<80x128xf32, #tpu.memory_space<vmem>>, vector<1x16xf32>,
      %get3A_76 = vector.shape_cast %get3A_75 : vector<1x16xf32> to vector<16xf32>
      %get3A_77 = arith.index_cast %scan3A_72 : i32 to index
      %get3A_78 = arith.constant 0 : index
      %get3A_79 = tpu.vector_load %arg14[%get3A_77, %get3A_78] {strides = array<i32>} : memref<80x128xf32, #tpu.memory_space<vmem>>, vector<1x16xf32>,
      %get3A_80 = vector.shape_cast %get3A_79 : vector<1x16xf32> to vector<16xf32>
      %mul3A_81 = arith.mulf %get3A_76, %get3A_80 : vector<16xf32>
      %get3A_82 = arith.index_cast %scan3A_72 : i32 to index
      %get3A_83 = arith.constant 16 : index
      %get3A_84 = tpu.vector_load %arg12[%get3A_82, %get3A_83] {strides = array<i32>} : memref<80x128xf32, #tpu.memory_space<vmem>>, vector<1x16xf32>,
      %get3A_85 = vector.shape_cast %get3A_84 : vector<1x16xf32> to vector<16xf32>
      %get3A_86 = arith.index_cast %scan3A_72 : i32 to index
      %get3A_87 = arith.constant 16 : index
      %get3A_88 = tpu.vector_load %arg14[%get3A_86, %get3A_87] {strides = array<i32>} : memref<80x128xf32, #tpu.memory_space<vmem>>, vector<1x16xf32>,
      %get3A_89 = vector.shape_cast %get3A_88 : vector<1x16xf32> to vector<16xf32>
      %mul3A_90 = arith.mulf %get3A_85, %get3A_89 : vector<16xf32>
      %add3A_91 = arith.addf %mul3A_81, %mul3A_90 : vector<16xf32>
      %get3A_92 = arith.index_cast %scan3A_72 : i32 to index
      %get3A_93 = arith.constant 32 : index
      %get3A_94 = tpu.vector_load %arg12[%get3A_92, %get3A_93] {strides = array<i32>} : memref<80x128xf32, #tpu.memory_space<vmem>>, vector<1x16xf32>,
      %get3A_95 = vector.shape_cast %get3A_94 : vector<1x16xf32> to vector<16xf32>
      %get3A_96 = arith.index_cast %scan3A_72 : i32 to index
      %get3A_97 = arith.constant 32 : index
      %get3A_98 = tpu.vector_load %arg14[%get3A_96, %get3A_97] {strides = array<i32>} : memref<80x128xf32, #tpu.memory_space<vmem>>, vector<1x16xf32>,
      %get3A_99 = vector.shape_cast %get3A_98 : vector<1x16xf32> to vector<16xf32>
      %mul3A_100 = arith.mulf %get3A_95, %get3A_99 : vector<16xf32>
      %add3A_101 = arith.addf %add3A_91, %mul3A_100 : vector<16xf32>
      %get3A_102 = arith.index_cast %scan3A_72 : i32 to index
      %get3A_103 = arith.constant 48 : index
      %get3A_104 = tpu.vector_load %arg12[%get3A_102, %get3A_103] {strides = array<i32>} : memref<80x128xf32, #tpu.memory_space<vmem>>, vector<1x16xf32>,
      %get3A_105 = vector.shape_cast %get3A_104 : vector<1x16xf32> to vector<16xf32>
      %get3A_106 = arith.index_cast %scan3A_72 : i32 to index
      %get3A_107 = arith.constant 48 : index
      %get3A_108 = tpu.vector_load %arg14[%get3A_106, %get3A_107] {strides = array<i32>} : memref<80x128xf32, #tpu.memory_space<vmem>>, vector<1x16xf32>,
      %get3A_109 = vector.shape_cast %get3A_108 : vector<1x16xf32> to vector<16xf32>
      %mul3A_110 = arith.mulf %get3A_105, %get3A_109 : vector<16xf32>
      %add3A_111 = arith.addf %add3A_101, %mul3A_110 : vector<16xf32>
      %get3A_112 = arith.index_cast %scan3A_72 : i32 to index
      %get3A_113 = arith.constant 64 : index
      %get3A_114 = tpu.vector_load %arg12[%get3A_112, %get3A_113] {strides = array<i32>} : memref<80x128xf32, #tpu.memory_space<vmem>>, vector<1x16xf32>,
      %get3A_115 = vector.shape_cast %get3A_114 : vector<1x16xf32> to vector<16xf32>
      %get3A_116 = arith.index_cast %scan3A_72 : i32 to index
      %get3A_117 = arith.constant 64 : index
      %get3A_118 = tpu.vector_load %arg14[%get3A_116, %get3A_117] {strides = array<i32>} : memref<80x128xf32, #tpu.memory_space<vmem>>, vector<1x16xf32>,
      %get3A_119 = vector.shape_cast %get3A_118 : vector<1x16xf32> to vector<16xf32>
      %mul3A_120 = arith.mulf %get3A_115, %get3A_119 : vector<16xf32>
      %add3A_121 = arith.addf %add3A_111, %mul3A_120 : vector<16xf32>
      %get3A_122 = arith.index_cast %scan3A_72 : i32 to index
      %get3A_123 = arith.constant 80 : index
      %get3A_124 = tpu.vector_load %arg12[%get3A_122, %get3A_123] {strides = array<i32>} : memref<80x128xf32, #tpu.memory_space<vmem>>, vector<1x16xf32>,
      %get3A_125 = vector.shape_cast %get3A_124 : vector<1x16xf32> to vector<16xf32>
      %get3A_126 = arith.index_cast %scan3A_72 : i32 to index
      %get3A_127 = arith.constant 80 : index
      %get3A_128 = tpu.vector_load %arg14[%get3A_126, %get3A_127] {strides = array<i32>} : memref<80x128xf32, #tpu.memory_space<vmem>>, vector<1x16xf32>,
      %get3A_129 = vector.shape_cast %get3A_128 : vector<1x16xf32> to vector<16xf32>
      %mul3A_130 = arith.mulf %get3A_125, %get3A_129 : vector<16xf32>
      %add3A_131 = arith.addf %add3A_121, %mul3A_130 : vector<16xf32>
      %get3A_132 = arith.index_cast %scan3A_72 : i32 to index
      %get3A_133 = arith.constant 96 : index
      %get3A_134 = tpu.vector_load %arg12[%get3A_132, %get3A_133] {strides = array<i32>} : memref<80x128xf32, #tpu.memory_space<vmem>>, vector<1x16xf32>,
      %get3A_135 = vector.shape_cast %get3A_134 : vector<1x16xf32> to vector<16xf32>
      %get3A_136 = arith.index_cast %scan3A_72 : i32 to index
      %get3A_137 = arith.constant 96 : index
      %get3A_138 = tpu.vector_load %arg14[%get3A_136, %get3A_137] {strides = array<i32>} : memref<80x128xf32, #tpu.memory_space<vmem>>, vector<1x16xf32>,
      %get3A_139 = vector.shape_cast %get3A_138 : vector<1x16xf32> to vector<16xf32>
      %mul3A_140 = arith.mulf %get3A_135, %get3A_139 : vector<16xf32>
      %add3A_141 = arith.addf %add3A_131, %mul3A_140 : vector<16xf32>
      %get3A_142 = arith.index_cast %scan3A_72 : i32 to index
      %get3A_143 = arith.constant 112 : index
      %get3A_144 = tpu.vector_load %arg12[%get3A_142, %get3A_143] {strides = array<i32>} : memref<80x128xf32, #tpu.memory_space<vmem>>, vector<1x16xf32>,
      %get3A_145 = vector.shape_cast %get3A_144 : vector<1x16xf32> to vector<16xf32>
      %get3A_146 = arith.index_cast %scan3A_72 : i32 to index
      %get3A_147 = arith.constant 112 : index
      %get3A_148 = tpu.vector_load %arg14[%get3A_146, %get3A_147] {strides = array<i32>} : memref<80x128xf32, #tpu.memory_space<vmem>>, vector<1x16xf32>,
      %get3A_149 = vector.shape_cast %get3A_148 : vector<1x16xf32> to vector<16xf32>
      %mul3A_150 = arith.mulf %get3A_145, %get3A_149 : vector<16xf32>
      %add3A_151 = arith.addf %add3A_141, %mul3A_150 : vector<16xf32>
      %swap3A_152 = arith.constant 0 : index
      %swap3A_153 = tpu.vector_load %arg18[%swap3A_152] {strides = array<i32>} : memref<32xf32, #tpu.memory_space<vmem>>, vector<16xf32>,
      %swap3A_154 = vector.shape_cast %swap3A_153 : vector<16xf32> to vector<16xf32>
      %swap3A_155 = vector.shape_cast %add3A_151 : vector<16xf32> to vector<16xf32>
      tpu.vector_store %arg18[%swap3A_152], %swap3A_155 {strides = array<i32>} : memref<32xf32, #tpu.memory_space<vmem>>, vector<16xf32>,
      %swap3A_156 = arith.constant 16 : index
      %swap3A_157 = tpu.vector_load %arg18[%swap3A_156] {strides = array<i32>} : memref<32xf32, #tpu.memory_space<vmem>>, vector<16xf32>,
      %swap3A_158 = vector.shape_cast %swap3A_157 : vector<16xf32> to vector<16xf32>
      %swap3A_159 = vector.shape_cast %add3A_151 : vector<16xf32> to vector<16xf32>
      tpu.vector_store %arg18[%swap3A_156], %swap3A_159 {strides = array<i32>} : memref<32xf32, #tpu.memory_space<vmem>>, vector<16xf32>,
      %get3A_160 = arith.constant 8 : index
      %get3A_161 = tpu.vector_load %arg18[%get3A_160] {strides = array<i32>} : memref<32xf32, #tpu.memory_space<vmem>>, vector<16xf32>,
      %get3A_162 = vector.shape_cast %get3A_161 : vector<16xf32> to vector<16xf32>
      %add3A_163 = arith.addf %add3A_151, %get3A_162 : vector<16xf32>
      %mul3A_164 = arith.constant 2.500000e-01 : f32
      %mul3A_165 = vector.broadcast %mul3A_164 : f32 to vector<16xf32>
      %mul3A_166 = arith.mulf %add3A_163, %mul3A_165 : vector<16xf32>
      %swap3A_167 = arith.index_cast %scan3A_72 : i32 to index
      %swap3A_168 = arith.constant 0 : index
      %swap3A_169 = tpu.vector_load %arg16[%swap3A_167, %swap3A_168] {strides = array<i32>} : memref<80x16xf32, #tpu.memory_space<vmem>>, vector<1x16xf32>,
      %swap3A_170 = vector.shape_cast %swap3A_169 : vector<1x16xf32> to vector<16xf32>
      %swap3A_171 = vector.shape_cast %mul3A_166 : vector<16xf32> to vector<1x16xf32>
      tpu.vector_store %arg16[%swap3A_167, %swap3A_168], %swap3A_171 {strides = array<i32>} : memref<80x16xf32, #tpu.memory_space<vmem>>, vector<1x16xf32>,
      %max3A = arith.maximumf %scan3A_73, %mul3A_166 : vector<16xf32>
      scf.yield %max3A : vector<16xf32>
    }
    %scan3A_44 = arith.constant 80 : i32
    %mul3A_45 = arith.constant 10000 : i32
    %mul3A_46 = arith.muli %add3A, %mul3A_45 : i32
    %add3A_47 = arith.constant 9920 : i32
    %add3A_48 = arith.addi %mul3A_46, %add3A_47 : i32
    %dma_start3A_49 = arith.constant 0 : i32
    %dma_start3A_50 = tpu.memref_slice %arg6[%add3A_48, %dma_start3A_49] : memref<320000x16xf32, #tpu.memory_space<hbm>> -> memref<80x16xf32, #tpu.memory_space<hbm>>
    %dma_start3A_51 = arith.constant 0 : i32
    %dma_start3A_52 = tpu.memref_slice %arg6[%add3A_48, %dma_start3A_51] : memref<320000x16xf32, #tpu.memory_space<hbm>> -> memref<80x16xf32, #tpu.memory_space<hbm>>
    tpu.enqueue_dma source(%arg16 : memref<80x16xf32, #tpu.memory_space<vmem>>) target(%dma_start3A_52 : memref<80x16xf32, #tpu.memory_space<hbm>>) target_semaphore(%arg24 : memref<!tpu.dma_semaphore, #tpu.memory_space<semaphore_mem>>)
    %mul3A_53 = arith.constant 10000 : i32
    %mul3A_54 = arith.muli %add3A, %mul3A_53 : i32
    %add3A_55 = arith.constant 9840 : i32
    %add3A_56 = arith.addi %mul3A_54, %add3A_55 : i32
    %dma_wait3A_57 = arith.constant 0 : i32
    %dma_wait3A_58 = tpu.memref_slice %arg6[%add3A_56, %dma_wait3A_57] : memref<320000x16xf32, #tpu.memory_space<hbm>> -> memref<80x16xf32, #tpu.memory_space<hbm>>
    %dma_wait3A_59 = arith.constant 0 : i32
    %dma_wait3A_60 = tpu.memref_slice %arg6[%add3A_56, %dma_wait3A_59] : memref<320000x16xf32, #tpu.memory_space<hbm>> -> memref<80x16xf32, #tpu.memory_space<hbm>>
    tpu.wait_dma2 semaphore(%arg25 : memref<!tpu.dma_semaphore, #tpu.memory_space<semaphore_mem>>) src(%arg17 : memref<80x16xf32, #tpu.memory_space<vmem>>) dst(%dma_wait3A_60 : memref<80x16xf32, #tpu.memory_space<hbm>>)
    %mul3A_61 = arith.constant 10000 : i32
    %mul3A_62 = arith.muli %add3A, %mul3A_61 : i32
    %add3A_63 = arith.constant 9920 : i32
    %add3A_64 = arith.addi %mul3A_62, %add3A_63 : i32
    %dma_wait3A_65 = arith.constant 0 : i32
    %dma_wait3A_66 = tpu.memref_slice %arg6[%add3A_64, %dma_wait3A_65] : memref<320000x16xf32, #tpu.memory_space<hbm>> -> memref<80x16xf32, #tpu.memory_space<hbm>>
    %dma_wait3A_67 = arith.constant 0 : i32
    %dma_wait3A_68 = tpu.memref_slice %arg6[%add3A_64, %dma_wait3A_67] : memref<320000x16xf32, #tpu.memory_space<hbm>> -> memref<80x16xf32, #tpu.memory_space<hbm>>
    tpu.wait_dma2 semaphore(%arg24 : memref<!tpu.dma_semaphore, #tpu.memory_space<semaphore_mem>>) src(%arg16 : memref<80x16xf32, #tpu.memory_space<vmem>>) dst(%dma_wait3A_68 : memref<80x16xf32, #tpu.memory_space<hbm>>)
    %swap3A = arith.constant 0 : index
    %swap3A_69 = tpu.vector_load %arg19[%swap3A] {strides = array<i32>} : memref<16xf32, #tpu.memory_space<vmem>>, vector<16xf32>,
    %swap3A_70 = vector.shape_cast %swap3A_69 : vector<16xf32> to vector<16xf32>
    %swap3A_71 = vector.shape_cast %scan3A_43 : vector<16xf32> to vector<16xf32>
    tpu.vector_store %arg19[%swap3A], %swap3A_71 {strides = array<i32>} : memref<16xf32, #tpu.memory_space<vmem>>, vector<16xf32>,
    "tpu.region"() ({
      %run_scoped3A = tpu.sem_alloc : memref<!tpu.dma_semaphore, #tpu.memory_space<semaphore_mem>>
      %dma_start3A_72 = arith.constant 0 : i32
      %dma_start3A_73 = tpu.memref_slice %arg7[%add3A, %dma_start3A_72] : memref<32x16xf32, #tpu.memory_space<hbm>> -> memref<1x16xf32, #tpu.memory_space<hbm>>
      %dma_start3A_74 = tpu.memref_squeeze %dma_start3A_73 : memref<1x16xf32, #tpu.memory_space<hbm>> -> memref<16xf32, #tpu.memory_space<hbm>>
      %dma_start3A_75 = arith.constant 0 : i32
      %dma_start3A_76 = tpu.memref_slice %arg7[%add3A, %dma_start3A_75] : memref<32x16xf32, #tpu.memory_space<hbm>> -> memref<1x16xf32, #tpu.memory_space<hbm>>
      %dma_start3A_77 = tpu.memref_squeeze %dma_start3A_76 : memref<1x16xf32, #tpu.memory_space<hbm>> -> memref<16xf32, #tpu.memory_space<hbm>>
      tpu.enqueue_dma source(%arg19 : memref<16xf32, #tpu.memory_space<vmem>>) target(%dma_start3A_77 : memref<16xf32, #tpu.memory_space<hbm>>) target_semaphore(%run_scoped3A : memref<!tpu.dma_semaphore, #tpu.memory_space<semaphore_mem>>)
      %dma_wait3A_78 = arith.constant 0 : i32
      %dma_wait3A_79 = tpu.memref_slice %arg7[%add3A, %dma_wait3A_78] : memref<32x16xf32, #tpu.memory_space<hbm>> -> memref<1x16xf32, #tpu.memory_space<hbm>>
      %dma_wait3A_80 = tpu.memref_squeeze %dma_wait3A_79 : memref<1x16xf32, #tpu.memory_space<hbm>> -> memref<16xf32, #tpu.memory_space<hbm>>
      %dma_wait3A_81 = arith.constant 0 : i32
      %dma_wait3A_82 = tpu.memref_slice %arg7[%add3A, %dma_wait3A_81] : memref<32x16xf32, #tpu.memory_space<hbm>> -> memref<1x16xf32, #tpu.memory_space<hbm>>
      %dma_wait3A_83 = tpu.memref_squeeze %dma_wait3A_82 : memref<1x16xf32, #tpu.memory_space<hbm>> -> memref<16xf32, #tpu.memory_space<hbm>>
      tpu.wait_dma2 semaphore(%run_scoped3A : memref<!tpu.dma_semaphore, #tpu.memory_space<semaphore_mem>>) src(%arg19 : memref<16xf32, #tpu.memory_space<vmem>>) dst(%dma_wait3A_83 : memref<16xf32, #tpu.memory_space<hbm>>)
      tpu.yield
    }) : () -> ()
    return
  }
}

#map = affine_map<(d0, d1) -> (0)>
#map1 = affine_map<(d0, d1) -> (0, 0)>
module attributes {stable_mosaic.version = 14 : i64} {
  func.func @_aggregate_pass(%arg0: i32, %arg1: i32, %arg2: memref<320000xi32, #tpu.memory_space<hbm>>, %arg3: memref<320000xi32, #tpu.memory_space<hbm>>, %arg4: memref<10000x128xf32, #tpu.memory_space<hbm>>, %arg5: memref<320000x16xf32, #tpu.memory_space<hbm>>, %arg6: memref<32x16xf32, #tpu.memory_space<hbm>>, %arg7: memref<10000x128xf32, #tpu.memory_space<hbm>>, %arg8: memref<20000x128xf32, #tpu.memory_space<hbm>>, %arg9: memref<80xi32, #tpu.memory_space<vmem>>, %arg10: memref<80xi32, #tpu.memory_space<vmem>>, %arg11: memref<80xi32, #tpu.memory_space<vmem>>, %arg12: memref<80x128xf32, #tpu.memory_space<vmem>>, %arg13: memref<80x128xf32, #tpu.memory_space<vmem>>, %arg14: memref<80x128xf32, #tpu.memory_space<vmem>>, %arg15: memref<80x16xf32, #tpu.memory_space<vmem>>, %arg16: memref<32x16xf32, #tpu.memory_space<vmem>>, %arg17: memref<32xf32, #tpu.memory_space<vmem>>, %arg18: memref<10000x128xf32, #tpu.memory_space<vmem_shared>>, %arg19: memref<!tpu.dma_semaphore, #tpu.memory_space<semaphore_mem>>, %arg20: memref<!tpu.dma_semaphore, #tpu.memory_space<semaphore_mem>>) attributes {dimension_semantics = [#tpu.dimension_semantics<core_parallel>, #tpu.dimension_semantics<subcore_parallel>], iteration_bounds = array<i64: 2, 16>, scalar_prefetch = 0 : i64, scratch_operands = 12 : i64, tpu.core_type = #tpu.core_type<sc_vector_subcore>, window_params = [{transform_indices = #map}, {transform_indices = #map}, {transform_indices = #map1}, {transform_indices = #map1}, {transform_indices = #map1}, {transform_indices = #map1}, {transform_indices = #map1}]} {
    %mul3A = arith.constant 2 : i32
    %mul3A_0 = arith.muli %arg1, %mul3A : i32
    %add3A = arith.addi %mul3A_0, %arg0 : i32
    "tpu.region"() ({
      %run_scoped3A = tpu.sem_alloc : memref<!tpu.dma_semaphore, #tpu.memory_space<semaphore_mem>>
      tpu.enqueue_dma source(%arg6 : memref<32x16xf32, #tpu.memory_space<hbm>>) target(%arg16 : memref<32x16xf32, #tpu.memory_space<vmem>>) target_semaphore(%run_scoped3A : memref<!tpu.dma_semaphore, #tpu.memory_space<semaphore_mem>>)
      tpu.wait_dma2 semaphore(%run_scoped3A : memref<!tpu.dma_semaphore, #tpu.memory_space<semaphore_mem>>) src(%arg6 : memref<32x16xf32, #tpu.memory_space<hbm>>) dst(%arg16 : memref<32x16xf32, #tpu.memory_space<vmem>>)
      tpu.yield
    }) : () -> ()
    %get3A = arith.constant 0 : i32
    %get3A_1 = arith.index_cast %get3A : i32 to index
    %get3A_2 = arith.constant 0 : index
    %get3A_3 = tpu.vector_load %arg16[%get3A_1, %get3A_2] {strides = array<i32>} : memref<32x16xf32, #tpu.memory_space<vmem>>, vector<1x16xf32>,
    %get3A_4 = vector.shape_cast %get3A_3 : vector<1x16xf32> to vector<16xf32>
    %get3A_5 = arith.constant 1 : i32
    %get3A_6 = arith.index_cast %get3A_5 : i32 to index
    %get3A_7 = arith.constant 0 : index
    %get3A_8 = tpu.vector_load %arg16[%get3A_6, %get3A_7] {strides = array<i32>} : memref<32x16xf32, #tpu.memory_space<vmem>>, vector<1x16xf32>,
    %get3A_9 = vector.shape_cast %get3A_8 : vector<1x16xf32> to vector<16xf32>
    %max3A = arith.maximumf %get3A_4, %get3A_9 : vector<16xf32>
    %get3A_10 = arith.constant 2 : i32
    %get3A_11 = arith.index_cast %get3A_10 : i32 to index
    %get3A_12 = arith.constant 0 : index
    %get3A_13 = tpu.vector_load %arg16[%get3A_11, %get3A_12] {strides = array<i32>} : memref<32x16xf32, #tpu.memory_space<vmem>>, vector<1x16xf32>,
    %get3A_14 = vector.shape_cast %get3A_13 : vector<1x16xf32> to vector<16xf32>
    %max3A_15 = arith.maximumf %max3A, %get3A_14 : vector<16xf32>
    %get3A_16 = arith.constant 3 : i32
    %get3A_17 = arith.index_cast %get3A_16 : i32 to index
    %get3A_18 = arith.constant 0 : index
    %get3A_19 = tpu.vector_load %arg16[%get3A_17, %get3A_18] {strides = array<i32>} : memref<32x16xf32, #tpu.memory_space<vmem>>, vector<1x16xf32>,
    %get3A_20 = vector.shape_cast %get3A_19 : vector<1x16xf32> to vector<16xf32>
    %max3A_21 = arith.maximumf %max3A_15, %get3A_20 : vector<16xf32>
    %get3A_22 = arith.constant 4 : i32
    %get3A_23 = arith.index_cast %get3A_22 : i32 to index
    %get3A_24 = arith.constant 0 : index
    %get3A_25 = tpu.vector_load %arg16[%get3A_23, %get3A_24] {strides = array<i32>} : memref<32x16xf32, #tpu.memory_space<vmem>>, vector<1x16xf32>,
    %get3A_26 = vector.shape_cast %get3A_25 : vector<1x16xf32> to vector<16xf32>
    %max3A_27 = arith.maximumf %max3A_21, %get3A_26 : vector<16xf32>
    %get3A_28 = arith.constant 5 : i32
    %get3A_29 = arith.index_cast %get3A_28 : i32 to index
    %get3A_30 = arith.constant 0 : index
    %get3A_31 = tpu.vector_load %arg16[%get3A_29, %get3A_30] {strides = array<i32>} : memref<32x16xf32, #tpu.memory_space<vmem>>, vector<1x16xf32>,
    %get3A_32 = vector.shape_cast %get3A_31 : vector<1x16xf32> to vector<16xf32>
    %max3A_33 = arith.maximumf %max3A_27, %get3A_32 : vector<16xf32>
    %get3A_34 = arith.constant 6 : i32
    %get3A_35 = arith.index_cast %get3A_34 : i32 to index
    %get3A_36 = arith.constant 0 : index
    %get3A_37 = tpu.vector_load %arg16[%get3A_35, %get3A_36] {strides = array<i32>} : memref<32x16xf32, #tpu.memory_space<vmem>>, vector<1x16xf32>,
    %get3A_38 = vector.shape_cast %get3A_37 : vector<1x16xf32> to vector<16xf32>
    %max3A_39 = arith.maximumf %max3A_33, %get3A_38 : vector<16xf32>
    %get3A_40 = arith.constant 7 : i32
    %get3A_41 = arith.index_cast %get3A_40 : i32 to index
    %get3A_42 = arith.constant 0 : index
    %get3A_43 = tpu.vector_load %arg16[%get3A_41, %get3A_42] {strides = array<i32>} : memref<32x16xf32, #tpu.memory_space<vmem>>, vector<1x16xf32>,
    %get3A_44 = vector.shape_cast %get3A_43 : vector<1x16xf32> to vector<16xf32>
    %max3A_45 = arith.maximumf %max3A_39, %get3A_44 : vector<16xf32>
    %get3A_46 = arith.constant 8 : i32
    %get3A_47 = arith.index_cast %get3A_46 : i32 to index
    %get3A_48 = arith.constant 0 : index
    %get3A_49 = tpu.vector_load %arg16[%get3A_47, %get3A_48] {strides = array<i32>} : memref<32x16xf32, #tpu.memory_space<vmem>>, vector<1x16xf32>,
    %get3A_50 = vector.shape_cast %get3A_49 : vector<1x16xf32> to vector<16xf32>
    %max3A_51 = arith.maximumf %max3A_45, %get3A_50 : vector<16xf32>
    %get3A_52 = arith.constant 9 : i32
    %get3A_53 = arith.index_cast %get3A_52 : i32 to index
    %get3A_54 = arith.constant 0 : index
    %get3A_55 = tpu.vector_load %arg16[%get3A_53, %get3A_54] {strides = array<i32>} : memref<32x16xf32, #tpu.memory_space<vmem>>, vector<1x16xf32>,
    %get3A_56 = vector.shape_cast %get3A_55 : vector<1x16xf32> to vector<16xf32>
    %max3A_57 = arith.maximumf %max3A_51, %get3A_56 : vector<16xf32>
    %get3A_58 = arith.constant 10 : i32
    %get3A_59 = arith.index_cast %get3A_58 : i32 to index
    %get3A_60 = arith.constant 0 : index
    %get3A_61 = tpu.vector_load %arg16[%get3A_59, %get3A_60] {strides = array<i32>} : memref<32x16xf32, #tpu.memory_space<vmem>>, vector<1x16xf32>,
    %get3A_62 = vector.shape_cast %get3A_61 : vector<1x16xf32> to vector<16xf32>
    %max3A_63 = arith.maximumf %max3A_57, %get3A_62 : vector<16xf32>
    %get3A_64 = arith.constant 11 : i32
    %get3A_65 = arith.index_cast %get3A_64 : i32 to index
    %get3A_66 = arith.constant 0 : index
    %get3A_67 = tpu.vector_load %arg16[%get3A_65, %get3A_66] {strides = array<i32>} : memref<32x16xf32, #tpu.memory_space<vmem>>, vector<1x16xf32>,
    %get3A_68 = vector.shape_cast %get3A_67 : vector<1x16xf32> to vector<16xf32>
    %max3A_69 = arith.maximumf %max3A_63, %get3A_68 : vector<16xf32>
    %get3A_70 = arith.constant 12 : i32
    %get3A_71 = arith.index_cast %get3A_70 : i32 to index
    %get3A_72 = arith.constant 0 : index
    %get3A_73 = tpu.vector_load %arg16[%get3A_71, %get3A_72] {strides = array<i32>} : memref<32x16xf32, #tpu.memory_space<vmem>>, vector<1x16xf32>,
    %get3A_74 = vector.shape_cast %get3A_73 : vector<1x16xf32> to vector<16xf32>
    %max3A_75 = arith.maximumf %max3A_69, %get3A_74 : vector<16xf32>
    %get3A_76 = arith.constant 13 : i32
    %get3A_77 = arith.index_cast %get3A_76 : i32 to index
    %get3A_78 = arith.constant 0 : index
    %get3A_79 = tpu.vector_load %arg16[%get3A_77, %get3A_78] {strides = array<i32>} : memref<32x16xf32, #tpu.memory_space<vmem>>, vector<1x16xf32>,
    %get3A_80 = vector.shape_cast %get3A_79 : vector<1x16xf32> to vector<16xf32>
    %max3A_81 = arith.maximumf %max3A_75, %get3A_80 : vector<16xf32>
    %get3A_82 = arith.constant 14 : i32
    %get3A_83 = arith.index_cast %get3A_82 : i32 to index
    %get3A_84 = arith.constant 0 : index
    %get3A_85 = tpu.vector_load %arg16[%get3A_83, %get3A_84] {strides = array<i32>} : memref<32x16xf32, #tpu.memory_space<vmem>>, vector<1x16xf32>,
    %get3A_86 = vector.shape_cast %get3A_85 : vector<1x16xf32> to vector<16xf32>
    %max3A_87 = arith.maximumf %max3A_81, %get3A_86 : vector<16xf32>
    %get3A_88 = arith.constant 15 : i32
    %get3A_89 = arith.index_cast %get3A_88 : i32 to index
    %get3A_90 = arith.constant 0 : index
    %get3A_91 = tpu.vector_load %arg16[%get3A_89, %get3A_90] {strides = array<i32>} : memref<32x16xf32, #tpu.memory_space<vmem>>, vector<1x16xf32>,
    %get3A_92 = vector.shape_cast %get3A_91 : vector<1x16xf32> to vector<16xf32>
    %max3A_93 = arith.maximumf %max3A_87, %get3A_92 : vector<16xf32>
    %get3A_94 = arith.constant 16 : i32
    %get3A_95 = arith.index_cast %get3A_94 : i32 to index
    %get3A_96 = arith.constant 0 : index
    %get3A_97 = tpu.vector_load %arg16[%get3A_95, %get3A_96] {strides = array<i32>} : memref<32x16xf32, #tpu.memory_space<vmem>>, vector<1x16xf32>,
    %get3A_98 = vector.shape_cast %get3A_97 : vector<1x16xf32> to vector<16xf32>
    %max3A_99 = arith.maximumf %max3A_93, %get3A_98 : vector<16xf32>
    %get3A_100 = arith.constant 17 : i32
    %get3A_101 = arith.index_cast %get3A_100 : i32 to index
    %get3A_102 = arith.constant 0 : index
    %get3A_103 = tpu.vector_load %arg16[%get3A_101, %get3A_102] {strides = array<i32>} : memref<32x16xf32, #tpu.memory_space<vmem>>, vector<1x16xf32>,
    %get3A_104 = vector.shape_cast %get3A_103 : vector<1x16xf32> to vector<16xf32>
    %max3A_105 = arith.maximumf %max3A_99, %get3A_104 : vector<16xf32>
    %get3A_106 = arith.constant 18 : i32
    %get3A_107 = arith.index_cast %get3A_106 : i32 to index
    %get3A_108 = arith.constant 0 : index
    %get3A_109 = tpu.vector_load %arg16[%get3A_107, %get3A_108] {strides = array<i32>} : memref<32x16xf32, #tpu.memory_space<vmem>>, vector<1x16xf32>,
    %get3A_110 = vector.shape_cast %get3A_109 : vector<1x16xf32> to vector<16xf32>
    %max3A_111 = arith.maximumf %max3A_105, %get3A_110 : vector<16xf32>
    %get3A_112 = arith.constant 19 : i32
    %get3A_113 = arith.index_cast %get3A_112 : i32 to index
    %get3A_114 = arith.constant 0 : index
    %get3A_115 = tpu.vector_load %arg16[%get3A_113, %get3A_114] {strides = array<i32>} : memref<32x16xf32, #tpu.memory_space<vmem>>, vector<1x16xf32>,
    %get3A_116 = vector.shape_cast %get3A_115 : vector<1x16xf32> to vector<16xf32>
    %max3A_117 = arith.maximumf %max3A_111, %get3A_116 : vector<16xf32>
    %get3A_118 = arith.constant 20 : i32
    %get3A_119 = arith.index_cast %get3A_118 : i32 to index
    %get3A_120 = arith.constant 0 : index
    %get3A_121 = tpu.vector_load %arg16[%get3A_119, %get3A_120] {strides = array<i32>} : memref<32x16xf32, #tpu.memory_space<vmem>>, vector<1x16xf32>,
    %get3A_122 = vector.shape_cast %get3A_121 : vector<1x16xf32> to vector<16xf32>
    %max3A_123 = arith.maximumf %max3A_117, %get3A_122 : vector<16xf32>
    %get3A_124 = arith.constant 21 : i32
    %get3A_125 = arith.index_cast %get3A_124 : i32 to index
    %get3A_126 = arith.constant 0 : index
    %get3A_127 = tpu.vector_load %arg16[%get3A_125, %get3A_126] {strides = array<i32>} : memref<32x16xf32, #tpu.memory_space<vmem>>, vector<1x16xf32>,
    %get3A_128 = vector.shape_cast %get3A_127 : vector<1x16xf32> to vector<16xf32>
    %max3A_129 = arith.maximumf %max3A_123, %get3A_128 : vector<16xf32>
    %get3A_130 = arith.constant 22 : i32
    %get3A_131 = arith.index_cast %get3A_130 : i32 to index
    %get3A_132 = arith.constant 0 : index
    %get3A_133 = tpu.vector_load %arg16[%get3A_131, %get3A_132] {strides = array<i32>} : memref<32x16xf32, #tpu.memory_space<vmem>>, vector<1x16xf32>,
    %get3A_134 = vector.shape_cast %get3A_133 : vector<1x16xf32> to vector<16xf32>
    %max3A_135 = arith.maximumf %max3A_129, %get3A_134 : vector<16xf32>
    %get3A_136 = arith.constant 23 : i32
    %get3A_137 = arith.index_cast %get3A_136 : i32 to index
    %get3A_138 = arith.constant 0 : index
    %get3A_139 = tpu.vector_load %arg16[%get3A_137, %get3A_138] {strides = array<i32>} : memref<32x16xf32, #tpu.memory_space<vmem>>, vector<1x16xf32>,
    %get3A_140 = vector.shape_cast %get3A_139 : vector<1x16xf32> to vector<16xf32>
    %max3A_141 = arith.maximumf %max3A_135, %get3A_140 : vector<16xf32>
    %get3A_142 = arith.constant 24 : i32
    %get3A_143 = arith.index_cast %get3A_142 : i32 to index
    %get3A_144 = arith.constant 0 : index
    %get3A_145 = tpu.vector_load %arg16[%get3A_143, %get3A_144] {strides = array<i32>} : memref<32x16xf32, #tpu.memory_space<vmem>>, vector<1x16xf32>,
    %get3A_146 = vector.shape_cast %get3A_145 : vector<1x16xf32> to vector<16xf32>
    %max3A_147 = arith.maximumf %max3A_141, %get3A_146 : vector<16xf32>
    %get3A_148 = arith.constant 25 : i32
    %get3A_149 = arith.index_cast %get3A_148 : i32 to index
    %get3A_150 = arith.constant 0 : index
    %get3A_151 = tpu.vector_load %arg16[%get3A_149, %get3A_150] {strides = array<i32>} : memref<32x16xf32, #tpu.memory_space<vmem>>, vector<1x16xf32>,
    %get3A_152 = vector.shape_cast %get3A_151 : vector<1x16xf32> to vector<16xf32>
    %max3A_153 = arith.maximumf %max3A_147, %get3A_152 : vector<16xf32>
    %get3A_154 = arith.constant 26 : i32
    %get3A_155 = arith.index_cast %get3A_154 : i32 to index
    %get3A_156 = arith.constant 0 : index
    %get3A_157 = tpu.vector_load %arg16[%get3A_155, %get3A_156] {strides = array<i32>} : memref<32x16xf32, #tpu.memory_space<vmem>>, vector<1x16xf32>,
    %get3A_158 = vector.shape_cast %get3A_157 : vector<1x16xf32> to vector<16xf32>
    %max3A_159 = arith.maximumf %max3A_153, %get3A_158 : vector<16xf32>
    %get3A_160 = arith.constant 27 : i32
    %get3A_161 = arith.index_cast %get3A_160 : i32 to index
    %get3A_162 = arith.constant 0 : index
    %get3A_163 = tpu.vector_load %arg16[%get3A_161, %get3A_162] {strides = array<i32>} : memref<32x16xf32, #tpu.memory_space<vmem>>, vector<1x16xf32>,
    %get3A_164 = vector.shape_cast %get3A_163 : vector<1x16xf32> to vector<16xf32>
    %max3A_165 = arith.maximumf %max3A_159, %get3A_164 : vector<16xf32>
    %get3A_166 = arith.constant 28 : i32
    %get3A_167 = arith.index_cast %get3A_166 : i32 to index
    %get3A_168 = arith.constant 0 : index
    %get3A_169 = tpu.vector_load %arg16[%get3A_167, %get3A_168] {strides = array<i32>} : memref<32x16xf32, #tpu.memory_space<vmem>>, vector<1x16xf32>,
    %get3A_170 = vector.shape_cast %get3A_169 : vector<1x16xf32> to vector<16xf32>
    %max3A_171 = arith.maximumf %max3A_165, %get3A_170 : vector<16xf32>
    %get3A_172 = arith.constant 29 : i32
    %get3A_173 = arith.index_cast %get3A_172 : i32 to index
    %get3A_174 = arith.constant 0 : index
    %get3A_175 = tpu.vector_load %arg16[%get3A_173, %get3A_174] {strides = array<i32>} : memref<32x16xf32, #tpu.memory_space<vmem>>, vector<1x16xf32>,
    %get3A_176 = vector.shape_cast %get3A_175 : vector<1x16xf32> to vector<16xf32>
    %max3A_177 = arith.maximumf %max3A_171, %get3A_176 : vector<16xf32>
    %get3A_178 = arith.constant 30 : i32
    %get3A_179 = arith.index_cast %get3A_178 : i32 to index
    %get3A_180 = arith.constant 0 : index
    %get3A_181 = tpu.vector_load %arg16[%get3A_179, %get3A_180] {strides = array<i32>} : memref<32x16xf32, #tpu.memory_space<vmem>>, vector<1x16xf32>,
    %get3A_182 = vector.shape_cast %get3A_181 : vector<1x16xf32> to vector<16xf32>
    %max3A_183 = arith.maximumf %max3A_177, %get3A_182 : vector<16xf32>
    %get3A_184 = arith.constant 31 : i32
    %get3A_185 = arith.index_cast %get3A_184 : i32 to index
    %get3A_186 = arith.constant 0 : index
    %get3A_187 = tpu.vector_load %arg16[%get3A_185, %get3A_186] {strides = array<i32>} : memref<32x16xf32, #tpu.memory_space<vmem>>, vector<1x16xf32>,
    %get3A_188 = vector.shape_cast %get3A_187 : vector<1x16xf32> to vector<16xf32>
    %max3A_189 = arith.maximumf %max3A_183, %get3A_188 : vector<16xf32>
    %swap3A = arith.constant 0 : index
    %swap3A_190 = tpu.vector_load %arg17[%swap3A] {strides = array<i32>} : memref<32xf32, #tpu.memory_space<vmem>>, vector<16xf32>,
    %swap3A_191 = vector.shape_cast %swap3A_190 : vector<16xf32> to vector<16xf32>
    %swap3A_192 = vector.shape_cast %max3A_189 : vector<16xf32> to vector<16xf32>
    tpu.vector_store %arg17[%swap3A], %swap3A_192 {strides = array<i32>} : memref<32xf32, #tpu.memory_space<vmem>>, vector<16xf32>,
    %swap3A_193 = arith.constant 16 : index
    %swap3A_194 = tpu.vector_load %arg17[%swap3A_193] {strides = array<i32>} : memref<32xf32, #tpu.memory_space<vmem>>, vector<16xf32>,
    %swap3A_195 = vector.shape_cast %swap3A_194 : vector<16xf32> to vector<16xf32>
    %swap3A_196 = vector.shape_cast %max3A_189 : vector<16xf32> to vector<16xf32>
    tpu.vector_store %arg17[%swap3A_193], %swap3A_196 {strides = array<i32>} : memref<32xf32, #tpu.memory_space<vmem>>, vector<16xf32>,
    %get3A_197 = arith.constant 8 : index
    %get3A_198 = tpu.vector_load %arg17[%get3A_197] {strides = array<i32>} : memref<32xf32, #tpu.memory_space<vmem>>, vector<16xf32>,
    %get3A_199 = vector.shape_cast %get3A_198 : vector<16xf32> to vector<16xf32>
    %max3A_200 = arith.maximumf %max3A_189, %get3A_199 : vector<16xf32>
    %swap3A_201 = arith.constant 0 : index
    %swap3A_202 = tpu.vector_load %arg17[%swap3A_201] {strides = array<i32>} : memref<32xf32, #tpu.memory_space<vmem>>, vector<16xf32>,
    %swap3A_203 = vector.shape_cast %swap3A_202 : vector<16xf32> to vector<16xf32>
    %swap3A_204 = vector.shape_cast %max3A_200 : vector<16xf32> to vector<16xf32>
    tpu.vector_store %arg17[%swap3A_201], %swap3A_204 {strides = array<i32>} : memref<32xf32, #tpu.memory_space<vmem>>, vector<16xf32>,
    %swap3A_205 = arith.constant 16 : index
    %swap3A_206 = tpu.vector_load %arg17[%swap3A_205] {strides = array<i32>} : memref<32xf32, #tpu.memory_space<vmem>>, vector<16xf32>,
    %swap3A_207 = vector.shape_cast %swap3A_206 : vector<16xf32> to vector<16xf32>
    %swap3A_208 = vector.shape_cast %max3A_200 : vector<16xf32> to vector<16xf32>
    tpu.vector_store %arg17[%swap3A_205], %swap3A_208 {strides = array<i32>} : memref<32xf32, #tpu.memory_space<vmem>>, vector<16xf32>,
    %get3A_209 = arith.constant 4 : index
    %get3A_210 = tpu.vector_load %arg17[%get3A_209] {strides = array<i32>} : memref<32xf32, #tpu.memory_space<vmem>>, vector<16xf32>,
    %get3A_211 = vector.shape_cast %get3A_210 : vector<16xf32> to vector<16xf32>
    %max3A_212 = arith.maximumf %max3A_200, %get3A_211 : vector<16xf32>
    %swap3A_213 = arith.constant 0 : index
    %swap3A_214 = tpu.vector_load %arg17[%swap3A_213] {strides = array<i32>} : memref<32xf32, #tpu.memory_space<vmem>>, vector<16xf32>,
    %swap3A_215 = vector.shape_cast %swap3A_214 : vector<16xf32> to vector<16xf32>
    %swap3A_216 = vector.shape_cast %max3A_212 : vector<16xf32> to vector<16xf32>
    tpu.vector_store %arg17[%swap3A_213], %swap3A_216 {strides = array<i32>} : memref<32xf32, #tpu.memory_space<vmem>>, vector<16xf32>,
    %swap3A_217 = arith.constant 16 : index
    %swap3A_218 = tpu.vector_load %arg17[%swap3A_217] {strides = array<i32>} : memref<32xf32, #tpu.memory_space<vmem>>, vector<16xf32>,
    %swap3A_219 = vector.shape_cast %swap3A_218 : vector<16xf32> to vector<16xf32>
    %swap3A_220 = vector.shape_cast %max3A_212 : vector<16xf32> to vector<16xf32>
    tpu.vector_store %arg17[%swap3A_217], %swap3A_220 {strides = array<i32>} : memref<32xf32, #tpu.memory_space<vmem>>, vector<16xf32>,
    %get3A_221 = arith.constant 2 : index
    %get3A_222 = tpu.vector_load %arg17[%get3A_221] {strides = array<i32>} : memref<32xf32, #tpu.memory_space<vmem>>, vector<16xf32>,
    %get3A_223 = vector.shape_cast %get3A_222 : vector<16xf32> to vector<16xf32>
    %max3A_224 = arith.maximumf %max3A_212, %get3A_223 : vector<16xf32>
    %swap3A_225 = arith.constant 0 : index
    %swap3A_226 = tpu.vector_load %arg17[%swap3A_225] {strides = array<i32>} : memref<32xf32, #tpu.memory_space<vmem>>, vector<16xf32>,
    %swap3A_227 = vector.shape_cast %swap3A_226 : vector<16xf32> to vector<16xf32>
    %swap3A_228 = vector.shape_cast %max3A_224 : vector<16xf32> to vector<16xf32>
    tpu.vector_store %arg17[%swap3A_225], %swap3A_228 {strides = array<i32>} : memref<32xf32, #tpu.memory_space<vmem>>, vector<16xf32>,
    %swap3A_229 = arith.constant 16 : index
    %swap3A_230 = tpu.vector_load %arg17[%swap3A_229] {strides = array<i32>} : memref<32xf32, #tpu.memory_space<vmem>>, vector<16xf32>,
    %swap3A_231 = vector.shape_cast %swap3A_230 : vector<16xf32> to vector<16xf32>
    %swap3A_232 = vector.shape_cast %max3A_224 : vector<16xf32> to vector<16xf32>
    tpu.vector_store %arg17[%swap3A_229], %swap3A_232 {strides = array<i32>} : memref<32xf32, #tpu.memory_space<vmem>>, vector<16xf32>,
    %get3A_233 = arith.constant 1 : index
    %get3A_234 = tpu.vector_load %arg17[%get3A_233] {strides = array<i32>} : memref<32xf32, #tpu.memory_space<vmem>>, vector<16xf32>,
    %get3A_235 = vector.shape_cast %get3A_234 : vector<16xf32> to vector<16xf32>
    %max3A_236 = arith.maximumf %max3A_224, %get3A_235 : vector<16xf32>
    %mul3A_237 = arith.constant 624 : i32
    %mul3A_238 = arith.muli %arg1, %mul3A_237 : i32
    "tpu.region"() ({
      %run_scoped3A = tpu.sem_alloc : memref<!tpu.dma_semaphore, #tpu.memory_space<semaphore_mem>>
      %dma_start3A_272 = arith.constant 0 : i32
      %dma_start3A_273 = tpu.memref_slice %arg18[%mul3A_238, %dma_start3A_272] : memref<10000x128xf32, #tpu.memory_space<vmem_shared>> -> memref<640x128xf32, #tpu.memory_space<vmem_shared>>
      %dma_start3A_274 = arith.constant 0 : i32
      %dma_start3A_275 = tpu.memref_slice %arg7[%mul3A_238, %dma_start3A_274] : memref<10000x128xf32, #tpu.memory_space<hbm>> -> memref<640x128xf32, #tpu.memory_space<hbm>>
      tpu.enqueue_dma source(%dma_start3A_275 : memref<640x128xf32, #tpu.memory_space<hbm>>) target(%dma_start3A_273 : memref<640x128xf32, #tpu.memory_space<vmem_shared>>) target_semaphore(%run_scoped3A : memref<!tpu.dma_semaphore, #tpu.memory_space<semaphore_mem>>)
      %dma_wait3A_276 = arith.constant 0 : i32
      %dma_wait3A_277 = tpu.memref_slice %arg18[%mul3A_238, %dma_wait3A_276] : memref<10000x128xf32, #tpu.memory_space<vmem_shared>> -> memref<640x128xf32, #tpu.memory_space<vmem_shared>>
      %dma_wait3A_278 = arith.constant 0 : i32
      %dma_wait3A_279 = tpu.memref_slice %arg7[%mul3A_238, %dma_wait3A_278] : memref<10000x128xf32, #tpu.memory_space<hbm>> -> memref<640x128xf32, #tpu.memory_space<hbm>>
      tpu.wait_dma2 semaphore(%run_scoped3A : memref<!tpu.dma_semaphore, #tpu.memory_space<semaphore_mem>>) src(%dma_wait3A_279 : memref<640x128xf32, #tpu.memory_space<hbm>>) dst(%dma_wait3A_277 : memref<640x128xf32, #tpu.memory_space<vmem_shared>>)
      tpu.yield
    }) : () -> ()
    %barrier3A = arith.constant 0 : index
    tpu.barrier barrier_id(%barrier3A)
    %mul3A_239 = arith.constant 10000 : i32
    %mul3A_240 = arith.muli %add3A, %mul3A_239 : i32
    %add3A_241 = arith.constant 0 : i32
    %add3A_242 = arith.addi %mul3A_240, %add3A_241 : i32
    "tpu.region"() ({
      %run_scoped3A = tpu.sem_alloc : memref<!tpu.dma_semaphore, #tpu.memory_space<semaphore_mem>>
      %dma_start3A_272 = tpu.memref_slice %arg3[%add3A_242] : memref<320000xi32, #tpu.memory_space<hbm>> -> memref<80xi32, #tpu.memory_space<hbm>>
      %dma_start3A_273 = tpu.memref_slice %arg3[%add3A_242] : memref<320000xi32, #tpu.memory_space<hbm>> -> memref<80xi32, #tpu.memory_space<hbm>>
      tpu.enqueue_dma source(%dma_start3A_273 : memref<80xi32, #tpu.memory_space<hbm>>) target(%arg10 : memref<80xi32, #tpu.memory_space<vmem>>) target_semaphore(%run_scoped3A : memref<!tpu.dma_semaphore, #tpu.memory_space<semaphore_mem>>)
      %dma_wait3A_274 = tpu.memref_slice %arg3[%add3A_242] : memref<320000xi32, #tpu.memory_space<hbm>> -> memref<80xi32, #tpu.memory_space<hbm>>
      %dma_wait3A_275 = tpu.memref_slice %arg3[%add3A_242] : memref<320000xi32, #tpu.memory_space<hbm>> -> memref<80xi32, #tpu.memory_space<hbm>>
      tpu.wait_dma2 semaphore(%run_scoped3A : memref<!tpu.dma_semaphore, #tpu.memory_space<semaphore_mem>>) src(%dma_wait3A_275 : memref<80xi32, #tpu.memory_space<hbm>>) dst(%arg10 : memref<80xi32, #tpu.memory_space<vmem>>)
      tpu.yield
    }) : () -> ()
    %dma_start3A = arith.constant 0 : i32
    %dma_start3A_243 = arith.constant 0 : i32
    %dma_start3A_244 = tpu.memref_slice %arg4[%dma_start3A, %dma_start3A_243] : memref<10000x128xf32, #tpu.memory_space<hbm>> -> memref<10000x128xf32, #tpu.memory_space<hbm>>
    tpu.enqueue_indirect_dma source(%dma_start3A_244 : memref<10000x128xf32, #tpu.memory_space<hbm>>) target(%arg12 : memref<80x128xf32, #tpu.memory_space<vmem>>) offsets(%arg10 : memref<80xi32, #tpu.memory_space<vmem>>) semaphore(%arg19 : memref<!tpu.dma_semaphore, #tpu.memory_space<semaphore_mem>>)
    %mul3A_245 = arith.constant 10000 : i32
    %mul3A_246 = arith.muli %add3A, %mul3A_245 : i32
    %add3A_247 = arith.constant 80 : i32
    %add3A_248 = arith.addi %mul3A_246, %add3A_247 : i32
    "tpu.region"() ({
      %run_scoped3A = tpu.sem_alloc : memref<!tpu.dma_semaphore, #tpu.memory_space<semaphore_mem>>
      %dma_start3A_272 = tpu.memref_slice %arg3[%add3A_248] : memref<320000xi32, #tpu.memory_space<hbm>> -> memref<80xi32, #tpu.memory_space<hbm>>
      %dma_start3A_273 = tpu.memref_slice %arg3[%add3A_248] : memref<320000xi32, #tpu.memory_space<hbm>> -> memref<80xi32, #tpu.memory_space<hbm>>
      tpu.enqueue_dma source(%dma_start3A_273 : memref<80xi32, #tpu.memory_space<hbm>>) target(%arg11 : memref<80xi32, #tpu.memory_space<vmem>>) target_semaphore(%run_scoped3A : memref<!tpu.dma_semaphore, #tpu.memory_space<semaphore_mem>>)
      %dma_wait3A_274 = tpu.memref_slice %arg3[%add3A_248] : memref<320000xi32, #tpu.memory_space<hbm>> -> memref<80xi32, #tpu.memory_space<hbm>>
      %dma_wait3A_275 = tpu.memref_slice %arg3[%add3A_248] : memref<320000xi32, #tpu.memory_space<hbm>> -> memref<80xi32, #tpu.memory_space<hbm>>
      tpu.wait_dma2 semaphore(%run_scoped3A : memref<!tpu.dma_semaphore, #tpu.memory_space<semaphore_mem>>) src(%dma_wait3A_275 : memref<80xi32, #tpu.memory_space<hbm>>) dst(%arg11 : memref<80xi32, #tpu.memory_space<vmem>>)
      tpu.yield
    }) : () -> ()
    %dma_start3A_249 = arith.constant 0 : i32
    %dma_start3A_250 = arith.constant 0 : i32
    %dma_start3A_251 = tpu.memref_slice %arg4[%dma_start3A_249, %dma_start3A_250] : memref<10000x128xf32, #tpu.memory_space<hbm>> -> memref<10000x128xf32, #tpu.memory_space<hbm>>
    tpu.enqueue_indirect_dma source(%dma_start3A_251 : memref<10000x128xf32, #tpu.memory_space<hbm>>) target(%arg13 : memref<80x128xf32, #tpu.memory_space<vmem>>) offsets(%arg11 : memref<80xi32, #tpu.memory_space<vmem>>) semaphore(%arg20 : memref<!tpu.dma_semaphore, #tpu.memory_space<semaphore_mem>>)
    %scan3A = arith.constant 0 : i32
    %scan3A_252 = arith.constant 0 : i32
    %scan3A_253 = arith.constant 62 : i32
    %scan3A_254 = arith.addi %scan3A_252, %scan3A_253 : i32
    %scan3A_255 = arith.constant 1 : i32
    scf.for %scan3A_272 = %scan3A_252 to %scan3A_254 step %scan3A_255  : i32 {
      %mul3A_273 = arith.constant 2 : i32
      %mul3A_274 = arith.muli %mul3A_273, %scan3A_272 : i32
      %mul3A_275 = arith.constant 10000 : i32
      %mul3A_276 = arith.muli %add3A, %mul3A_275 : i32
      %mul3A_277 = arith.constant 80 : i32
      %mul3A_278 = arith.muli %mul3A_274, %mul3A_277 : i32
      %add3A_279 = arith.addi %mul3A_276, %mul3A_278 : i32
      %dma_wait3A_280 = arith.constant 0 : i32
      %dma_wait3A_281 = arith.constant 0 : i32
      %dma_wait3A_282 = tpu.memref_slice %arg4[%dma_wait3A_280, %dma_wait3A_281] : memref<10000x128xf32, #tpu.memory_space<hbm>> -> memref<10000x128xf32, #tpu.memory_space<hbm>>
      tpu.wait_indirect_dma semaphore(%arg19 : memref<!tpu.dma_semaphore, #tpu.memory_space<semaphore_mem>>) src(%dma_wait3A_282 : memref<10000x128xf32, #tpu.memory_space<hbm>>) dst(%arg12 : memref<80x128xf32, #tpu.memory_space<vmem>>)
      "tpu.region"() ({
        %run_scoped3A = tpu.sem_alloc : memref<!tpu.dma_semaphore, #tpu.memory_space<semaphore_mem>>
        %dma_start3A_320 = arith.constant 0 : i32
        %dma_start3A_321 = tpu.memref_slice %arg5[%add3A_279, %dma_start3A_320] : memref<320000x16xf32, #tpu.memory_space<hbm>> -> memref<80x16xf32, #tpu.memory_space<hbm>>
        %dma_start3A_322 = arith.constant 0 : i32
        %dma_start3A_323 = tpu.memref_slice %arg5[%add3A_279, %dma_start3A_322] : memref<320000x16xf32, #tpu.memory_space<hbm>> -> memref<80x16xf32, #tpu.memory_space<hbm>>
        tpu.enqueue_dma source(%dma_start3A_323 : memref<80x16xf32, #tpu.memory_space<hbm>>) target(%arg15 : memref<80x16xf32, #tpu.memory_space<vmem>>) target_semaphore(%run_scoped3A : memref<!tpu.dma_semaphore, #tpu.memory_space<semaphore_mem>>)
        %dma_wait3A_324 = arith.constant 0 : i32
        %dma_wait3A_325 = tpu.memref_slice %arg5[%add3A_279, %dma_wait3A_324] : memref<320000x16xf32, #tpu.memory_space<hbm>> -> memref<80x16xf32, #tpu.memory_space<hbm>>
        %dma_wait3A_326 = arith.constant 0 : i32
        %dma_wait3A_327 = tpu.memref_slice %arg5[%add3A_279, %dma_wait3A_326] : memref<320000x16xf32, #tpu.memory_space<hbm>> -> memref<80x16xf32, #tpu.memory_space<hbm>>
        tpu.wait_dma2 semaphore(%run_scoped3A : memref<!tpu.dma_semaphore, #tpu.memory_space<semaphore_mem>>) src(%dma_wait3A_327 : memref<80x16xf32, #tpu.memory_space<hbm>>) dst(%arg15 : memref<80x16xf32, #tpu.memory_space<vmem>>)
        tpu.yield
      }) : () -> ()
      "tpu.region"() ({
        %run_scoped3A = tpu.sem_alloc : memref<!tpu.dma_semaphore, #tpu.memory_space<semaphore_mem>>
        %dma_start3A_320 = tpu.memref_slice %arg2[%add3A_279] : memref<320000xi32, #tpu.memory_space<hbm>> -> memref<80xi32, #tpu.memory_space<hbm>>
        %dma_start3A_321 = tpu.memref_slice %arg2[%add3A_279] : memref<320000xi32, #tpu.memory_space<hbm>> -> memref<80xi32, #tpu.memory_space<hbm>>
        tpu.enqueue_dma source(%dma_start3A_321 : memref<80xi32, #tpu.memory_space<hbm>>) target(%arg9 : memref<80xi32, #tpu.memory_space<vmem>>) target_semaphore(%run_scoped3A : memref<!tpu.dma_semaphore, #tpu.memory_space<semaphore_mem>>)
        %dma_wait3A_322 = tpu.memref_slice %arg2[%add3A_279] : memref<320000xi32, #tpu.memory_space<hbm>> -> memref<80xi32, #tpu.memory_space<hbm>>
        %dma_wait3A_323 = tpu.memref_slice %arg2[%add3A_279] : memref<320000xi32, #tpu.memory_space<hbm>> -> memref<80xi32, #tpu.memory_space<hbm>>
        tpu.wait_dma2 semaphore(%run_scoped3A : memref<!tpu.dma_semaphore, #tpu.memory_space<semaphore_mem>>) src(%dma_wait3A_323 : memref<80xi32, #tpu.memory_space<hbm>>) dst(%arg9 : memref<80xi32, #tpu.memory_space<vmem>>)
        tpu.yield
      }) : () -> ()
      %scan3A_283 = arith.constant 0 : i32
      %scan3A_284 = arith.constant 0 : i32
      %scan3A_285 = arith.constant 80 : i32
      %scan3A_286 = arith.addi %scan3A_284, %scan3A_285 : i32
      %scan3A_287 = arith.constant 1 : i32
      scf.for %scan3A_320 = %scan3A_284 to %scan3A_286 step %scan3A_287  : i32 {
        %get3A_321 = arith.index_cast %scan3A_320 : i32 to index
        %get3A_322 = arith.constant 0 : index
        %get3A_323 = tpu.vector_load %arg15[%get3A_321, %get3A_322] {strides = array<i32>} : memref<80x16xf32, #tpu.memory_space<vmem>>, vector<1x16xf32>,
        %get3A_324 = vector.shape_cast %get3A_323 : vector<1x16xf32> to vector<16xf32>
        %sub3A = arith.subf %get3A_324, %max3A_236 : vector<16xf32>
        %exp3A = math.exp %sub3A : vector<16xf32>
        %get3A_325 = arith.index_cast %scan3A_320 : i32 to index
        %get3A_326 = arith.constant 0 : index
        %get3A_327 = tpu.vector_load %arg12[%get3A_325, %get3A_326] {strides = array<i32>} : memref<80x128xf32, #tpu.memory_space<vmem>>, vector<1x16xf32>,
        %get3A_328 = vector.shape_cast %get3A_327 : vector<1x16xf32> to vector<16xf32>
        %mul3A_329 = arith.mulf %get3A_328, %exp3A : vector<16xf32>
        %swap3A_330 = arith.index_cast %scan3A_320 : i32 to index
        %swap3A_331 = arith.constant 0 : index
        %swap3A_332 = tpu.vector_load %arg14[%swap3A_330, %swap3A_331] {strides = array<i32>} : memref<80x128xf32, #tpu.memory_space<vmem>>, vector<1x16xf32>,
        %swap3A_333 = vector.shape_cast %swap3A_332 : vector<1x16xf32> to vector<16xf32>
        %swap3A_334 = vector.shape_cast %mul3A_329 : vector<16xf32> to vector<1x16xf32>
        tpu.vector_store %arg14[%swap3A_330, %swap3A_331], %swap3A_334 {strides = array<i32>} : memref<80x128xf32, #tpu.memory_space<vmem>>, vector<1x16xf32>,
        %get3A_335 = arith.index_cast %scan3A_320 : i32 to index
        %get3A_336 = arith.constant 16 : index
        %get3A_337 = tpu.vector_load %arg12[%get3A_335, %get3A_336] {strides = array<i32>} : memref<80x128xf32, #tpu.memory_space<vmem>>, vector<1x16xf32>,
        %get3A_338 = vector.shape_cast %get3A_337 : vector<1x16xf32> to vector<16xf32>
        %mul3A_339 = arith.mulf %get3A_338, %exp3A : vector<16xf32>
        %swap3A_340 = arith.index_cast %scan3A_320 : i32 to index
        %swap3A_341 = arith.constant 16 : index
        %swap3A_342 = tpu.vector_load %arg14[%swap3A_340, %swap3A_341] {strides = array<i32>} : memref<80x128xf32, #tpu.memory_space<vmem>>, vector<1x16xf32>,
        %swap3A_343 = vector.shape_cast %swap3A_342 : vector<1x16xf32> to vector<16xf32>
        %swap3A_344 = vector.shape_cast %mul3A_339 : vector<16xf32> to vector<1x16xf32>
        tpu.vector_store %arg14[%swap3A_340, %swap3A_341], %swap3A_344 {strides = array<i32>} : memref<80x128xf32, #tpu.memory_space<vmem>>, vector<1x16xf32>,
        %get3A_345 = arith.index_cast %scan3A_320 : i32 to index
        %get3A_346 = arith.constant 32 : index
        %get3A_347 = tpu.vector_load %arg12[%get3A_345, %get3A_346] {strides = array<i32>} : memref<80x128xf32, #tpu.memory_space<vmem>>, vector<1x16xf32>,
        %get3A_348 = vector.shape_cast %get3A_347 : vector<1x16xf32> to vector<16xf32>
        %mul3A_349 = arith.mulf %get3A_348, %exp3A : vector<16xf32>
        %swap3A_350 = arith.index_cast %scan3A_320 : i32 to index
        %swap3A_351 = arith.constant 32 : index
        %swap3A_352 = tpu.vector_load %arg14[%swap3A_350, %swap3A_351] {strides = array<i32>} : memref<80x128xf32, #tpu.memory_space<vmem>>, vector<1x16xf32>,
        %swap3A_353 = vector.shape_cast %swap3A_352 : vector<1x16xf32> to vector<16xf32>
        %swap3A_354 = vector.shape_cast %mul3A_349 : vector<16xf32> to vector<1x16xf32>
        tpu.vector_store %arg14[%swap3A_350, %swap3A_351], %swap3A_354 {strides = array<i32>} : memref<80x128xf32, #tpu.memory_space<vmem>>, vector<1x16xf32>,
        %get3A_355 = arith.index_cast %scan3A_320 : i32 to index
        %get3A_356 = arith.constant 48 : index
        %get3A_357 = tpu.vector_load %arg12[%get3A_355, %get3A_356] {strides = array<i32>} : memref<80x128xf32, #tpu.memory_space<vmem>>, vector<1x16xf32>,
        %get3A_358 = vector.shape_cast %get3A_357 : vector<1x16xf32> to vector<16xf32>
        %mul3A_359 = arith.mulf %get3A_358, %exp3A : vector<16xf32>
        %swap3A_360 = arith.index_cast %scan3A_320 : i32 to index
        %swap3A_361 = arith.constant 48 : index
        %swap3A_362 = tpu.vector_load %arg14[%swap3A_360, %swap3A_361] {strides = array<i32>} : memref<80x128xf32, #tpu.memory_space<vmem>>, vector<1x16xf32>,
        %swap3A_363 = vector.shape_cast %swap3A_362 : vector<1x16xf32> to vector<16xf32>
        %swap3A_364 = vector.shape_cast %mul3A_359 : vector<16xf32> to vector<1x16xf32>
        tpu.vector_store %arg14[%swap3A_360, %swap3A_361], %swap3A_364 {strides = array<i32>} : memref<80x128xf32, #tpu.memory_space<vmem>>, vector<1x16xf32>,
        %get3A_365 = arith.index_cast %scan3A_320 : i32 to index
        %get3A_366 = arith.constant 64 : index
        %get3A_367 = tpu.vector_load %arg12[%get3A_365, %get3A_366] {strides = array<i32>} : memref<80x128xf32, #tpu.memory_space<vmem>>, vector<1x16xf32>,
        %get3A_368 = vector.shape_cast %get3A_367 : vector<1x16xf32> to vector<16xf32>
        %mul3A_369 = arith.mulf %get3A_368, %exp3A : vector<16xf32>
        %swap3A_370 = arith.index_cast %scan3A_320 : i32 to index
        %swap3A_371 = arith.constant 64 : index
        %swap3A_372 = tpu.vector_load %arg14[%swap3A_370, %swap3A_371] {strides = array<i32>} : memref<80x128xf32, #tpu.memory_space<vmem>>, vector<1x16xf32>,
        %swap3A_373 = vector.shape_cast %swap3A_372 : vector<1x16xf32> to vector<16xf32>
        %swap3A_374 = vector.shape_cast %mul3A_369 : vector<16xf32> to vector<1x16xf32>
        tpu.vector_store %arg14[%swap3A_370, %swap3A_371], %swap3A_374 {strides = array<i32>} : memref<80x128xf32, #tpu.memory_space<vmem>>, vector<1x16xf32>,
        %get3A_375 = arith.index_cast %scan3A_320 : i32 to index
        %get3A_376 = arith.constant 80 : index
        %get3A_377 = tpu.vector_load %arg12[%get3A_375, %get3A_376] {strides = array<i32>} : memref<80x128xf32, #tpu.memory_space<vmem>>, vector<1x16xf32>,
        %get3A_378 = vector.shape_cast %get3A_377 : vector<1x16xf32> to vector<16xf32>
        %mul3A_379 = arith.mulf %get3A_378, %exp3A : vector<16xf32>
        %swap3A_380 = arith.index_cast %scan3A_320 : i32 to index
        %swap3A_381 = arith.constant 80 : index
        %swap3A_382 = tpu.vector_load %arg14[%swap3A_380, %swap3A_381] {strides = array<i32>} : memref<80x128xf32, #tpu.memory_space<vmem>>, vector<1x16xf32>,
        %swap3A_383 = vector.shape_cast %swap3A_382 : vector<1x16xf32> to vector<16xf32>
        %swap3A_384 = vector.shape_cast %mul3A_379 : vector<16xf32> to vector<1x16xf32>
        tpu.vector_store %arg14[%swap3A_380, %swap3A_381], %swap3A_384 {strides = array<i32>} : memref<80x128xf32, #tpu.memory_space<vmem>>, vector<1x16xf32>,
        %get3A_385 = arith.index_cast %scan3A_320 : i32 to index
        %get3A_386 = arith.constant 96 : index
        %get3A_387 = tpu.vector_load %arg12[%get3A_385, %get3A_386] {strides = array<i32>} : memref<80x128xf32, #tpu.memory_space<vmem>>, vector<1x16xf32>,
        %get3A_388 = vector.shape_cast %get3A_387 : vector<1x16xf32> to vector<16xf32>
        %mul3A_389 = arith.mulf %get3A_388, %exp3A : vector<16xf32>
        %swap3A_390 = arith.index_cast %scan3A_320 : i32 to index
        %swap3A_391 = arith.constant 96 : index
        %swap3A_392 = tpu.vector_load %arg14[%swap3A_390, %swap3A_391] {strides = array<i32>} : memref<80x128xf32, #tpu.memory_space<vmem>>, vector<1x16xf32>,
        %swap3A_393 = vector.shape_cast %swap3A_392 : vector<1x16xf32> to vector<16xf32>
        %swap3A_394 = vector.shape_cast %mul3A_389 : vector<16xf32> to vector<1x16xf32>
        tpu.vector_store %arg14[%swap3A_390, %swap3A_391], %swap3A_394 {strides = array<i32>} : memref<80x128xf32, #tpu.memory_space<vmem>>, vector<1x16xf32>,
        %get3A_395 = arith.index_cast %scan3A_320 : i32 to index
        %get3A_396 = arith.constant 112 : index
        %get3A_397 = tpu.vector_load %arg12[%get3A_395, %get3A_396] {strides = array<i32>} : memref<80x128xf32, #tpu.memory_space<vmem>>, vector<1x16xf32>,
        %get3A_398 = vector.shape_cast %get3A_397 : vector<1x16xf32> to vector<16xf32>
        %mul3A_399 = arith.mulf %get3A_398, %exp3A : vector<16xf32>
        %swap3A_400 = arith.index_cast %scan3A_320 : i32 to index
        %swap3A_401 = arith.constant 112 : index
        %swap3A_402 = tpu.vector_load %arg14[%swap3A_400, %swap3A_401] {strides = array<i32>} : memref<80x128xf32, #tpu.memory_space<vmem>>, vector<1x16xf32>,
        %swap3A_403 = vector.shape_cast %swap3A_402 : vector<1x16xf32> to vector<16xf32>
        %swap3A_404 = vector.shape_cast %mul3A_399 : vector<16xf32> to vector<1x16xf32>
        tpu.vector_store %arg14[%swap3A_400, %swap3A_401], %swap3A_404 {strides = array<i32>} : memref<80x128xf32, #tpu.memory_space<vmem>>, vector<1x16xf32>,
      }
      %scan3A_288 = arith.constant 80 : i32
      "tpu.region"() ({
        %run_scoped3A = tpu.sem_alloc : memref<!tpu.dma_semaphore, #tpu.memory_space<semaphore_mem>>
        %dma_start3A_320 = arith.constant 0 : i32
        %dma_start3A_321 = arith.constant 0 : i32
        %dma_start3A_322 = tpu.memref_slice %arg18[%dma_start3A_320, %dma_start3A_321] : memref<10000x128xf32, #tpu.memory_space<vmem_shared>> -> memref<10000x128xf32, #tpu.memory_space<vmem_shared>>
        tpu.enqueue_indirect_dma source(%arg14 : memref<80x128xf32, #tpu.memory_space<vmem>>) target(%dma_start3A_322 : memref<10000x128xf32, #tpu.memory_space<vmem_shared>>) offsets(%arg9 : memref<80xi32, #tpu.memory_space<vmem>>) semaphore(%run_scoped3A : memref<!tpu.dma_semaphore, #tpu.memory_space<semaphore_mem>>) {add = true}
        %dma_wait3A_323 = arith.constant 0 : i32
        %dma_wait3A_324 = arith.constant 0 : i32
        %dma_wait3A_325 = tpu.memref_slice %arg18[%dma_wait3A_323, %dma_wait3A_324] : memref<10000x128xf32, #tpu.memory_space<vmem_shared>> -> memref<10000x128xf32, #tpu.memory_space<vmem_shared>>
        tpu.wait_indirect_dma semaphore(%run_scoped3A : memref<!tpu.dma_semaphore, #tpu.memory_space<semaphore_mem>>) src(%arg14 : memref<80x128xf32, #tpu.memory_space<vmem>>) dst(%dma_wait3A_325 : memref<10000x128xf32, #tpu.memory_space<vmem_shared>>)
        tpu.yield
      }) : () -> ()
      %add3A_289 = arith.constant 2 : i32
      %add3A_290 = arith.addi %mul3A_274, %add3A_289 : i32
      %lt3A = arith.constant 125 : i32
      %lt3A_291 = arith.cmpi slt, %add3A_290, %lt3A : i32
      %convert_element_type3A_292 = arith.extui %lt3A_291 : i1 to i32
      %cond3A_293 = arith.constant 0 : i32
      %cond3A_294 = arith.cmpi ne, %convert_element_type3A_292, %cond3A_293 : i32
      scf.if %cond3A_294 {
        %add3A_320 = arith.constant 2 : i32
        %add3A_321 = arith.addi %mul3A_274, %add3A_320 : i32
        %mul3A_322 = arith.constant 10000 : i32
        %mul3A_323 = arith.muli %add3A, %mul3A_322 : i32
        %mul3A_324 = arith.constant 80 : i32
        %mul3A_325 = arith.muli %add3A_321, %mul3A_324 : i32
        %add3A_326 = arith.addi %mul3A_323, %mul3A_325 : i32
        "tpu.region"() ({
          %run_scoped3A = tpu.sem_alloc : memref<!tpu.dma_semaphore, #tpu.memory_space<semaphore_mem>>
          %dma_start3A_330 = tpu.memref_slice %arg3[%add3A_326] : memref<320000xi32, #tpu.memory_space<hbm>> -> memref<80xi32, #tpu.memory_space<hbm>>
          %dma_start3A_331 = tpu.memref_slice %arg3[%add3A_326] : memref<320000xi32, #tpu.memory_space<hbm>> -> memref<80xi32, #tpu.memory_space<hbm>>
          tpu.enqueue_dma source(%dma_start3A_331 : memref<80xi32, #tpu.memory_space<hbm>>) target(%arg10 : memref<80xi32, #tpu.memory_space<vmem>>) target_semaphore(%run_scoped3A : memref<!tpu.dma_semaphore, #tpu.memory_space<semaphore_mem>>)
          %dma_wait3A_332 = tpu.memref_slice %arg3[%add3A_326] : memref<320000xi32, #tpu.memory_space<hbm>> -> memref<80xi32, #tpu.memory_space<hbm>>
          %dma_wait3A_333 = tpu.memref_slice %arg3[%add3A_326] : memref<320000xi32, #tpu.memory_space<hbm>> -> memref<80xi32, #tpu.memory_space<hbm>>
          tpu.wait_dma2 semaphore(%run_scoped3A : memref<!tpu.dma_semaphore, #tpu.memory_space<semaphore_mem>>) src(%dma_wait3A_333 : memref<80xi32, #tpu.memory_space<hbm>>) dst(%arg10 : memref<80xi32, #tpu.memory_space<vmem>>)
          tpu.yield
        }) : () -> ()
        %dma_start3A_327 = arith.constant 0 : i32
        %dma_start3A_328 = arith.constant 0 : i32
        %dma_start3A_329 = tpu.memref_slice %arg4[%dma_start3A_327, %dma_start3A_328] : memref<10000x128xf32, #tpu.memory_space<hbm>> -> memref<10000x128xf32, #tpu.memory_space<hbm>>
        tpu.enqueue_indirect_dma source(%dma_start3A_329 : memref<10000x128xf32, #tpu.memory_space<hbm>>) target(%arg12 : memref<80x128xf32, #tpu.memory_space<vmem>>) offsets(%arg10 : memref<80xi32, #tpu.memory_space<vmem>>) semaphore(%arg19 : memref<!tpu.dma_semaphore, #tpu.memory_space<semaphore_mem>>)
      } else {
      }
      %mul3A_295 = arith.constant 2 : i32
      %mul3A_296 = arith.muli %mul3A_295, %scan3A_272 : i32
      %add3A_297 = arith.constant 1 : i32
      %add3A_298 = arith.addi %mul3A_296, %add3A_297 : i32
      %mul3A_299 = arith.constant 10000 : i32
      %mul3A_300 = arith.muli %add3A, %mul3A_299 : i32
      %mul3A_301 = arith.constant 80 : i32
      %mul3A_302 = arith.muli %add3A_298, %mul3A_301 : i32
      %add3A_303 = arith.addi %mul3A_300, %mul3A_302 : i32
      %dma_wait3A_304 = arith.constant 0 : i32
      %dma_wait3A_305 = arith.constant 0 : i32
      %dma_wait3A_306 = tpu.memref_slice %arg4[%dma_wait3A_304, %dma_wait3A_305] : memref<10000x128xf32, #tpu.memory_space<hbm>> -> memref<10000x128xf32, #tpu.memory_space<hbm>>
      tpu.wait_indirect_dma semaphore(%arg20 : memref<!tpu.dma_semaphore, #tpu.memory_space<semaphore_mem>>) src(%dma_wait3A_306 : memref<10000x128xf32, #tpu.memory_space<hbm>>) dst(%arg13 : memref<80x128xf32, #tpu.memory_space<vmem>>)
      "tpu.region"() ({
        %run_scoped3A = tpu.sem_alloc : memref<!tpu.dma_semaphore, #tpu.memory_space<semaphore_mem>>
        %dma_start3A_320 = arith.constant 0 : i32
        %dma_start3A_321 = tpu.memref_slice %arg5[%add3A_303, %dma_start3A_320] : memref<320000x16xf32, #tpu.memory_space<hbm>> -> memref<80x16xf32, #tpu.memory_space<hbm>>
        %dma_start3A_322 = arith.constant 0 : i32
        %dma_start3A_323 = tpu.memref_slice %arg5[%add3A_303, %dma_start3A_322] : memref<320000x16xf32, #tpu.memory_space<hbm>> -> memref<80x16xf32, #tpu.memory_space<hbm>>
        tpu.enqueue_dma source(%dma_start3A_323 : memref<80x16xf32, #tpu.memory_space<hbm>>) target(%arg15 : memref<80x16xf32, #tpu.memory_space<vmem>>) target_semaphore(%run_scoped3A : memref<!tpu.dma_semaphore, #tpu.memory_space<semaphore_mem>>)
        %dma_wait3A_324 = arith.constant 0 : i32
        %dma_wait3A_325 = tpu.memref_slice %arg5[%add3A_303, %dma_wait3A_324] : memref<320000x16xf32, #tpu.memory_space<hbm>> -> memref<80x16xf32, #tpu.memory_space<hbm>>
        %dma_wait3A_326 = arith.constant 0 : i32
        %dma_wait3A_327 = tpu.memref_slice %arg5[%add3A_303, %dma_wait3A_326] : memref<320000x16xf32, #tpu.memory_space<hbm>> -> memref<80x16xf32, #tpu.memory_space<hbm>>
        tpu.wait_dma2 semaphore(%run_scoped3A : memref<!tpu.dma_semaphore, #tpu.memory_space<semaphore_mem>>) src(%dma_wait3A_327 : memref<80x16xf32, #tpu.memory_space<hbm>>) dst(%arg15 : memref<80x16xf32, #tpu.memory_space<vmem>>)
        tpu.yield
      }) : () -> ()
      "tpu.region"() ({
        %run_scoped3A = tpu.sem_alloc : memref<!tpu.dma_semaphore, #tpu.memory_space<semaphore_mem>>
        %dma_start3A_320 = tpu.memref_slice %arg2[%add3A_303] : memref<320000xi32, #tpu.memory_space<hbm>> -> memref<80xi32, #tpu.memory_space<hbm>>
        %dma_start3A_321 = tpu.memref_slice %arg2[%add3A_303] : memref<320000xi32, #tpu.memory_space<hbm>> -> memref<80xi32, #tpu.memory_space<hbm>>
        tpu.enqueue_dma source(%dma_start3A_321 : memref<80xi32, #tpu.memory_space<hbm>>) target(%arg9 : memref<80xi32, #tpu.memory_space<vmem>>) target_semaphore(%run_scoped3A : memref<!tpu.dma_semaphore, #tpu.memory_space<semaphore_mem>>)
        %dma_wait3A_322 = tpu.memref_slice %arg2[%add3A_303] : memref<320000xi32, #tpu.memory_space<hbm>> -> memref<80xi32, #tpu.memory_space<hbm>>
        %dma_wait3A_323 = tpu.memref_slice %arg2[%add3A_303] : memref<320000xi32, #tpu.memory_space<hbm>> -> memref<80xi32, #tpu.memory_space<hbm>>
        tpu.wait_dma2 semaphore(%run_scoped3A : memref<!tpu.dma_semaphore, #tpu.memory_space<semaphore_mem>>) src(%dma_wait3A_323 : memref<80xi32, #tpu.memory_space<hbm>>) dst(%arg9 : memref<80xi32, #tpu.memory_space<vmem>>)
        tpu.yield
      }) : () -> ()
      %scan3A_307 = arith.constant 0 : i32
      %scan3A_308 = arith.constant 0 : i32
      %scan3A_309 = arith.constant 80 : i32
      %scan3A_310 = arith.addi %scan3A_308, %scan3A_309 : i32
      %scan3A_311 = arith.constant 1 : i32
      scf.for %scan3A_320 = %scan3A_308 to %scan3A_310 step %scan3A_311  : i32 {
        %get3A_321 = arith.index_cast %scan3A_320 : i32 to index
        %get3A_322 = arith.constant 0 : index
        %get3A_323 = tpu.vector_load %arg15[%get3A_321, %get3A_322] {strides = array<i32>} : memref<80x16xf32, #tpu.memory_space<vmem>>, vector<1x16xf32>,
        %get3A_324 = vector.shape_cast %get3A_323 : vector<1x16xf32> to vector<16xf32>
        %sub3A = arith.subf %get3A_324, %max3A_236 : vector<16xf32>
        %exp3A = math.exp %sub3A : vector<16xf32>
        %get3A_325 = arith.index_cast %scan3A_320 : i32 to index
        %get3A_326 = arith.constant 0 : index
        %get3A_327 = tpu.vector_load %arg13[%get3A_325, %get3A_326] {strides = array<i32>} : memref<80x128xf32, #tpu.memory_space<vmem>>, vector<1x16xf32>,
        %get3A_328 = vector.shape_cast %get3A_327 : vector<1x16xf32> to vector<16xf32>
        %mul3A_329 = arith.mulf %get3A_328, %exp3A : vector<16xf32>
        %swap3A_330 = arith.index_cast %scan3A_320 : i32 to index
        %swap3A_331 = arith.constant 0 : index
        %swap3A_332 = tpu.vector_load %arg14[%swap3A_330, %swap3A_331] {strides = array<i32>} : memref<80x128xf32, #tpu.memory_space<vmem>>, vector<1x16xf32>,
        %swap3A_333 = vector.shape_cast %swap3A_332 : vector<1x16xf32> to vector<16xf32>
        %swap3A_334 = vector.shape_cast %mul3A_329 : vector<16xf32> to vector<1x16xf32>
        tpu.vector_store %arg14[%swap3A_330, %swap3A_331], %swap3A_334 {strides = array<i32>} : memref<80x128xf32, #tpu.memory_space<vmem>>, vector<1x16xf32>,
        %get3A_335 = arith.index_cast %scan3A_320 : i32 to index
        %get3A_336 = arith.constant 16 : index
        %get3A_337 = tpu.vector_load %arg13[%get3A_335, %get3A_336] {strides = array<i32>} : memref<80x128xf32, #tpu.memory_space<vmem>>, vector<1x16xf32>,
        %get3A_338 = vector.shape_cast %get3A_337 : vector<1x16xf32> to vector<16xf32>
        %mul3A_339 = arith.mulf %get3A_338, %exp3A : vector<16xf32>
        %swap3A_340 = arith.index_cast %scan3A_320 : i32 to index
        %swap3A_341 = arith.constant 16 : index
        %swap3A_342 = tpu.vector_load %arg14[%swap3A_340, %swap3A_341] {strides = array<i32>} : memref<80x128xf32, #tpu.memory_space<vmem>>, vector<1x16xf32>,
        %swap3A_343 = vector.shape_cast %swap3A_342 : vector<1x16xf32> to vector<16xf32>
        %swap3A_344 = vector.shape_cast %mul3A_339 : vector<16xf32> to vector<1x16xf32>
        tpu.vector_store %arg14[%swap3A_340, %swap3A_341], %swap3A_344 {strides = array<i32>} : memref<80x128xf32, #tpu.memory_space<vmem>>, vector<1x16xf32>,
        %get3A_345 = arith.index_cast %scan3A_320 : i32 to index
        %get3A_346 = arith.constant 32 : index
        %get3A_347 = tpu.vector_load %arg13[%get3A_345, %get3A_346] {strides = array<i32>} : memref<80x128xf32, #tpu.memory_space<vmem>>, vector<1x16xf32>,
        %get3A_348 = vector.shape_cast %get3A_347 : vector<1x16xf32> to vector<16xf32>
        %mul3A_349 = arith.mulf %get3A_348, %exp3A : vector<16xf32>
        %swap3A_350 = arith.index_cast %scan3A_320 : i32 to index
        %swap3A_351 = arith.constant 32 : index
        %swap3A_352 = tpu.vector_load %arg14[%swap3A_350, %swap3A_351] {strides = array<i32>} : memref<80x128xf32, #tpu.memory_space<vmem>>, vector<1x16xf32>,
        %swap3A_353 = vector.shape_cast %swap3A_352 : vector<1x16xf32> to vector<16xf32>
        %swap3A_354 = vector.shape_cast %mul3A_349 : vector<16xf32> to vector<1x16xf32>
        tpu.vector_store %arg14[%swap3A_350, %swap3A_351], %swap3A_354 {strides = array<i32>} : memref<80x128xf32, #tpu.memory_space<vmem>>, vector<1x16xf32>,
        %get3A_355 = arith.index_cast %scan3A_320 : i32 to index
        %get3A_356 = arith.constant 48 : index
        %get3A_357 = tpu.vector_load %arg13[%get3A_355, %get3A_356] {strides = array<i32>} : memref<80x128xf32, #tpu.memory_space<vmem>>, vector<1x16xf32>,
        %get3A_358 = vector.shape_cast %get3A_357 : vector<1x16xf32> to vector<16xf32>
        %mul3A_359 = arith.mulf %get3A_358, %exp3A : vector<16xf32>
        %swap3A_360 = arith.index_cast %scan3A_320 : i32 to index
        %swap3A_361 = arith.constant 48 : index
        %swap3A_362 = tpu.vector_load %arg14[%swap3A_360, %swap3A_361] {strides = array<i32>} : memref<80x128xf32, #tpu.memory_space<vmem>>, vector<1x16xf32>,
        %swap3A_363 = vector.shape_cast %swap3A_362 : vector<1x16xf32> to vector<16xf32>
        %swap3A_364 = vector.shape_cast %mul3A_359 : vector<16xf32> to vector<1x16xf32>
        tpu.vector_store %arg14[%swap3A_360, %swap3A_361], %swap3A_364 {strides = array<i32>} : memref<80x128xf32, #tpu.memory_space<vmem>>, vector<1x16xf32>,
        %get3A_365 = arith.index_cast %scan3A_320 : i32 to index
        %get3A_366 = arith.constant 64 : index
        %get3A_367 = tpu.vector_load %arg13[%get3A_365, %get3A_366] {strides = array<i32>} : memref<80x128xf32, #tpu.memory_space<vmem>>, vector<1x16xf32>,
        %get3A_368 = vector.shape_cast %get3A_367 : vector<1x16xf32> to vector<16xf32>
        %mul3A_369 = arith.mulf %get3A_368, %exp3A : vector<16xf32>
        %swap3A_370 = arith.index_cast %scan3A_320 : i32 to index
        %swap3A_371 = arith.constant 64 : index
        %swap3A_372 = tpu.vector_load %arg14[%swap3A_370, %swap3A_371] {strides = array<i32>} : memref<80x128xf32, #tpu.memory_space<vmem>>, vector<1x16xf32>,
        %swap3A_373 = vector.shape_cast %swap3A_372 : vector<1x16xf32> to vector<16xf32>
        %swap3A_374 = vector.shape_cast %mul3A_369 : vector<16xf32> to vector<1x16xf32>
        tpu.vector_store %arg14[%swap3A_370, %swap3A_371], %swap3A_374 {strides = array<i32>} : memref<80x128xf32, #tpu.memory_space<vmem>>, vector<1x16xf32>,
        %get3A_375 = arith.index_cast %scan3A_320 : i32 to index
        %get3A_376 = arith.constant 80 : index
        %get3A_377 = tpu.vector_load %arg13[%get3A_375, %get3A_376] {strides = array<i32>} : memref<80x128xf32, #tpu.memory_space<vmem>>, vector<1x16xf32>,
        %get3A_378 = vector.shape_cast %get3A_377 : vector<1x16xf32> to vector<16xf32>
        %mul3A_379 = arith.mulf %get3A_378, %exp3A : vector<16xf32>
        %swap3A_380 = arith.index_cast %scan3A_320 : i32 to index
        %swap3A_381 = arith.constant 80 : index
        %swap3A_382 = tpu.vector_load %arg14[%swap3A_380, %swap3A_381] {strides = array<i32>} : memref<80x128xf32, #tpu.memory_space<vmem>>, vector<1x16xf32>,
        %swap3A_383 = vector.shape_cast %swap3A_382 : vector<1x16xf32> to vector<16xf32>
        %swap3A_384 = vector.shape_cast %mul3A_379 : vector<16xf32> to vector<1x16xf32>
        tpu.vector_store %arg14[%swap3A_380, %swap3A_381], %swap3A_384 {strides = array<i32>} : memref<80x128xf32, #tpu.memory_space<vmem>>, vector<1x16xf32>,
        %get3A_385 = arith.index_cast %scan3A_320 : i32 to index
        %get3A_386 = arith.constant 96 : index
        %get3A_387 = tpu.vector_load %arg13[%get3A_385, %get3A_386] {strides = array<i32>} : memref<80x128xf32, #tpu.memory_space<vmem>>, vector<1x16xf32>,
        %get3A_388 = vector.shape_cast %get3A_387 : vector<1x16xf32> to vector<16xf32>
        %mul3A_389 = arith.mulf %get3A_388, %exp3A : vector<16xf32>
        %swap3A_390 = arith.index_cast %scan3A_320 : i32 to index
        %swap3A_391 = arith.constant 96 : index
        %swap3A_392 = tpu.vector_load %arg14[%swap3A_390, %swap3A_391] {strides = array<i32>} : memref<80x128xf32, #tpu.memory_space<vmem>>, vector<1x16xf32>,
        %swap3A_393 = vector.shape_cast %swap3A_392 : vector<1x16xf32> to vector<16xf32>
        %swap3A_394 = vector.shape_cast %mul3A_389 : vector<16xf32> to vector<1x16xf32>
        tpu.vector_store %arg14[%swap3A_390, %swap3A_391], %swap3A_394 {strides = array<i32>} : memref<80x128xf32, #tpu.memory_space<vmem>>, vector<1x16xf32>,
        %get3A_395 = arith.index_cast %scan3A_320 : i32 to index
        %get3A_396 = arith.constant 112 : index
        %get3A_397 = tpu.vector_load %arg13[%get3A_395, %get3A_396] {strides = array<i32>} : memref<80x128xf32, #tpu.memory_space<vmem>>, vector<1x16xf32>,
        %get3A_398 = vector.shape_cast %get3A_397 : vector<1x16xf32> to vector<16xf32>
        %mul3A_399 = arith.mulf %get3A_398, %exp3A : vector<16xf32>
        %swap3A_400 = arith.index_cast %scan3A_320 : i32 to index
        %swap3A_401 = arith.constant 112 : index
        %swap3A_402 = tpu.vector_load %arg14[%swap3A_400, %swap3A_401] {strides = array<i32>} : memref<80x128xf32, #tpu.memory_space<vmem>>, vector<1x16xf32>,
        %swap3A_403 = vector.shape_cast %swap3A_402 : vector<1x16xf32> to vector<16xf32>
        %swap3A_404 = vector.shape_cast %mul3A_399 : vector<16xf32> to vector<1x16xf32>
        tpu.vector_store %arg14[%swap3A_400, %swap3A_401], %swap3A_404 {strides = array<i32>} : memref<80x128xf32, #tpu.memory_space<vmem>>, vector<1x16xf32>,
      }
      %scan3A_312 = arith.constant 80 : i32
      "tpu.region"() ({
        %run_scoped3A = tpu.sem_alloc : memref<!tpu.dma_semaphore, #tpu.memory_space<semaphore_mem>>
        %dma_start3A_320 = arith.constant 0 : i32
        %dma_start3A_321 = arith.constant 0 : i32
        %dma_start3A_322 = tpu.memref_slice %arg18[%dma_start3A_320, %dma_start3A_321] : memref<10000x128xf32, #tpu.memory_space<vmem_shared>> -> memref<10000x128xf32, #tpu.memory_space<vmem_shared>>
        tpu.enqueue_indirect_dma source(%arg14 : memref<80x128xf32, #tpu.memory_space<vmem>>) target(%dma_start3A_322 : memref<10000x128xf32, #tpu.memory_space<vmem_shared>>) offsets(%arg9 : memref<80xi32, #tpu.memory_space<vmem>>) semaphore(%run_scoped3A : memref<!tpu.dma_semaphore, #tpu.memory_space<semaphore_mem>>) {add = true}
        %dma_wait3A_323 = arith.constant 0 : i32
        %dma_wait3A_324 = arith.constant 0 : i32
        %dma_wait3A_325 = tpu.memref_slice %arg18[%dma_wait3A_323, %dma_wait3A_324] : memref<10000x128xf32, #tpu.memory_space<vmem_shared>> -> memref<10000x128xf32, #tpu.memory_space<vmem_shared>>
        tpu.wait_indirect_dma semaphore(%run_scoped3A : memref<!tpu.dma_semaphore, #tpu.memory_space<semaphore_mem>>) src(%arg14 : memref<80x128xf32, #tpu.memory_space<vmem>>) dst(%dma_wait3A_325 : memref<10000x128xf32, #tpu.memory_space<vmem_shared>>)
        tpu.yield
      }) : () -> ()
      %add3A_313 = arith.constant 2 : i32
      %add3A_314 = arith.addi %add3A_298, %add3A_313 : i32
      %lt3A_315 = arith.constant 125 : i32
      %lt3A_316 = arith.cmpi slt, %add3A_314, %lt3A_315 : i32
      %convert_element_type3A_317 = arith.extui %lt3A_316 : i1 to i32
      %cond3A_318 = arith.constant 0 : i32
      %cond3A_319 = arith.cmpi ne, %convert_element_type3A_317, %cond3A_318 : i32
      scf.if %cond3A_319 {
        %add3A_320 = arith.constant 2 : i32
        %add3A_321 = arith.addi %add3A_298, %add3A_320 : i32
        %mul3A_322 = arith.constant 10000 : i32
        %mul3A_323 = arith.muli %add3A, %mul3A_322 : i32
        %mul3A_324 = arith.constant 80 : i32
        %mul3A_325 = arith.muli %add3A_321, %mul3A_324 : i32
        %add3A_326 = arith.addi %mul3A_323, %mul3A_325 : i32
        "tpu.region"() ({
          %run_scoped3A = tpu.sem_alloc : memref<!tpu.dma_semaphore, #tpu.memory_space<semaphore_mem>>
          %dma_start3A_330 = tpu.memref_slice %arg3[%add3A_326] : memref<320000xi32, #tpu.memory_space<hbm>> -> memref<80xi32, #tpu.memory_space<hbm>>
          %dma_start3A_331 = tpu.memref_slice %arg3[%add3A_326] : memref<320000xi32, #tpu.memory_space<hbm>> -> memref<80xi32, #tpu.memory_space<hbm>>
          tpu.enqueue_dma source(%dma_start3A_331 : memref<80xi32, #tpu.memory_space<hbm>>) target(%arg11 : memref<80xi32, #tpu.memory_space<vmem>>) target_semaphore(%run_scoped3A : memref<!tpu.dma_semaphore, #tpu.memory_space<semaphore_mem>>)
          %dma_wait3A_332 = tpu.memref_slice %arg3[%add3A_326] : memref<320000xi32, #tpu.memory_space<hbm>> -> memref<80xi32, #tpu.memory_space<hbm>>
          %dma_wait3A_333 = tpu.memref_slice %arg3[%add3A_326] : memref<320000xi32, #tpu.memory_space<hbm>> -> memref<80xi32, #tpu.memory_space<hbm>>
          tpu.wait_dma2 semaphore(%run_scoped3A : memref<!tpu.dma_semaphore, #tpu.memory_space<semaphore_mem>>) src(%dma_wait3A_333 : memref<80xi32, #tpu.memory_space<hbm>>) dst(%arg11 : memref<80xi32, #tpu.memory_space<vmem>>)
          tpu.yield
        }) : () -> ()
        %dma_start3A_327 = arith.constant 0 : i32
        %dma_start3A_328 = arith.constant 0 : i32
        %dma_start3A_329 = tpu.memref_slice %arg4[%dma_start3A_327, %dma_start3A_328] : memref<10000x128xf32, #tpu.memory_space<hbm>> -> memref<10000x128xf32, #tpu.memory_space<hbm>>
        tpu.enqueue_indirect_dma source(%dma_start3A_329 : memref<10000x128xf32, #tpu.memory_space<hbm>>) target(%arg13 : memref<80x128xf32, #tpu.memory_space<vmem>>) offsets(%arg11 : memref<80xi32, #tpu.memory_space<vmem>>) semaphore(%arg20 : memref<!tpu.dma_semaphore, #tpu.memory_space<semaphore_mem>>)
      } else {
      }
    }
    %scan3A_256 = arith.constant 62 : i32
    %mul3A_257 = arith.constant 10000 : i32
    %mul3A_258 = arith.muli %add3A, %mul3A_257 : i32
    %add3A_259 = arith.constant 9920 : i32
    %add3A_260 = arith.addi %mul3A_258, %add3A_259 : i32
    %dma_wait3A = arith.constant 0 : i32
    %dma_wait3A_261 = arith.constant 0 : i32
    %dma_wait3A_262 = tpu.memref_slice %arg4[%dma_wait3A, %dma_wait3A_261] : memref<10000x128xf32, #tpu.memory_space<hbm>> -> memref<10000x128xf32, #tpu.memory_space<hbm>>
    tpu.wait_indirect_dma semaphore(%arg19 : memref<!tpu.dma_semaphore, #tpu.memory_space<semaphore_mem>>) src(%dma_wait3A_262 : memref<10000x128xf32, #tpu.memory_space<hbm>>) dst(%arg12 : memref<80x128xf32, #tpu.memory_space<vmem>>)
    "tpu.region"() ({
      %run_scoped3A = tpu.sem_alloc : memref<!tpu.dma_semaphore, #tpu.memory_space<semaphore_mem>>
      %dma_start3A_272 = arith.constant 0 : i32
      %dma_start3A_273 = tpu.memref_slice %arg5[%add3A_260, %dma_start3A_272] : memref<320000x16xf32, #tpu.memory_space<hbm>> -> memref<80x16xf32, #tpu.memory_space<hbm>>
      %dma_start3A_274 = arith.constant 0 : i32
      %dma_start3A_275 = tpu.memref_slice %arg5[%add3A_260, %dma_start3A_274] : memref<320000x16xf32, #tpu.memory_space<hbm>> -> memref<80x16xf32, #tpu.memory_space<hbm>>
      tpu.enqueue_dma source(%dma_start3A_275 : memref<80x16xf32, #tpu.memory_space<hbm>>) target(%arg15 : memref<80x16xf32, #tpu.memory_space<vmem>>) target_semaphore(%run_scoped3A : memref<!tpu.dma_semaphore, #tpu.memory_space<semaphore_mem>>)
      %dma_wait3A_276 = arith.constant 0 : i32
      %dma_wait3A_277 = tpu.memref_slice %arg5[%add3A_260, %dma_wait3A_276] : memref<320000x16xf32, #tpu.memory_space<hbm>> -> memref<80x16xf32, #tpu.memory_space<hbm>>
      %dma_wait3A_278 = arith.constant 0 : i32
      %dma_wait3A_279 = tpu.memref_slice %arg5[%add3A_260, %dma_wait3A_278] : memref<320000x16xf32, #tpu.memory_space<hbm>> -> memref<80x16xf32, #tpu.memory_space<hbm>>
      tpu.wait_dma2 semaphore(%run_scoped3A : memref<!tpu.dma_semaphore, #tpu.memory_space<semaphore_mem>>) src(%dma_wait3A_279 : memref<80x16xf32, #tpu.memory_space<hbm>>) dst(%arg15 : memref<80x16xf32, #tpu.memory_space<vmem>>)
      tpu.yield
    }) : () -> ()
    "tpu.region"() ({
      %run_scoped3A = tpu.sem_alloc : memref<!tpu.dma_semaphore, #tpu.memory_space<semaphore_mem>>
      %dma_start3A_272 = tpu.memref_slice %arg2[%add3A_260] : memref<320000xi32, #tpu.memory_space<hbm>> -> memref<80xi32, #tpu.memory_space<hbm>>
      %dma_start3A_273 = tpu.memref_slice %arg2[%add3A_260] : memref<320000xi32, #tpu.memory_space<hbm>> -> memref<80xi32, #tpu.memory_space<hbm>>
      tpu.enqueue_dma source(%dma_start3A_273 : memref<80xi32, #tpu.memory_space<hbm>>) target(%arg9 : memref<80xi32, #tpu.memory_space<vmem>>) target_semaphore(%run_scoped3A : memref<!tpu.dma_semaphore, #tpu.memory_space<semaphore_mem>>)
      %dma_wait3A_274 = tpu.memref_slice %arg2[%add3A_260] : memref<320000xi32, #tpu.memory_space<hbm>> -> memref<80xi32, #tpu.memory_space<hbm>>
      %dma_wait3A_275 = tpu.memref_slice %arg2[%add3A_260] : memref<320000xi32, #tpu.memory_space<hbm>> -> memref<80xi32, #tpu.memory_space<hbm>>
      tpu.wait_dma2 semaphore(%run_scoped3A : memref<!tpu.dma_semaphore, #tpu.memory_space<semaphore_mem>>) src(%dma_wait3A_275 : memref<80xi32, #tpu.memory_space<hbm>>) dst(%arg9 : memref<80xi32, #tpu.memory_space<vmem>>)
      tpu.yield
    }) : () -> ()
    %scan3A_263 = arith.constant 0 : i32
    %scan3A_264 = arith.constant 0 : i32
    %scan3A_265 = arith.constant 80 : i32
    %scan3A_266 = arith.addi %scan3A_264, %scan3A_265 : i32
    %scan3A_267 = arith.constant 1 : i32
    scf.for %scan3A_272 = %scan3A_264 to %scan3A_266 step %scan3A_267  : i32 {
      %get3A_273 = arith.index_cast %scan3A_272 : i32 to index
      %get3A_274 = arith.constant 0 : index
      %get3A_275 = tpu.vector_load %arg15[%get3A_273, %get3A_274] {strides = array<i32>} : memref<80x16xf32, #tpu.memory_space<vmem>>, vector<1x16xf32>,
      %get3A_276 = vector.shape_cast %get3A_275 : vector<1x16xf32> to vector<16xf32>
      %sub3A = arith.subf %get3A_276, %max3A_236 : vector<16xf32>
      %exp3A = math.exp %sub3A : vector<16xf32>
      %get3A_277 = arith.index_cast %scan3A_272 : i32 to index
      %get3A_278 = arith.constant 0 : index
      %get3A_279 = tpu.vector_load %arg12[%get3A_277, %get3A_278] {strides = array<i32>} : memref<80x128xf32, #tpu.memory_space<vmem>>, vector<1x16xf32>,
      %get3A_280 = vector.shape_cast %get3A_279 : vector<1x16xf32> to vector<16xf32>
      %mul3A_281 = arith.mulf %get3A_280, %exp3A : vector<16xf32>
      %swap3A_282 = arith.index_cast %scan3A_272 : i32 to index
      %swap3A_283 = arith.constant 0 : index
      %swap3A_284 = tpu.vector_load %arg14[%swap3A_282, %swap3A_283] {strides = array<i32>} : memref<80x128xf32, #tpu.memory_space<vmem>>, vector<1x16xf32>,
      %swap3A_285 = vector.shape_cast %swap3A_284 : vector<1x16xf32> to vector<16xf32>
      %swap3A_286 = vector.shape_cast %mul3A_281 : vector<16xf32> to vector<1x16xf32>
      tpu.vector_store %arg14[%swap3A_282, %swap3A_283], %swap3A_286 {strides = array<i32>} : memref<80x128xf32, #tpu.memory_space<vmem>>, vector<1x16xf32>,
      %get3A_287 = arith.index_cast %scan3A_272 : i32 to index
      %get3A_288 = arith.constant 16 : index
      %get3A_289 = tpu.vector_load %arg12[%get3A_287, %get3A_288] {strides = array<i32>} : memref<80x128xf32, #tpu.memory_space<vmem>>, vector<1x16xf32>,
      %get3A_290 = vector.shape_cast %get3A_289 : vector<1x16xf32> to vector<16xf32>
      %mul3A_291 = arith.mulf %get3A_290, %exp3A : vector<16xf32>
      %swap3A_292 = arith.index_cast %scan3A_272 : i32 to index
      %swap3A_293 = arith.constant 16 : index
      %swap3A_294 = tpu.vector_load %arg14[%swap3A_292, %swap3A_293] {strides = array<i32>} : memref<80x128xf32, #tpu.memory_space<vmem>>, vector<1x16xf32>,
      %swap3A_295 = vector.shape_cast %swap3A_294 : vector<1x16xf32> to vector<16xf32>
      %swap3A_296 = vector.shape_cast %mul3A_291 : vector<16xf32> to vector<1x16xf32>
      tpu.vector_store %arg14[%swap3A_292, %swap3A_293], %swap3A_296 {strides = array<i32>} : memref<80x128xf32, #tpu.memory_space<vmem>>, vector<1x16xf32>,
      %get3A_297 = arith.index_cast %scan3A_272 : i32 to index
      %get3A_298 = arith.constant 32 : index
      %get3A_299 = tpu.vector_load %arg12[%get3A_297, %get3A_298] {strides = array<i32>} : memref<80x128xf32, #tpu.memory_space<vmem>>, vector<1x16xf32>,
      %get3A_300 = vector.shape_cast %get3A_299 : vector<1x16xf32> to vector<16xf32>
      %mul3A_301 = arith.mulf %get3A_300, %exp3A : vector<16xf32>
      %swap3A_302 = arith.index_cast %scan3A_272 : i32 to index
      %swap3A_303 = arith.constant 32 : index
      %swap3A_304 = tpu.vector_load %arg14[%swap3A_302, %swap3A_303] {strides = array<i32>} : memref<80x128xf32, #tpu.memory_space<vmem>>, vector<1x16xf32>,
      %swap3A_305 = vector.shape_cast %swap3A_304 : vector<1x16xf32> to vector<16xf32>
      %swap3A_306 = vector.shape_cast %mul3A_301 : vector<16xf32> to vector<1x16xf32>
      tpu.vector_store %arg14[%swap3A_302, %swap3A_303], %swap3A_306 {strides = array<i32>} : memref<80x128xf32, #tpu.memory_space<vmem>>, vector<1x16xf32>,
      %get3A_307 = arith.index_cast %scan3A_272 : i32 to index
      %get3A_308 = arith.constant 48 : index
      %get3A_309 = tpu.vector_load %arg12[%get3A_307, %get3A_308] {strides = array<i32>} : memref<80x128xf32, #tpu.memory_space<vmem>>, vector<1x16xf32>,
      %get3A_310 = vector.shape_cast %get3A_309 : vector<1x16xf32> to vector<16xf32>
      %mul3A_311 = arith.mulf %get3A_310, %exp3A : vector<16xf32>
      %swap3A_312 = arith.index_cast %scan3A_272 : i32 to index
      %swap3A_313 = arith.constant 48 : index
      %swap3A_314 = tpu.vector_load %arg14[%swap3A_312, %swap3A_313] {strides = array<i32>} : memref<80x128xf32, #tpu.memory_space<vmem>>, vector<1x16xf32>,
      %swap3A_315 = vector.shape_cast %swap3A_314 : vector<1x16xf32> to vector<16xf32>
      %swap3A_316 = vector.shape_cast %mul3A_311 : vector<16xf32> to vector<1x16xf32>
      tpu.vector_store %arg14[%swap3A_312, %swap3A_313], %swap3A_316 {strides = array<i32>} : memref<80x128xf32, #tpu.memory_space<vmem>>, vector<1x16xf32>,
      %get3A_317 = arith.index_cast %scan3A_272 : i32 to index
      %get3A_318 = arith.constant 64 : index
      %get3A_319 = tpu.vector_load %arg12[%get3A_317, %get3A_318] {strides = array<i32>} : memref<80x128xf32, #tpu.memory_space<vmem>>, vector<1x16xf32>,
      %get3A_320 = vector.shape_cast %get3A_319 : vector<1x16xf32> to vector<16xf32>
      %mul3A_321 = arith.mulf %get3A_320, %exp3A : vector<16xf32>
      %swap3A_322 = arith.index_cast %scan3A_272 : i32 to index
      %swap3A_323 = arith.constant 64 : index
      %swap3A_324 = tpu.vector_load %arg14[%swap3A_322, %swap3A_323] {strides = array<i32>} : memref<80x128xf32, #tpu.memory_space<vmem>>, vector<1x16xf32>,
      %swap3A_325 = vector.shape_cast %swap3A_324 : vector<1x16xf32> to vector<16xf32>
      %swap3A_326 = vector.shape_cast %mul3A_321 : vector<16xf32> to vector<1x16xf32>
      tpu.vector_store %arg14[%swap3A_322, %swap3A_323], %swap3A_326 {strides = array<i32>} : memref<80x128xf32, #tpu.memory_space<vmem>>, vector<1x16xf32>,
      %get3A_327 = arith.index_cast %scan3A_272 : i32 to index
      %get3A_328 = arith.constant 80 : index
      %get3A_329 = tpu.vector_load %arg12[%get3A_327, %get3A_328] {strides = array<i32>} : memref<80x128xf32, #tpu.memory_space<vmem>>, vector<1x16xf32>,
      %get3A_330 = vector.shape_cast %get3A_329 : vector<1x16xf32> to vector<16xf32>
      %mul3A_331 = arith.mulf %get3A_330, %exp3A : vector<16xf32>
      %swap3A_332 = arith.index_cast %scan3A_272 : i32 to index
      %swap3A_333 = arith.constant 80 : index
      %swap3A_334 = tpu.vector_load %arg14[%swap3A_332, %swap3A_333] {strides = array<i32>} : memref<80x128xf32, #tpu.memory_space<vmem>>, vector<1x16xf32>,
      %swap3A_335 = vector.shape_cast %swap3A_334 : vector<1x16xf32> to vector<16xf32>
      %swap3A_336 = vector.shape_cast %mul3A_331 : vector<16xf32> to vector<1x16xf32>
      tpu.vector_store %arg14[%swap3A_332, %swap3A_333], %swap3A_336 {strides = array<i32>} : memref<80x128xf32, #tpu.memory_space<vmem>>, vector<1x16xf32>,
      %get3A_337 = arith.index_cast %scan3A_272 : i32 to index
      %get3A_338 = arith.constant 96 : index
      %get3A_339 = tpu.vector_load %arg12[%get3A_337, %get3A_338] {strides = array<i32>} : memref<80x128xf32, #tpu.memory_space<vmem>>, vector<1x16xf32>,
      %get3A_340 = vector.shape_cast %get3A_339 : vector<1x16xf32> to vector<16xf32>
      %mul3A_341 = arith.mulf %get3A_340, %exp3A : vector<16xf32>
      %swap3A_342 = arith.index_cast %scan3A_272 : i32 to index
      %swap3A_343 = arith.constant 96 : index
      %swap3A_344 = tpu.vector_load %arg14[%swap3A_342, %swap3A_343] {strides = array<i32>} : memref<80x128xf32, #tpu.memory_space<vmem>>, vector<1x16xf32>,
      %swap3A_345 = vector.shape_cast %swap3A_344 : vector<1x16xf32> to vector<16xf32>
      %swap3A_346 = vector.shape_cast %mul3A_341 : vector<16xf32> to vector<1x16xf32>
      tpu.vector_store %arg14[%swap3A_342, %swap3A_343], %swap3A_346 {strides = array<i32>} : memref<80x128xf32, #tpu.memory_space<vmem>>, vector<1x16xf32>,
      %get3A_347 = arith.index_cast %scan3A_272 : i32 to index
      %get3A_348 = arith.constant 112 : index
      %get3A_349 = tpu.vector_load %arg12[%get3A_347, %get3A_348] {strides = array<i32>} : memref<80x128xf32, #tpu.memory_space<vmem>>, vector<1x16xf32>,
      %get3A_350 = vector.shape_cast %get3A_349 : vector<1x16xf32> to vector<16xf32>
      %mul3A_351 = arith.mulf %get3A_350, %exp3A : vector<16xf32>
      %swap3A_352 = arith.index_cast %scan3A_272 : i32 to index
      %swap3A_353 = arith.constant 112 : index
      %swap3A_354 = tpu.vector_load %arg14[%swap3A_352, %swap3A_353] {strides = array<i32>} : memref<80x128xf32, #tpu.memory_space<vmem>>, vector<1x16xf32>,
      %swap3A_355 = vector.shape_cast %swap3A_354 : vector<1x16xf32> to vector<16xf32>
      %swap3A_356 = vector.shape_cast %mul3A_351 : vector<16xf32> to vector<1x16xf32>
      tpu.vector_store %arg14[%swap3A_352, %swap3A_353], %swap3A_356 {strides = array<i32>} : memref<80x128xf32, #tpu.memory_space<vmem>>, vector<1x16xf32>,
    }
    %scan3A_268 = arith.constant 80 : i32
    "tpu.region"() ({
      %run_scoped3A = tpu.sem_alloc : memref<!tpu.dma_semaphore, #tpu.memory_space<semaphore_mem>>
      %dma_start3A_272 = arith.constant 0 : i32
      %dma_start3A_273 = arith.constant 0 : i32
      %dma_start3A_274 = tpu.memref_slice %arg18[%dma_start3A_272, %dma_start3A_273] : memref<10000x128xf32, #tpu.memory_space<vmem_shared>> -> memref<10000x128xf32, #tpu.memory_space<vmem_shared>>
      tpu.enqueue_indirect_dma source(%arg14 : memref<80x128xf32, #tpu.memory_space<vmem>>) target(%dma_start3A_274 : memref<10000x128xf32, #tpu.memory_space<vmem_shared>>) offsets(%arg9 : memref<80xi32, #tpu.memory_space<vmem>>) semaphore(%run_scoped3A : memref<!tpu.dma_semaphore, #tpu.memory_space<semaphore_mem>>) {add = true}
      %dma_wait3A_275 = arith.constant 0 : i32
      %dma_wait3A_276 = arith.constant 0 : i32
      %dma_wait3A_277 = tpu.memref_slice %arg18[%dma_wait3A_275, %dma_wait3A_276] : memref<10000x128xf32, #tpu.memory_space<vmem_shared>> -> memref<10000x128xf32, #tpu.memory_space<vmem_shared>>
      tpu.wait_indirect_dma semaphore(%run_scoped3A : memref<!tpu.dma_semaphore, #tpu.memory_space<semaphore_mem>>) src(%arg14 : memref<80x128xf32, #tpu.memory_space<vmem>>) dst(%dma_wait3A_277 : memref<10000x128xf32, #tpu.memory_space<vmem_shared>>)
      tpu.yield
    }) : () -> ()
    %barrier3A_269 = arith.constant 0 : index
    tpu.barrier barrier_id(%barrier3A_269)
    %eq3A = arith.constant 0 : i32
    %eq3A_270 = arith.cmpi eq, %arg1, %eq3A : i32
    %convert_element_type3A = arith.extui %eq3A_270 : i1 to i32
    %cond3A = arith.constant 0 : i32
    %cond3A_271 = arith.cmpi ne, %convert_element_type3A, %cond3A : i32
    scf.if %cond3A_271 {
      %mul3A_272 = arith.constant 10000 : i32
      %mul3A_273 = arith.muli %arg0, %mul3A_272 : i32
      "tpu.region"() ({
        %run_scoped3A = tpu.sem_alloc : memref<!tpu.dma_semaphore, #tpu.memory_space<semaphore_mem>>
        %dma_start3A_274 = arith.constant 0 : i32
        %dma_start3A_275 = tpu.memref_slice %arg8[%mul3A_273, %dma_start3A_274] : memref<20000x128xf32, #tpu.memory_space<hbm>> -> memref<10000x128xf32, #tpu.memory_space<hbm>>
        tpu.enqueue_dma source(%arg18 : memref<10000x128xf32, #tpu.memory_space<vmem_shared>>) target(%dma_start3A_275 : memref<10000x128xf32, #tpu.memory_space<hbm>>) target_semaphore(%run_scoped3A : memref<!tpu.dma_semaphore, #tpu.memory_space<semaphore_mem>>)
        %dma_wait3A_276 = arith.constant 0 : i32
        %dma_wait3A_277 = tpu.memref_slice %arg8[%mul3A_273, %dma_wait3A_276] : memref<20000x128xf32, #tpu.memory_space<hbm>> -> memref<10000x128xf32, #tpu.memory_space<hbm>>
        tpu.wait_dma2 semaphore(%run_scoped3A : memref<!tpu.dma_semaphore, #tpu.memory_space<semaphore_mem>>) src(%arg18 : memref<10000x128xf32, #tpu.memory_space<vmem_shared>>) dst(%dma_wait3A_277 : memref<10000x128xf32, #tpu.memory_space<hbm>>)
        tpu.yield
      }) : () -> ()
    } else {
    }
    return
  }
}

module attributes {stable_mosaic.version = 14 : i64} {
  func.func @_proj_body(%arg0: i32, %arg1: memref<2000x128xf32, #tpu.memory_space<vmem>>, %arg2: memref<128x128xf32, #tpu.memory_space<vmem>>, %arg3: memref<128x128xf32, #tpu.memory_space<vmem>>, %arg4: memref<128x128xf32, #tpu.memory_space<vmem>>, %arg5: memref<1x128xf32, #tpu.memory_space<vmem>>, %arg6: memref<1x128xf32, #tpu.memory_space<vmem>>, %arg7: memref<1x128xf32, #tpu.memory_space<vmem>>, %arg8: memref<2000x128xf32, #tpu.memory_space<vmem>>, %arg9: memref<2000x128xf32, #tpu.memory_space<vmem>>, %arg10: memref<2000x128xf32, #tpu.memory_space<vmem>>) attributes {dimension_semantics = [#tpu.dimension_semantics<arbitrary>], iteration_bounds = array<i64: 5>, scalar_prefetch = 0 : i64, scratch_operands = 0 : i64, tpu.core_type = #tpu.core_type<tc>, window_params = [{transform_indices = @transform_0, window_bounds = array<i64: 2000, 128>}, {pipeline_mode = #tpu.pipeline_mode<synchronous>, transform_indices = @transform_1, window_bounds = array<i64: 128, 128>}, {pipeline_mode = #tpu.pipeline_mode<synchronous>, transform_indices = @transform_2, window_bounds = array<i64: 128, 128>}, {pipeline_mode = #tpu.pipeline_mode<synchronous>, transform_indices = @transform_3, window_bounds = array<i64: 128, 128>}, {pipeline_mode = #tpu.pipeline_mode<synchronous>, transform_indices = @transform_4, window_bounds = array<i64: 1, 128>}, {pipeline_mode = #tpu.pipeline_mode<synchronous>, transform_indices = @transform_5, window_bounds = array<i64: 1, 128>}, {pipeline_mode = #tpu.pipeline_mode<synchronous>, transform_indices = @transform_6, window_bounds = array<i64: 1, 128>}, {transform_indices = @transform_7, window_bounds = array<i64: 2000, 128>}, {transform_indices = @transform_8, window_bounds = array<i64: 2000, 128>}, {transform_indices = @transform_9, window_bounds = array<i64: 2000, 128>}]} {
    %get3A = arith.constant 0 : index
    %get3A_0 = arith.constant 0 : index
    %get3A_1 = vector.load %arg1[%get3A, %get3A_0] : memref<2000x128xf32, #tpu.memory_space<vmem>>, vector<2000x128xf32>
    %get3A_2 = arith.constant 0 : index
    %get3A_3 = arith.constant 0 : index
    %get3A_4 = vector.load %arg2[%get3A_2, %get3A_3] : memref<128x128xf32, #tpu.memory_space<vmem>>, vector<128x128xf32>
    %dot_general3A = arith.constant dense<0.000000e+00> : vector<2000x128xf32>
    %dot_general3A_5 = tpu.matmul %get3A_1, %get3A_4, %dot_general3A {dimension_numbers = #tpu.dot_dimension_numbers<[1], [0], [0], [1], [0, 0, 1, 1], [], []>, transpose_lhs_hint = false} : vector<2000x128xf32>, vector<128x128xf32>, vector<2000x128xf32> -> vector<2000x128xf32>
    %get3A_6 = arith.constant 0 : index
    %get3A_7 = arith.constant 0 : index
    %get3A_8 = vector.load %arg5[%get3A_6, %get3A_7] : memref<1x128xf32, #tpu.memory_space<vmem>>, vector<1x128xf32>
    %add3A = vector.broadcast %get3A_8 : vector<1x128xf32> to vector<2000x128xf32>
    %add3A_9 = arith.addf %dot_general3A_5, %add3A : vector<2000x128xf32>
    %swap3A = arith.constant 0 : index
    %swap3A_10 = arith.constant 0 : index
    %swap3A_11 = vector.load %arg8[%swap3A, %swap3A_10] : memref<2000x128xf32, #tpu.memory_space<vmem>>, vector<2000x128xf32>
    tpu.vector_store %arg8[%swap3A, %swap3A_10], %add3A_9 {strides = array<i32>} : memref<2000x128xf32, #tpu.memory_space<vmem>>, vector<2000x128xf32>,
    %get3A_12 = arith.constant 0 : index
    %get3A_13 = arith.constant 0 : index
    %get3A_14 = vector.load %arg3[%get3A_12, %get3A_13] : memref<128x128xf32, #tpu.memory_space<vmem>>, vector<128x128xf32>
    %dot_general3A_15 = arith.constant dense<0.000000e+00> : vector<2000x128xf32>
    %dot_general3A_16 = tpu.matmul %get3A_1, %get3A_14, %dot_general3A_15 {dimension_numbers = #tpu.dot_dimension_numbers<[1], [0], [0], [1], [0, 0, 1, 1], [], []>, transpose_lhs_hint = false} : vector<2000x128xf32>, vector<128x128xf32>, vector<2000x128xf32> -> vector<2000x128xf32>
    %get3A_17 = arith.constant 0 : index
    %get3A_18 = arith.constant 0 : index
    %get3A_19 = vector.load %arg6[%get3A_17, %get3A_18] : memref<1x128xf32, #tpu.memory_space<vmem>>, vector<1x128xf32>
    %add3A_20 = vector.broadcast %get3A_19 : vector<1x128xf32> to vector<2000x128xf32>
    %add3A_21 = arith.addf %dot_general3A_16, %add3A_20 : vector<2000x128xf32>
    %swap3A_22 = arith.constant 0 : index
    %swap3A_23 = arith.constant 0 : index
    %swap3A_24 = vector.load %arg9[%swap3A_22, %swap3A_23] : memref<2000x128xf32, #tpu.memory_space<vmem>>, vector<2000x128xf32>
    tpu.vector_store %arg9[%swap3A_22, %swap3A_23], %add3A_21 {strides = array<i32>} : memref<2000x128xf32, #tpu.memory_space<vmem>>, vector<2000x128xf32>,
    %get3A_25 = arith.constant 0 : index
    %get3A_26 = arith.constant 0 : index
    %get3A_27 = vector.load %arg4[%get3A_25, %get3A_26] : memref<128x128xf32, #tpu.memory_space<vmem>>, vector<128x128xf32>
    %dot_general3A_28 = arith.constant dense<0.000000e+00> : vector<2000x128xf32>
    %dot_general3A_29 = tpu.matmul %get3A_1, %get3A_27, %dot_general3A_28 {dimension_numbers = #tpu.dot_dimension_numbers<[1], [0], [0], [1], [0, 0, 1, 1], [], []>, transpose_lhs_hint = false} : vector<2000x128xf32>, vector<128x128xf32>, vector<2000x128xf32> -> vector<2000x128xf32>
    %get3A_30 = arith.constant 0 : index
    %get3A_31 = arith.constant 0 : index
    %get3A_32 = vector.load %arg7[%get3A_30, %get3A_31] : memref<1x128xf32, #tpu.memory_space<vmem>>, vector<1x128xf32>
    %add3A_33 = vector.broadcast %get3A_32 : vector<1x128xf32> to vector<2000x128xf32>
    %add3A_34 = arith.addf %dot_general3A_29, %add3A_33 : vector<2000x128xf32>
    %swap3A_35 = arith.constant 0 : index
    %swap3A_36 = arith.constant 0 : index
    %swap3A_37 = vector.load %arg10[%swap3A_35, %swap3A_36] : memref<2000x128xf32, #tpu.memory_space<vmem>>, vector<2000x128xf32>
    tpu.vector_store %arg10[%swap3A_35, %swap3A_36], %add3A_34 {strides = array<i32>} : memref<2000x128xf32, #tpu.memory_space<vmem>>, vector<2000x128xf32>,
    return
  }
  func.func @transform_0(%arg0: i32) -> (i32, i32) {
    %c0_i32 = arith.constant 0 : i32
    %c0_i32_0 = arith.constant 0 : i32
    return %arg0, %c0_i32 : i32, i32
  }
  func.func @transform_1(%arg0: i32) -> (i32, i32) {
    %c0_i32 = arith.constant 0 : i32
    %c0_i32_0 = arith.constant 0 : i32
    %c0_i32_1 = arith.constant 0 : i32
    return %c0_i32, %c0_i32_0 : i32, i32
  }
  func.func @transform_2(%arg0: i32) -> (i32, i32) {
    %c0_i32 = arith.constant 0 : i32
    %c0_i32_0 = arith.constant 0 : i32
    %c0_i32_1 = arith.constant 0 : i32
    return %c0_i32, %c0_i32_0 : i32, i32
  }
  func.func @transform_3(%arg0: i32) -> (i32, i32) {
    %c0_i32 = arith.constant 0 : i32
    %c0_i32_0 = arith.constant 0 : i32
    %c0_i32_1 = arith.constant 0 : i32
    return %c0_i32, %c0_i32_0 : i32, i32
  }
  func.func @transform_4(%arg0: i32) -> (i32, i32) {
    %c0_i32 = arith.constant 0 : i32
    %c0_i32_0 = arith.constant 0 : i32
    %c0_i32_1 = arith.constant 0 : i32
    return %c0_i32, %c0_i32_0 : i32, i32
  }
  func.func @transform_5(%arg0: i32) -> (i32, i32) {
    %c0_i32 = arith.constant 0 : i32
    %c0_i32_0 = arith.constant 0 : i32
    %c0_i32_1 = arith.constant 0 : i32
    return %c0_i32, %c0_i32_0 : i32, i32
  }
  func.func @transform_6(%arg0: i32) -> (i32, i32) {
    %c0_i32 = arith.constant 0 : i32
    %c0_i32_0 = arith.constant 0 : i32
    %c0_i32_1 = arith.constant 0 : i32
    return %c0_i32, %c0_i32_0 : i32, i32
  }
  func.func @transform_7(%arg0: i32) -> (i32, i32) {
    %c0_i32 = arith.constant 0 : i32
    %c0_i32_0 = arith.constant 0 : i32
    return %arg0, %c0_i32 : i32, i32
  }
  func.func @transform_8(%arg0: i32) -> (i32, i32) {
    %c0_i32 = arith.constant 0 : i32
    %c0_i32_0 = arith.constant 0 : i32
    return %arg0, %c0_i32 : i32, i32
  }
  func.func @transform_9(%arg0: i32) -> (i32, i32) {
    %c0_i32 = arith.constant 0 : i32
    %c0_i32_0 = arith.constant 0 : i32
    return %arg0, %c0_i32 : i32, i32
  }
}

module attributes {stable_mosaic.version = 14 : i64} {
  func.func @_final_body(%arg0: i32, %arg1: memref<2x2000x128xf32, #tpu.memory_space<vmem>>, %arg2: memref<2x2000x128xf32, #tpu.memory_space<vmem>>, %arg3: memref<128x128xf32, #tpu.memory_space<vmem>>, %arg4: memref<128x128xf32, #tpu.memory_space<vmem>>, %arg5: memref<1x128xf32, #tpu.memory_space<vmem>>, %arg6: memref<1x128xf32, #tpu.memory_space<vmem>>, %arg7: memref<1x128xf32, #tpu.memory_space<vmem>>, %arg8: memref<1x128xf32, #tpu.memory_space<vmem>>, %arg9: memref<1x128xf32, #tpu.memory_space<vmem>>, %arg10: memref<2000x128xf32, #tpu.memory_space<vmem>>) attributes {dimension_semantics = [#tpu.dimension_semantics<arbitrary>], iteration_bounds = array<i64: 5>, scalar_prefetch = 0 : i64, scratch_operands = 0 : i64, tpu.core_type = #tpu.core_type<tc>, window_params = [{transform_indices = @transform_0, window_bounds = array<i64: 2, 2000, 128>}, {transform_indices = @transform_1, window_bounds = array<i64: 2, 2000, 128>}, {pipeline_mode = #tpu.pipeline_mode<synchronous>, transform_indices = @transform_2, window_bounds = array<i64: 128, 128>}, {pipeline_mode = #tpu.pipeline_mode<synchronous>, transform_indices = @transform_3, window_bounds = array<i64: 128, 128>}, {pipeline_mode = #tpu.pipeline_mode<synchronous>, transform_indices = @transform_4, window_bounds = array<i64: 1, 128>}, {pipeline_mode = #tpu.pipeline_mode<synchronous>, transform_indices = @transform_5, window_bounds = array<i64: 1, 128>}, {pipeline_mode = #tpu.pipeline_mode<synchronous>, transform_indices = @transform_6, window_bounds = array<i64: 1, 128>}, {pipeline_mode = #tpu.pipeline_mode<synchronous>, transform_indices = @transform_7, window_bounds = array<i64: 1, 128>}, {pipeline_mode = #tpu.pipeline_mode<synchronous>, transform_indices = @transform_8, window_bounds = array<i64: 1, 128>}, {transform_indices = @transform_9, window_bounds = array<i64: 2000, 128>}]} {
    %get3A = arith.constant 0 : index
    %get3A_0 = arith.constant 0 : index
    %get3A_1 = arith.constant 0 : index
    %get3A_2 = vector.load %arg1[%get3A, %get3A_0, %get3A_1] : memref<2x2000x128xf32, #tpu.memory_space<vmem>>, vector<1x2000x128xf32>
    %get3A_3 = vector.shape_cast %get3A_2 : vector<1x2000x128xf32> to vector<2000x128xf32>
    %get3A_4 = arith.constant 1 : index
    %get3A_5 = arith.constant 0 : index
    %get3A_6 = arith.constant 0 : index
    %get3A_7 = vector.load %arg1[%get3A_4, %get3A_5, %get3A_6] : memref<2x2000x128xf32, #tpu.memory_space<vmem>>, vector<1x2000x128xf32>
    %get3A_8 = vector.shape_cast %get3A_7 : vector<1x2000x128xf32> to vector<2000x128xf32>
    %add3A = arith.addf %get3A_3, %get3A_8 : vector<2000x128xf32>
    %get3A_9 = arith.constant 0 : index
    %get3A_10 = arith.constant 0 : index
    %get3A_11 = arith.constant 0 : index
    %get3A_12 = vector.load %arg2[%get3A_9, %get3A_10, %get3A_11] : memref<2x2000x128xf32, #tpu.memory_space<vmem>>, vector<1x2000x128xf32>
    %get3A_13 = vector.shape_cast %get3A_12 : vector<1x2000x128xf32> to vector<2000x128xf32>
    %get3A_14 = arith.constant 1 : index
    %get3A_15 = arith.constant 0 : index
    %get3A_16 = arith.constant 0 : index
    %get3A_17 = vector.load %arg2[%get3A_14, %get3A_15, %get3A_16] : memref<2x2000x128xf32, #tpu.memory_space<vmem>>, vector<1x2000x128xf32>
    %get3A_18 = vector.shape_cast %get3A_17 : vector<1x2000x128xf32> to vector<2000x128xf32>
    %add3A_19 = arith.addf %get3A_13, %get3A_18 : vector<2000x128xf32>
    %get3A_20 = arith.constant 0 : index
    %get3A_21 = arith.constant 0 : index
    %get3A_22 = vector.load %arg3[%get3A_20, %get3A_21] : memref<128x128xf32, #tpu.memory_space<vmem>>, vector<128x128xf32>
    %dot_general3A = arith.constant dense<0.000000e+00> : vector<2000x128xf32>
    %dot_general3A_23 = tpu.matmul %add3A_19, %get3A_22, %dot_general3A {dimension_numbers = #tpu.dot_dimension_numbers<[1], [0], [0], [1], [0, 0, 1, 1], [], []>, transpose_lhs_hint = false} : vector<2000x128xf32>, vector<128x128xf32>, vector<2000x128xf32> -> vector<2000x128xf32>
    %add3A_24 = arith.constant 1.000000e-16 : f32
    %add3A_25 = vector.broadcast %add3A_24 : f32 to vector<2000x128xf32>
    %add3A_26 = arith.addf %dot_general3A_23, %add3A_25 : vector<2000x128xf32>
    %div3A = arith.divf %add3A, %add3A_26 : vector<2000x128xf32>
    %get3A_27 = arith.constant 0 : index
    %get3A_28 = arith.constant 0 : index
    %get3A_29 = vector.load %arg6[%get3A_27, %get3A_28] : memref<1x128xf32, #tpu.memory_space<vmem>>, vector<1x128xf32>
    %get3A_30 = arith.constant 0 : index
    %get3A_31 = arith.constant 0 : index
    %get3A_32 = vector.load %arg7[%get3A_30, %get3A_31] : memref<1x128xf32, #tpu.memory_space<vmem>>, vector<1x128xf32>
    %reduce_sum3A = arith.constant dense<0.000000e+00> : vector<2000xf32>
    %reduce_sum3A_33 = vector.multi_reduction <add>, %div3A, %reduce_sum3A [1] : vector<2000x128xf32> to vector<2000xf32>
    %broadcast_in_dim3A = vector.shape_cast %reduce_sum3A_33 : vector<2000xf32> to vector<2000x1xf32>
    %div3A_34 = arith.constant 1.280000e+02 : f32
    %div3A_35 = vector.broadcast %div3A_34 : f32 to vector<2000x1xf32>
    %div3A_36 = arith.divf %broadcast_in_dim3A, %div3A_35 : vector<2000x1xf32>
    %sub3A = vector.broadcast %div3A_36 : vector<2000x1xf32> to vector<2000x128xf32>
    %sub3A_37 = arith.subf %div3A, %sub3A : vector<2000x128xf32>
    %integer_pow3A = arith.mulf %sub3A_37, %sub3A_37 : vector<2000x128xf32>
    %reduce_sum3A_38 = arith.constant dense<0.000000e+00> : vector<2000xf32>
    %reduce_sum3A_39 = vector.multi_reduction <add>, %integer_pow3A, %reduce_sum3A_38 [1] : vector<2000x128xf32> to vector<2000xf32>
    %broadcast_in_dim3A_40 = vector.shape_cast %reduce_sum3A_39 : vector<2000xf32> to vector<2000x1xf32>
    %div3A_41 = arith.constant 1.280000e+02 : f32
    %div3A_42 = vector.broadcast %div3A_41 : f32 to vector<2000x1xf32>
    %div3A_43 = arith.divf %broadcast_in_dim3A_40, %div3A_42 : vector<2000x1xf32>
    %sub3A_44 = vector.broadcast %div3A_36 : vector<2000x1xf32> to vector<2000x128xf32>
    %sub3A_45 = arith.subf %div3A, %sub3A_44 : vector<2000x128xf32>
    %add3A_46 = arith.constant 9.99999974E-6 : f32
    %add3A_47 = vector.broadcast %add3A_46 : f32 to vector<2000x1xf32>
    %add3A_48 = arith.addf %div3A_43, %add3A_47 : vector<2000x1xf32>
    %sqrt3A = math.sqrt %add3A_48 : vector<2000x1xf32>
    %div3A_49 = vector.broadcast %sqrt3A : vector<2000x1xf32> to vector<2000x128xf32>
    %div3A_50 = arith.divf %sub3A_45, %div3A_49 : vector<2000x128xf32>
    %mul3A = vector.broadcast %get3A_29 : vector<1x128xf32> to vector<2000x128xf32>
    %mul3A_51 = arith.mulf %div3A_50, %mul3A : vector<2000x128xf32>
    %add3A_52 = vector.broadcast %get3A_32 : vector<1x128xf32> to vector<2000x128xf32>
    %add3A_53 = arith.addf %mul3A_51, %add3A_52 : vector<2000x128xf32>
    %get3A_54 = arith.constant 0 : index
    %get3A_55 = arith.constant 0 : index
    %get3A_56 = vector.load %arg4[%get3A_54, %get3A_55] : memref<128x128xf32, #tpu.memory_space<vmem>>, vector<128x128xf32>
    %dot_general3A_57 = arith.constant dense<0.000000e+00> : vector<2000x128xf32>
    %dot_general3A_58 = tpu.matmul %add3A_53, %get3A_56, %dot_general3A_57 {dimension_numbers = #tpu.dot_dimension_numbers<[1], [0], [0], [1], [0, 0, 1, 1], [], []>, transpose_lhs_hint = false} : vector<2000x128xf32>, vector<128x128xf32>, vector<2000x128xf32> -> vector<2000x128xf32>
    %get3A_59 = arith.constant 0 : index
    %get3A_60 = arith.constant 0 : index
    %get3A_61 = vector.load %arg5[%get3A_59, %get3A_60] : memref<1x128xf32, #tpu.memory_space<vmem>>, vector<1x128xf32>
    %add3A_62 = vector.broadcast %get3A_61 : vector<1x128xf32> to vector<2000x128xf32>
    %add3A_63 = arith.addf %dot_general3A_58, %add3A_62 : vector<2000x128xf32>
    %get3A_64 = arith.constant 0 : index
    %get3A_65 = arith.constant 0 : index
    %get3A_66 = vector.load %arg8[%get3A_64, %get3A_65] : memref<1x128xf32, #tpu.memory_space<vmem>>, vector<1x128xf32>
    %get3A_67 = arith.constant 0 : index
    %get3A_68 = arith.constant 0 : index
    %get3A_69 = vector.load %arg9[%get3A_67, %get3A_68] : memref<1x128xf32, #tpu.memory_space<vmem>>, vector<1x128xf32>
    %reduce_sum3A_70 = arith.constant dense<0.000000e+00> : vector<2000xf32>
    %reduce_sum3A_71 = vector.multi_reduction <add>, %add3A_63, %reduce_sum3A_70 [1] : vector<2000x128xf32> to vector<2000xf32>
    %broadcast_in_dim3A_72 = vector.shape_cast %reduce_sum3A_71 : vector<2000xf32> to vector<2000x1xf32>
    %div3A_73 = arith.constant 1.280000e+02 : f32
    %div3A_74 = vector.broadcast %div3A_73 : f32 to vector<2000x1xf32>
    %div3A_75 = arith.divf %broadcast_in_dim3A_72, %div3A_74 : vector<2000x1xf32>
    %sub3A_76 = vector.broadcast %div3A_75 : vector<2000x1xf32> to vector<2000x128xf32>
    %sub3A_77 = arith.subf %add3A_63, %sub3A_76 : vector<2000x128xf32>
    %integer_pow3A_78 = arith.mulf %sub3A_77, %sub3A_77 : vector<2000x128xf32>
    %reduce_sum3A_79 = arith.constant dense<0.000000e+00> : vector<2000xf32>
    %reduce_sum3A_80 = vector.multi_reduction <add>, %integer_pow3A_78, %reduce_sum3A_79 [1] : vector<2000x128xf32> to vector<2000xf32>
    %broadcast_in_dim3A_81 = vector.shape_cast %reduce_sum3A_80 : vector<2000xf32> to vector<2000x1xf32>
    %div3A_82 = arith.constant 1.280000e+02 : f32
    %div3A_83 = vector.broadcast %div3A_82 : f32 to vector<2000x1xf32>
    %div3A_84 = arith.divf %broadcast_in_dim3A_81, %div3A_83 : vector<2000x1xf32>
    %sub3A_85 = vector.broadcast %div3A_75 : vector<2000x1xf32> to vector<2000x128xf32>
    %sub3A_86 = arith.subf %add3A_63, %sub3A_85 : vector<2000x128xf32>
    %add3A_87 = arith.constant 9.99999974E-6 : f32
    %add3A_88 = vector.broadcast %add3A_87 : f32 to vector<2000x1xf32>
    %add3A_89 = arith.addf %div3A_84, %add3A_88 : vector<2000x1xf32>
    %sqrt3A_90 = math.sqrt %add3A_89 : vector<2000x1xf32>
    %div3A_91 = vector.broadcast %sqrt3A_90 : vector<2000x1xf32> to vector<2000x128xf32>
    %div3A_92 = arith.divf %sub3A_86, %div3A_91 : vector<2000x128xf32>
    %mul3A_93 = vector.broadcast %get3A_66 : vector<1x128xf32> to vector<2000x128xf32>
    %mul3A_94 = arith.mulf %div3A_92, %mul3A_93 : vector<2000x128xf32>
    %add3A_95 = vector.broadcast %get3A_69 : vector<1x128xf32> to vector<2000x128xf32>
    %add3A_96 = arith.addf %mul3A_94, %add3A_95 : vector<2000x128xf32>
    %swap3A = arith.constant 0 : index
    %swap3A_97 = arith.constant 0 : index
    %swap3A_98 = vector.load %arg10[%swap3A, %swap3A_97] : memref<2000x128xf32, #tpu.memory_space<vmem>>, vector<2000x128xf32>
    tpu.vector_store %arg10[%swap3A, %swap3A_97], %add3A_96 {strides = array<i32>} : memref<2000x128xf32, #tpu.memory_space<vmem>>, vector<2000x128xf32>,
    return
  }
  func.func @transform_0(%arg0: i32) -> (i32, i32, i32) {
    %c0_i32 = arith.constant 0 : i32
    %c0_i32_0 = arith.constant 0 : i32
    %c0_i32_1 = arith.constant 0 : i32
    return %c0_i32, %arg0, %c0_i32_0 : i32, i32, i32
  }
  func.func @transform_1(%arg0: i32) -> (i32, i32, i32) {
    %c0_i32 = arith.constant 0 : i32
    %c0_i32_0 = arith.constant 0 : i32
    %c0_i32_1 = arith.constant 0 : i32
    return %c0_i32, %arg0, %c0_i32_0 : i32, i32, i32
  }
  func.func @transform_2(%arg0: i32) -> (i32, i32) {
    %c0_i32 = arith.constant 0 : i32
    %c0_i32_0 = arith.constant 0 : i32
    %c0_i32_1 = arith.constant 0 : i32
    return %c0_i32, %c0_i32_0 : i32, i32
  }
  func.func @transform_3(%arg0: i32) -> (i32, i32) {
    %c0_i32 = arith.constant 0 : i32
    %c0_i32_0 = arith.constant 0 : i32
    %c0_i32_1 = arith.constant 0 : i32
    return %c0_i32, %c0_i32_0 : i32, i32
  }
  func.func @transform_4(%arg0: i32) -> (i32, i32) {
    %c0_i32 = arith.constant 0 : i32
    %c0_i32_0 = arith.constant 0 : i32
    %c0_i32_1 = arith.constant 0 : i32
    return %c0_i32, %c0_i32_0 : i32, i32
  }
  func.func @transform_5(%arg0: i32) -> (i32, i32) {
    %c0_i32 = arith.constant 0 : i32
    %c0_i32_0 = arith.constant 0 : i32
    %c0_i32_1 = arith.constant 0 : i32
    return %c0_i32, %c0_i32_0 : i32, i32
  }
  func.func @transform_6(%arg0: i32) -> (i32, i32) {
    %c0_i32 = arith.constant 0 : i32
    %c0_i32_0 = arith.constant 0 : i32
    %c0_i32_1 = arith.constant 0 : i32
    return %c0_i32, %c0_i32_0 : i32, i32
  }
  func.func @transform_7(%arg0: i32) -> (i32, i32) {
    %c0_i32 = arith.constant 0 : i32
    %c0_i32_0 = arith.constant 0 : i32
    %c0_i32_1 = arith.constant 0 : i32
    return %c0_i32, %c0_i32_0 : i32, i32
  }
  func.func @transform_8(%arg0: i32) -> (i32, i32) {
    %c0_i32 = arith.constant 0 : i32
    %c0_i32_0 = arith.constant 0 : i32
    %c0_i32_1 = arith.constant 0 : i32
    return %c0_i32, %c0_i32_0 : i32, i32
  }
  func.func @transform_9(%arg0: i32) -> (i32, i32) {
    %c0_i32 = arith.constant 0 : i32
    %c0_i32_0 = arith.constant 0 : i32
    return %arg0, %c0_i32 : i32, i32
  }
}

</mosaic_0001>

<sc_bundles>
// kernel: kernel.10.cloned.1.call-start
scs
__scs_entry_jumppad:
0x0: {  	(pc) =	sbr.rel $0x88, $3  }
0x1: {  	(tag) =	ssettag $0x0;
	lr =	simm.s32 $0x1  }
0x2: {  	[smem:$0x3F93] =	sst lr;
	_ =	strace $0xD0000000  }
0x3: {  	_ = 	snop  }
0x4: {  	_ = 	snop  }
0x5: {  	_ = 	snop  }
0x6: {  	_ = 	snop  }
0x7: {  	_ = 	snop  }
__scs_overlays_trampoline_lowered:
0x8: {  	[smem:$0x3FA2] =	sst s0  }
0x9: {  	[smem:$0x3FA3] =	sst s1  }
0xa: {  	[smem:$0x3FA4] =	sst s2  }
0xb: {  	[smem:$0x3FA5] =	sst s3  }
0xc: {  	[smem:$0x3FA6] =	sst s4  }
0xd: {  	[smem:$0x3FA7] =	sst s5  }
0xe: {  	[smem:$0x3FA8] =	sst s6  }
0xf: {  	[smem:$0x3FA9] =	sst s7  }
0x10: {  	[smem:$0x3FAA] =	sst s8  }
0x11: {  	[smem:$0x3FAB] =	sst s9;
	s0 =	simm.s32 @!p0 $0x0  }
0x12: {  	s1 =	sld [smem:$0x3F91];
	s0 =	simm.s32 @p0 $0x1  }
0x13: {  	[smem:$0x3FAC] =	sst s0;
	s0 =	simm.s32 @!p1 $0x0  }
0x14: {  	s2 =	sld [smem:$0x3F90];
	s0 =	simm.s32 @p1 $0x1  }
0x15: {  	[smem:$0x3FAD] =	sst s0;
	s0 =	simm.s32 @!p2 $0x0  }
0x16: {  	s3 =	sld [smem:$0x3FDB];
	s0 =	simm.s32 @p2 $0x1  }
0x17: {  	s4 =	simm.s32 $0x1BF5;
	[smem:$0x3FAF] =	sst s0  }
0x18: {  	s0 =	sld [smem:$0x3F92];
	_ =	swait.ge [sflag:s4], $0x0  }
0x19: {  	s7 =	sld [smem:$0x3F93]  }
0x1a: {  	s8 =	sadd.s32 $0xFFFFE003, lr  }
0x1b: {  	s9 =	sadd.s32 $0xFFFFFEF7, lr;
	s5 =	simm.s32 $0xFFFFFFFF;
	p2 =	slt.u32 s8, $0xFFFFF086  }
0x1c: {  	p1 =	slt.u32 s9, $0xF7A;
	s5 =	simm.s32 @!p2 $0x0  }
0x1d: {  	s5 =	simm.s32 @p1 $0x1;
	p0 =	seq.s32 s7, s2  }
0x1e: {  	s7 =	smul.u32 @!p0 $0xF7A, s2;
	p2 =	seq.s32 @!p0 s5, $0x0  }
0x1f: {  	s9 =	smul.u32 $0xF7A, s1;
	s8 =	simm.s32 @!p0 $0x1BF5;
	p2 =	por !p2, p0  }
0x20: {  	[sflag:s8] =	ssyncset.s32 @!p0 $0xFFFFF086;
	s6 =	sadd.s32 @!p0 s3, s7;
	s7 =	simm.s32 @!p0 $0x108  }
0x21: {  	s3 =	sadd.s32 s3, s9;
	s6 =	sadd.s32 @!p0 $0x88, s6;
	s7 =	simm.s32 @p2 $0x1082  }
0x22: {  	[simem:s7], [sflag:s8] =	dma.local @!p0 [hbm:s6], $0xF7A  }
0x23: {  	s9 =	sor.u32 $0xD0000000, s2;
	s6 =	simm.s32 $0x108;
	_ =	swait.ge @!p0 [sflag:s8], $0x0  }
0x24: {  	s3 =	sadd.s32 $0x88, s3;
	s6 =	simm.s32 @!p1 $0x1082;
	[sflag:s4] =	ssyncset.s32 $0xFFFFF086  }
0x25: {  	[simem:s6], [sflag:s4] =	dma.local [hbm:s3], $0xF7A  }
0x26: {  	[smem:$0x3F93] =	sst s1;
	(tag) =	ssettag s2;
	_ =	strace s9  }
0x27: {  	s1 =	sld [smem:$0x3FA3]  }
0x28: {  	s2 =	sld [smem:$0x3FA4]  }
0x29: {  	s4 =	sld [smem:$0x3FA6]  }
0x2a: {  	p0 =	seq.s32 s5, $0x0;
	s5 =	sld [smem:$0x3FA7]  }
0x2b: {  	s6 =	sld [smem:$0x3FA8]  }
0x2c: {  	s7 =	sld [smem:$0x3FA9]  }
0x2d: {  	s3 =	simm.s32 $0x108;
	s8 =	sld [smem:$0x3FAA]  }
0x2e: {  	s3 =	simm.s32 @!p0 $0x1082;
	s9 =	sld [smem:$0x3FAB]  }
0x2f: {  	lr =	sadd.s32 s0, s3;
	s0 =	sld [smem:$0x3FA2]  }
0x30: {  	s3 =	sld [smem:$0x3FA5]  }
0x31: {  	[smem:$0x3FAE] =	sst s10  }
0x32: {  	s10 =	sld [smem:$0x3FAC];
	_ =	sdelay $0x3  }
0x33: {  	p0 =	seq.s32 s10, $0x1;
	s10 =	sld [smem:$0x3FAE];
	_ =	sdelay $0x3  }
0x34: {  	[smem:$0x3FAE] =	sst s10  }
0x35: {  	s10 =	sld [smem:$0x3FAD];
	_ =	sdelay $0x3  }
0x36: {  	p1 =	seq.s32 s10, $0x1;
	s10 =	sld [smem:$0x3FAE];
	_ =	sdelay $0x3  }
0x37: {  	[smem:$0x3FAE] =	sst s10  }
0x38: {  	s10 =	sld [smem:$0x3FAF]  }
0x39: {  	_ = 	snop;
	(pc) =	sbr.ind lr, $3  }
0x3a: {  	_ = 	snop  }
0x3b: {  	_ = 	snop  }
0x3c: {  	p2 =	seq.s32 s10, $0x1;
	s10 =	sld [smem:$0x3FAE]  }
0x3d: {  	_ =	shalt  }
0x3e: {  	_ =	shalt  }
0x3f: {  	_ =	shalt  }
0x40: {  	_ =	shalt  }
0x41: {  	_ =	shalt  }
0x42: {  	_ =	shalt  }
0x43: {  	_ =	shalt  }
0x44: {  	_ =	shalt  }
0x45: {  	_ =	shalt  }
0x46: {  	_ =	shalt  }
0x47: {  	_ =	shalt  }
0x48: {  	_ =	shalt  }
0x49: {  	_ =	shalt  }
0x4a: {  	_ =	shalt  }
0x4b: {  	_ =	shalt  }
0x4c: {  	_ =	shalt  }
0x4d: {  	_ =	shalt  }
0x4e: {  	_ =	shalt  }
0x4f: {  	_ =	shalt  }
0x50: {  	_ =	shalt  }
0x51: {  	_ =	shalt  }
0x52: {  	_ =	shalt  }
0x53: {  	_ =	shalt  }
0x54: {  	_ =	shalt  }
0x55: {  	_ =	shalt  }
0x56: {  	_ =	shalt  }
0x57: {  	_ =	shalt  }
0x58: {  	_ =	shalt  }
0x59: {  	_ =	shalt  }
0x5a: {  	_ =	shalt  }
0x5b: {  	_ =	shalt  }
0x5c: {  	_ =	shalt  }
0x5d: {  	_ =	shalt  }
0x5e: {  	_ =	shalt  }
0x5f: {  	_ =	shalt  }
0x60: {  	_ =	shalt  }
0x61: {  	_ =	shalt  }
0x62: {  	_ =	shalt  }
0x63: {  	_ =	shalt  }
0x64: {  	_ =	shalt  }
0x65: {  	_ =	shalt  }
0x66: {  	_ =	shalt  }
0x67: {  	_ =	shalt  }
0x68: {  	_ =	shalt  }
0x69: {  	_ =	shalt  }
0x6a: {  	_ =	shalt  }
0x6b: {  	_ =	shalt  }
0x6c: {  	_ =	shalt  }
0x6d: {  	_ =	shalt  }
0x6e: {  	_ =	shalt  }
0x6f: {  	_ =	shalt  }
0x70: {  	_ =	shalt  }
0x71: {  	_ =	shalt  }
0x72: {  	_ =	shalt  }
0x73: {  	_ =	shalt  }
0x74: {  	_ =	shalt  }
0x75: {  	_ =	shalt  }
0x76: {  	_ =	shalt  }
0x77: {  	_ =	shalt  }
0x78: {  	_ =	shalt  }
0x79: {  	_ =	shalt  }
0x7a: {  	_ =	shalt  }
0x7b: {  	_ =	shalt  }
0x7c: {  	_ =	shalt  }
0x7d: {  	_ =	shalt  }
0x7e: {  	_ =	shalt  }
0x7f: {  	_ =	shalt  }
0x80: {  	_ =	shalt  }
0x81: {  	_ =	shalt  }
0x82: {  	_ =	shalt  }
0x83: {  	_ =	shalt  }
0x84: {  	_ =	shalt  }
0x85: {  	_ =	shalt  }
0x86: {  	_ =	shalt  }
0x87: {  	_ =	shalt  }
.Lfunc_end0:
.L_simem_size_0:
called_computation.1_lowered:
.L_overlay_start_0:
0x88: {  	s2 =	sld [smem:$0x3FD9]  }
0x89: {  	s3 =	sld [smem:$0x3FFE];
	_ =	sdelay $0x1  }
0x8a: {  	s1 =	srdreg.scid  }
0x8b: {  	s0 =	sand.u32 $0x1, s1  }
0x8c: {  	s17 =	sshll.u32 s0, $0xA;
	s2 =	sadd.s32 s3, s2  }
0x8d: {  	s2 =	sadd.s32 s2, s17  }
0x8e: {  	[smem:$0x3FBA] =	sst s2  }
0x8f: {  	_ = 	snop  }
0x90: {  	s2 =	sld [smem:$0x3FD0];
	(tm) =	ssettm $0x1  }
0x91: {  	s18 =	sld [smem:$0x3FFB];
	_ =	sdelay $0x3  }
0x92: {  	_ =	strace s18  }
0x93: {  	s3 =	sld [smem:$0x3FFC];
	_ =	sdelay $0x3  }
0x94: {  	_ =	strace s3  }
0x95: {  	s3 =	sld [smem:$0x3FFD];
	_ =	sdelay $0x3  }
0x96: {  	_ =	strace s3  }
0x97: {  	_ =	strace $0x8FFFFFFF  }
0x98: {  	s19 =	sld [smem:$0x3FDB];
	_ =	sdelay $0x1  }
0x99: {  	s4 =	simm.s32 $_scs_section_size  }
0x9a: {  	s5 =	simm.s32 $_size__tile_overlayer_lowered;
	s6 =	simm.s32 $_tile_overlayer_lowered  }
0x9b: {  	s22 =	simm.s32 $0x1BFF;
	s21 =	sshll.u32 s6, $0x1;
	s3 =	sadd.s32 s4, s19  }
0x9c: {  	s7 =	simm.s32 $0x0;
	s20 =	sshll.u32 s5, $0x1;
	s5 =	sadd.s32 s21, s3  }
0x9d: {  	[timem:s7], [sflag:s22] =	dma.local [hbm:s5], s20  }
0x9e: {  	_ =	swait.ge [sflag:s22], s20  }
0x9f: {  	s4 =	ssub.s32 $0x0, s20;
	[sflag:s22] =	ssyncset.done $0x0  }
0xa0: {  	[sflag:s22] =	ssyncadd.s32 s4;
	_ =	sdelay $0x1  }
0xa1: {  	s23 =	simm.s32 $0x1B8B  }
0xa2: {  	_ =	swait.ge [sflag:s23], $0x1  }
0xa3: {  	[sflag:s23] =	ssyncset.done $0x0  }
0xa4: {  	s25 =	simm.s32 $0x1B8E;
	s24 =	sld [smem:$0x3FFE];
	[sflag:s23] =	ssyncadd.s32 $0xFFFFFFFF  }
0xa5: {  	s26 =	simm.s32 $execute0_lowered;
	[smem:$0x3FD2] =	sst s25  }
0xa6: {  	s5 =	sshll.u32 s26, $0x1;
	_ =	strace $0x80000049;
	[dreg:$0x1] =	wrdreg $0xFFFFFFFF  }
0xa7: {  	s28 =	simm.s32 $_size_execute0_lowered;
	s3 =	sadd.s32 s3, s5;
	[dreg:$0x0] =	wrdreg $0x0  }
0xa8: {  	s5 =	sshll.u32 s28, $0x1;
	[dreg:$0x2] =	wrdreg s3  }
0xa9: {  	[dreg:$0x3] =	wrdreg s5  }
0xaa: {  	[dreg:$0x4] =	wrdreg $0xC0  }
0xab: {  	_ =	task [dreg:s7], $0x5FFFF  }
0xac: {  	[dreg:$0x1] =	wrdreg $0xFFFFFFFF  }
0xad: {  	[dreg:$0x0] =	wrdreg $0x60  }
0xae: {  	[dreg:$0x2] =	wrdreg s24  }
0xaf: {  	[dreg:$0x3] =	wrdreg s2  }
0xb0: {  	[dreg:$0x4] =	wrdreg $0xB2000  }
0xb1: {  	[dreg:$0x5] =	wrdreg $0x9  }
0xb2: {  	_ =	task.clear_ibuf [dreg:s7], $0x6FFFF;
	_ =	strace $0x90000049  }
0xb3: {  	s29 =	simm.s32 $0x9;
	_ =	strace $0x8000004B  }
0xb4: {  	_ =	swait.ge [sflag:s29], $0x1  }
0xb5: {  	[sflag:s29] =	ssyncadd.s32 $0xFFFFFFFF  }
0xb6: {  	_ =	strace $0x9000004B  }
0xb7: {  	_ =	sfence  }
0xb8: {  	s30 =	sld [smem:$0x0];
	_ =	sdelay $0x2  }
0xb9: {  	s31 =	sshll.u32 s1, $0xD;
	s1 =	sshrl.u32 s1, $0x2  }
0xba: {  	s3 =	sand.u32 $0x4000, s31;
	s1 =	sadd.s32 s1, s30  }
0xbb: {  	s0 =	sor.u32 s3, s0;
	s1 =	sshll.u32 s1, $0x11  }
0xbc: {  	s0 =	sor.u32 s1, s0  }
0xbd: {  	s0 =	sadd.s32 $0x8F2B, s0  }
0xbe: {  	[sflag:s0] =	ssyncadd.remote.s32 $0x1  }
0xbf: {  	_ =	sfence.sel $0xFFFF  }
0xc0: {  	[dreg:$0x0] =	wrdreg $0xFFFFFFFF;
	(pc) =	sbr.abs _section_cstart, $3  }
0xc1: {  	[dreg:$0x1] =	wrdreg $0xFFFFFFFF  }
0xc2: {  	_ =	task.clear_ibuf [dreg:s7], $0x2FFFF;
	_ =	strace $0x9FFFFFFF  }
0xc3: {  	(tm) =	ssettm $0x7FFFFFFF  }
tec
execute0_lowered:
.L_overlay_start_1:
0x0: {  	(tag) =	ssettag $0x1  }
0x1: {  	s0 =	rddreg [dreg:$0x0]  }
0x2: {  	s1 =	rddreg [dreg:$0x1]  }
0x3: {  	s2 =	rddreg [dreg:$0x2]  }
0x4: {  	s3 =	simm.s32 $0x0;
	s7 =	stileid.u32;
	s6 =	srdreg.scid  }
0x5: {  	s28 =	simm.s32 $0x2980;
	s29 =	simm.s32 $0x1;
	s30 =	simm.s32 $0x7980  }
0x6: {  	s31 =	simm.s32 $0x5180;
	[smem:$0x7FF] =	sst s3;
	s4 =	sadd.s32 $0xD800, s0  }
0x7: {  	s5 =	sadd.s32 $0x3A00, s0;
	s8 =	smul.u32 $0x2700, s7;
	s9 =	sand.u32 $0x1, s6  }
0x8: {  	s6 =	sadd.s32 $0x65C00, s0;
	s11 =	sshll.u32 s7, $0x1;
	s12 =	sadd.s32 $0x547C00, s0  }
0x9: {  	s18 =	smul.u32 $0x4E000, s7;
	s26 =	sshll.u32 s7, $0x6;
	p0 =	sne.s32 s7, $0x0  }
0xa: {  	_ =	strace $0x8000004A;
	s10 =	smul.u32 $0x27100, s9;
	[dreg:$0x4] =	wrdreg s12  }
0xb: {  	s11 =	sor.u32 s9, s11;
	s9 =	ssub.s32 $0x2, s9;
	s13 =	sadd.s32 s8, s0  }
0xc: {  	s8 =	smul.u32 $0x2710, s11;
	s19 =	sshrl.u32 s9, $0x1;
	s20 =	sshrl.u32 s18, $0x2  }
0xd: {  	s0 =	sadd.s32 s10, s0;
	s10 =	ssub.s32 s9, s19;
	s11 =	sadd.s32 s20, s2  }
0xe: {  	s21 =	sadd.s32 $0x17800, s13;
	s20 =	simm.s32 $0x3;
	s19 =	simm.s32 $0x0  }
0xf: {  	s9 =	sadd.s32 $0x50, s8;
	[dreg:$0x5] =	wrdreg s21;
	s22 =	sshrl.u32 s8, $0x3  }
0x10: {  	s25 =	sadd.s32 $0x26C0, s8;
	s13 =	sadd.s32 $0xA0, s8;
	s14 =	sadd.s32 $0xF0, s8  }
0x11: {  	s0 =	sadd.s32 $0x547E00, s0;
	s18 =	smax.u32 s10, $0x1;
	s21 =	sor.u32 $0x1C03, s26  }
0x12: {  	s26 =	simm.s32 $0x100;
	s23 =	sshrl.u32 s9, $0x3;
	s12 =	sadd.s32 s5, s22  }
0x13: {  	s15 =	sshll.u32 s25, $0x4;
	[dreg:$0xa] =	wrdreg s0;
	s22 =	sshrl.u32 s11, $0x3  }
0x14: {  	s0 =	simm.s32 $0x2;
	[dreg:$0x6] =	wrdreg s12;
	s24 =	sadd.s32 s5, s23  }
0x15: {  	s12 =	sshrl.u32 s25, $0x3;
	s15 =	sadd.s32 s6, s15;
	[dreg:$0x7] =	wrdreg s24  }
0x16: {  	s23 =	simm.s32 $0x80;
	[dreg:$0x8] =	wrdreg s15;
	s12 =	sadd.s32 s4, s12  }
0x17: {  	s25 =	simm.s32 $0x180;
	s24 =	simm.s32 $0x50;
	[dreg:$0x9] =	wrdreg s12  }
.LBB2_1:
0x18: {  	s7 =	rddreg [dreg:$0x4];
	s10 =	simm.s32 $0xA180  }
0x19: {  	[tilespmem:s10], [sflag:$0x3] =	stream.linear.gather [hbm4b:s7+s3], $0x1000, $0x38;
	[tilespmem:$0x1EA80] =	vst v63  }
0x1a: {  	_ =	swait.ge [sflag:s20], $0x1000  }
0x1b: {  	[sflag:s20] =	ssyncset.done $0x0  }
0x1c: {  	[sflag:s20] =	ssyncadd.s32 $0xFFFFF000  }
0x1d: {  	v0 =	vld [tilespmem:$0xA180]  }
0x1e: {  	v1 =	vld [tilespmem:$0xA200]  }
0x1f: {  	v2 =	vld [tilespmem:$0xA280]  }
0x20: {  	v3 =	vld [tilespmem:$0xA300]  }
0x21: {  	v4 =	vld [tilespmem:$0xA380]  }
0x22: {  	v5 =	vld [tilespmem:$0xA400]  }
0x23: {  	v0 =	vmax.f32 v0, v1;
	v1 =	vld [tilespmem:$0xA480]  }
0x24: {  	v0 =	vmax.f32 v0, v2;
	v2 =	vld [tilespmem:$0xA500]  }
0x25: {  	v0 =	vmax.f32 v0, v3;
	v3 =	vld [tilespmem:$0xA580]  }
0x26: {  	v54 =	vld [tilespmem:$0xA600];
	v0 =	vmax.f32 v0, v4  }
0x27: {  	v55 =	vld [tilespmem:$0xA680];
	v0 =	vmax.f32 v0, v5  }
0x28: {  	v0 =	vmax.f32 v0, v1;
	v1 =	vld [tilespmem:$0xA700]  }
0x29: {  	v0 =	vmax.f32 v0, v2;
	v2 =	vld [tilespmem:$0xA780]  }
0x2a: {  	v0 =	vmax.f32 v0, v3;
	v3 =	vld [tilespmem:$0xA800]  }
0x2b: {  	v56 =	vld [tilespmem:$0xA880];
	v0 =	vmax.f32 v0, v54  }
0x2c: {  	v57 =	vld [tilespmem:$0xA900];
	v0 =	vmax.f32 v0, v55  }
0x2d: {  	v0 =	vmax.f32 v0, v1;
	v1 =	vld [tilespmem:$0xA980]  }
0x2e: {  	v0 =	vmax.f32 v0, v2;
	v2 =	vld [tilespmem:$0xAA00]  }
0x2f: {  	v0 =	vmax.f32 v0, v3;
	v3 =	vld [tilespmem:$0xAA80]  }
0x30: {  	v58 =	vld [tilespmem:$0xAB00];
	v0 =	vmax.f32 v0, v56  }
0x31: {  	v59 =	vld [tilespmem:$0xAB80];
	v0 =	vmax.f32 v0, v57  }
0x32: {  	v0 =	vmax.f32 v0, v1;
	v1 =	vld [tilespmem:$0xAC00]  }
0x33: {  	v0 =	vmax.f32 v0, v2;
	v2 =	vld [tilespmem:$0xAC80]  }
0x34: {  	v0 =	vmax.f32 v0, v3;
	v3 =	vld [tilespmem:$0xAD00]  }
0x35: {  	v60 =	vld [tilespmem:$0xAD80];
	v0 =	vmax.f32 v0, v58  }
0x36: {  	v61 =	vld [tilespmem:$0xAE00];
	v0 =	vmax.f32 v0, v59  }
0x37: {  	v0 =	vmax.f32 v0, v1;
	v1 =	vld [tilespmem:$0xAE80]  }
0x38: {  	v0 =	vmax.f32 v0, v2;
	v2 =	vld [tilespmem:$0xAF00]  }
0x39: {  	v0 =	vmax.f32 v0, v3;
	v3 =	vld [tilespmem:$0xAF80]  }
0x3a: {  	v62 =	vld [tilespmem:$0xB000];
	v0 =	vmax.f32 v0, v60  }
0x3b: {  	v63 =	vld [tilespmem:$0xB080];
	v0 =	vmax.f32 v0, v61  }
0x3c: {  	v0 =	vmax.f32 v0, v1;
	v1 =	vld [tilespmem:$0xB100]  }
0x3d: {  	v0 =	vmax.f32 v0, v2  }
0x3e: {  	v0 =	vmax.f32 v0, v3  }
0x3f: {  	v0 =	vmax.f32 v0, v62  }
0x40: {  	v0 =	vmax.f32 v0, v63  }
0x41: {  	v0 =	vmax.f32 v0, v1  }
0x42: {  	[tilespmem:$0xB180] =	vst v0  }
0x43: {  	[tilespmem:$0xB190] =	vst v0  }
0x44: {  	v1 =	vld [tilespmem:$0xB188];
	_ =	sdelay $0x4  }
0x45: {  	v0 =	vmax.f32 v0, v1  }
0x46: {  	[tilespmem:$0xB180] =	vst v0  }
0x47: {  	[tilespmem:$0xB190] =	vst v0  }
0x48: {  	v1 =	vld [tilespmem:$0xB184];
	_ =	sdelay $0x4  }
0x49: {  	v0 =	vmax.f32 v0, v1  }
0x4a: {  	[tilespmem:$0xB180] =	vst v0  }
0x4b: {  	[tilespmem:$0xB190] =	vst v0  }
0x4c: {  	v1 =	vld [tilespmem:$0xB182];
	_ =	sdelay $0x4  }
0x4d: {  	v0 =	vmax.f32 v0, v1  }
0x4e: {  	[tilespmem:$0xB180] =	vst v0  }
0x4f: {  	s15 =	rddreg [dreg:$0x5];
	[tilespmem:$0xB190] =	vst v0  }
0x50: {  	v1 =	vld [tilespmem:$0xB181];
	[spmem:s22], [sflag:s21] =	dma.local [hbm:s15], $0x2800  }
0x51: {  	_ =	swait.ge [sflag:s20], $0x2800  }
0x52: {  	[sflag:s20] =	ssyncset.done $0x0  }
0x53: {  	[sflag:s20] =	ssyncadd.s32 $0xFFFFD800  }
0x54: {  	[bflag:$0x0] =	sbarrier.arrive $0xFFFF  }
0x55: {  	s16 =	rddreg [dreg:$0x6]  }
0x56: {  	[tilespmem:s23], [sflag:$0x3] =	stream.linear.gather [hbm4b:s16+s3], $0x50, $0x38;
	[tilespmem:$0x1EA80] =	vst v63  }
0x57: {  	_ =	swait.ge [sflag:s20], $0x50  }
0x58: {  	[sflag:s20] =	ssyncset.done $0x0  }
0x59: {  	[sflag:s20] =	ssyncadd.s32 $0xFFFFFFB0  }
0x5a: {  	[tilespmem:s25], [sflag:$0x1] =	stream.indirect.gather [hbm4b:s1+s24], $0x80, s23, s24, $0xb8;
	[tilespmem:$0x1EA80] =	vst v63  }
0x5b: {  	s17 =	rddreg [dreg:$0x7]  }
0x5c: {  	[tilespmem:s26], [sflag:$0x3] =	stream.linear.gather [hbm4b:s17+s3], $0x50, $0x38;
	[tilespmem:$0x1EA80] =	vst v63  }
0x5d: {  	_ =	swait.ge [sflag:s20], $0x50  }
0x5e: {  	[sflag:s20] =	ssyncset.done $0x0  }
0x5f: {  	s7 =	simm.s32 $0x0;
	[sflag:s20] =	ssyncadd.s32 $0xFFFFFFB0  }
0x60: {  	v0 =	vmax.f32 v0, v1;
	[tilespmem:s28], [sflag:$0x2] =	stream.indirect.gather [hbm4b:s1+s24], $0x80, s26, s24, $0xb8;
	[tilespmem:$0x1EA80] =	vst v63  }
.LBB2_2:
0x61: {  	s10 =	smul.u32 $0xA0, s7;
	_ =	sdelay $0x1  }
0x62: {  	_ =	swait.ge [sflag:s29], $0x2800;
	s11 =	sadd.s32 s8, s10  }
0x63: {  	[sflag:s29] =	ssyncset.done $0x0;
	s12 =	sshll.u32 s11, $0x4  }
0x64: {  	s15 =	simm.s32 $0x0;
	[sflag:s29] =	ssyncadd.s32 $0xFFFFD800;
	s12 =	sadd.s32 s6, s12  }
0x65: {  	[tilespmem:s30], [sflag:$0x3] =	stream.linear.gather [hbm4b:s12+s15], $0x2800, $0x38;
	[tilespmem:$0x1EA80] =	vst v63  }
0x66: {  	_ =	swait.ge [sflag:s20], $0x2800  }
0x67: {  	s11 =	sshrl.u32 s11, $0x3;
	[sflag:s20] =	ssyncset.done $0x0  }
0x68: {  	s11 =	sadd.s32 s4, s11;
	[sflag:s20] =	ssyncadd.s32 $0xFFFFD800  }
0x69: {  	[tilespmem:s15], [sflag:$0x3] =	stream.linear.gather [hbm4b:s11+s15], $0x50, $0x38;
	[tilespmem:$0x1EA80] =	vst v63  }
0x6a: {  	_ =	swait.ge [sflag:s20], $0x50  }
0x6b: {  	[sflag:s20] =	ssyncset.done $0x0  }
0x6c: {  	s15 =	simm.s32 $0x0;
	[sflag:s20] =	ssyncadd.s32 $0xFFFFFFB0  }
0x6d: {  	v1 =	vld [tilespmem:s15+$0x7980];
	_ =	sdelay $0x1  }
0x6e: {  	v4 =	vld [tilespmem:s15+$0x180]  }
0x6f: {  	v12 =	vld [tilespmem:s15+$0x190]  }
0x70: {  	v13 =	vld [tilespmem:s15+$0x1A0]  }
0x71: {  	v14 =	vld [tilespmem:s15+$0x1B0];
	v1 =	vsub.f32 v1, v0  }
0x72: {  	v16 =	vld [tilespmem:s15+$0x1C0]  }
0x73: {  	v17 =	vld [tilespmem:s15+$0x1D0];
	v1 =	vmul.f32 $1.442695020e+00, v1  }
0x74: {  	s12 =	simm.s32 $0x80;
	v18 =	vld [tilespmem:s15+$0x1E0]  }
0x75: {  	v19 =	vld [tilespmem:s12+$0x7980];
	(erf) = vpow2.f32 v1  }
0x76: {  	v11 =	vld [tilespmem:s12+$0x180]  }
0x77: {  	v10 =	vld [tilespmem:s12+$0x190]  }
0x78: {  	v9 =	vld [tilespmem:s12+$0x1A0]  }
0x79: {  	v8 =	vld [tilespmem:s12+$0x1B0]  }
0x7a: {  	v19 =	vsub.f32 v19, v0;
	v1 =	vld [tilespmem:s15+$0x1F0]  }
0x7b: {  	v7 =	vld [tilespmem:s12+$0x1C0]  }
0x7c: {  	v5 =	vld [tilespmem:s12+$0x1D0];
	v19 =	vmul.f32 $1.442695020e+00, v19  }
0x7d: {  	s11 =	simm.s32 $0x100;
	v6 =	vld [tilespmem:s12+$0x1E0]  }
0x7e: {  	v20 =	vld [tilespmem:s11+$0x7980];
	v21 =	vpop (erf);
	(erf) = vpow2.f32 v19  }
0x7f: {  	v3 =	vld [tilespmem:s11+$0x180];
	v15 =	vmul.f32 v1, v21  }
0x80: {  	v2 =	vld [tilespmem:s11+$0x1A0];
	v22 =	vmul.f32 v21, v4  }
0x81: {  	v1 =	vld [tilespmem:s11+$0x190];
	v12 =	vmul.f32 v21, v12;
	[tilespmem:s15+$0x51F0] =	vst v15  }
0x82: {  	v13 =	vmul.f32 v13, v21;
	v4 =	vld [tilespmem:s11+$0x1B0];
	[tilespmem:s15+$0x5180] =	vst v22  }
0x83: {  	v20 =	vsub.f32 v20, v0;
	v14 =	vmul.f32 v14, v21;
	v15 =	vld [tilespmem:s12+$0x1F0];
	[tilespmem:s15+$0x5190] =	vst v12  }
0x84: {  	v63 =	vmul.f32 v16, v21;
	v17 =	vmul.f32 v17, v21;
	v12 =	vld [tilespmem:s11+$0x1C0];
	[tilespmem:s15+$0x51A0] =	vst v13  }
0x85: {  	v16 =	vmul.f32 v18, v21;
	v18 =	vmul.f32 $1.442695020e+00, v20;
	v13 =	vld [tilespmem:s11+$0x1D0];
	[tilespmem:s15+$0x51B0] =	vst v14  }
0x86: {  	s16 =	simm.s32 $0x180;
	s17 =	simm.s32 $0x800;
	v14 =	vld [tilespmem:s11+$0x1E0];
	[tilespmem:s15+$0x51C0] =	vst v63  }
.LBB2_3:
0x87: {  	p1 =	sne.s32 s17, $0x9E00;
	v19 =	vld [tilespmem:s16+$0x7980];
	(erf) = vpow2.f32 v18;
	v18 =	vpop (erf);
	[tilespmem:s15+$0x51D0] =	vst v17  }
0x88: {  	v17 =	vmul.f32 v18, v11;
	v15 =	vmul.f32 v15, v18;
	[tilespmem:s15+$0x51E0] =	vst v16;
	v11 =	vmov v3;
	v3 =	vld [tilespmem:s16+$0x180];
	s15 =	smov.u32 s12;
	s12 =	smov.u32 s11;
	s11 =	smov.u32 s16  }
0x89: {  	v20 =	vmul.f32 v18, v10;
	v21 =	vmul.f32 v9, v18;
	v10 =	vmovc v1;
	v9 =	vmov v2;
	v1 =	vld [tilespmem:s11+$0x190]  }
0x8a: {  	v22 =	vmul.f32 v8, v18;
	v23 =	vmul.f32 v7, v18;
	v8 =	vmovc v4;
	v7 =	vmov v12;
	v2 =	vld [tilespmem:s11+$0x1A0];
	[tilespmem:s15+$0x51F0] =	vst v15  }
.Ltmp0:
0x8b: {  	v16 =	vmul.f32 v6, v18;
	v4 =	vld [tilespmem:s11+$0x1B0];
	[tilespmem:s15+$0x5180] =	vst v17;
	v17 =	vmul.f32 v5, v18;
	v5 =	vmovc v13;
	v6 =	vmov v14;
	(pc) =	sbr.rel @p1 .LBB2_3-.Ltmp0, $4  }
0x8c: {  	v13 =	vsub.f32 v19, v0;
	v15 =	vld [tilespmem:s12+$0x1F0];
	[tilespmem:s15+$0x5190] =	vst v20  }
0x8d: {  	v12 =	vld [tilespmem:s11+$0x1C0];
	[tilespmem:s15+$0x51A0] =	vst v21  }
0x8e: {  	v18 =	vmul.f32 $1.442695020e+00, v13;
	v13 =	vld [tilespmem:s11+$0x1D0];
	[tilespmem:s15+$0x51B0] =	vst v22  }
0x8f: {  	s16 =	sshra.s32 s17, $0x2;
	s17 =	sadd.s32 $0x200, s17;
	v14 =	vld [tilespmem:s11+$0x1E0];
	[tilespmem:s15+$0x51C0] =	vst v23  }
0x90: {  	v19 =	vld [tilespmem:s16+$0x7980];
	[tilespmem:s15+$0x51D0] =	vst v17;
	v20 =	vpop (erf);
	(erf) = vpow2.f32 v18  }
0x91: {  	v17 =	vld [tilespmem:s16+$0x180];
	[tilespmem:s15+$0x51E0] =	vst v16;
	v15 =	vmul.f32 v15, v20  }
0x92: {  	v11 =	vmul.f32 v20, v11;
	v16 =	vld [tilespmem:s16+$0x190]  }
0x93: {  	v21 =	vld [tilespmem:s16+$0x1A0];
	[tilespmem:s12+$0x51F0] =	vst v15  }
0x94: {  	v10 =	vmul.f32 v20, v10;
	v15 =	vld [tilespmem:s16+$0x1B0];
	[tilespmem:s12+$0x5180] =	vst v11  }
0x95: {  	v9 =	vmul.f32 v9, v20;
	v7 =	vmul.f32 v7, v20;
	v11 =	vld [tilespmem:s11+$0x1F0];
	v18 =	vsub.f32 v19, v0  }
0x96: {  	v8 =	vmul.f32 v8, v20;
	[tilespmem:s12+$0x5190] =	vst v10  }
0x97: {  	v10 =	vld [tilespmem:s16+$0x1C0];
	[tilespmem:s12+$0x51A0] =	vst v9;
	v18 =	vmul.f32 $1.442695020e+00, v18  }
0x98: {  	v5 =	vmul.f32 v5, v20;
	v9 =	vld [tilespmem:s16+$0x1D0];
	[tilespmem:s12+$0x51B0] =	vst v8  }
0x99: {  	v6 =	vmul.f32 v6, v20;
	v8 =	vld [tilespmem:s16+$0x1E0];
	[tilespmem:s12+$0x51C0] =	vst v7;
	(erf) = vpow2.f32 v18;
	v7 =	vpop (erf)  }
0x9a: {  	[tilespmem:s12+$0x51D0] =	vst v5;
	v5 =	vmul.f32 v11, v7  }
0x9b: {  	[tilespmem:s12+$0x51E0] =	vst v6;
	v3 =	vmul.f32 v7, v3  }
0x9c: {  	v1 =	vmul.f32 v7, v1;
	[tilespmem:s11+$0x51F0] =	vst v5  }
0x9d: {  	[tilespmem:s11+$0x5180] =	vst v3  }
0x9e: {  	v2 =	vmul.f32 v2, v7;
	v3 =	vld [tilespmem:s16+$0x1F0];
	[tilespmem:s11+$0x5190] =	vst v1;
	v1 =	vmul.f32 v12, v7  }
0x9f: {  	v4 =	vmul.f32 v4, v7  }
0xa0: {  	[tilespmem:s11+$0x51A0] =	vst v2  }
0xa1: {  	v2 =	vmul.f32 v13, v7;
	[tilespmem:s11+$0x51B0] =	vst v4  }
0xa2: {  	v4 =	vmul.f32 v14, v7;
	[tilespmem:s11+$0x51C0] =	vst v1;
	v1 =	vpop (erf)  }
0xa3: {  	[tilespmem:s11+$0x51D0] =	vst v2;
	v2 =	vmul.f32 v3, v1  }
0xa4: {  	[tilespmem:s11+$0x51E0] =	vst v4;
	v3 =	vmul.f32 v1, v17  }
0xa5: {  	v4 =	vmul.f32 v1, v16;
	[tilespmem:s16+$0x51F0] =	vst v2  }
0xa6: {  	v2 =	vmul.f32 v21, v1;
	[tilespmem:s16+$0x5180] =	vst v3  }
0xa7: {  	v3 =	vmul.f32 v15, v1;
	[tilespmem:s16+$0x5190] =	vst v4  }
0xa8: {  	v4 =	vmul.f32 v10, v1;
	[tilespmem:s16+$0x51A0] =	vst v2  }
0xa9: {  	v2 =	vmul.f32 v9, v1;
	[tilespmem:s16+$0x51B0] =	vst v3  }
0xaa: {  	v1 =	vmul.f32 v8, v1;
	[tilespmem:s16+$0x51C0] =	vst v4  }
0xab: {  	[tilespmem:s16+$0x51D0] =	vst v2  }
0xac: {  	s11 =	simm.s32 $0x0;
	[tilespmem:s16+$0x51E0] =	vst v1  }
0xad: {  	[spmem:s2] =	stream.indirect.scatter.add.f32 [tilespmem:s31], [sflag:$0x3], $0x80, s11, s24, $0xb8;
	[tilespmem:$0x1EA80] =	vst v63  }
0xae: {  	s15 =	sadd.s32 s10, s13;
	_ =	swait.ge [sflag:s20], $0x2800  }
0xaf: {  	s12 =	sshrl.u32 s15, $0x3;
	[sflag:s20] =	ssyncset.done $0x0  }
0xb0: {  	s12 =	sadd.s32 s5, s12;
	[sflag:s20] =	ssyncadd.s32 $0xFFFFD800  }
0xb1: {  	[tilespmem:s23], [sflag:$0x3] =	stream.linear.gather [hbm4b:s12+s11], $0x50, $0x38;
	[tilespmem:$0x1EA80] =	vst v63  }
0xb2: {  	_ =	swait.ge [sflag:s20], $0x50  }
0xb3: {  	[sflag:s20] =	ssyncset.done $0x0  }
0xb4: {  	[sflag:s20] =	ssyncadd.s32 $0xFFFFFFB0  }
0xb5: {  	[tilespmem:s25], [sflag:$0x1] =	stream.indirect.gather [hbm4b:s1+s24], $0x80, s23, s24, $0xb8;
	[tilespmem:$0x1EA80] =	vst v63  }
0xb6: {  	s16 =	sadd.s32 s10, s9;
	_ =	swait.ge [sflag:s0], $0x2800  }
0xb7: {  	s17 =	sshll.u32 s16, $0x4;
	[sflag:s0] =	ssyncset.done $0x0  }
0xb8: {  	s15 =	sadd.s32 s6, s17;
	[sflag:s0] =	ssyncadd.s32 $0xFFFFD800  }
0xb9: {  	[tilespmem:s30], [sflag:$0x3] =	stream.linear.gather [hbm4b:s15+s11], $0x2800, $0x38;
	[tilespmem:$0x1EA80] =	vst v63  }
0xba: {  	_ =	swait.ge [sflag:s20], $0x2800  }
0xbb: {  	s12 =	sshrl.u32 s16, $0x3;
	[sflag:s20] =	ssyncset.done $0x0  }
0xbc: {  	s12 =	sadd.s32 s4, s12;
	[sflag:s20] =	ssyncadd.s32 $0xFFFFD800  }
0xbd: {  	[tilespmem:s11], [sflag:$0x3] =	stream.linear.gather [hbm4b:s12+s11], $0x50, $0x38;
	[tilespmem:$0x1EA80] =	vst v63  }
0xbe: {  	_ =	swait.ge [sflag:s20], $0x50  }
0xbf: {  	[sflag:s20] =	ssyncset.done $0x0  }
0xc0: {  	s15 =	simm.s32 $0x0;
	[sflag:s20] =	ssyncadd.s32 $0xFFFFFFB0  }
0xc1: {  	v1 =	vld [tilespmem:s15+$0x7980];
	_ =	sdelay $0x1  }
0xc2: {  	v4 =	vld [tilespmem:s15+$0x2980]  }
0xc3: {  	v12 =	vld [tilespmem:s15+$0x2990]  }
0xc4: {  	v13 =	vld [tilespmem:s15+$0x29A0]  }
0xc5: {  	v14 =	vld [tilespmem:s15+$0x29B0];
	v1 =	vsub.f32 v1, v0  }
0xc6: {  	v16 =	vld [tilespmem:s15+$0x29C0]  }
0xc7: {  	v17 =	vld [tilespmem:s15+$0x29D0];
	v1 =	vmul.f32 $1.442695020e+00, v1  }
0xc8: {  	s12 =	simm.s32 $0x80;
	v18 =	vld [tilespmem:s15+$0x29E0]  }
0xc9: {  	v19 =	vld [tilespmem:s12+$0x7980];
	(erf) = vpow2.f32 v1  }
0xca: {  	v11 =	vld [tilespmem:s12+$0x2980]  }
0xcb: {  	v10 =	vld [tilespmem:s12+$0x2990]  }
0xcc: {  	v9 =	vld [tilespmem:s12+$0x29A0]  }
0xcd: {  	v8 =	vld [tilespmem:s12+$0x29B0]  }
0xce: {  	v19 =	vsub.f32 v19, v0;
	v1 =	vld [tilespmem:s15+$0x29F0]  }
0xcf: {  	v7 =	vld [tilespmem:s12+$0x29C0]  }
0xd0: {  	v5 =	vld [tilespmem:s12+$0x29D0];
	v19 =	vmul.f32 $1.442695020e+00, v19  }
0xd1: {  	s11 =	simm.s32 $0x100;
	v6 =	vld [tilespmem:s12+$0x29E0]  }
0xd2: {  	v20 =	vld [tilespmem:s11+$0x7980];
	v62 =	vpop (erf);
	(erf) = vpow2.f32 v19  }
0xd3: {  	v3 =	vld [tilespmem:s11+$0x2980];
	v15 =	vmul.f32 v1, v62  }
0xd4: {  	v2 =	vld [tilespmem:s11+$0x29A0];
	v22 =	vmul.f32 v62, v4  }
0xd5: {  	v1 =	vld [tilespmem:s11+$0x2990];
	v12 =	vmul.f32 v62, v12;
	[tilespmem:s15+$0x51F0] =	vst v15  }
0xd6: {  	v13 =	vmul.f32 v13, v62;
	v4 =	vld [tilespmem:s11+$0x29B0];
	[tilespmem:s15+$0x5180] =	vst v22  }
0xd7: {  	v20 =	vsub.f32 v20, v0;
	v14 =	vmul.f32 v14, v62;
	v15 =	vld [tilespmem:s12+$0x29F0];
	[tilespmem:s15+$0x5190] =	vst v12  }
0xd8: {  	v63 =	vmul.f32 v16, v62;
	v17 =	vmul.f32 v17, v62;
	v12 =	vld [tilespmem:s11+$0x29C0];
	[tilespmem:s15+$0x51A0] =	vst v13  }
0xd9: {  	v16 =	vmul.f32 v18, v62;
	v18 =	vmul.f32 $1.442695020e+00, v20;
	v13 =	vld [tilespmem:s11+$0x29D0];
	[tilespmem:s15+$0x51B0] =	vst v14  }
0xda: {  	s17 =	simm.s32 $0x800;
	s16 =	simm.s32 $0x180;
	v14 =	vld [tilespmem:s11+$0x29E0];
	[tilespmem:s15+$0x51C0] =	vst v63  }
.LBB2_5:
0xdb: {  	p1 =	sne.s32 s17, $0x9E00;
	v19 =	vld [tilespmem:s16+$0x7980];
	(erf) = vpow2.f32 v18;
	v18 =	vpop (erf);
	[tilespmem:s15+$0x51D0] =	vst v17  }
0xdc: {  	v17 =	vmul.f32 v18, v11;
	v15 =	vmul.f32 v15, v18;
	[tilespmem:s15+$0x51E0] =	vst v16;
	v11 =	vmov v3;
	v3 =	vld [tilespmem:s16+$0x2980];
	s15 =	smov.u32 s12;
	s12 =	smov.u32 s11;
	s11 =	smov.u32 s16  }
0xdd: {  	v20 =	vmul.f32 v18, v10;
	v21 =	vmul.f32 v9, v18;
	v10 =	vmovc v1;
	v9 =	vmov v2;
	v1 =	vld [tilespmem:s11+$0x2990]  }
0xde: {  	v22 =	vmul.f32 v8, v18;
	v23 =	vmul.f32 v7, v18;
	v8 =	vmovc v4;
	v7 =	vmov v12;
	v2 =	vld [tilespmem:s11+$0x29A0];
	[tilespmem:s15+$0x51F0] =	vst v15  }
.Ltmp1:
0xdf: {  	v16 =	vmul.f32 v6, v18;
	v4 =	vld [tilespmem:s11+$0x29B0];
	[tilespmem:s15+$0x5180] =	vst v17;
	v17 =	vmul.f32 v5, v18;
	v5 =	vmovc v13;
	v6 =	vmov v14;
	(pc) =	sbr.rel @p1 .LBB2_5-.Ltmp1, $4  }
0xe0: {  	v13 =	vsub.f32 v19, v0;
	v15 =	vld [tilespmem:s12+$0x29F0];
	[tilespmem:s15+$0x5190] =	vst v20  }
0xe1: {  	v12 =	vld [tilespmem:s11+$0x29C0];
	[tilespmem:s15+$0x51A0] =	vst v21  }
0xe2: {  	v18 =	vmul.f32 $1.442695020e+00, v13;
	v13 =	vld [tilespmem:s11+$0x29D0];
	[tilespmem:s15+$0x51B0] =	vst v22  }
0xe3: {  	s16 =	sshra.s32 s17, $0x2;
	s17 =	sadd.s32 $0x200, s17;
	v14 =	vld [tilespmem:s11+$0x29E0];
	[tilespmem:s15+$0x51C0] =	vst v23  }
0xe4: {  	v19 =	vld [tilespmem:s16+$0x7980];
	[tilespmem:s15+$0x51D0] =	vst v17;
	v20 =	vpop (erf);
	(erf) = vpow2.f32 v18  }
0xe5: {  	v17 =	vld [tilespmem:s16+$0x2980];
	[tilespmem:s15+$0x51E0] =	vst v16;
	v15 =	vmul.f32 v15, v20  }
0xe6: {  	v11 =	vmul.f32 v20, v11;
	v16 =	vld [tilespmem:s16+$0x2990]  }
0xe7: {  	v21 =	vld [tilespmem:s16+$0x29A0];
	[tilespmem:s12+$0x51F0] =	vst v15  }
0xe8: {  	v10 =	vmul.f32 v20, v10;
	v15 =	vld [tilespmem:s16+$0x29B0];
	[tilespmem:s12+$0x5180] =	vst v11  }
0xe9: {  	v9 =	vmul.f32 v9, v20;
	v11 =	vld [tilespmem:s11+$0x29F0];
	v58 =	vsub.f32 v19, v0  }
0xea: {  	v8 =	vmul.f32 v8, v20;
	[tilespmem:s12+$0x5190] =	vst v10  }
0xeb: {  	v7 =	vmul.f32 v7, v20;
	v10 =	vld [tilespmem:s16+$0x29C0];
	[tilespmem:s12+$0x51A0] =	vst v9;
	v18 =	vmul.f32 $1.442695020e+00, v58  }
0xec: {  	v5 =	vmul.f32 v5, v20;
	v9 =	vld [tilespmem:s16+$0x29D0];
	[tilespmem:s12+$0x51B0] =	vst v8  }
0xed: {  	v6 =	vmul.f32 v6, v20;
	v8 =	vld [tilespmem:s16+$0x29E0];
	[tilespmem:s12+$0x51C0] =	vst v7;
	(erf) = vpow2.f32 v18;
	v59 =	vpop (erf)  }
0xee: {  	[tilespmem:s12+$0x51D0] =	vst v5;
	v60 =	vmul.f32 v11, v59  }
0xef: {  	[tilespmem:s12+$0x51E0] =	vst v6;
	v3 =	vmul.f32 v59, v3  }
0xf0: {  	v1 =	vmul.f32 v59, v1;
	[tilespmem:s11+$0x51F0] =	vst v60  }
0xf1: {  	[tilespmem:s11+$0x5180] =	vst v3  }
0xf2: {  	v2 =	vmul.f32 v2, v59;
	v3 =	vld [tilespmem:s16+$0x29F0];
	[tilespmem:s11+$0x5190] =	vst v1;
	v1 =	vmul.f32 v12, v59  }
0xf3: {  	v4 =	vmul.f32 v4, v59  }
0xf4: {  	[tilespmem:s11+$0x51A0] =	vst v2  }
0xf5: {  	v2 =	vmul.f32 v13, v59;
	[tilespmem:s11+$0x51B0] =	vst v4  }
0xf6: {  	v61 =	vmul.f32 v14, v59;
	[tilespmem:s11+$0x51C0] =	vst v1;
	v1 =	vpop (erf)  }
0xf7: {  	[tilespmem:s11+$0x51D0] =	vst v2;
	v2 =	vmul.f32 v3, v1  }
0xf8: {  	[tilespmem:s11+$0x51E0] =	vst v61;
	v3 =	vmul.f32 v1, v17  }
0xf9: {  	v62 =	vmul.f32 v1, v16;
	[tilespmem:s16+$0x51F0] =	vst v2  }
0xfa: {  	v63 =	vmul.f32 v10, v1;
	[tilespmem:s16+$0x5180] =	vst v3  }
0xfb: {  	v2 =	vmul.f32 v21, v1;
	[tilespmem:s16+$0x5190] =	vst v62  }
0xfc: {  	v3 =	vmul.f32 v15, v1;
	[tilespmem:s16+$0x51C0] =	vst v63  }
0xfd: {  	[tilespmem:s16+$0x51A0] =	vst v2;
	v2 =	vmul.f32 v9, v1  }
0xfe: {  	[tilespmem:s16+$0x51B0] =	vst v3;
	v1 =	vmul.f32 v8, v1  }
0xff: {  	p1 =	seq.s32 s7, $0x3D;
	[tilespmem:s16+$0x51D0] =	vst v2  }
.Ltmp2:
0x100: {  	[tilespmem:s16+$0x51E0] =	vst v1;
	(pc) =	sbr.rel @p1 .LBB2_8-.Ltmp2, $4  }
0x101: {  	[spmem:s2] =	stream.indirect.scatter.add.f32 [tilespmem:s31], [sflag:$0x3], $0x80, s3, s24, $0xb8;
	[tilespmem:$0x1EA80] =	vst v63  }
0x102: {  	_ =	swait.ge [sflag:s20], $0x2800  }
0x103: {  	[sflag:s20] =	ssyncset.done $0x0  }
0x104: {  	[sflag:s20] =	ssyncadd.s32 $0xFFFFD800  }
0x105: {  	s10 =	sadd.s32 s10, s14  }
0x106: {  	s10 =	sshrl.u32 s10, $0x3  }
0x107: {  	s10 =	sadd.s32 s5, s10  }
0x108: {  	[tilespmem:s26], [sflag:$0x3] =	stream.linear.gather [hbm4b:s10+s3], $0x50, $0x38;
	[tilespmem:$0x1EA80] =	vst v63  }
.Ltmp3:
0x109: {  	_ = 	snop;
	(pc) =	sbr.rel .LBB2_2-.Ltmp3, $4  }
0x10a: {  	_ =	swait.ge [sflag:s20], $0x50  }
0x10b: {  	[sflag:s20] =	ssyncset.done $0x0  }
0x10c: {  	s7 =	sadd.s32 $0x1, s7;
	[sflag:s20] =	ssyncadd.s32 $0xFFFFFFB0  }
0x10d: {  	[tilespmem:s28], [sflag:$0x2] =	stream.indirect.gather [hbm4b:s1+s24], $0x80, s26, s24, $0xb8;
	[tilespmem:$0x1EA80] =	vst v63  }
.LBB2_8:
0x10e: {  	_ =	swait.ge [sflag:s29], $0x2800  }
0x10f: {  	[sflag:s29] =	ssyncset.done $0x0  }
0x110: {  	s7 =	simm.s32 $0x0;
	s10 =	rddreg [dreg:$0x8];
	[sflag:s29] =	ssyncadd.s32 $0xFFFFD800  }
0x111: {  	[tilespmem:s30], [sflag:$0x3] =	stream.linear.gather [hbm4b:s10+s7], $0x2800, $0x38;
	[tilespmem:$0x1EA80] =	vst v63  }
0x112: {  	_ =	swait.ge [sflag:s20], $0x2800  }
0x113: {  	[sflag:s20] =	ssyncset.done $0x0  }
0x114: {  	s17 =	rddreg [dreg:$0x9];
	[sflag:s20] =	ssyncadd.s32 $0xFFFFD800  }
0x115: {  	[tilespmem:s7], [sflag:$0x3] =	stream.linear.gather [hbm4b:s17+s7], $0x50, $0x38;
	[tilespmem:$0x1EA80] =	vst v63  }
0x116: {  	_ =	swait.ge [sflag:s20], $0x50  }
0x117: {  	[sflag:s20] =	ssyncset.done $0x0  }
0x118: {  	s11 =	simm.s32 $0x0;
	[sflag:s20] =	ssyncadd.s32 $0xFFFFFFB0  }
0x119: {  	v1 =	vld [tilespmem:s11+$0x7980];
	_ =	sdelay $0x1  }
0x11a: {  	v4 =	vld [tilespmem:s11+$0x180]  }
0x11b: {  	v12 =	vld [tilespmem:s11+$0x190]  }
0x11c: {  	v13 =	vld [tilespmem:s11+$0x1A0]  }
0x11d: {  	v14 =	vld [tilespmem:s11+$0x1B0];
	v1 =	vsub.f32 v1, v0  }
0x11e: {  	v16 =	vld [tilespmem:s11+$0x1C0]  }
0x11f: {  	v17 =	vld [tilespmem:s11+$0x1D0];
	v1 =	vmul.f32 $1.442695020e+00, v1  }
0x120: {  	s10 =	simm.s32 $0x80;
	v18 =	vld [tilespmem:s11+$0x1E0]  }
0x121: {  	v19 =	vld [tilespmem:s10+$0x7980];
	(erf) = vpow2.f32 v1  }
0x122: {  	v11 =	vld [tilespmem:s10+$0x180]  }
0x123: {  	v10 =	vld [tilespmem:s10+$0x190]  }
0x124: {  	v9 =	vld [tilespmem:s10+$0x1A0]  }
0x125: {  	v8 =	vld [tilespmem:s10+$0x1B0]  }
0x126: {  	v19 =	vsub.f32 v19, v0;
	v1 =	vld [tilespmem:s11+$0x1F0]  }
0x127: {  	v7 =	vld [tilespmem:s10+$0x1C0]  }
0x128: {  	v5 =	vld [tilespmem:s10+$0x1D0];
	v19 =	vmul.f32 $1.442695020e+00, v19  }
0x129: {  	s7 =	simm.s32 $0x100;
	v6 =	vld [tilespmem:s10+$0x1E0]  }
0x12a: {  	v20 =	vld [tilespmem:s7+$0x7980];
	v21 =	vpop (erf);
	(erf) = vpow2.f32 v19  }
0x12b: {  	v3 =	vld [tilespmem:s7+$0x180];
	v15 =	vmul.f32 v1, v21  }
0x12c: {  	v2 =	vld [tilespmem:s7+$0x1A0];
	v22 =	vmul.f32 v21, v4  }
0x12d: {  	v1 =	vld [tilespmem:s7+$0x190];
	v12 =	vmul.f32 v21, v12;
	[tilespmem:s11+$0x51F0] =	vst v15  }
0x12e: {  	v13 =	vmul.f32 v13, v21;
	v4 =	vld [tilespmem:s7+$0x1B0];
	[tilespmem:s11+$0x5180] =	vst v22  }
0x12f: {  	v20 =	vsub.f32 v20, v0;
	v14 =	vmul.f32 v14, v21;
	v15 =	vld [tilespmem:s10+$0x1F0];
	[tilespmem:s11+$0x5190] =	vst v12  }
0x130: {  	v63 =	vmul.f32 v16, v21;
	v17 =	vmul.f32 v17, v21;
	v12 =	vld [tilespmem:s7+$0x1C0];
	[tilespmem:s11+$0x51A0] =	vst v13  }
0x131: {  	v16 =	vmul.f32 v18, v21;
	v18 =	vmul.f32 $1.442695020e+00, v20;
	v13 =	vld [tilespmem:s7+$0x1D0];
	[tilespmem:s11+$0x51B0] =	vst v14  }
0x132: {  	s12 =	simm.s32 $0x180;
	s15 =	simm.s32 $0x800;
	v14 =	vld [tilespmem:s7+$0x1E0];
	[tilespmem:s11+$0x51C0] =	vst v63  }
.LBB2_9:
0x133: {  	p1 =	sne.s32 s15, $0x9E00;
	v19 =	vld [tilespmem:s12+$0x7980];
	(erf) = vpow2.f32 v18;
	v18 =	vpop (erf);
	[tilespmem:s11+$0x51D0] =	vst v17  }
0x134: {  	v17 =	vmul.f32 v18, v11;
	v15 =	vmul.f32 v15, v18;
	[tilespmem:s11+$0x51E0] =	vst v16;
	v11 =	vmov v3;
	v3 =	vld [tilespmem:s12+$0x180];
	s11 =	smov.u32 s10;
	s10 =	smov.u32 s7;
	s7 =	smov.u32 s12  }
0x135: {  	v20 =	vmul.f32 v18, v10;
	v21 =	vmul.f32 v9, v18;
	v10 =	vmovc v1;
	v9 =	vmov v2;
	v1 =	vld [tilespmem:s7+$0x190]  }
0x136: {  	v22 =	vmul.f32 v8, v18;
	v23 =	vmul.f32 v7, v18;
	v8 =	vmovc v4;
	v7 =	vmov v12;
	v2 =	vld [tilespmem:s7+$0x1A0];
	[tilespmem:s11+$0x51F0] =	vst v15  }
.Ltmp4:
0x137: {  	v16 =	vmul.f32 v6, v18;
	v4 =	vld [tilespmem:s7+$0x1B0];
	[tilespmem:s11+$0x5180] =	vst v17;
	v17 =	vmul.f32 v5, v18;
	v5 =	vmovc v13;
	v6 =	vmov v14;
	(pc) =	sbr.rel @p1 .LBB2_9-.Ltmp4, $4  }
0x138: {  	v13 =	vsub.f32 v19, v0;
	v15 =	vld [tilespmem:s10+$0x1F0];
	[tilespmem:s11+$0x5190] =	vst v20  }
0x139: {  	v12 =	vld [tilespmem:s7+$0x1C0];
	[tilespmem:s11+$0x51A0] =	vst v21  }
0x13a: {  	v18 =	vmul.f32 $1.442695020e+00, v13;
	v13 =	vld [tilespmem:s7+$0x1D0];
	[tilespmem:s11+$0x51B0] =	vst v22  }
0x13b: {  	s12 =	sshra.s32 s15, $0x2;
	s15 =	sadd.s32 $0x200, s15;
	v14 =	vld [tilespmem:s7+$0x1E0];
	[tilespmem:s11+$0x51C0] =	vst v23  }
0x13c: {  	v19 =	vld [tilespmem:s12+$0x7980];
	[tilespmem:s11+$0x51D0] =	vst v17;
	v20 =	vpop (erf);
	(erf) = vpow2.f32 v18  }
0x13d: {  	v17 =	vld [tilespmem:s12+$0x180];
	[tilespmem:s11+$0x51E0] =	vst v16;
	v15 =	vmul.f32 v15, v20  }
0x13e: {  	v11 =	vmul.f32 v20, v11;
	v16 =	vld [tilespmem:s12+$0x190]  }
0x13f: {  	v21 =	vld [tilespmem:s12+$0x1A0];
	[tilespmem:s10+$0x51F0] =	vst v15  }
0x140: {  	v10 =	vmul.f32 v20, v10;
	v15 =	vld [tilespmem:s12+$0x1B0];
	[tilespmem:s10+$0x5180] =	vst v11  }
0x141: {  	v9 =	vmul.f32 v9, v20;
	v11 =	vld [tilespmem:s7+$0x1F0];
	v0 =	vsub.f32 v19, v0  }
0x142: {  	v8 =	vmul.f32 v8, v20;
	[tilespmem:s10+$0x5190] =	vst v10  }
0x143: {  	v7 =	vmul.f32 v7, v20;
	v10 =	vld [tilespmem:s12+$0x1C0];
	[tilespmem:s10+$0x51A0] =	vst v9;
	v0 =	vmul.f32 $1.442695020e+00, v0  }
0x144: {  	v5 =	vmul.f32 v5, v20;
	v9 =	vld [tilespmem:s12+$0x1D0];
	[tilespmem:s10+$0x51B0] =	vst v8  }
0x145: {  	v6 =	vmul.f32 v6, v20;
	v8 =	vld [tilespmem:s12+$0x1E0];
	[tilespmem:s10+$0x51C0] =	vst v7;
	(erf) = vpow2.f32 v0;
	v52 =	vpop (erf)  }
0x146: {  	[tilespmem:s10+$0x51D0] =	vst v5;
	v53 =	vmul.f32 v11, v52  }
0x147: {  	[tilespmem:s10+$0x51E0] =	vst v6;
	v3 =	vmul.f32 v52, v3  }
0x148: {  	[tilespmem:s7+$0x51F0] =	vst v53  }
0x149: {  	v1 =	vmul.f32 v52, v1;
	[tilespmem:s7+$0x5180] =	vst v3  }
0x14a: {  	v2 =	vmul.f32 v2, v52;
	v3 =	vld [tilespmem:s12+$0x1F0]  }
0x14b: {  	v4 =	vmul.f32 v4, v52;
	[tilespmem:s7+$0x5190] =	vst v1  }
0x14c: {  	v54 =	vmul.f32 v12, v52;
	[tilespmem:s7+$0x51A0] =	vst v2  }
0x14d: {  	v55 =	vmul.f32 v13, v52;
	[tilespmem:s7+$0x51B0] =	vst v4  }
0x14e: {  	v0 =	vmul.f32 v14, v52;
	[tilespmem:s7+$0x51C0] =	vst v54;
	v56 =	vpop (erf)  }
0x14f: {  	[tilespmem:s7+$0x51D0] =	vst v55;
	v57 =	vmul.f32 v3, v56  }
0x150: {  	[tilespmem:s7+$0x51E0] =	vst v0;
	v58 =	vmul.f32 v56, v17  }
0x151: {  	v59 =	vmul.f32 v56, v16;
	[tilespmem:s12+$0x51F0] =	vst v57  }
0x152: {  	v60 =	vmul.f32 v21, v56;
	[tilespmem:s12+$0x5180] =	vst v58  }
0x153: {  	v61 =	vmul.f32 v15, v56;
	[tilespmem:s12+$0x5190] =	vst v59  }
0x154: {  	v62 =	vmul.f32 v10, v56;
	[tilespmem:s12+$0x51A0] =	vst v60  }
0x155: {  	v63 =	vmul.f32 v9, v56;
	[tilespmem:s12+$0x51B0] =	vst v61  }
0x156: {  	v1 =	vmul.f32 v8, v56;
	[tilespmem:s12+$0x51C0] =	vst v62  }
0x157: {  	[tilespmem:s12+$0x51D0] =	vst v63  }
0x158: {  	[tilespmem:s12+$0x51E0] =	vst v1  }
0x159: {  	[spmem:s2] =	stream.indirect.scatter.add.f32 [tilespmem:s31], [sflag:$0x3], $0x80, s3, s24, $0xb8;
	[tilespmem:$0x1EA80] =	vst v63  }
0x15a: {  	_ =	swait.ge [sflag:s20], $0x2800  }
0x15b: {  	[sflag:s20] =	ssyncset.done $0x0  }
0x15c: {  	[sflag:s20] =	ssyncadd.s32 $0xFFFFD800  }
0x15d: {  	s19 =	sadd.s32 $0x1, s19;
	[bflag:$0x0] =	sbarrier.arrive $0xFFFF  }
0x15e: {  	p1 =	sne.s32 s19, s18;
	s7 =	sshrl.u32 @!p0 s2, $0x3;
	s10 =	rddreg [dreg:$0xa]  }
0x15f: {  	[hbm:s10], [sflag:s21] =	dma.local @!p0 [spmem:s7], $0x27100  }
.Ltmp5:
0x160: {  	_ = 	snop;
	(pc) =	sbr.rel @p1 .LBB2_1-.Ltmp5, $4  }
0x161: {  	s7 =	simm.s32 @!p0 $0x3  }
0x162: {  	_ =	swait.ge @!p0 [sflag:s7], $0x27100  }
0x163: {  	[sflag:s7] =	ssyncset.done @!p0 $0x0  }
0x164: {  	[sflag:s7] =	ssyncadd.s32 @!p0 $0xFFFD8F00  }
0x165: {  	_ =	sfence.sel $0x180000  }
0x166: {  	[bflag:$0x0] =	sbarrier.arrive $0xFFFF  }
0x167: {  	_ =	strace $0x9000004A  }
0x168: {  	[bflag:$0x2] =	sbarrier.arrive $0xFFFF  }
0x169: {  	s0 =	rddreg [dreg:$0x3]  }
0x16a: {  	s0 =	sadd.s32 @!p0 $0x100000, s0  }
0x16b: {  	[sflag:s0] =	ssyncadd.tile.s32 @!p0 $0x1;
	_ =	shalt  }
.Lfunc_end2:
_tile_overlayer_lowered:
.L_overlay_start_2:
0x16c: {  	(tag) =	ssettag $0x2  }
0x16d: {  	s0 =	rddreg [dreg:$0x0];
	s2 =	stileid.u32  }
0x16e: {  	s1 =	rddreg [dreg:$0x1];
	p0 =	sne.s32 s2, $0x0  }
0x16f: {  	s3 =	rddreg [dreg:$0x2];
	[bflag:$0x3] =	sbarrier.arrive $0xFFFF;
	s2 =	simm.s32 @!p0 $0x1C03  }
0x170: {  	[timem:s3], [sflag:s2] =	dma.local @!p0 [hbm:s0], s1  }
0x171: {  	s0 =	simm.s32 @!p0 $0x3  }
0x172: {  	_ =	swait.ge @!p0 [sflag:s0], s1  }
0x173: {  	s1 =	ssub.s32 @!p0 $0x0, s1;
	[sflag:s0] =	ssyncset.done @!p0 $0x0  }
0x174: {  	[sflag:s0] =	ssyncadd.s32 @!p0 s1  }
0x175: {  	[bflag:$0x3] =	sbarrier.arrive $0xFFFF  }
0x176: {  	_ =	shalt  }

// kernel: kernel.13.cloned.1.call-start
scs
__scs_entry_jumppad:
0x0: {  	(pc) =	sbr.rel $0x88, $3  }
0x1: {  	(tag) =	ssettag $0x0;
	lr =	simm.s32 $0x1  }
0x2: {  	[smem:$0x3F93] =	sst lr;
	_ =	strace $0xD0000000  }
0x3: {  	_ = 	snop  }
0x4: {  	_ = 	snop  }
0x5: {  	_ = 	snop  }
0x6: {  	_ = 	snop  }
0x7: {  	_ = 	snop  }
__scs_overlays_trampoline_lowered:
0x8: {  	[smem:$0x3FA2] =	sst s0  }
0x9: {  	[smem:$0x3FA3] =	sst s1  }
0xa: {  	[smem:$0x3FA4] =	sst s2  }
0xb: {  	[smem:$0x3FA5] =	sst s3  }
0xc: {  	[smem:$0x3FA6] =	sst s4  }
0xd: {  	[smem:$0x3FA7] =	sst s5  }
0xe: {  	[smem:$0x3FA8] =	sst s6  }
0xf: {  	[smem:$0x3FA9] =	sst s7  }
0x10: {  	[smem:$0x3FAA] =	sst s8  }
0x11: {  	[smem:$0x3FAB] =	sst s9;
	s0 =	simm.s32 @!p0 $0x0  }
0x12: {  	s1 =	sld [smem:$0x3F91];
	s0 =	simm.s32 @p0 $0x1  }
0x13: {  	[smem:$0x3FAC] =	sst s0;
	s0 =	simm.s32 @!p1 $0x0  }
0x14: {  	s2 =	sld [smem:$0x3F90];
	s0 =	simm.s32 @p1 $0x1  }
0x15: {  	[smem:$0x3FAD] =	sst s0;
	s0 =	simm.s32 @!p2 $0x0  }
0x16: {  	s3 =	sld [smem:$0x3FDB];
	s0 =	simm.s32 @p2 $0x1  }
0x17: {  	s4 =	simm.s32 $0x1BF5;
	[smem:$0x3FAF] =	sst s0  }
0x18: {  	s0 =	sld [smem:$0x3F92];
	_ =	swait.ge [sflag:s4], $0x0  }
0x19: {  	s7 =	sld [smem:$0x3F93]  }
0x1a: {  	s8 =	sadd.s32 $0xFFFFE003, lr  }
0x1b: {  	s9 =	sadd.s32 $0xFFFFFEF7, lr;
	s5 =	simm.s32 $0xFFFFFFFF;
	p2 =	slt.u32 s8, $0xFFFFF086  }
0x1c: {  	p1 =	slt.u32 s9, $0xF7A;
	s5 =	simm.s32 @!p2 $0x0  }
0x1d: {  	s5 =	simm.s32 @p1 $0x1;
	p0 =	seq.s32 s7, s2  }
0x1e: {  	s7 =	smul.u32 @!p0 $0xF7A, s2;
	p2 =	seq.s32 @!p0 s5, $0x0  }
0x1f: {  	s9 =	smul.u32 $0xF7A, s1;
	s8 =	simm.s32 @!p0 $0x1BF5;
	p2 =	por !p2, p0  }
0x20: {  	[sflag:s8] =	ssyncset.s32 @!p0 $0xFFFFF086;
	s6 =	sadd.s32 @!p0 s3, s7;
	s7 =	simm.s32 @!p0 $0x108  }
0x21: {  	s3 =	sadd.s32 s3, s9;
	s6 =	sadd.s32 @!p0 $0x88, s6;
	s7 =	simm.s32 @p2 $0x1082  }
0x22: {  	[simem:s7], [sflag:s8] =	dma.local @!p0 [hbm:s6], $0xF7A  }
0x23: {  	s9 =	sor.u32 $0xD0000000, s2;
	s6 =	simm.s32 $0x108;
	_ =	swait.ge @!p0 [sflag:s8], $0x0  }
0x24: {  	s3 =	sadd.s32 $0x88, s3;
	s6 =	simm.s32 @!p1 $0x1082;
	[sflag:s4] =	ssyncset.s32 $0xFFFFF086  }
0x25: {  	[simem:s6], [sflag:s4] =	dma.local [hbm:s3], $0xF7A  }
0x26: {  	[smem:$0x3F93] =	sst s1;
	(tag) =	ssettag s2;
	_ =	strace s9  }
0x27: {  	s1 =	sld [smem:$0x3FA3]  }
0x28: {  	s2 =	sld [smem:$0x3FA4]  }
0x29: {  	s4 =	sld [smem:$0x3FA6]  }
0x2a: {  	p0 =	seq.s32 s5, $0x0;
	s5 =	sld [smem:$0x3FA7]  }
0x2b: {  	s6 =	sld [smem:$0x3FA8]  }
0x2c: {  	s7 =	sld [smem:$0x3FA9]  }
0x2d: {  	s3 =	simm.s32 $0x108;
	s8 =	sld [smem:$0x3FAA]  }
0x2e: {  	s3 =	simm.s32 @!p0 $0x1082;
	s9 =	sld [smem:$0x3FAB]  }
0x2f: {  	lr =	sadd.s32 s0, s3;
	s0 =	sld [smem:$0x3FA2]  }
0x30: {  	s3 =	sld [smem:$0x3FA5]  }
0x31: {  	[smem:$0x3FAE] =	sst s10  }
0x32: {  	s10 =	sld [smem:$0x3FAC];
	_ =	sdelay $0x3  }
0x33: {  	p0 =	seq.s32 s10, $0x1;
	s10 =	sld [smem:$0x3FAE];
	_ =	sdelay $0x3  }
0x34: {  	[smem:$0x3FAE] =	sst s10  }
0x35: {  	s10 =	sld [smem:$0x3FAD];
	_ =	sdelay $0x3  }
0x36: {  	p1 =	seq.s32 s10, $0x1;
	s10 =	sld [smem:$0x3FAE];
	_ =	sdelay $0x3  }
0x37: {  	[smem:$0x3FAE] =	sst s10  }
0x38: {  	s10 =	sld [smem:$0x3FAF]  }
0x39: {  	_ = 	snop;
	(pc) =	sbr.ind lr, $3  }
0x3a: {  	_ = 	snop  }
0x3b: {  	_ = 	snop  }
0x3c: {  	p2 =	seq.s32 s10, $0x1;
	s10 =	sld [smem:$0x3FAE]  }
0x3d: {  	_ =	shalt  }
0x3e: {  	_ =	shalt  }
0x3f: {  	_ =	shalt  }
0x40: {  	_ =	shalt  }
0x41: {  	_ =	shalt  }
0x42: {  	_ =	shalt  }
0x43: {  	_ =	shalt  }
0x44: {  	_ =	shalt  }
0x45: {  	_ =	shalt  }
0x46: {  	_ =	shalt  }
0x47: {  	_ =	shalt  }
0x48: {  	_ =	shalt  }
0x49: {  	_ =	shalt  }
0x4a: {  	_ =	shalt  }
0x4b: {  	_ =	shalt  }
0x4c: {  	_ =	shalt  }
0x4d: {  	_ =	shalt  }
0x4e: {  	_ =	shalt  }
0x4f: {  	_ =	shalt  }
0x50: {  	_ =	shalt  }
0x51: {  	_ =	shalt  }
0x52: {  	_ =	shalt  }
0x53: {  	_ =	shalt  }
0x54: {  	_ =	shalt  }
0x55: {  	_ =	shalt  }
0x56: {  	_ =	shalt  }
0x57: {  	_ =	shalt  }
0x58: {  	_ =	shalt  }
0x59: {  	_ =	shalt  }
0x5a: {  	_ =	shalt  }
0x5b: {  	_ =	shalt  }
0x5c: {  	_ =	shalt  }
0x5d: {  	_ =	shalt  }
0x5e: {  	_ =	shalt  }
0x5f: {  	_ =	shalt  }
0x60: {  	_ =	shalt  }
0x61: {  	_ =	shalt  }
0x62: {  	_ =	shalt  }
0x63: {  	_ =	shalt  }
0x64: {  	_ =	shalt  }
0x65: {  	_ =	shalt  }
0x66: {  	_ =	shalt  }
0x67: {  	_ =	shalt  }
0x68: {  	_ =	shalt  }
0x69: {  	_ =	shalt  }
0x6a: {  	_ =	shalt  }
0x6b: {  	_ =	shalt  }
0x6c: {  	_ =	shalt  }
0x6d: {  	_ =	shalt  }
0x6e: {  	_ =	shalt  }
0x6f: {  	_ =	shalt  }
0x70: {  	_ =	shalt  }
0x71: {  	_ =	shalt  }
0x72: {  	_ =	shalt  }
0x73: {  	_ =	shalt  }
0x74: {  	_ =	shalt  }
0x75: {  	_ =	shalt  }
0x76: {  	_ =	shalt  }
0x77: {  	_ =	shalt  }
0x78: {  	_ =	shalt  }
0x79: {  	_ =	shalt  }
0x7a: {  	_ =	shalt  }
0x7b: {  	_ =	shalt  }
0x7c: {  	_ =	shalt  }
0x7d: {  	_ =	shalt  }
0x7e: {  	_ =	shalt  }
0x7f: {  	_ =	shalt  }
0x80: {  	_ =	shalt  }
0x81: {  	_ =	shalt  }
0x82: {  	_ =	shalt  }
0x83: {  	_ =	shalt  }
0x84: {  	_ =	shalt  }
0x85: {  	_ =	shalt  }
0x86: {  	_ =	shalt  }
0x87: {  	_ =	shalt  }
.Lfunc_end0:
.L_simem_size_0:
called_computation.2_lowered:
.L_overlay_start_0:
0x88: {  	s2 =	sld [smem:$0x3FD9]  }
0x89: {  	s3 =	sld [smem:$0x3FFE];
	_ =	sdelay $0x1  }
0x8a: {  	s1 =	srdreg.scid  }
0x8b: {  	s0 =	sand.u32 $0x1, s1  }
0x8c: {  	s17 =	sshll.u32 s0, $0xA;
	s2 =	sadd.s32 s3, s2  }
0x8d: {  	s2 =	sadd.s32 s2, s17  }
0x8e: {  	[smem:$0x3FBA] =	sst s2  }
0x8f: {  	_ = 	snop  }
0x90: {  	(tm) =	ssettm $0x1  }
0x91: {  	s18 =	sld [smem:$0x3FFB];
	_ =	sdelay $0x3  }
0x92: {  	_ =	strace s18  }
0x93: {  	s2 =	sld [smem:$0x3FFC];
	_ =	sdelay $0x3  }
0x94: {  	_ =	strace s2  }
0x95: {  	s2 =	sld [smem:$0x3FFD];
	_ =	sdelay $0x3  }
0x96: {  	_ =	strace s2  }
0x97: {  	_ =	strace $0x8FFFFFFF  }
0x98: {  	s19 =	sld [smem:$0x3FDB];
	_ =	sdelay $0x1  }
0x99: {  	s20 =	simm.s32 $_scs_section_size  }
0x9a: {  	s4 =	simm.s32 $_size__tile_overlayer_lowered;
	s5 =	simm.s32 $_tile_overlayer_lowered  }
0x9b: {  	s6 =	simm.s32 $0x1BFF;
	s21 =	sshll.u32 s5, $0x1;
	s3 =	sadd.s32 s20, s19  }
0x9c: {  	s22 =	simm.s32 $0x0;
	s4 =	sshll.u32 s4, $0x1;
	s5 =	sadd.s32 s21, s3  }
0x9d: {  	[timem:s22], [sflag:s6] =	dma.local [hbm:s5], s4  }
0x9e: {  	_ =	swait.ge [sflag:s6], s4  }
0x9f: {  	s4 =	ssub.s32 $0x0, s4;
	[sflag:s6] =	ssyncset.done $0x0  }
0xa0: {  	[sflag:s6] =	ssyncadd.s32 s4;
	_ =	sdelay $0x1  }
0xa1: {  	s23 =	simm.s32 $0x1B8B  }
0xa2: {  	_ =	swait.ge [sflag:s23], $0x1  }
0xa3: {  	[sflag:s23] =	ssyncset.done $0x0  }
0xa4: {  	[sflag:s23] =	ssyncadd.s32 $0xFFFFFFFF  }
0xa5: {  	s4 =	sld [smem:$0x0]  }
0xa6: {  	s5 =	sand.u32 $0xFFFFFFFE, s1  }
0xa7: {  	p0 =	sne.s32 s1, s5  }
0xa8: {  	s5 =	sshll.u32 @p0 s5, $0xE  }
0xa9: {  	s5 =	sadd.s32 @p0 $0x11B8D, s5;
	s6 =	sshll.u32 @p0 s4, $0x11  }
0xaa: {  	s5 =	sor.u32 @p0 s6, s5  }
0xab: {  	[sflag:s5] =	ssyncadd.remote.s32 @p0 $0x1;
	_ =	sdelay $0x1  }
0xac: {  	s5 =	simm.s32 @p0 $0x1B8D  }
0xad: {  	_ =	swait.eq @p0 [sflag:s5], $0x1  }
0xae: {  	[sflag:s5] =	ssyncadd.s32 @p0 $0xFFFFFFFF  }
0xaf: {  	s6 =	sshll.u32 @!p0 s1, $0xE  }
0xb0: {  	s6 =	sor.u32 @!p0 $0x4000, s6;
	s5 =	simm.s32 @!p0 $0x1B8D  }
0xb1: {  	s4 =	sshll.u32 @!p0 s4, $0x11;
	s6 =	sadd.s32 @!p0 $0x11B8D, s6;
	_ =	swait.eq @!p0 [sflag:s5], $0x1  }
0xb2: {  	s4 =	sor.u32 @!p0 s4, s6;
	[sflag:s5] =	ssyncadd.s32 @!p0 $0xFFFFFFFF  }
0xb3: {  	s25 =	simm.s32 $0x1B8E;
	s24 =	sld [smem:$0x3FFE];
	[sflag:s4] =	ssyncadd.remote.s32 @!p0 $0x1  }
0xb4: {  	s26 =	simm.s32 $execute0_lowered;
	[smem:$0x3FD2] =	sst s25  }
0xb5: {  	s5 =	sshll.u32 s26, $0x1;
	_ =	strace $0x8000004C;
	[dreg:$0x1] =	wrdreg $0xFFFFFFFF  }
0xb6: {  	s28 =	simm.s32 $_size_execute0_lowered;
	s3 =	sadd.s32 s3, s5;
	[dreg:$0x0] =	wrdreg $0x0  }
0xb7: {  	s5 =	sshll.u32 s28, $0x1;
	[dreg:$0x2] =	wrdreg s3  }
0xb8: {  	[dreg:$0x3] =	wrdreg s5  }
0xb9: {  	[dreg:$0x4] =	wrdreg $0xC0  }
0xba: {  	_ =	task [dreg:s22], $0x5FFFF  }
0xbb: {  	[dreg:$0x1] =	wrdreg $0xFFFFFFFF  }
0xbc: {  	[dreg:$0x0] =	wrdreg $0x60  }
0xbd: {  	[dreg:$0x2] =	wrdreg s24  }
0xbe: {  	[dreg:$0x3] =	wrdreg $0x89000  }
0xbf: {  	[dreg:$0x4] =	wrdreg $0xA  }
0xc0: {  	_ =	task.clear_ibuf [dreg:s22], $0x5FFFF;
	_ =	strace $0x9000004C  }
0xc1: {  	s29 =	simm.s32 $0xA;
	_ =	strace $0x8000004E  }
0xc2: {  	_ =	swait.ge [sflag:s29], $0x1  }
0xc3: {  	[sflag:s29] =	ssyncadd.s32 $0xFFFFFFFF  }
0xc4: {  	_ =	strace $0x9000004E  }
0xc5: {  	_ =	sfence  }
0xc6: {  	s30 =	sld [smem:$0x0];
	_ =	sdelay $0x2  }
0xc7: {  	s31 =	sshll.u32 s1, $0xD;
	s1 =	sshrl.u32 s1, $0x2  }
0xc8: {  	s4 =	sand.u32 $0x4000, s31;
	s1 =	sadd.s32 s1, s30  }
0xc9: {  	s0 =	sor.u32 s4, s0;
	s1 =	sshll.u32 s1, $0x11  }
0xca: {  	s0 =	sor.u32 s1, s0  }
0xcb: {  	s0 =	sadd.s32 $0x8F2B, s0  }
0xcc: {  	[sflag:s0] =	ssyncadd.remote.s32 $0x1  }
0xcd: {  	_ =	sfence.sel $0xFFFF  }
0xce: {  	[dreg:$0x0] =	wrdreg $0xFFFFFFFF;
	(pc) =	sbr.abs _section_cstart, $3  }
0xcf: {  	[dreg:$0x1] =	wrdreg $0xFFFFFFFF  }
0xd0: {  	_ =	task.clear_ibuf [dreg:s22], $0x2FFFF;
	_ =	strace $0x9FFFFFFF  }
0xd1: {  	(tm) =	ssettm $0x7FFFFFFF  }
tec
execute0_lowered:
.L_overlay_start_1:
0x0: {  	(tag) =	ssettag $0x1  }
0x1: {  	s0 =	rddreg [dreg:$0x0]  }
0x2: {  	s1 =	rddreg [dreg:$0x1];
	s2 =	simm.s32 $0x0;
	s5 =	stileid.u32  }
0x3: {  	s4 =	srdreg.scid;
	s17 =	simm.s32 $0x3;
	s20 =	simm.s32 $0x80  }
0x4: {  	s21 =	simm.s32 $0x2880;
	s22 =	simm.s32 $0x1;
	s23 =	simm.s32 $0x50  }
0x5: {  	[smem:$0x7FF] =	sst s2;
	s3 =	sadd.s32 $0xD800, s0;
	s6 =	smul.u32 $0x2700, s5  }
0x6: {  	s7 =	sand.u32 $0x1, s4;
	s4 =	sadd.s32 $0x65C00, s0;
	s9 =	sshll.u32 s5, $0x1  }
0x7: {  	s10 =	sadd.s32 $0x547C00, s0;
	s24 =	smul.u32 $0x4E000, s5;
	s31 =	sshll.u32 s5, $0x6  }
0x8: {  	p0 =	sne.s32 s5, $0x0;
	_ =	strace $0x8000004D;
	s8 =	smul.u32 $0x27100, s7  }
0x9: {  	[dreg:$0x3] =	wrdreg s10;
	s9 =	sor.u32 s7, s9;
	s7 =	ssub.s32 $0x2, s7  }
0xa: {  	s18 =	sor.u32 $0x1C03, s31;
	s11 =	sadd.s32 s6, s0;
	s6 =	smul.u32 $0x2710, s9  }
0xb: {  	s25 =	sshrl.u32 s7, $0x1;
	s12 =	smul.u32 $0x138800, s9;
	s26 =	sshrl.u32 s24, $0x2  }
0xc: {  	s28 =	smul.u32 $0x27100, s9;
	s24 =	simm.s32 $0x5080;
	s0 =	sadd.s32 s8, s0  }
0xd: {  	s15 =	ssub.s32 s7, s25;
	s16 =	sadd.s32 s26, s1;
	s7 =	sadd.s32 $0x17800, s11  }
0xe: {  	s25 =	simm.s32 $0x2;
	s26 =	simm.s32 $0x0;
	s29 =	sshrl.u32 s12, $0x3  }
0xf: {  	s8 =	sadd.s32 s4, s28;
	s30 =	sshrl.u32 s6, $0x3;
	s10 =	sadd.s32 $0xA0, s6  }
0x10: {  	s11 =	sadd.s32 $0x50, s6;
	s12 =	sadd.s32 $0xF0, s6;
	s14 =	sadd.s32 $0x596000, s0  }
0x11: {  	s15 =	smax.u32 s15, $0x1;
	s9 =	sadd.s32 s4, s29;
	s13 =	sadd.s32 s3, s30  }
0x12: {  	s19 =	sshrl.u32 s16, $0x3;
	s9 =	sadd.s32 $0x500, s9;
	s13 =	sadd.s32 $0x4D8, s13  }
.LBB2_1:
0x13: {  	s0 =	rddreg [dreg:$0x3];
	s5 =	simm.s32 $0x7880  }
0x14: {  	[tilespmem:s5], [sflag:$0x3] =	stream.linear.gather [hbm4b:s0+s2], $0x1000, $0x38;
	[tilespmem:$0x1C180] =	vst v63  }
0x15: {  	_ =	swait.ge [sflag:s17], $0x1000  }
0x16: {  	[sflag:s17] =	ssyncset.done $0x0  }
0x17: {  	[sflag:s17] =	ssyncadd.s32 $0xFFFFF000  }
0x18: {  	v0 =	vld [tilespmem:$0x7880]  }
0x19: {  	v1 =	vld [tilespmem:$0x7900]  }
0x1a: {  	v2 =	vld [tilespmem:$0x7980]  }
0x1b: {  	v3 =	vld [tilespmem:$0x7A00]  }
0x1c: {  	v4 =	vld [tilespmem:$0x7A80]  }
0x1d: {  	v5 =	vld [tilespmem:$0x7B00]  }
0x1e: {  	v0 =	vmax.f32 v0, v1;
	v1 =	vld [tilespmem:$0x7B80]  }
0x1f: {  	v0 =	vmax.f32 v0, v2;
	v2 =	vld [tilespmem:$0x7C00]  }
0x20: {  	v0 =	vmax.f32 v0, v3;
	v3 =	vld [tilespmem:$0x7C80]  }
0x21: {  	v54 =	vld [tilespmem:$0x7D00];
	v0 =	vmax.f32 v0, v4  }
0x22: {  	v55 =	vld [tilespmem:$0x7D80];
	v0 =	vmax.f32 v0, v5  }
0x23: {  	v0 =	vmax.f32 v0, v1;
	v1 =	vld [tilespmem:$0x7E00]  }
0x24: {  	v0 =	vmax.f32 v0, v2;
	v2 =	vld [tilespmem:$0x7E80]  }
0x25: {  	v0 =	vmax.f32 v0, v3;
	v3 =	vld [tilespmem:$0x7F00]  }
0x26: {  	v56 =	vld [tilespmem:$0x7F80];
	v0 =	vmax.f32 v0, v54  }
0x27: {  	v57 =	vld [tilespmem:$0x8000];
	v0 =	vmax.f32 v0, v55  }
0x28: {  	v0 =	vmax.f32 v0, v1;
	v1 =	vld [tilespmem:$0x8080]  }
0x29: {  	v0 =	vmax.f32 v0, v2;
	v2 =	vld [tilespmem:$0x8100]  }
0x2a: {  	v0 =	vmax.f32 v0, v3;
	v3 =	vld [tilespmem:$0x8180]  }
0x2b: {  	v58 =	vld [tilespmem:$0x8200];
	v0 =	vmax.f32 v0, v56  }
0x2c: {  	v59 =	vld [tilespmem:$0x8280];
	v0 =	vmax.f32 v0, v57  }
0x2d: {  	v0 =	vmax.f32 v0, v1;
	v1 =	vld [tilespmem:$0x8300]  }
0x2e: {  	v0 =	vmax.f32 v0, v2;
	v2 =	vld [tilespmem:$0x8380]  }
0x2f: {  	v0 =	vmax.f32 v0, v3;
	v3 =	vld [tilespmem:$0x8400]  }
0x30: {  	v60 =	vld [tilespmem:$0x8480];
	v0 =	vmax.f32 v0, v58  }
0x31: {  	v61 =	vld [tilespmem:$0x8500];
	v0 =	vmax.f32 v0, v59  }
0x32: {  	v0 =	vmax.f32 v0, v1;
	v1 =	vld [tilespmem:$0x8580]  }
0x33: {  	v0 =	vmax.f32 v0, v2;
	v2 =	vld [tilespmem:$0x8600]  }
0x34: {  	v0 =	vmax.f32 v0, v3;
	v3 =	vld [tilespmem:$0x8680]  }
0x35: {  	v62 =	vld [tilespmem:$0x8700];
	v0 =	vmax.f32 v0, v60  }
0x36: {  	v63 =	vld [tilespmem:$0x8780];
	v0 =	vmax.f32 v0, v61  }
0x37: {  	v0 =	vmax.f32 v0, v1;
	v1 =	vld [tilespmem:$0x8800]  }
0x38: {  	v0 =	vmax.f32 v0, v2  }
0x39: {  	v0 =	vmax.f32 v0, v3  }
0x3a: {  	v0 =	vmax.f32 v0, v62  }
0x3b: {  	v0 =	vmax.f32 v0, v63  }
0x3c: {  	v0 =	vmax.f32 v0, v1  }
0x3d: {  	[tilespmem:$0x8880] =	vst v0  }
0x3e: {  	[tilespmem:$0x8890] =	vst v0  }
0x3f: {  	v1 =	vld [tilespmem:$0x8888];
	_ =	sdelay $0x4  }
0x40: {  	v0 =	vmax.f32 v0, v1  }
0x41: {  	[tilespmem:$0x8880] =	vst v0  }
0x42: {  	[tilespmem:$0x8890] =	vst v0  }
0x43: {  	v1 =	vld [tilespmem:$0x8884];
	_ =	sdelay $0x4  }
0x44: {  	v0 =	vmax.f32 v0, v1  }
0x45: {  	[tilespmem:$0x8880] =	vst v0  }
0x46: {  	[tilespmem:$0x8890] =	vst v0  }
0x47: {  	v1 =	vld [tilespmem:$0x8882];
	_ =	sdelay $0x4  }
0x48: {  	v0 =	vmax.f32 v0, v1  }
0x49: {  	[tilespmem:$0x8880] =	vst v0  }
0x4a: {  	[tilespmem:$0x8890] =	vst v0  }
0x4b: {  	v1 =	vld [tilespmem:$0x8881];
	[spmem:s19], [sflag:s18] =	dma.local [hbm:s7], $0x2800  }
0x4c: {  	_ =	swait.ge [sflag:s17], $0x2800  }
0x4d: {  	[sflag:s17] =	ssyncset.done $0x0  }
0x4e: {  	[sflag:s17] =	ssyncadd.s32 $0xFFFFD800  }
0x4f: {  	[bflag:$0x0] =	sbarrier.arrive $0xFFFF  }
0x50: {  	[tilespmem:s20], [sflag:$0x1] =	stream.linear.gather [hbm4b:s8+s2], $0x2800, $0x38;
	[tilespmem:$0x1C180] =	vst v63  }
0x51: {  	s28 =	simm.s32 $0x0  }
0x52: {  	v0 =	vmax.f32 v0, v1;
	[tilespmem:s21], [sflag:$0x2] =	stream.linear.gather [hbm4b:s9+s2], $0x2800, $0x38;
	[tilespmem:$0x1C180] =	vst v63  }
.LBB2_2:
0x53: {  	s29 =	smul.u32 $0xA0, s28;
	_ =	sdelay $0x1  }
0x54: {  	_ =	swait.ge [sflag:s22], $0x2800;
	s0 =	sadd.s32 s6, s29  }
0x55: {  	[sflag:s22] =	ssyncset.done $0x0;
	s0 =	sshrl.u32 s0, $0x3  }
0x56: {  	s5 =	simm.s32 $0x0;
	[sflag:s22] =	ssyncadd.s32 $0xFFFFD800;
	s0 =	sadd.s32 s3, s0  }
0x57: {  	[tilespmem:s5], [sflag:$0x3] =	stream.linear.gather [hbm4b:s0+s5], $0x50, $0x38;
	[tilespmem:$0x1C180] =	vst v63  }
0x58: {  	_ =	swait.ge [sflag:s17], $0x50  }
0x59: {  	[sflag:s17] =	ssyncset.done $0x0  }
0x5a: {  	s16 =	simm.s32 $0x0;
	[sflag:s17] =	ssyncadd.s32 $0xFFFFFFB0  }
0x5b: {  	v1 =	vld [tilespmem:s16+$0x80];
	_ =	sdelay $0x4  }
0x5c: {  	v1 =	vsub.f32 v1, v0;
	_ =	sdelay $0x1  }
0x5d: {  	v1 =	vmul.f32 $1.442695020e+00, v1  }
0x5e: {  	s31 =	simm.s32 $0x80  }
0x5f: {  	v2 =	vld [tilespmem:s31+$0x80];
	(erf) = vpow2.f32 v1;
	_ =	sdelay $0x4  }
0x60: {  	v2 =	vsub.f32 v2, v0;
	_ =	sdelay $0x1  }
0x61: {  	s30 =	simm.s32 $0x100;
	v2 =	vmul.f32 $1.442695020e+00, v2  }
0x62: {  	v3 =	vld [tilespmem:s30+$0x80]  }
0x63: {  	v1 =	vpop (erf);
	(erf) = vpow2.f32 v2;
	_ =	sdelay $0x1  }
0x64: {  	[tilespmem:s16+$0x50F0] =	vst v1  }
0x65: {  	[tilespmem:s16+$0x5080] =	vst v1  }
0x66: {  	v3 =	vsub.f32 v3, v0;
	[tilespmem:s16+$0x5090] =	vst v1  }
0x67: {  	[tilespmem:s16+$0x50A0] =	vst v1  }
0x68: {  	s0 =	simm.s32 $0x180;
	s5 =	simm.s32 $0x800;
	v2 =	vmul.f32 $1.442695020e+00, v3;
	[tilespmem:s16+$0x50B0] =	vst v1  }
.LBB2_3:
0x69: {  	p1 =	sne.s32 s5, $0x9E00;
	v3 =	vld [tilespmem:s0+$0x80];
	[tilespmem:s16+$0x50C0] =	vst v1  }
0x6a: {  	(erf) = vpow2.f32 v2;
	[tilespmem:s16+$0x50D0] =	vst v1  }
0x6b: {  	[tilespmem:s16+$0x50E0] =	vst v1;
	v1 =	vpop (erf);
	s16 =	smov.u32 s31;
	s31 =	smov.u32 s30;
	s30 =	smov.u32 s0  }
.Ltmp0:
0x6c: {  	[tilespmem:s16+$0x50F0] =	vst v1;
	(pc) =	sbr.rel @p1 .LBB2_3-.Ltmp0, $4  }
0x6d: {  	[tilespmem:s16+$0x5080] =	vst v1  }
0x6e: {  	v2 =	vsub.f32 v3, v0;
	[tilespmem:s16+$0x5090] =	vst v1  }
0x6f: {  	[tilespmem:s16+$0x50A0] =	vst v1  }
0x70: {  	s0 =	sshra.s32 s5, $0x2;
	s5 =	sadd.s32 $0x200, s5;
	v2 =	vmul.f32 $1.442695020e+00, v2;
	[tilespmem:s16+$0x50B0] =	vst v1  }
0x71: {  	v3 =	vld [tilespmem:s0+$0x80]  }
0x72: {  	[tilespmem:s16+$0x50C0] =	vst v1  }
0x73: {  	[tilespmem:s16+$0x50D0] =	vst v1;
	(erf) = vpow2.f32 v2  }
0x74: {  	[tilespmem:s16+$0x50E0] =	vst v1;
	v2 =	vpop (erf)  }
0x75: {  	[tilespmem:s31+$0x50F0] =	vst v2  }
0x76: {  	[tilespmem:s31+$0x5080] =	vst v2;
	v1 =	vsub.f32 v3, v0  }
0x77: {  	[tilespmem:s31+$0x5090] =	vst v2  }
0x78: {  	[tilespmem:s31+$0x50A0] =	vst v2;
	v1 =	vmul.f32 $1.442695020e+00, v1  }
0x79: {  	[tilespmem:s31+$0x50B0] =	vst v2  }
0x7a: {  	[tilespmem:s31+$0x50C0] =	vst v2  }
0x7b: {  	[tilespmem:s31+$0x50D0] =	vst v2;
	(erf) = vpow2.f32 v1  }
0x7c: {  	[tilespmem:s31+$0x50E0] =	vst v2;
	v1 =	vpop (erf)  }
0x7d: {  	[tilespmem:s30+$0x50F0] =	vst v1  }
0x7e: {  	[tilespmem:s30+$0x5080] =	vst v1  }
0x7f: {  	[tilespmem:s30+$0x5090] =	vst v1  }
0x80: {  	[tilespmem:s30+$0x50A0] =	vst v1  }
0x81: {  	[tilespmem:s30+$0x50B0] =	vst v1  }
0x82: {  	[tilespmem:s30+$0x50C0] =	vst v1  }
0x83: {  	[tilespmem:s30+$0x50D0] =	vst v1  }
0x84: {  	[tilespmem:s30+$0x50E0] =	vst v1;
	v2 =	vpop (erf)  }
0x85: {  	[tilespmem:s0+$0x50F0] =	vst v2  }
0x86: {  	[tilespmem:s0+$0x5080] =	vst v2  }
0x87: {  	[tilespmem:s0+$0x5090] =	vst v2  }
0x88: {  	[tilespmem:s0+$0x50A0] =	vst v2  }
0x89: {  	[tilespmem:s0+$0x50B0] =	vst v2  }
0x8a: {  	[tilespmem:s0+$0x50C0] =	vst v2  }
0x8b: {  	[tilespmem:s0+$0x50D0] =	vst v2  }
0x8c: {  	[tilespmem:s0+$0x50E0] =	vst v2;
	s0 =	simm.s32 $0x0  }
0x8d: {  	[spmem:s1] =	stream.indirect.scatter.add.f32 [tilespmem:s24], [sflag:$0x3], $0x80, s0, s23, $0xb8;
	[tilespmem:$0x1C180] =	vst v63  }
0x8e: {  	s5 =	sadd.s32 s29, s10;
	_ =	swait.ge [sflag:s17], $0x2800  }
0x8f: {  	s5 =	sshll.u32 s5, $0x4;
	[sflag:s17] =	ssyncset.done $0x0  }
0x90: {  	s5 =	sadd.s32 s4, s5;
	[sflag:s17] =	ssyncadd.s32 $0xFFFFD800  }
0x91: {  	[tilespmem:s20], [sflag:$0x1] =	stream.linear.gather [hbm4b:s5+s0], $0x2800, $0x38;
	[tilespmem:$0x1C180] =	vst v63  }
0x92: {  	s16 =	sadd.s32 s29, s11;
	_ =	swait.ge [sflag:s25], $0x2800  }
0x93: {  	s5 =	sshrl.u32 s16, $0x3;
	[sflag:s25] =	ssyncset.done $0x0  }
0x94: {  	s5 =	sadd.s32 s3, s5;
	[sflag:s25] =	ssyncadd.s32 $0xFFFFD800  }
0x95: {  	[tilespmem:s0], [sflag:$0x3] =	stream.linear.gather [hbm4b:s5+s0], $0x50, $0x38;
	[tilespmem:$0x1C180] =	vst v63  }
0x96: {  	_ =	swait.ge [sflag:s17], $0x50  }
0x97: {  	[sflag:s17] =	ssyncset.done $0x0  }
0x98: {  	s16 =	simm.s32 $0x0;
	[sflag:s17] =	ssyncadd.s32 $0xFFFFFFB0  }
0x99: {  	v1 =	vld [tilespmem:s16+$0x2880];
	_ =	sdelay $0x4  }
0x9a: {  	v1 =	vsub.f32 v1, v0;
	_ =	sdelay $0x1  }
0x9b: {  	v1 =	vmul.f32 $1.442695020e+00, v1  }
0x9c: {  	s31 =	simm.s32 $0x80  }
0x9d: {  	v2 =	vld [tilespmem:s31+$0x2880];
	(erf) = vpow2.f32 v1;
	_ =	sdelay $0x4  }
0x9e: {  	v2 =	vsub.f32 v2, v0;
	_ =	sdelay $0x1  }
0x9f: {  	s30 =	simm.s32 $0x100;
	v2 =	vmul.f32 $1.442695020e+00, v2  }
0xa0: {  	v3 =	vld [tilespmem:s30+$0x2880]  }
0xa1: {  	v1 =	vpop (erf);
	(erf) = vpow2.f32 v2;
	_ =	sdelay $0x1  }
0xa2: {  	[tilespmem:s16+$0x50F0] =	vst v1  }
0xa3: {  	[tilespmem:s16+$0x5080] =	vst v1  }
0xa4: {  	v3 =	vsub.f32 v3, v0;
	[tilespmem:s16+$0x5090] =	vst v1  }
0xa5: {  	[tilespmem:s16+$0x50A0] =	vst v1  }
0xa6: {  	s0 =	simm.s32 $0x180;
	s5 =	simm.s32 $0x800;
	v2 =	vmul.f32 $1.442695020e+00, v3;
	[tilespmem:s16+$0x50B0] =	vst v1  }
.LBB2_5:
0xa7: {  	p1 =	sne.s32 s5, $0x9E00;
	v3 =	vld [tilespmem:s0+$0x2880];
	[tilespmem:s16+$0x50C0] =	vst v1  }
0xa8: {  	(erf) = vpow2.f32 v2;
	[tilespmem:s16+$0x50D0] =	vst v1  }
0xa9: {  	[tilespmem:s16+$0x50E0] =	vst v1;
	v1 =	vpop (erf);
	s16 =	smov.u32 s31;
	s31 =	smov.u32 s30;
	s30 =	smov.u32 s0  }
.Ltmp1:
0xaa: {  	[tilespmem:s16+$0x50F0] =	vst v1;
	(pc) =	sbr.rel @p1 .LBB2_5-.Ltmp1, $4  }
0xab: {  	[tilespmem:s16+$0x5080] =	vst v1  }
0xac: {  	v2 =	vsub.f32 v3, v0;
	[tilespmem:s16+$0x5090] =	vst v1  }
0xad: {  	[tilespmem:s16+$0x50A0] =	vst v1  }
0xae: {  	s0 =	sshra.s32 s5, $0x2;
	s5 =	sadd.s32 $0x200, s5;
	v2 =	vmul.f32 $1.442695020e+00, v2;
	[tilespmem:s16+$0x50B0] =	vst v1  }
0xaf: {  	v3 =	vld [tilespmem:s0+$0x2880]  }
0xb0: {  	[tilespmem:s16+$0x50C0] =	vst v1  }
0xb1: {  	[tilespmem:s16+$0x50D0] =	vst v1;
	(erf) = vpow2.f32 v2  }
0xb2: {  	[tilespmem:s16+$0x50E0] =	vst v1;
	v2 =	vpop (erf)  }
0xb3: {  	[tilespmem:s31+$0x50F0] =	vst v2  }
0xb4: {  	[tilespmem:s31+$0x5080] =	vst v2;
	v1 =	vsub.f32 v3, v0  }
0xb5: {  	[tilespmem:s31+$0x5090] =	vst v2  }
0xb6: {  	[tilespmem:s31+$0x50A0] =	vst v2;
	v1 =	vmul.f32 $1.442695020e+00, v1  }
0xb7: {  	[tilespmem:s31+$0x50B0] =	vst v2  }
0xb8: {  	[tilespmem:s31+$0x50C0] =	vst v2  }
0xb9: {  	[tilespmem:s31+$0x50D0] =	vst v2;
	(erf) = vpow2.f32 v1  }
0xba: {  	[tilespmem:s31+$0x50E0] =	vst v2;
	v1 =	vpop (erf)  }
0xbb: {  	[tilespmem:s30+$0x50F0] =	vst v1  }
0xbc: {  	[tilespmem:s30+$0x5080] =	vst v1  }
0xbd: {  	[tilespmem:s30+$0x5090] =	vst v1  }
0xbe: {  	[tilespmem:s30+$0x50A0] =	vst v1  }
0xbf: {  	[tilespmem:s30+$0x50B0] =	vst v1  }
0xc0: {  	[tilespmem:s30+$0x50C0] =	vst v1  }
0xc1: {  	[tilespmem:s30+$0x50D0] =	vst v1  }
0xc2: {  	[tilespmem:s30+$0x50E0] =	vst v1;
	v2 =	vpop (erf)  }
0xc3: {  	[tilespmem:s0+$0x50F0] =	vst v2  }
0xc4: {  	[tilespmem:s0+$0x5080] =	vst v2  }
0xc5: {  	[tilespmem:s0+$0x5090] =	vst v2  }
0xc6: {  	[tilespmem:s0+$0x50A0] =	vst v2  }
0xc7: {  	[tilespmem:s0+$0x50B0] =	vst v2  }
0xc8: {  	[tilespmem:s0+$0x50C0] =	vst v2  }
0xc9: {  	p1 =	seq.s32 s28, $0x3D;
	[tilespmem:s0+$0x50D0] =	vst v2  }
.Ltmp2:
0xca: {  	[tilespmem:s0+$0x50E0] =	vst v2;
	(pc) =	sbr.rel @p1 .LBB2_8-.Ltmp2, $4  }
0xcb: {  	[spmem:s1] =	stream.indirect.scatter.add.f32 [tilespmem:s24], [sflag:$0x3], $0x80, s2, s23, $0xb8;
	[tilespmem:$0x1C180] =	vst v63  }
0xcc: {  	_ =	swait.ge [sflag:s17], $0x2800  }
0xcd: {  	[sflag:s17] =	ssyncset.done $0x0  }
0xce: {  	[sflag:s17] =	ssyncadd.s32 $0xFFFFD800  }
.Ltmp3:
0xcf: {  	(pc) =	sbr.rel .LBB2_2-.Ltmp3, $4  }
0xd0: {  	s0 =	sadd.s32 s29, s12  }
0xd1: {  	s0 =	sshll.u32 s0, $0x4  }
0xd2: {  	s28 =	sadd.s32 $0x1, s28;
	s0 =	sadd.s32 s4, s0  }
0xd3: {  	[tilespmem:s21], [sflag:$0x2] =	stream.linear.gather [hbm4b:s0+s2], $0x2800, $0x38;
	[tilespmem:$0x1C180] =	vst v63  }
.LBB2_8:
0xd4: {  	_ =	swait.ge [sflag:s22], $0x2800  }
0xd5: {  	[sflag:s22] =	ssyncset.done $0x0  }
0xd6: {  	s0 =	simm.s32 $0x0;
	[sflag:s22] =	ssyncadd.s32 $0xFFFFD800  }
0xd7: {  	[tilespmem:s0], [sflag:$0x3] =	stream.linear.gather [hbm4b:s13+s0], $0x50, $0x38;
	[tilespmem:$0x1C180] =	vst v63  }
0xd8: {  	_ =	swait.ge [sflag:s17], $0x50  }
0xd9: {  	[sflag:s17] =	ssyncset.done $0x0  }
0xda: {  	s16 =	simm.s32 $0x0;
	[sflag:s17] =	ssyncadd.s32 $0xFFFFFFB0  }
0xdb: {  	v1 =	vld [tilespmem:s16+$0x80];
	_ =	sdelay $0x4  }
0xdc: {  	v1 =	vsub.f32 v1, v0;
	_ =	sdelay $0x1  }
0xdd: {  	v1 =	vmul.f32 $1.442695020e+00, v1  }
0xde: {  	s29 =	simm.s32 $0x80  }
0xdf: {  	v2 =	vld [tilespmem:s29+$0x80];
	(erf) = vpow2.f32 v1;
	_ =	sdelay $0x4  }
0xe0: {  	v2 =	vsub.f32 v2, v0;
	_ =	sdelay $0x1  }
0xe1: {  	s28 =	simm.s32 $0x100;
	v2 =	vmul.f32 $1.442695020e+00, v2  }
0xe2: {  	v3 =	vld [tilespmem:s28+$0x80]  }
0xe3: {  	v1 =	vpop (erf);
	(erf) = vpow2.f32 v2;
	_ =	sdelay $0x1  }
0xe4: {  	[tilespmem:s16+$0x50F0] =	vst v1  }
0xe5: {  	[tilespmem:s16+$0x5080] =	vst v1  }
0xe6: {  	v3 =	vsub.f32 v3, v0;
	[tilespmem:s16+$0x5090] =	vst v1  }
0xe7: {  	[tilespmem:s16+$0x50A0] =	vst v1  }
0xe8: {  	s5 =	simm.s32 $0x800;
	s0 =	simm.s32 $0x180;
	v2 =	vmul.f32 $1.442695020e+00, v3;
	[tilespmem:s16+$0x50B0] =	vst v1  }
.LBB2_9:
0xe9: {  	p1 =	sne.s32 s5, $0x9E00;
	v3 =	vld [tilespmem:s0+$0x80];
	[tilespmem:s16+$0x50C0] =	vst v1  }
0xea: {  	(erf) = vpow2.f32 v2;
	[tilespmem:s16+$0x50D0] =	vst v1  }
0xeb: {  	[tilespmem:s16+$0x50E0] =	vst v1;
	v1 =	vpop (erf);
	s16 =	smov.u32 s29;
	s29 =	smov.u32 s28;
	s28 =	smov.u32 s0  }
.Ltmp4:
0xec: {  	[tilespmem:s16+$0x50F0] =	vst v1;
	(pc) =	sbr.rel @p1 .LBB2_9-.Ltmp4, $4  }
0xed: {  	[tilespmem:s16+$0x5080] =	vst v1  }
0xee: {  	v2 =	vsub.f32 v3, v0;
	[tilespmem:s16+$0x5090] =	vst v1  }
0xef: {  	[tilespmem:s16+$0x50A0] =	vst v1  }
0xf0: {  	s0 =	sshra.s32 s5, $0x2;
	s5 =	sadd.s32 $0x200, s5;
	v2 =	vmul.f32 $1.442695020e+00, v2;
	[tilespmem:s16+$0x50B0] =	vst v1  }
0xf1: {  	v3 =	vld [tilespmem:s0+$0x80];
	[tilespmem:s16+$0x50C0] =	vst v1  }
0xf2: {  	[tilespmem:s16+$0x50D0] =	vst v1;
	(erf) = vpow2.f32 v2  }
0xf3: {  	[tilespmem:s16+$0x50E0] =	vst v1;
	v61 =	vpop (erf)  }
0xf4: {  	[tilespmem:s29+$0x50F0] =	vst v61  }
0xf5: {  	[tilespmem:s29+$0x5080] =	vst v61  }
0xf6: {  	[tilespmem:s29+$0x5090] =	vst v61;
	v0 =	vsub.f32 v3, v0  }
0xf7: {  	[tilespmem:s29+$0x50A0] =	vst v61  }
0xf8: {  	[tilespmem:s29+$0x50B0] =	vst v61;
	v0 =	vmul.f32 $1.442695020e+00, v0  }
0xf9: {  	[tilespmem:s29+$0x50C0] =	vst v61  }
0xfa: {  	[tilespmem:s29+$0x50D0] =	vst v61;
	(erf) = vpow2.f32 v0  }
0xfb: {  	[tilespmem:s29+$0x50E0] =	vst v61;
	v62 =	vpop (erf)  }
0xfc: {  	[tilespmem:s28+$0x50F0] =	vst v62  }
0xfd: {  	[tilespmem:s28+$0x5080] =	vst v62  }
0xfe: {  	[tilespmem:s28+$0x5090] =	vst v62  }
0xff: {  	[tilespmem:s28+$0x50A0] =	vst v62  }
0x100: {  	[tilespmem:s28+$0x50B0] =	vst v62  }
0x101: {  	[tilespmem:s28+$0x50C0] =	vst v62  }
0x102: {  	[tilespmem:s28+$0x50D0] =	vst v62  }
0x103: {  	[tilespmem:s28+$0x50E0] =	vst v62;
	v63 =	vpop (erf)  }
0x104: {  	[tilespmem:s0+$0x50F0] =	vst v63  }
0x105: {  	[tilespmem:s0+$0x5080] =	vst v63  }
0x106: {  	[tilespmem:s0+$0x5090] =	vst v63  }
0x107: {  	[tilespmem:s0+$0x50A0] =	vst v63  }
0x108: {  	[tilespmem:s0+$0x50B0] =	vst v63  }
0x109: {  	[tilespmem:s0+$0x50C0] =	vst v63  }
0x10a: {  	[tilespmem:s0+$0x50D0] =	vst v63  }
0x10b: {  	[tilespmem:s0+$0x50E0] =	vst v63  }
0x10c: {  	[spmem:s1] =	stream.indirect.scatter.add.f32 [tilespmem:s24], [sflag:$0x3], $0x80, s2, s23, $0xb8;
	[tilespmem:$0x1C180] =	vst v63  }
0x10d: {  	_ =	swait.ge [sflag:s17], $0x2800  }
0x10e: {  	[sflag:s17] =	ssyncset.done $0x0  }
0x10f: {  	s26 =	sadd.s32 $0x1, s26;
	[sflag:s17] =	ssyncadd.s32 $0xFFFFD800  }
0x110: {  	p1 =	sne.s32 s26, s15;
	s0 =	sshrl.u32 @!p0 s1, $0x3;
	[bflag:$0x0] =	sbarrier.arrive $0xFFFF  }
0x111: {  	[hbm:s14], [sflag:s18] =	dma.local @!p0 [spmem:s0], $0x27100  }
.Ltmp5:
0x112: {  	_ = 	snop;
	(pc) =	sbr.rel @p1 .LBB2_1-.Ltmp5, $4  }
0x113: {  	s0 =	simm.s32 @!p0 $0x3  }
0x114: {  	_ =	swait.ge @!p0 [sflag:s0], $0x27100  }
0x115: {  	[sflag:s0] =	ssyncset.done @!p0 $0x0  }
0x116: {  	[sflag:s0] =	ssyncadd.s32 @!p0 $0xFFFD8F00  }
0x117: {  	_ =	sfence.sel $0x180000  }
0x118: {  	[bflag:$0x0] =	sbarrier.arrive $0xFFFF  }
0x119: {  	_ =	strace $0x9000004D  }
0x11a: {  	[bflag:$0x2] =	sbarrier.arrive $0xFFFF  }
0x11b: {  	s0 =	rddreg [dreg:$0x2]  }
0x11c: {  	s0 =	sadd.s32 @!p0 $0x100000, s0  }
0x11d: {  	[sflag:s0] =	ssyncadd.tile.s32 @!p0 $0x1;
	_ =	shalt  }
.Lfunc_end2:
_tile_overlayer_lowered:
.L_overlay_start_2:
0x11e: {  	(tag) =	ssettag $0x2  }
0x11f: {  	s0 =	rddreg [dreg:$0x0];
	s2 =	stileid.u32  }
0x120: {  	s1 =	rddreg [dreg:$0x1];
	p0 =	sne.s32 s2, $0x0  }
0x121: {  	s3 =	rddreg [dreg:$0x2];
	[bflag:$0x3] =	sbarrier.arrive $0xFFFF;
	s2 =	simm.s32 @!p0 $0x1C03  }
0x122: {  	[timem:s3], [sflag:s2] =	dma.local @!p0 [hbm:s0], s1  }
0x123: {  	s0 =	simm.s32 @!p0 $0x3  }
0x124: {  	_ =	swait.ge @!p0 [sflag:s0], s1  }
0x125: {  	s1 =	ssub.s32 @!p0 $0x0, s1;
	[sflag:s0] =	ssyncset.done @!p0 $0x0  }
0x126: {  	[sflag:s0] =	ssyncadd.s32 @!p0 s1  }
0x127: {  	[bflag:$0x3] =	sbarrier.arrive $0xFFFF  }
0x128: {  	_ =	shalt  }

// kernel: kernel.7.cloned.1.call-start
scs
__scs_entry_jumppad:
0x0: {  	(pc) =	sbr.rel $0x88, $3  }
0x1: {  	(tag) =	ssettag $0x0;
	lr =	simm.s32 $0x1  }
0x2: {  	[smem:$0x3F93] =	sst lr;
	_ =	strace $0xD0000000  }
0x3: {  	_ = 	snop  }
0x4: {  	_ = 	snop  }
0x5: {  	_ = 	snop  }
0x6: {  	_ = 	snop  }
0x7: {  	_ = 	snop  }
__scs_overlays_trampoline_lowered:
0x8: {  	[smem:$0x3FA2] =	sst s0  }
0x9: {  	[smem:$0x3FA3] =	sst s1  }
0xa: {  	[smem:$0x3FA4] =	sst s2  }
0xb: {  	[smem:$0x3FA5] =	sst s3  }
0xc: {  	[smem:$0x3FA6] =	sst s4  }
0xd: {  	[smem:$0x3FA7] =	sst s5  }
0xe: {  	[smem:$0x3FA8] =	sst s6  }
0xf: {  	[smem:$0x3FA9] =	sst s7  }
0x10: {  	[smem:$0x3FAA] =	sst s8  }
0x11: {  	[smem:$0x3FAB] =	sst s9;
	s0 =	simm.s32 @!p0 $0x0  }
0x12: {  	s1 =	sld [smem:$0x3F91];
	s0 =	simm.s32 @p0 $0x1  }
0x13: {  	[smem:$0x3FAC] =	sst s0;
	s0 =	simm.s32 @!p1 $0x0  }
0x14: {  	s2 =	sld [smem:$0x3F90];
	s0 =	simm.s32 @p1 $0x1  }
0x15: {  	[smem:$0x3FAD] =	sst s0;
	s0 =	simm.s32 @!p2 $0x0  }
0x16: {  	s3 =	sld [smem:$0x3FDB];
	s0 =	simm.s32 @p2 $0x1  }
0x17: {  	s4 =	simm.s32 $0x1BF5;
	[smem:$0x3FAF] =	sst s0  }
0x18: {  	s0 =	sld [smem:$0x3F92];
	_ =	swait.ge [sflag:s4], $0x0  }
0x19: {  	s7 =	sld [smem:$0x3F93]  }
0x1a: {  	s8 =	sadd.s32 $0xFFFFE003, lr  }
0x1b: {  	s9 =	sadd.s32 $0xFFFFFEF7, lr;
	s5 =	simm.s32 $0xFFFFFFFF;
	p2 =	slt.u32 s8, $0xFFFFF086  }
0x1c: {  	p1 =	slt.u32 s9, $0xF7A;
	s5 =	simm.s32 @!p2 $0x0  }
0x1d: {  	s5 =	simm.s32 @p1 $0x1;
	p0 =	seq.s32 s7, s2  }
0x1e: {  	s7 =	smul.u32 @!p0 $0xF7A, s2;
	p2 =	seq.s32 @!p0 s5, $0x0  }
0x1f: {  	s9 =	smul.u32 $0xF7A, s1;
	s8 =	simm.s32 @!p0 $0x1BF5;
	p2 =	por !p2, p0  }
0x20: {  	[sflag:s8] =	ssyncset.s32 @!p0 $0xFFFFF086;
	s6 =	sadd.s32 @!p0 s3, s7;
	s7 =	simm.s32 @!p0 $0x108  }
0x21: {  	s3 =	sadd.s32 s3, s9;
	s6 =	sadd.s32 @!p0 $0x88, s6;
	s7 =	simm.s32 @p2 $0x1082  }
0x22: {  	[simem:s7], [sflag:s8] =	dma.local @!p0 [hbm:s6], $0xF7A  }
0x23: {  	s9 =	sor.u32 $0xD0000000, s2;
	s6 =	simm.s32 $0x108;
	_ =	swait.ge @!p0 [sflag:s8], $0x0  }
0x24: {  	s3 =	sadd.s32 $0x88, s3;
	s6 =	simm.s32 @!p1 $0x1082;
	[sflag:s4] =	ssyncset.s32 $0xFFFFF086  }
0x25: {  	[simem:s6], [sflag:s4] =	dma.local [hbm:s3], $0xF7A  }
0x26: {  	[smem:$0x3F93] =	sst s1;
	(tag) =	ssettag s2;
	_ =	strace s9  }
0x27: {  	s1 =	sld [smem:$0x3FA3]  }
0x28: {  	s2 =	sld [smem:$0x3FA4]  }
0x29: {  	s4 =	sld [smem:$0x3FA6]  }
0x2a: {  	p0 =	seq.s32 s5, $0x0;
	s5 =	sld [smem:$0x3FA7]  }
0x2b: {  	s6 =	sld [smem:$0x3FA8]  }
0x2c: {  	s7 =	sld [smem:$0x3FA9]  }
0x2d: {  	s3 =	simm.s32 $0x108;
	s8 =	sld [smem:$0x3FAA]  }
0x2e: {  	s3 =	simm.s32 @!p0 $0x1082;
	s9 =	sld [smem:$0x3FAB]  }
0x2f: {  	lr =	sadd.s32 s0, s3;
	s0 =	sld [smem:$0x3FA2]  }
0x30: {  	s3 =	sld [smem:$0x3FA5]  }
0x31: {  	[smem:$0x3FAE] =	sst s10  }
0x32: {  	s10 =	sld [smem:$0x3FAC];
	_ =	sdelay $0x3  }
0x33: {  	p0 =	seq.s32 s10, $0x1;
	s10 =	sld [smem:$0x3FAE];
	_ =	sdelay $0x3  }
0x34: {  	[smem:$0x3FAE] =	sst s10  }
0x35: {  	s10 =	sld [smem:$0x3FAD];
	_ =	sdelay $0x3  }
0x36: {  	p1 =	seq.s32 s10, $0x1;
	s10 =	sld [smem:$0x3FAE];
	_ =	sdelay $0x3  }
0x37: {  	[smem:$0x3FAE] =	sst s10  }
0x38: {  	s10 =	sld [smem:$0x3FAF]  }
0x39: {  	_ = 	snop;
	(pc) =	sbr.ind lr, $3  }
0x3a: {  	_ = 	snop  }
0x3b: {  	_ = 	snop  }
0x3c: {  	p2 =	seq.s32 s10, $0x1;
	s10 =	sld [smem:$0x3FAE]  }
0x3d: {  	_ =	shalt  }
0x3e: {  	_ =	shalt  }
0x3f: {  	_ =	shalt  }
0x40: {  	_ =	shalt  }
0x41: {  	_ =	shalt  }
0x42: {  	_ =	shalt  }
0x43: {  	_ =	shalt  }
0x44: {  	_ =	shalt  }
0x45: {  	_ =	shalt  }
0x46: {  	_ =	shalt  }
0x47: {  	_ =	shalt  }
0x48: {  	_ =	shalt  }
0x49: {  	_ =	shalt  }
0x4a: {  	_ =	shalt  }
0x4b: {  	_ =	shalt  }
0x4c: {  	_ =	shalt  }
0x4d: {  	_ =	shalt  }
0x4e: {  	_ =	shalt  }
0x4f: {  	_ =	shalt  }
0x50: {  	_ =	shalt  }
0x51: {  	_ =	shalt  }
0x52: {  	_ =	shalt  }
0x53: {  	_ =	shalt  }
0x54: {  	_ =	shalt  }
0x55: {  	_ =	shalt  }
0x56: {  	_ =	shalt  }
0x57: {  	_ =	shalt  }
0x58: {  	_ =	shalt  }
0x59: {  	_ =	shalt  }
0x5a: {  	_ =	shalt  }
0x5b: {  	_ =	shalt  }
0x5c: {  	_ =	shalt  }
0x5d: {  	_ =	shalt  }
0x5e: {  	_ =	shalt  }
0x5f: {  	_ =	shalt  }
0x60: {  	_ =	shalt  }
0x61: {  	_ =	shalt  }
0x62: {  	_ =	shalt  }
0x63: {  	_ =	shalt  }
0x64: {  	_ =	shalt  }
0x65: {  	_ =	shalt  }
0x66: {  	_ =	shalt  }
0x67: {  	_ =	shalt  }
0x68: {  	_ =	shalt  }
0x69: {  	_ =	shalt  }
0x6a: {  	_ =	shalt  }
0x6b: {  	_ =	shalt  }
0x6c: {  	_ =	shalt  }
0x6d: {  	_ =	shalt  }
0x6e: {  	_ =	shalt  }
0x6f: {  	_ =	shalt  }
0x70: {  	_ =	shalt  }
0x71: {  	_ =	shalt  }
0x72: {  	_ =	shalt  }
0x73: {  	_ =	shalt  }
0x74: {  	_ =	shalt  }
0x75: {  	_ =	shalt  }
0x76: {  	_ =	shalt  }
0x77: {  	_ =	shalt  }
0x78: {  	_ =	shalt  }
0x79: {  	_ =	shalt  }
0x7a: {  	_ =	shalt  }
0x7b: {  	_ =	shalt  }
0x7c: {  	_ =	shalt  }
0x7d: {  	_ =	shalt  }
0x7e: {  	_ =	shalt  }
0x7f: {  	_ =	shalt  }
0x80: {  	_ =	shalt  }
0x81: {  	_ =	shalt  }
0x82: {  	_ =	shalt  }
0x83: {  	_ =	shalt  }
0x84: {  	_ =	shalt  }
0x85: {  	_ =	shalt  }
0x86: {  	_ =	shalt  }
0x87: {  	_ =	shalt  }
.Lfunc_end0:
.L_simem_size_0:
called_computation_lowered:
.L_overlay_start_0:
0x88: {  	s2 =	sld [smem:$0x3FD9]  }
0x89: {  	s3 =	sld [smem:$0x3FFE];
	_ =	sdelay $0x1  }
0x8a: {  	s1 =	srdreg.scid  }
0x8b: {  	s0 =	sand.u32 $0x1, s1  }
0x8c: {  	s16 =	sshll.u32 s0, $0xA;
	s2 =	sadd.s32 s3, s2  }
0x8d: {  	s2 =	sadd.s32 s2, s16  }
0x8e: {  	[smem:$0x3FBA] =	sst s2  }
0x8f: {  	_ = 	snop  }
0x90: {  	(tm) =	ssettm $0x1  }
0x91: {  	s17 =	sld [smem:$0x3FFB];
	_ =	sdelay $0x3  }
0x92: {  	_ =	strace s17  }
0x93: {  	s2 =	sld [smem:$0x3FFC];
	_ =	sdelay $0x3  }
0x94: {  	_ =	strace s2  }
0x95: {  	s2 =	sld [smem:$0x3FFD];
	_ =	sdelay $0x3  }
0x96: {  	_ =	strace s2  }
0x97: {  	_ =	strace $0x8FFFFFFF  }
0x98: {  	s18 =	sld [smem:$0x3FDB];
	_ =	sdelay $0x1  }
0x99: {  	s19 =	simm.s32 $_scs_section_size  }
0x9a: {  	s4 =	simm.s32 $_size__tile_overlayer_lowered;
	s5 =	simm.s32 $_tile_overlayer_lowered  }
0x9b: {  	s22 =	simm.s32 $0x1BFF;
	s21 =	sshll.u32 s5, $0x1;
	s2 =	sadd.s32 s19, s18  }
0x9c: {  	s6 =	simm.s32 $0x0;
	s20 =	sshll.u32 s4, $0x1;
	s4 =	sadd.s32 s21, s2  }
0x9d: {  	[timem:s6], [sflag:s22] =	dma.local [hbm:s4], s20  }
0x9e: {  	_ =	swait.ge [sflag:s22], s20  }
0x9f: {  	s3 =	ssub.s32 $0x0, s20;
	[sflag:s22] =	ssyncset.done $0x0  }
0xa0: {  	[sflag:s22] =	ssyncadd.s32 s3;
	_ =	sdelay $0x1  }
0xa1: {  	s23 =	simm.s32 $0x1B8B  }
0xa2: {  	_ =	swait.ge [sflag:s23], $0x1  }
0xa3: {  	[sflag:s23] =	ssyncset.done $0x0  }
0xa4: {  	s25 =	simm.s32 $0x1B8E;
	s24 =	sld [smem:$0x3FFE];
	[sflag:s23] =	ssyncadd.s32 $0xFFFFFFFF  }
0xa5: {  	s26 =	simm.s32 $execute0_lowered;
	[smem:$0x3FD2] =	sst s25  }
0xa6: {  	s4 =	sshll.u32 s26, $0x1;
	_ =	strace $0x80000046;
	[dreg:$0x1] =	wrdreg $0xFFFFFFFF  }
0xa7: {  	s28 =	simm.s32 $_size_execute0_lowered;
	s2 =	sadd.s32 s2, s4;
	[dreg:$0x0] =	wrdreg $0x0  }
0xa8: {  	s4 =	sshll.u32 s28, $0x1;
	[dreg:$0x2] =	wrdreg s2  }
0xa9: {  	[dreg:$0x3] =	wrdreg s4  }
0xaa: {  	[dreg:$0x4] =	wrdreg $0xC0  }
0xab: {  	_ =	task [dreg:s6], $0x5FFFF  }
0xac: {  	[dreg:$0x1] =	wrdreg $0xFFFFFFFF  }
0xad: {  	[dreg:$0x0] =	wrdreg $0x60  }
0xae: {  	[dreg:$0x2] =	wrdreg s24  }
0xaf: {  	[dreg:$0x3] =	wrdreg $0x9  }
0xb0: {  	_ =	task.clear_ibuf [dreg:s6], $0x4FFFF;
	_ =	strace $0x90000046  }
0xb1: {  	s29 =	simm.s32 $0x9;
	_ =	strace $0x80000048  }
0xb2: {  	_ =	swait.ge [sflag:s29], $0x1  }
0xb3: {  	[sflag:s29] =	ssyncadd.s32 $0xFFFFFFFF  }
0xb4: {  	_ =	strace $0x90000048  }
0xb5: {  	_ =	sfence  }
0xb6: {  	s30 =	sld [smem:$0x0];
	_ =	sdelay $0x2  }
0xb7: {  	s31 =	sshll.u32 s1, $0xD;
	s1 =	sshrl.u32 s1, $0x2  }
0xb8: {  	s3 =	sand.u32 $0x4000, s31;
	s1 =	sadd.s32 s1, s30  }
0xb9: {  	s0 =	sor.u32 s3, s0;
	s1 =	sshll.u32 s1, $0x11  }
0xba: {  	s0 =	sor.u32 s1, s0  }
0xbb: {  	s0 =	sadd.s32 $0x8F2B, s0  }
0xbc: {  	[sflag:s0] =	ssyncadd.remote.s32 $0x1  }
0xbd: {  	_ =	sfence.sel $0xFFFF  }
0xbe: {  	[dreg:$0x0] =	wrdreg $0xFFFFFFFF;
	(pc) =	sbr.abs _section_cstart, $3  }
0xbf: {  	[dreg:$0x1] =	wrdreg $0xFFFFFFFF  }
0xc0: {  	_ =	task.clear_ibuf [dreg:s6], $0x2FFFF;
	_ =	strace $0x9FFFFFFF  }
0xc1: {  	(tm) =	ssettm $0x7FFFFFFF  }
tec
execute0_lowered:
.L_overlay_start_1:
0x0: {  	(tag) =	ssettag $0x1  }
0x1: {  	s0 =	rddreg [dreg:$0x0]  }
0x2: {  	s2 =	simm.s32 $0x0;
	s1 =	srdreg.scid;
	s4 =	stileid.u32  }
0x3: {  	s19 =	simm.s32 $0x7;
	s20 =	simm.s32 $0x100;
	s21 =	simm.s32 $0x50  }
0x4: {  	s22 =	simm.s32 $0x200;
	s28 =	simm.s32 $0x7A00;
	s29 =	simm.s32 $0x1  }
0x5: {  	s30 =	simm.s32 $0x3;
	s31 =	simm.s32 $0xA200;
	s13 =	simm.s32 $0x0  }
0x6: {  	[smem:$0x7FF] =	sst s2;
	s3 =	sadd.s32 $0xD800, s0;
	s1 =	sand.u32 $0x1, s1  }
0x7: {  	s6 =	sshll.u32 s4, $0x1;
	s4 =	sadd.s32 $0x3A00, s0;
	s5 =	sadd.s32 $0x17800, s0  }
0x8: {  	s8 =	sadd.s32 $0x65C00, s0;
	_ =	strace $0x80000047;
	s9 =	sor.u32 s1, s6  }
0x9: {  	s6 =	sadd.s32 $0x3EA00, s0;
	s1 =	ssub.s32 $0x2, s1;
	s7 =	smul.u32 $0x2710, s9  }
0xa: {  	s10 =	sshll.u32 s9, $0x4;
	s23 =	sshrl.u32 s1, $0x1;
	s9 =	smul.u32 $0x138800, s9  }
0xb: {  	s0 =	sadd.s32 s10, s0;
	s1 =	ssub.s32 s1, s23;
	s23 =	simm.s32 $0x5200  }
0xc: {  	s11 =	sshrl.u32 s7, $0x3;
	s10 =	sadd.s32 $0x50, s7;
	s9 =	sshrl.u32 s9, $0x3  }
0xd: {  	s14 =	sadd.s32 $0xA0, s7;
	s15 =	sadd.s32 $0xF0, s7;
	s0 =	sadd.s32 $0x547C00, s0  }
0xe: {  	s26 =	smax.u32 s1, $0x1;
	s1 =	simm.s32 $0x4;
	[dreg:$0x7] =	wrdreg s0  }
0xf: {  	s24 =	sadd.s32 s3, s11;
	s11 =	sadd.s32 s4, s11;
	[dreg:$0x8] =	wrdreg s26  }
0x10: {  	s25 =	sshrl.u32 s10, $0x3;
	s9 =	sadd.s32 s8, s9;
	[dreg:$0x2] =	wrdreg s24  }
0x11: {  	s26 =	simm.s32 $0x2A00;
	[dreg:$0x3] =	wrdreg s11;
	s12 =	sadd.s32 s3, s25  }
0x12: {  	s0 =	simm.s32 $0x2;
	s11 =	sadd.s32 s4, s25;
	[dreg:$0x4] =	wrdreg s12  }
0x13: {  	s9 =	sadd.s32 $0x26C00, s9;
	s24 =	simm.s32 $0x80;
	[dreg:$0x5] =	wrdreg s11  }
0x14: {  	s25 =	simm.s32 $0x180;
	[dreg:$0x6] =	wrdreg s9;
	s9 =	simm.s32 $0xCA00  }
.LBB2_1:
0x15: {  	s11 =	rddreg [dreg:$0x2]  }
0x16: {  	[tilespmem:s2], [sflag:$0x7] =	stream.linear.gather [hbm4b:s11+s2], $0x50, $0x38;
	[tilespmem:$0xF300] =	vst v63  }
0x17: {  	_ =	swait.ge [sflag:s19], $0x50  }
0x18: {  	[sflag:s19] =	ssyncset.done $0x0  }
0x19: {  	s16 =	rddreg [dreg:$0x3];
	[sflag:s19] =	ssyncadd.s32 $0xFFFFFFB0  }
0x1a: {  	[tilespmem:s20], [sflag:$0x7] =	stream.linear.gather [hbm4b:s16+s2], $0x50, $0x38;
	[tilespmem:$0xF300] =	vst v63  }
0x1b: {  	_ =	swait.ge [sflag:s19], $0x50  }
0x1c: {  	[sflag:s19] =	ssyncset.done $0x0  }
0x1d: {  	[sflag:s19] =	ssyncadd.s32 $0xFFFFFFB0  }
0x1e: {  	[tilespmem:s22], [sflag:$0x1] =	stream.indirect.gather [hbm4b:s5+s21], $0x80, s2, s21, $0xb8;
	[tilespmem:$0xF300] =	vst v63  }
0x1f: {  	_ = 	snop  }
0x20: {  	[tilespmem:s23], [sflag:$0x3] =	stream.indirect.gather [hbm4b:s6+s21], $0x80, s20, s21, $0xb8;
	[tilespmem:$0xF300] =	vst v63  }
0x21: {  	s17 =	rddreg [dreg:$0x4]  }
0x22: {  	[tilespmem:s24], [sflag:$0x7] =	stream.linear.gather [hbm4b:s17+s2], $0x50, $0x38;
	[tilespmem:$0xF300] =	vst v63  }
0x23: {  	_ =	swait.ge [sflag:s19], $0x50  }
0x24: {  	[sflag:s19] =	ssyncset.done $0x0  }
0x25: {  	s18 =	rddreg [dreg:$0x5];
	[sflag:s19] =	ssyncadd.s32 $0xFFFFFFB0  }
0x26: {  	[tilespmem:s25], [sflag:$0x7] =	stream.linear.gather [hbm4b:s18+s2], $0x50, $0x38;
	[tilespmem:$0xF300] =	vst v63  }
0x27: {  	_ =	swait.ge [sflag:s19], $0x50  }
0x28: {  	[sflag:s19] =	ssyncset.done $0x0  }
0x29: {  	[sflag:s19] =	ssyncadd.s32 $0xFFFFFFB0  }
0x2a: {  	[tilespmem:s26], [sflag:$0x2] =	stream.indirect.gather [hbm4b:s5+s21], $0x80, s24, s21, $0xb8;
	[tilespmem:$0xF300] =	vst v63  }
0x2b: {  	s16 =	simm.s32 $0x0  }
0x2c: {  	v0 =	vimm.f32 $-Inf;
	[tilespmem:s28], [sflag:$0x4] =	stream.indirect.gather [hbm4b:s6+s21], $0x80, s25, s21, $0xb8;
	[tilespmem:$0xF300] =	vst v63  }
.LBB2_2:
0x2d: {  	_ =	swait.ge [sflag:s29], $0x2800  }
0x2e: {  	[sflag:s29] =	ssyncset.done $0x0  }
0x2f: {  	[sflag:s29] =	ssyncadd.s32 $0xFFFFD800  }
0x30: {  	_ =	swait.ge [sflag:s30], $0x2800  }
0x31: {  	p0 =	seq.s32 s16, $0x0;
	[sflag:s30] =	ssyncset.done $0x0  }
0x32: {  	s11 =	simm.s32 @!p0 $0x5;
	[sflag:s30] =	ssyncadd.s32 $0xFFFFD800  }
0x33: {  	_ =	swait.ge @!p0 [sflag:s11], $0x2800  }
0x34: {  	[sflag:s11] =	ssyncset.done @!p0 $0x0  }
0x35: {  	s17 =	simm.s32 $0x0;
	[sflag:s11] =	ssyncadd.s32 @!p0 $0xFFFFD800  }
0x36: {  	v1 =	vld [tilespmem:s17+$0x5210]  }
0x37: {  	v2 =	vld [tilespmem:s17+$0x210]  }
0x38: {  	v3 =	vld [tilespmem:s17+$0x200]  }
0x39: {  	v4 =	vld [tilespmem:s17+$0x5200]  }
0x3a: {  	v5 =	vld [tilespmem:s17+$0x5220]  }
0x3b: {  	v6 =	vld [tilespmem:s17+$0x220]  }
0x3c: {  	v7 =	vld [tilespmem:s17+$0x5230]  }
0x3d: {  	v8 =	vld [tilespmem:s17+$0x230]  }
0x3e: {  	v9 =	vld [tilespmem:s17+$0x5240];
	v3 =	vmul.f32 v4, v3;
	v1 =	vmul.f32 v1, v2  }
0x3f: {  	v2 =	vld [tilespmem:s17+$0x240]  }
0x40: {  	v4 =	vld [tilespmem:s17+$0x5250];
	v1 =	vadd.f32 v1, v3;
	v3 =	vmul.f32 v5, v6  }
0x41: {  	v5 =	vld [tilespmem:s17+$0x250]  }
0x42: {  	v6 =	vld [tilespmem:s17+$0x5260];
	v1 =	vadd.f32 v3, v1;
	v3 =	vmul.f32 v7, v8  }
0x43: {  	v7 =	vld [tilespmem:s17+$0x260]  }
0x44: {  	v8 =	vld [tilespmem:s17+$0x5270];
	v2 =	vmul.f32 v9, v2;
	v1 =	vadd.f32 v3, v1  }
0x45: {  	v3 =	vld [tilespmem:s17+$0x270]  }
0x46: {  	v1 =	vadd.f32 v2, v1;
	v2 =	vmul.f32 v4, v5;
	_ =	sdelay $0x1  }
0x47: {  	v1 =	vadd.f32 v2, v1;
	v2 =	vmul.f32 v6, v7;
	_ =	sdelay $0x1  }
0x48: {  	v1 =	vadd.f32 v2, v1;
	v2 =	vmul.f32 v8, v3;
	_ =	sdelay $0x1  }
0x49: {  	v1 =	vadd.f32 v2, v1;
	_ =	sdelay $0x1  }
0x4a: {  	[tilespmem:$0xF210] =	vst v1  }
0x4b: {  	s12 =	simm.s32 $0x80;
	[tilespmem:$0xF200] =	vst v1  }
0x4c: {  	v2 =	vld [tilespmem:s12+$0x5210]  }
0x4d: {  	v3 =	vld [tilespmem:s12+$0x210]  }
0x4e: {  	v4 =	vld [tilespmem:s12+$0x200]  }
0x4f: {  	v5 =	vld [tilespmem:s12+$0x5200]  }
0x50: {  	v6 =	vld [tilespmem:s12+$0x5220]  }
0x51: {  	v7 =	vld [tilespmem:s12+$0x220]  }
0x52: {  	v8 =	vld [tilespmem:s12+$0x5230]  }
0x53: {  	v62 =	vld [tilespmem:s12+$0x230]  }
0x54: {  	v10 =	vld [tilespmem:s12+$0x5240];
	v4 =	vmul.f32 v5, v4;
	v2 =	vmul.f32 v2, v3  }
0x55: {  	v3 =	vld [tilespmem:s12+$0x240]  }
0x56: {  	v2 =	vadd.f32 v2, v4;
	v4 =	vmul.f32 v6, v7  }
0x57: {  	v5 =	vld [tilespmem:s12+$0x5250]  }
0x58: {  	v6 =	vld [tilespmem:s12+$0x250];
	v2 =	vadd.f32 v4, v2;
	v4 =	vmul.f32 v8, v62  }
0x59: {  	v7 =	vld [tilespmem:s12+$0x5260]  }
0x5a: {  	v8 =	vld [tilespmem:s12+$0x260];
	v3 =	vmul.f32 v10, v3;
	v4 =	vadd.f32 v4, v2  }
0x5b: {  	v2 =	vld [tilespmem:s12+$0x5270]  }
0x5c: {  	v63 =	vadd.f32 v3, v4;
	v4 =	vld [tilespmem:$0xF208]  }
0x5d: {  	v3 =	vld [tilespmem:s12+$0x270]  }
0x5e: {  	v5 =	vmul.f32 v5, v6;
	_ =	sdelay $0x1  }
0x5f: {  	s18 =	simm.s32 $0x400;
	v6 =	vmul.f32 v7, v8;
	v5 =	vadd.f32 v5, v63  }
.LBB2_3:
0x60: {  	p1 =	sne.s32 s18, $0x9E00;
	v1 =	vadd.f32 v4, v1  }
0x61: {  	v4 =	vadd.f32 v6, v5;
	v2 =	vmul.f32 v2, v3  }
0x62: {  	v3 =	vmul.f32 $2.500000000e-01, v1  }
0x63: {  	v1 =	vadd.f32 v2, v4  }
0x64: {  	[tilespmem:s17+$0xA200] =	vst v3;
	v0 =	vmax.f32 v0, v3;
	s17 =	smov.u32 s12  }
0x65: {  	[tilespmem:$0xF210] =	vst v1  }
0x66: {  	s12 =	sshra.s32 s18, $0x2;
	[tilespmem:$0xF200] =	vst v1  }
0x67: {  	v2 =	vld [tilespmem:s12+$0x5210]  }
0x68: {  	v3 =	vld [tilespmem:s12+$0x210]  }
0x69: {  	v4 =	vld [tilespmem:s12+$0x200]  }
0x6a: {  	v5 =	vld [tilespmem:s12+$0x5200]  }
0x6b: {  	v6 =	vld [tilespmem:s12+$0x5220]  }
0x6c: {  	v7 =	vld [tilespmem:s12+$0x220]  }
0x6d: {  	v8 =	vld [tilespmem:s12+$0x5230]  }
0x6e: {  	v9 =	vld [tilespmem:s12+$0x230]  }
0x6f: {  	v10 =	vld [tilespmem:s12+$0x5240]  }
0x70: {  	v2 =	vmul.f32 v2, v3;
	v4 =	vmul.f32 v5, v4;
	v3 =	vld [tilespmem:s12+$0x240]  }
0x71: {  	v5 =	vld [tilespmem:s12+$0x5250]  }
0x72: {  	v2 =	vadd.f32 v2, v4;
	v4 =	vmul.f32 v6, v7;
	v6 =	vld [tilespmem:s12+$0x250]  }
0x73: {  	v7 =	vld [tilespmem:s12+$0x5260]  }
0x74: {  	v4 =	vadd.f32 v4, v2;
	v8 =	vmul.f32 v8, v9;
	v9 =	vld [tilespmem:s12+$0x260]  }
0x75: {  	v2 =	vld [tilespmem:s12+$0x5270]  }
.Ltmp0:
0x76: {  	v8 =	vadd.f32 v8, v4;
	v10 =	vmul.f32 v10, v3;
	v4 =	vld [tilespmem:$0xF208];
	(pc) =	sbr.rel @p1 .LBB2_3-.Ltmp0, $3  }
0x77: {  	v3 =	vld [tilespmem:s12+$0x270]  }
0x78: {  	v8 =	vadd.f32 v10, v8;
	v5 =	vmul.f32 v5, v6;
	_ =	sdelay $0x1  }
0x79: {  	s18 =	sadd.s32 $0x200, s18;
	v5 =	vadd.f32 v5, v8;
	v6 =	vmul.f32 v7, v9  }
0x7a: {  	v1 =	vadd.f32 v4, v1  }
0x7b: {  	v4 =	vadd.f32 v6, v5;
	v2 =	vmul.f32 v2, v3  }
0x7c: {  	v3 =	vmul.f32 $2.500000000e-01, v1  }
0x7d: {  	v1 =	vadd.f32 v2, v4  }
0x7e: {  	[tilespmem:s17+$0xA200] =	vst v3  }
0x7f: {  	[tilespmem:$0xF210] =	vst v1  }
0x80: {  	[tilespmem:$0xF200] =	vst v1  }
0x81: {  	v2 =	vld [tilespmem:$0xF208];
	_ =	sdelay $0x4  }
0x82: {  	s17 =	smul.u32 $0xA0, s16;
	v1 =	vadd.f32 v2, v1;
	_ =	sdelay $0x1  }
0x83: {  	s11 =	sadd.s32 s7, s17;
	v5 =	vmul.f32 $2.500000000e-01, v1  }
0x84: {  	s11 =	sshll.u32 s11, $0x4  }
0x85: {  	s11 =	sadd.s32 s8, s11;
	[tilespmem:s12+$0xA200] =	vst v5;
	s12 =	sadd.s32 s17, s14  }
0x86: {  	[hbm4b:s11+s2] =	stream.linear.scatter [tilespmem:s31], [sflag:$0x5], $0x2800, $0x38;
	[tilespmem:$0xF300] =	vst v63  }
0x87: {  	s11 =	sshrl.u32 s12, $0x3  }
0x88: {  	s18 =	sadd.s32 s3, s11  }
0x89: {  	[tilespmem:s2], [sflag:$0x7] =	stream.linear.gather [hbm4b:s18+s2], $0x50, $0x38;
	[tilespmem:$0xF300] =	vst v63  }
0x8a: {  	_ =	swait.ge [sflag:s19], $0x50  }
0x8b: {  	[sflag:s19] =	ssyncset.done $0x0  }
0x8c: {  	s11 =	sadd.s32 s4, s11;
	[sflag:s19] =	ssyncadd.s32 $0xFFFFFFB0  }
0x8d: {  	[tilespmem:s20], [sflag:$0x7] =	stream.linear.gather [hbm4b:s11+s2], $0x50, $0x38;
	[tilespmem:$0xF300] =	vst v63  }
0x8e: {  	_ =	swait.ge [sflag:s19], $0x50  }
0x8f: {  	[sflag:s19] =	ssyncset.done $0x0  }
0x90: {  	[sflag:s19] =	ssyncadd.s32 $0xFFFFFFB0  }
0x91: {  	[tilespmem:s22], [sflag:$0x1] =	stream.indirect.gather [hbm4b:s5+s21], $0x80, s2, s21, $0xb8;
	[tilespmem:$0xF300] =	vst v63  }
0x92: {  	_ = 	snop  }
0x93: {  	[tilespmem:s23], [sflag:$0x3] =	stream.indirect.gather [hbm4b:s6+s21], $0x80, s20, s21, $0xb8;
	[tilespmem:$0xF300] =	vst v63  }
0x94: {  	_ =	swait.ge [sflag:s0], $0x2800  }
0x95: {  	[sflag:s0] =	ssyncset.done $0x0  }
0x96: {  	[sflag:s0] =	ssyncadd.s32 $0xFFFFD800  }
0x97: {  	_ =	swait.ge [sflag:s1], $0x2800  }
0x98: {  	[sflag:s1] =	ssyncset.done $0x0  }
0x99: {  	s11 =	simm.s32 @!p0 $0x6;
	[sflag:s1] =	ssyncadd.s32 $0xFFFFD800  }
0x9a: {  	_ =	swait.ge @!p0 [sflag:s11], $0x2800  }
0x9b: {  	[sflag:s11] =	ssyncset.done @!p0 $0x0  }
0x9c: {  	s18 =	simm.s32 $0x0;
	[sflag:s11] =	ssyncadd.s32 @!p0 $0xFFFFD800  }
0x9d: {  	v1 =	vld [tilespmem:s18+$0x7A10]  }
0x9e: {  	v2 =	vld [tilespmem:s18+$0x2A10]  }
0x9f: {  	v4 =	vld [tilespmem:s18+$0x2A00]  }
0xa0: {  	v6 =	vld [tilespmem:s18+$0x7A00]  }
0xa1: {  	v7 =	vld [tilespmem:s18+$0x7A20]  }
0xa2: {  	v8 =	vld [tilespmem:s18+$0x2A20]  }
0xa3: {  	v9 =	vld [tilespmem:s18+$0x7A30]  }
0xa4: {  	v10 =	vld [tilespmem:s18+$0x2A30]  }
0xa5: {  	v11 =	vld [tilespmem:s18+$0x7A40];
	v4 =	vmul.f32 v6, v4;
	v1 =	vmul.f32 v1, v2  }
0xa6: {  	v2 =	vld [tilespmem:s18+$0x2A40]  }
0xa7: {  	v6 =	vld [tilespmem:s18+$0x7A50];
	v1 =	vadd.f32 v1, v4;
	v4 =	vmul.f32 v7, v8  }
0xa8: {  	v7 =	vld [tilespmem:s18+$0x2A50]  }
0xa9: {  	v57 =	vld [tilespmem:s18+$0x2A60];
	v1 =	vadd.f32 v4, v1;
	v4 =	vmul.f32 v9, v10  }
0xaa: {  	v8 =	vld [tilespmem:s18+$0x7A60]  }
0xab: {  	v58 =	vld [tilespmem:s18+$0x7A70];
	v2 =	vmul.f32 v11, v2;
	v1 =	vadd.f32 v4, v1  }
0xac: {  	v4 =	vld [tilespmem:s18+$0x2A70]  }
0xad: {  	v1 =	vadd.f32 v2, v1;
	v2 =	vmul.f32 v6, v7;
	_ =	sdelay $0x1  }
0xae: {  	v1 =	vadd.f32 v2, v1;
	v2 =	vmul.f32 v8, v57;
	_ =	sdelay $0x1  }
0xaf: {  	v1 =	vadd.f32 v2, v1;
	v2 =	vmul.f32 v58, v4;
	_ =	sdelay $0x1  }
0xb0: {  	v1 =	vadd.f32 v2, v1;
	_ =	sdelay $0x1  }
0xb1: {  	[tilespmem:$0xF210] =	vst v1  }
0xb2: {  	s12 =	simm.s32 $0x80;
	[tilespmem:$0xF200] =	vst v1  }
0xb3: {  	v2 =	vld [tilespmem:s12+$0x7A10]  }
0xb4: {  	v4 =	vld [tilespmem:s12+$0x2A10]  }
0xb5: {  	v6 =	vld [tilespmem:s12+$0x2A00]  }
0xb6: {  	v7 =	vld [tilespmem:s12+$0x7A00]  }
0xb7: {  	v8 =	vld [tilespmem:s12+$0x7A20]  }
0xb8: {  	v59 =	vld [tilespmem:s12+$0x2A20]  }
0xb9: {  	v60 =	vld [tilespmem:s12+$0x7A30]  }
0xba: {  	v61 =	vld [tilespmem:s12+$0x2A30]  }
0xbb: {  	v6 =	vmul.f32 v7, v6;
	v7 =	vld [tilespmem:s12+$0x7A40];
	v2 =	vmul.f32 v2, v4  }
0xbc: {  	v4 =	vld [tilespmem:s12+$0x2A40]  }
0xbd: {  	v8 =	vmul.f32 v8, v59;
	v2 =	vadd.f32 v2, v6  }
0xbe: {  	v62 =	vld [tilespmem:s12+$0x2A50]  }
0xbf: {  	v63 =	vld [tilespmem:s12+$0x2A60];
	v10 =	vmul.f32 v60, v61;
	v2 =	vadd.f32 v8, v2  }
0xc0: {  	v6 =	vld [tilespmem:s12+$0x7A50]  }
0xc1: {  	v0 =	vmax.f32 v0, v3;
	v3 =	vld [tilespmem:s12+$0x2A70];
	v4 =	vmul.f32 v7, v4;
	v10 =	vadd.f32 v10, v2  }
0xc2: {  	v8 =	vld [tilespmem:s12+$0x7A60]  }
0xc3: {  	v7 =	vadd.f32 v4, v10;
	v4 =	vld [tilespmem:$0xF208]  }
0xc4: {  	v2 =	vld [tilespmem:s12+$0x7A70]  }
0xc5: {  	v6 =	vmul.f32 v6, v62;
	_ =	sdelay $0x1  }
0xc6: {  	v0 =	vmax.f32 v0, v5;
	s11 =	simm.s32 $0x400;
	v5 =	vadd.f32 v6, v7;
	v6 =	vmul.f32 v8, v63  }
.LBB2_5:
0xc7: {  	p0 =	sne.s32 s11, $0x9E00;
	v1 =	vadd.f32 v4, v1  }
0xc8: {  	v4 =	vadd.f32 v6, v5;
	v2 =	vmul.f32 v2, v3  }
0xc9: {  	v3 =	vmul.f32 $2.500000000e-01, v1  }
0xca: {  	v1 =	vadd.f32 v2, v4  }
0xcb: {  	[tilespmem:s18+$0xCA00] =	vst v3;
	v0 =	vmax.f32 v0, v3;
	s18 =	smov.u32 s12  }
0xcc: {  	[tilespmem:$0xF210] =	vst v1  }
0xcd: {  	s12 =	sshra.s32 s11, $0x2;
	[tilespmem:$0xF200] =	vst v1  }
0xce: {  	v2 =	vld [tilespmem:s12+$0x7A10]  }
0xcf: {  	v3 =	vld [tilespmem:s12+$0x2A10]  }
0xd0: {  	v4 =	vld [tilespmem:s12+$0x2A00]  }
0xd1: {  	v5 =	vld [tilespmem:s12+$0x7A00]  }
0xd2: {  	v6 =	vld [tilespmem:s12+$0x7A20]  }
0xd3: {  	v7 =	vld [tilespmem:s12+$0x2A20]  }
0xd4: {  	v8 =	vld [tilespmem:s12+$0x7A30]  }
0xd5: {  	v9 =	vld [tilespmem:s12+$0x2A30]  }
0xd6: {  	v10 =	vld [tilespmem:s12+$0x7A40]  }
0xd7: {  	v2 =	vmul.f32 v2, v3;
	v4 =	vmul.f32 v5, v4;
	v3 =	vld [tilespmem:s12+$0x2A40]  }
0xd8: {  	v5 =	vld [tilespmem:s12+$0x7A50]  }
0xd9: {  	v2 =	vadd.f32 v2, v4;
	v4 =	vmul.f32 v6, v7;
	v6 =	vld [tilespmem:s12+$0x2A50]  }
0xda: {  	v7 =	vld [tilespmem:s12+$0x7A60]  }
0xdb: {  	v4 =	vadd.f32 v4, v2;
	v8 =	vmul.f32 v8, v9;
	v9 =	vld [tilespmem:s12+$0x2A60]  }
0xdc: {  	v2 =	vld [tilespmem:s12+$0x7A70]  }
.Ltmp1:
0xdd: {  	v8 =	vadd.f32 v8, v4;
	v10 =	vmul.f32 v10, v3;
	v4 =	vld [tilespmem:$0xF208];
	(pc) =	sbr.rel @p0 .LBB2_5-.Ltmp1, $3  }
0xde: {  	v3 =	vld [tilespmem:s12+$0x2A70]  }
0xdf: {  	v8 =	vadd.f32 v10, v8;
	v5 =	vmul.f32 v5, v6;
	_ =	sdelay $0x1  }
0xe0: {  	s11 =	sadd.s32 $0x200, s11;
	v5 =	vadd.f32 v5, v8;
	v6 =	vmul.f32 v7, v9  }
0xe1: {  	v1 =	vadd.f32 v4, v1  }
0xe2: {  	v63 =	vadd.f32 v6, v5;
	v2 =	vmul.f32 v2, v3  }
0xe3: {  	v1 =	vmul.f32 $2.500000000e-01, v1  }
0xe4: {  	v2 =	vadd.f32 v2, v63  }
0xe5: {  	[tilespmem:s18+$0xCA00] =	vst v1  }
0xe6: {  	[tilespmem:$0xF210] =	vst v2  }
0xe7: {  	[tilespmem:$0xF200] =	vst v2  }
0xe8: {  	v3 =	vld [tilespmem:$0xF208];
	_ =	sdelay $0x4  }
0xe9: {  	p0 =	seq.s32 s16, $0x3D;
	v2 =	vadd.f32 v3, v2  }
.Ltmp2:
0xea: {  	_ = 	snop;
	(pc) =	sbr.rel @p0 .LBB2_8-.Ltmp2, $4  }
0xeb: {  	s11 =	sadd.s32 s17, s10;
	v2 =	vmul.f32 $2.500000000e-01, v2  }
0xec: {  	s11 =	sshll.u32 s11, $0x4  }
0xed: {  	s11 =	sadd.s32 s8, s11;
	v0 =	vmax.f32 v0, v1;
	[tilespmem:s12+$0xCA00] =	vst v2  }
0xee: {  	v0 =	vmax.f32 v0, v2;
	[hbm4b:s11+s2] =	stream.linear.scatter [tilespmem:s9], [sflag:$0x6], $0x2800, $0x38;
	[tilespmem:$0xF300] =	vst v63  }
0xef: {  	s11 =	sadd.s32 s17, s15  }
0xf0: {  	s11 =	sshrl.u32 s11, $0x3  }
0xf1: {  	s12 =	sadd.s32 s3, s11  }
0xf2: {  	[tilespmem:s24], [sflag:$0x7] =	stream.linear.gather [hbm4b:s12+s2], $0x50, $0x38;
	[tilespmem:$0xF300] =	vst v63  }
0xf3: {  	_ =	swait.ge [sflag:s19], $0x50  }
0xf4: {  	[sflag:s19] =	ssyncset.done $0x0  }
0xf5: {  	s11 =	sadd.s32 s4, s11;
	[sflag:s19] =	ssyncadd.s32 $0xFFFFFFB0  }
0xf6: {  	[tilespmem:s25], [sflag:$0x7] =	stream.linear.gather [hbm4b:s11+s2], $0x50, $0x38;
	[tilespmem:$0xF300] =	vst v63  }
0xf7: {  	_ =	swait.ge [sflag:s19], $0x50  }
.Ltmp3:
0xf8: {  	[sflag:s19] =	ssyncset.done $0x0;
	(pc) =	sbr.rel .LBB2_2-.Ltmp3, $4  }
0xf9: {  	[sflag:s19] =	ssyncadd.s32 $0xFFFFFFB0  }
0xfa: {  	[tilespmem:s26], [sflag:$0x2] =	stream.indirect.gather [hbm4b:s5+s21], $0x80, s24, s21, $0xb8;
	[tilespmem:$0xF300] =	vst v63  }
0xfb: {  	s16 =	sadd.s32 $0x1, s16  }
0xfc: {  	[tilespmem:s28], [sflag:$0x4] =	stream.indirect.gather [hbm4b:s6+s21], $0x80, s25, s21, $0xb8;
	[tilespmem:$0xF300] =	vst v63  }
.LBB2_8:
0xfd: {  	_ =	swait.ge [sflag:s29], $0x2800  }
0xfe: {  	[sflag:s29] =	ssyncset.done $0x0  }
0xff: {  	[sflag:s29] =	ssyncadd.s32 $0xFFFFD800  }
0x100: {  	_ =	swait.ge [sflag:s30], $0x2800  }
0x101: {  	[sflag:s30] =	ssyncset.done $0x0  }
0x102: {  	s17 =	simm.s32 $0x5;
	[sflag:s30] =	ssyncadd.s32 $0xFFFFD800  }
0x103: {  	_ =	swait.ge [sflag:s17], $0x2800  }
0x104: {  	[sflag:s17] =	ssyncset.done $0x0  }
0x105: {  	s16 =	simm.s32 $0x0;
	[sflag:s17] =	ssyncadd.s32 $0xFFFFD800  }
0x106: {  	v1 =	vld [tilespmem:s16+$0x5210]  }
0x107: {  	v2 =	vld [tilespmem:s16+$0x210]  }
0x108: {  	v3 =	vld [tilespmem:s16+$0x200]  }
0x109: {  	v4 =	vld [tilespmem:s16+$0x5200]  }
0x10a: {  	v5 =	vld [tilespmem:s16+$0x5220]  }
0x10b: {  	v6 =	vld [tilespmem:s16+$0x220]  }
0x10c: {  	v7 =	vld [tilespmem:s16+$0x5230]  }
0x10d: {  	v8 =	vld [tilespmem:s16+$0x230]  }
0x10e: {  	v9 =	vld [tilespmem:s16+$0x5240];
	v3 =	vmul.f32 v4, v3;
	v1 =	vmul.f32 v1, v2  }
0x10f: {  	v2 =	vld [tilespmem:s16+$0x240]  }
0x110: {  	v4 =	vld [tilespmem:s16+$0x5250];
	v1 =	vadd.f32 v1, v3;
	v3 =	vmul.f32 v5, v6  }
0x111: {  	v5 =	vld [tilespmem:s16+$0x250]  }
0x112: {  	v6 =	vld [tilespmem:s16+$0x5260];
	v1 =	vadd.f32 v3, v1;
	v3 =	vmul.f32 v7, v8  }
0x113: {  	v7 =	vld [tilespmem:s16+$0x260]  }
0x114: {  	v8 =	vld [tilespmem:s16+$0x5270];
	v2 =	vmul.f32 v9, v2;
	v1 =	vadd.f32 v3, v1  }
0x115: {  	v3 =	vld [tilespmem:s16+$0x270]  }
0x116: {  	v1 =	vadd.f32 v2, v1;
	v2 =	vmul.f32 v4, v5;
	_ =	sdelay $0x1  }
0x117: {  	v1 =	vadd.f32 v2, v1;
	v2 =	vmul.f32 v6, v7;
	_ =	sdelay $0x1  }
0x118: {  	v1 =	vadd.f32 v2, v1;
	v2 =	vmul.f32 v8, v3;
	_ =	sdelay $0x1  }
0x119: {  	v1 =	vadd.f32 v2, v1;
	_ =	sdelay $0x1  }
0x11a: {  	[tilespmem:$0xF210] =	vst v1  }
0x11b: {  	s12 =	simm.s32 $0x80;
	[tilespmem:$0xF200] =	vst v1  }
0x11c: {  	v2 =	vld [tilespmem:s12+$0x5210]  }
0x11d: {  	v3 =	vld [tilespmem:s12+$0x210]  }
0x11e: {  	v4 =	vld [tilespmem:s12+$0x200]  }
0x11f: {  	v5 =	vld [tilespmem:s12+$0x5200]  }
0x120: {  	v6 =	vld [tilespmem:s12+$0x5220]  }
0x121: {  	v7 =	vld [tilespmem:s12+$0x220]  }
0x122: {  	v8 =	vld [tilespmem:s12+$0x5230]  }
0x123: {  	v62 =	vld [tilespmem:s12+$0x230]  }
0x124: {  	v10 =	vld [tilespmem:s12+$0x5240];
	v4 =	vmul.f32 v5, v4;
	v2 =	vmul.f32 v2, v3  }
0x125: {  	v3 =	vld [tilespmem:s12+$0x240]  }
0x126: {  	v2 =	vadd.f32 v2, v4;
	v4 =	vmul.f32 v6, v7  }
0x127: {  	v5 =	vld [tilespmem:s12+$0x5250]  }
0x128: {  	v6 =	vld [tilespmem:s12+$0x250];
	v2 =	vadd.f32 v4, v2;
	v4 =	vmul.f32 v8, v62  }
0x129: {  	v7 =	vld [tilespmem:s12+$0x5260]  }
0x12a: {  	v8 =	vld [tilespmem:s12+$0x260];
	v3 =	vmul.f32 v10, v3;
	v4 =	vadd.f32 v4, v2  }
0x12b: {  	v2 =	vld [tilespmem:s12+$0x5270]  }
0x12c: {  	v63 =	vadd.f32 v3, v4;
	v4 =	vld [tilespmem:$0xF208]  }
0x12d: {  	v3 =	vld [tilespmem:s12+$0x270]  }
0x12e: {  	v5 =	vmul.f32 v5, v6;
	_ =	sdelay $0x1  }
0x12f: {  	s11 =	simm.s32 $0x400;
	v6 =	vmul.f32 v7, v8;
	v5 =	vadd.f32 v5, v63  }
.LBB2_9:
0x130: {  	p0 =	sne.s32 s11, $0x9E00;
	v1 =	vadd.f32 v4, v1  }
0x131: {  	v4 =	vadd.f32 v6, v5;
	v2 =	vmul.f32 v2, v3  }
0x132: {  	v3 =	vmul.f32 $2.500000000e-01, v1  }
0x133: {  	v1 =	vadd.f32 v2, v4  }
0x134: {  	[tilespmem:s16+$0xA200] =	vst v3;
	v0 =	vmax.f32 v0, v3;
	s16 =	smov.u32 s12  }
0x135: {  	[tilespmem:$0xF210] =	vst v1  }
0x136: {  	s12 =	sshra.s32 s11, $0x2;
	[tilespmem:$0xF200] =	vst v1  }
0x137: {  	v2 =	vld [tilespmem:s12+$0x5210]  }
0x138: {  	v3 =	vld [tilespmem:s12+$0x210]  }
0x139: {  	v4 =	vld [tilespmem:s12+$0x200]  }
0x13a: {  	v5 =	vld [tilespmem:s12+$0x5200]  }
0x13b: {  	v6 =	vld [tilespmem:s12+$0x5220]  }
0x13c: {  	v7 =	vld [tilespmem:s12+$0x220]  }
0x13d: {  	v8 =	vld [tilespmem:s12+$0x5230]  }
0x13e: {  	v9 =	vld [tilespmem:s12+$0x230]  }
0x13f: {  	v10 =	vld [tilespmem:s12+$0x5240]  }
0x140: {  	v2 =	vmul.f32 v2, v3;
	v4 =	vmul.f32 v5, v4;
	v3 =	vld [tilespmem:s12+$0x240]  }
0x141: {  	v5 =	vld [tilespmem:s12+$0x5250]  }
0x142: {  	v2 =	vadd.f32 v2, v4;
	v4 =	vmul.f32 v6, v7;
	v6 =	vld [tilespmem:s12+$0x250]  }
0x143: {  	v7 =	vld [tilespmem:s12+$0x5260]  }
0x144: {  	v4 =	vadd.f32 v4, v2;
	v8 =	vmul.f32 v8, v9;
	v9 =	vld [tilespmem:s12+$0x260]  }
0x145: {  	v2 =	vld [tilespmem:s12+$0x5270]  }
.Ltmp4:
0x146: {  	v8 =	vadd.f32 v8, v4;
	v10 =	vmul.f32 v10, v3;
	v4 =	vld [tilespmem:$0xF208];
	(pc) =	sbr.rel @p0 .LBB2_9-.Ltmp4, $3  }
0x147: {  	v3 =	vld [tilespmem:s12+$0x270]  }
0x148: {  	v8 =	vadd.f32 v10, v8;
	v5 =	vmul.f32 v5, v6;
	_ =	sdelay $0x1  }
0x149: {  	s11 =	sadd.s32 $0x200, s11;
	v5 =	vadd.f32 v5, v8;
	v6 =	vmul.f32 v7, v9  }
0x14a: {  	v1 =	vadd.f32 v4, v1  }
0x14b: {  	v62 =	vadd.f32 v6, v5;
	v2 =	vmul.f32 v2, v3  }
0x14c: {  	v1 =	vmul.f32 $2.500000000e-01, v1  }
0x14d: {  	v2 =	vadd.f32 v2, v62  }
0x14e: {  	[tilespmem:s16+$0xA200] =	vst v1  }
0x14f: {  	[tilespmem:$0xF210] =	vst v2  }
0x150: {  	[tilespmem:$0xF200] =	vst v2  }
0x151: {  	v63 =	vld [tilespmem:$0xF208];
	_ =	sdelay $0x4  }
0x152: {  	v2 =	vadd.f32 v63, v2;
	_ =	sdelay $0x1  }
0x153: {  	v2 =	vmul.f32 $2.500000000e-01, v2;
	_ =	sdelay $0x1  }
0x154: {  	s11 =	rddreg [dreg:$0x6];
	[tilespmem:s12+$0xA200] =	vst v2;
	s12 =	simm.s32 $0x6  }
0x155: {  	[hbm4b:s11+s2] =	stream.linear.scatter [tilespmem:s31], [sflag:$0x5], $0x2800, $0x38;
	[tilespmem:$0xF300] =	vst v63  }
0x156: {  	_ =	swait.ge [sflag:s12], $0x2800  }
0x157: {  	[sflag:s12] =	ssyncset.done $0x0  }
0x158: {  	[sflag:s12] =	ssyncadd.s32 $0xFFFFD800  }
0x159: {  	_ =	swait.ge [sflag:s17], $0x2800  }
0x15a: {  	v0 =	vmax.f32 v0, v1;
	[sflag:s17] =	ssyncset.done $0x0  }
0x15b: {  	v0 =	vmax.f32 v0, v2;
	[sflag:s17] =	ssyncadd.s32 $0xFFFFD800  }
0x15c: {  	s16 =	rddreg [dreg:$0x7];
	s17 =	simm.s32 $0xF280;
	[tilespmem:$0xF280] =	vst v0  }
0x15d: {  	[hbm4b:s16+s2] =	stream.linear.scatter [tilespmem:s17], [sflag:$0x7], $0x80, $0x38;
	[tilespmem:$0xF300] =	vst v63  }
0x15e: {  	_ =	swait.ge [sflag:s19], $0x80  }
0x15f: {  	s13 =	sadd.s32 $0x1, s13;
	s18 =	rddreg [dreg:$0x8]  }
0x160: {  	p0 =	sne.s32 s13, s18  }
.Ltmp5:
0x161: {  	_ = 	snop;
	(pc) =	sbr.rel @p0 .LBB2_1-.Ltmp5, $3  }
0x162: {  	_ =	sdelay $0x1  }
0x163: {  	[sflag:s19] =	ssyncset.done $0x0  }
0x164: {  	[sflag:s19] =	ssyncadd.s32 $0xFFFFFF80  }
0x165: {  	_ =	sfence.sel $0x180000  }
0x166: {  	[bflag:$0x0] =	sbarrier.arrive $0xFFFF  }
0x167: {  	_ =	strace $0x90000047  }
0x168: {  	s0 =	stileid.u32;
	[bflag:$0x2] =	sbarrier.arrive $0xFFFF  }
0x169: {  	p0 =	sne.s32 s0, $0x0;
	s0 =	rddreg [dreg:$0x1]  }
0x16a: {  	s0 =	sadd.s32 @!p0 $0x100000, s0  }
0x16b: {  	[sflag:s0] =	ssyncadd.tile.s32 @!p0 $0x1;
	_ =	shalt  }
.Lfunc_end2:
_tile_overlayer_lowered:
.L_overlay_start_2:
0x16c: {  	(tag) =	ssettag $0x2  }
0x16d: {  	s0 =	rddreg [dreg:$0x0];
	s2 =	stileid.u32  }
0x16e: {  	s1 =	rddreg [dreg:$0x1];
	p0 =	sne.s32 s2, $0x0  }
0x16f: {  	s3 =	rddreg [dreg:$0x2];
	[bflag:$0x3] =	sbarrier.arrive $0xFFFF;
	s2 =	simm.s32 @!p0 $0x1C07  }
0x170: {  	[timem:s3], [sflag:s2] =	dma.local @!p0 [hbm:s0], s1  }
0x171: {  	s0 =	simm.s32 @!p0 $0x7  }
0x172: {  	_ =	swait.ge @!p0 [sflag:s0], s1  }
0x173: {  	s1 =	ssub.s32 @!p0 $0x0, s1;
	[sflag:s0] =	ssyncset.done @!p0 $0x0  }
0x174: {  	[sflag:s0] =	ssyncadd.s32 @!p0 s1  }
0x175: {  	[bflag:$0x3] =	sbarrier.arrive $0xFFFF  }
0x176: {  	_ =	shalt  }

</sc_bundles>
